<compile_context>
chip_gen: v7x
topology: tpu7x:2x2x1
jax: 0.10.2.dev20260603
libtpu: 0.0.44.dev20260713+nightly
codegen_flags: <defaults>
</compile_context>

<pallas_src>
import functools

import jax
import jax.numpy as jnp
import numpy as np
from jax import lax
from jax.experimental import pallas as pl
from jax.experimental.pallas import tpu as pltpu
from jax.experimental.pallas import tpu_sc as plsc

B, N, D, K = 4, 1000, 256, 16
NP = 1024
RB = 512
Q = 256

SC_NC, SC_NS = 2, 16
SC_NW = SC_NC * SC_NS
GROWS = B * NP * K
HW = 3 * D // 2
BROWS = NP * K
ROWS_PER_W = BROWS // SC_NW
CHUNK = 128
IR = CHUNK // K


def _prep_body(wk, wg1, wq, wd2, wg2, bg1, bd2, wkg, wqg, wcat, wg2b, cb):
    g1 = wg1[...]
    wkg[...] = jnp.dot(wk[...], g1, preferred_element_type=jnp.float32)
    wqg[...] = jnp.dot(wq[...], g1, preferred_element_type=jnp.float32)
    m = jnp.dot(wd2[...], g1, preferred_element_type=jnp.float32)
    wcat[...] = jnp.concatenate([wd2[...], m], axis=1).astype(jnp.bfloat16)
    wg2b[...] = wg2[...].astype(jnp.bfloat16)
    cb[...] = bg1[...] + jnp.dot(bd2[...], g1,
                                 preferred_element_type=jnp.float32)


def _prep(Wk, Wg1, Wq, Wd2, Wg2, bg1, bd2):
    f = jax.ShapeDtypeStruct((D, D), jnp.float32)
    return pl.pallas_call(
        _prep_body,
        out_shape=(f, f,
                   jax.ShapeDtypeStruct((D, 2 * D), jnp.bfloat16),
                   jax.ShapeDtypeStruct((D, D), jnp.bfloat16),
                   jax.ShapeDtypeStruct((1, D), jnp.float32)),
    )(Wk, Wg1, Wq, Wd2, Wg2, bg1.reshape(1, D), bd2.reshape(1, D))


def _topk_body(pc, pct, wbp, bbp, knn_out, gidx_out):
    pcb = pc[...]
    pctb = pct[...]
    cxr = pcb[:, 0:1]
    cyr = pcb[:, 1:2]
    hwr = 0.5 * pcb[:, 2:3]
    hhr = 0.5 * pcb[:, 3:4]
    x1r, y1r = cxr - hwr, cyr - hhr
    x2r, y2r = cxr + hwr, cyr + hhr
    cxc = pctb[0:1, :]
    cyc = pctb[1:2, :]
    hwc = 0.5 * pctb[2:3, :]
    hhc = 0.5 * pctb[3:4, :]
    x1c, y1c = cxc - hwc, cyc - hhc
    x2c, y2c = cxc + hwc, cyc + hhc

    dx = cxr - cxc
    dy = cyr - cyc
    dis = jnp.sqrt(dx * dx + dy * dy)
    ow = jnp.clip(jnp.minimum(x2r, x2c) - jnp.maximum(x1r, x1c), 0.0, None)
    oh = jnp.clip(jnp.minimum(y2r, y2c) - jnp.maximum(y1r, y1c), 0.0, None)
    uw = jnp.clip(jnp.maximum(x2r, x2c) - jnp.minimum(x1r, x1c), 0.0, None)
    uh = jnp.clip(jnp.maximum(y2r, y2c) - jnp.minimum(y1r, y1c), 0.0, None)
    iou = (ow * oh) / (uw * uh + 1e-06)
    s = jnp.concatenate([dis, iou], axis=0)
    ri = lax.broadcasted_iota(jnp.int32, (RB, 2 * RB), 0)
    ci = lax.broadcasted_iota(jnp.int32, (RB, 2 * RB), 1)
    wc = jnp.where(ci == ri, wbp[0], 0.0) + jnp.where(ci == ri + RB, wbp[1], 0.0)
    vals = jnp.dot(wc, s, preferred_element_type=jnp.float32) + bbp[0]

    lane = lax.broadcasted_iota(jnp.int32, (RB, NP), 1)
    inf = jnp.float32(np.inf)
    vals = jnp.where(lane >= N, inf, vals)
    cols = []
    for _ in range(K):
        m = jnp.min(vals, axis=1, keepdims=True)
        cand = jnp.where(vals == m, lane, jnp.int32(1 << 30))
        j = jnp.min(cand, axis=1, keepdims=True)
        vals = jnp.where(lane == j, inf, vals)
        cols.append(j)
    knn = jnp.concatenate(cols, axis=1)
    knn_out[...] = knn
    gidx_out[...] = knn


def _topk(pc_b, pct_b, wbp, bbp):
    grid = (NP // RB,)
    return pl.pallas_call(
        _topk_body,
        grid=grid,
        in_specs=[
            pl.BlockSpec((RB, 4), lambda r: (r, 0)),
            pl.BlockSpec((8, NP), lambda r: (0, 0)),
            pl.BlockSpec(memory_space=pltpu.SMEM),
            pl.BlockSpec(memory_space=pltpu.SMEM),
        ],
        out_specs=(
            pl.BlockSpec((RB, K), lambda r: (r, 0)),
            pl.BlockSpec((RB, K), lambda r: (r, 0)),
        ),
        out_shape=(
            jax.ShapeDtypeStruct((N, K), jnp.int32),
            jax.ShapeDtypeStruct((NP, K), jnp.int32),
        ),
    )(pc_b, pct_b, wbp, bbp)


def _pernode_body(feat, pos, w1, b1, wd1, wv, wkg, wqg, cb, t_out, p_out):
    x = jnp.dot(feat[0], w1[...], preferred_element_type=jnp.float32) + b1[...]
    pd = jnp.dot(pos[0], wd1[...], preferred_element_type=jnp.float32)
    d = jnp.dot(x, wkg[...], preferred_element_type=jnp.float32)
    v = jnp.dot(x, wv[...], preferred_element_type=jnp.float32)
    c = jnp.dot(x, wqg[...], preferred_element_type=jnp.float32) + cb[...]
    t = jnp.concatenate([pd, d, v], axis=1)
    tl = t[:, :HW].astype(jnp.bfloat16).astype(jnp.float32)
    th = t[:, HW:].astype(jnp.bfloat16).astype(jnp.float32)
    word = (lax.bitcast_convert_type(th, jnp.uint32)
            | (lax.bitcast_convert_type(tl, jnp.uint32) >> 16))
    t_out[0] = lax.bitcast_convert_type(word, jnp.int32)
    p_out[0] = jnp.concatenate([pd, c], axis=1)


def _pernode(features, pos, W1, b1, Wd1, Wv, Wkg, Wqg, cb):
    grid = (B, NP // RB)
    full = lambda b, r: (0, 0)
    return pl.pallas_call(
        _pernode_body,
        grid=grid,
        in_specs=[
            pl.BlockSpec((1, RB, D), lambda b, r: (b, r, 0)),
            pl.BlockSpec((1, RB, D), lambda b, r: (b, r, 0)),
            pl.BlockSpec((D, D), full),
            pl.BlockSpec((1, D), full),
            pl.BlockSpec((D, D), full),
            pl.BlockSpec((D, D), full),
            pl.BlockSpec((D, D), full),
            pl.BlockSpec((D, D), full),
            pl.BlockSpec((1, D), full),
        ],
        out_specs=(
            pl.BlockSpec((1, RB, HW), lambda b, r: (b, r, 0)),
            pl.BlockSpec((1, RB, 2 * D), lambda b, r: (b, r, 0)),
        ),
        out_shape=(
            jax.ShapeDtypeStruct((B, N, HW), jnp.int32),
            jax.ShapeDtypeStruct((B, N, 2 * D), jnp.float32),
        ),
    )(features, pos, W1, b1.reshape(1, D), Wd1, Wv, Wkg, Wqg, cb)


def _sc_gather_body(table_hbm, idx_hbm, out_hbm,
                    idx2d0, idx2d1, idx0, idx1, rows0, rows1,
                    si0, si1, sg, sw0, sw1):
    wid = lax.axis_index("s") * SC_NC + lax.axis_index("c")
    base = wid * ROWS_PER_W
    rbase = wid * (ROWS_PER_W // K)
    nch = ROWS_PER_W // CHUNK
    idx2d = (idx2d0, idx2d1)
    idx_v = (idx0, idx1)
    rows_v = (rows0, rows1)
    si = (si0, si1)
    sw = (sw0, sw1)

    def flatten(p):
        for r in range(IR):
            idx_v[p][pl.ds(r * K, K)] = idx2d[p][r]

    pltpu.async_copy(idx_hbm.at[pl.ds(rbase, IR)], idx2d[0], si[0])
    for j in range(nch):
        p = j % 2
        si_c = pltpu.make_async_copy(
            idx_hbm.at[pl.ds(rbase + j * IR, IR)], idx2d[p], si[p])
        si_c.wait()
        if j + 1 < nch:
            pltpu.async_copy(idx_hbm.at[pl.ds(rbase + (j + 1) * IR, IR)],
                             idx2d[(j + 1) % 2], si[(j + 1) % 2])
        flatten(p)
        if j >= 2:
            pltpu.make_async_copy(
                rows_v[p], out_hbm.at[pl.ds(base + (j - 2) * CHUNK, CHUNK)],
                sw[p]).wait()
        pltpu.async_copy(table_hbm.at[idx_v[p]], rows_v[p], sg).wait()
        pltpu.async_copy(rows_v[p], out_hbm.at[pl.ds(base + j * CHUNK, CHUNK)],
                         sw[p])
    for j in range(max(nch - 2, 0), nch):
        p = j % 2
        pltpu.make_async_copy(
            rows_v[p], out_hbm.at[pl.ds(base + j * CHUNK, CHUNK)], sw[p]).wait()


def _sc_gather(table_b, gidx2d):
    mesh = plsc.VectorSubcoreMesh(core_axis_name="c", subcore_axis_name="s")
    kfn = functools.partial(
        pl.kernel,
        mesh=mesh,
        out_type=jax.ShapeDtypeStruct((BROWS, HW), jnp.int32),
        scratch_types=[
            pltpu.VMEM((IR, K), jnp.int32),
            pltpu.VMEM((IR, K), jnp.int32),
            pltpu.VMEM((CHUNK,), jnp.int32),
            pltpu.VMEM((CHUNK,), jnp.int32),
            pltpu.VMEM((CHUNK, HW), jnp.int32),
            pltpu.VMEM((CHUNK, HW), jnp.int32),
            pltpu.SemaphoreType.DMA,
            pltpu.SemaphoreType.DMA,
            pltpu.SemaphoreType.DMA,
            pltpu.SemaphoreType.DMA,
            pltpu.SemaphoreType.DMA,
        ],
    )(_sc_gather_body)
    return kfn(table_b, gidx2d)


def _main_body(g, p, feat, wcat, wg2, w2, bd1, bd2, bg2, b2, out):
    gw = lax.bitcast_convert_type(g[...], jnp.uint32)
    lo = lax.bitcast_convert_type(gw << 16, jnp.float32)
    hi = lax.bitcast_convert_type(gw & jnp.uint32(0xFFFF0000), jnp.float32)
    pdg = lo[:, 0:D].reshape(Q, K, D)
    dg = jnp.concatenate([lo[:, D:HW], hi[:, 0:HW - D]], axis=1).reshape(Q, K, D)
    vg = hi[:, HW - D:HW].reshape(Q, K, D)
    pb = p[...]
    pdq = pb[:, 0:D]
    cq = pb[:, D:2 * D]

    h = pdq[:, None, :] - pdg + bd1[...]
    r = jnp.maximum(h, 0.0).reshape(Q * K, D).astype(jnp.bfloat16)
    pa = jnp.dot(r, wcat[...], preferred_element_type=jnp.float32)
    pe = pa[:, 0:D].reshape(Q, K, D) + bd2[...]
    a1 = pa[:, D:2 * D].reshape(Q, K, D) + cq[:, None, :] - dg
    a1 = jnp.maximum(a1, 0.0).reshape(Q * K, D).astype(jnp.bfloat16)
    a2 = jnp.dot(a1, wg2[...], preferred_element_type=jnp.float32)
    a2 = a2.reshape(Q, K, D) + bg2[...]

    e = jnp.exp(a2 * jnp.float32(1.0 / 16.0))
    o = jnp.sum(e * (vg + pe), axis=1) / jnp.sum(e, axis=1)
    res = jnp.dot(o, w2[...], preferred_element_type=jnp.float32)
    out[...] = res + b2[...] + feat[...]


def _main(g_rows, p_arr, feat_b, Wcat, Wg2, W2, bd1, bd2, bg2, b2):
    grid = (NP // Q,)
    full = lambda q: (0, 0)
    return pl.pallas_call(
        _main_body,
        grid=grid,
        in_specs=[
            pl.BlockSpec((Q * K, HW), lambda q: (q, 0)),
            pl.BlockSpec((Q, 2 * D), lambda q: (q, 0)),
            pl.BlockSpec((Q, D), lambda q: (q, 0)),
            pl.BlockSpec((D, 2 * D), full),
            pl.BlockSpec((D, D), full),
            pl.BlockSpec((D, D), full),
            pl.BlockSpec((1, D), full),
            pl.BlockSpec((1, D), full),
            pl.BlockSpec((1, D), full),
            pl.BlockSpec((1, D), full),
        ],
        out_specs=pl.BlockSpec((Q, D), lambda q: (q, 0)),
        out_shape=jax.ShapeDtypeStruct((N, D), jnp.float32),
    )(g_rows, p_arr, feat_b, Wcat, Wg2, W2,
      bd1.reshape(1, D), bd2.reshape(1, D), bg2.reshape(1, D),
      b2.reshape(1, D))


def kernel(features, pos, pos_center, W1, b1, W2, b2, Wg1, bg1, Wg2, bg2,
           Wd1, bd1, Wd2, bd2, Wbp, bbp, Wq, Wk, Wv):
    pc_pad = jnp.pad(pos_center, [(0, 0), (0, NP - N), (0, 0)])
    pct_pad = jnp.pad(pos_center.transpose(0, 2, 1),
                      [(0, 0), (0, 4), (0, NP - N)])

    Wkg, Wqg, Wcat, Wg2b, cb = _prep(Wk, Wg1, Wq, Wd2, Wg2, bg1, bd2)
    T, P = _pernode(features, pos, W1, b1, Wd1, Wv, Wkg, Wqg, cb)
    wbp2 = Wbp.reshape(2)
    knns, gidxs = [], []
    for b in range(B):
        knn_b, gidx_b = _topk(pc_pad[b], pct_pad[b], wbp2, bbp)
        knns.append(knn_b)
        gidxs.append(gidx_b)

    res = []
    for b in range(B):
        g_b = _sc_gather(T[b], gidxs[b])
        res.append(_main(g_b, P[b], features[b], Wcat, Wg2b, W2,
                         bd1, bd2, bg2, b2))
    return jnp.stack(res, axis=0), jnp.stack(knns, axis=0)

# --- scband reference (transcript-rebuilt; emitter-appended) ---
"""Pipeline reference for scband-transformer-block-pt-26362509263530 (READ-ONLY COPY).

The authoritative reference and input builder live on the scoring server;
editing this copy changes nothing except your own understanding.
"""

import jax, jax.numpy as jnp
import numpy as np

B, N, D_POINTS, D_MODEL, K = 4, 1000, 256, 256, 16

def _spatial_feats(boxes):
    center = jnp.stack([(boxes[:, 0] + boxes[:, 2]) / 2, (boxes[:, 1] + boxes[:, 3]) / 2], axis=1)
    dxdy = center[:, None, :] - center[None, :, :]
    dis = jnp.linalg.norm(dxdy, axis=-1, keepdims=True)
    lt = jnp.maximum(boxes[:, None, :2], boxes[None, :, :2])
    rb = jnp.minimum(boxes[:, None, 2:], boxes[None, :, 2:])
    overlap = jnp.clip(rb - lt, 0.0, None).prod(axis=-1, keepdims=True)
    ult = jnp.minimum(boxes[:, None, :2], boxes[None, :, :2])
    urb = jnp.maximum(boxes[:, None, 2:], boxes[None, :, 2:])
    union = jnp.clip(urb - ult, 0.0, None).prod(axis=-1, keepdims=True)
    return jnp.concatenate([dis, overlap / (union + 1e-06)], axis=-1)

def _index_points(points, idx):
    return points[jnp.arange(points.shape[0])[:, None, None], idx]

def _mlp(t, Wa, ba, Wb, bb):
    return jax.nn.relu(t @ Wa + ba) @ Wb + bb

def setup_inputs(seed: int = 0):
    key = jax.random.key(seed)
    ks = jax.random.split(key, 16)
    w = lambda k_, s: jax.random.normal(k_, s, dtype=jnp.float32) * 0.05
    return {
        "features": jax.random.normal(ks[0], (B, N, D_POINTS), dtype=jnp.float32),
        "pos": jax.random.normal(ks[1], (B, N, D_MODEL), dtype=jnp.float32),
        "pos_center": jax.random.uniform(ks[2], (B, N, 4), dtype=jnp.float32),
        "W1": w(ks[3], (D_POINTS, D_MODEL)), "b1": jnp.zeros((D_MODEL,), jnp.float32),
        "W2": w(ks[4], (D_MODEL, D_POINTS)), "b2": jnp.zeros((D_POINTS,), jnp.float32),
        "Wg1": w(ks[5], (D_MODEL, D_MODEL)), "bg1": jnp.zeros((D_MODEL,), jnp.float32),
        "Wg2": w(ks[6], (D_MODEL, D_MODEL)), "bg2": jnp.zeros((D_MODEL,), jnp.float32),
        "Wd1": w(ks[7], (D_MODEL, D_MODEL)), "bd1": jnp.zeros((D_MODEL,), jnp.float32),
        "Wd2": w(ks[8], (D_MODEL, D_MODEL)), "bd2": jnp.zeros((D_MODEL,), jnp.float32),
        "Wbp": w(ks[9], (2, 1)), "bbp": jnp.zeros((1,), jnp.float32),
        "Wq": w(ks[10], (D_MODEL, D_MODEL)),
        "Wk": w(ks[11], (D_MODEL, D_MODEL)),
        "Wv": w(ks[12], (D_MODEL, D_MODEL)),
    }

def reference(features, pos, pos_center, W1, b1, W2, b2, Wg1, bg1, Wg2, bg2, Wd1, bd1, Wd2, bd2, Wbp, bbp, Wq, Wk, Wv):
    x_c, y_c, ww, hh = pos_center[..., 0], pos_center[..., 1], pos_center[..., 2], pos_center[..., 3]
    box = jnp.stack([x_c - 0.5 * ww, y_c - 0.5 * hh, x_c + 0.5 * ww, y_c + 0.5 * hh], axis=-1)
    dists = jax.vmap(lambda bx: (_spatial_feats(bx) @ Wbp + bbp)[..., 0])(box)
    _, knn_idx = jax.lax.top_k(-dists, K)
    knn_pos = _index_points(pos, knn_idx)
    x = features @ W1 + b1
    q = x @ Wq
    xg = _index_points(x, knn_idx)
    kk = xg @ Wk
    v = xg @ Wv
    pos_enc = _mlp(pos[:, :, None, :] - knn_pos, Wd1, bd1, Wd2, bd2)
    attn = _mlp(q[:, :, None, :] - kk + pos_enc, Wg1, bg1, Wg2, bg2)
    attn = jax.nn.softmax(attn / np.sqrt(D_MODEL), axis=-2)
    res = (attn * (v + pos_enc)).sum(axis=-2)
    res = res @ W2 + b2 + features
    return (res, knn_idx)

if __name__ == "__main__":
    import jax
    _d = setup_inputs()
    print(jax.jit(kernel)(*tuple(_d.values())))

</pallas_src>

<mosaic_0001>
#map = affine_map<(d0, d1) -> (0, 0)>
module attributes {stable_mosaic.version = 14 : i64} {
  func.func @_sc_gather_body(%arg0: i32, %arg1: i32, %arg2: memref<1000x384xi32, #tpu.memory_space<hbm>>, %arg3: memref<1024x16xi32, #tpu.memory_space<hbm>>, %arg4: memref<16384x384xi32, #tpu.memory_space<hbm>>, %arg5: memref<8x16xi32, #tpu.memory_space<vmem>>, %arg6: memref<8x16xi32, #tpu.memory_space<vmem>>, %arg7: memref<128xi32, #tpu.memory_space<vmem>>, %arg8: memref<128xi32, #tpu.memory_space<vmem>>, %arg9: memref<128x384xi32, #tpu.memory_space<vmem>>, %arg10: memref<128x384xi32, #tpu.memory_space<vmem>>, %arg11: memref<!tpu.dma_semaphore, #tpu.memory_space<semaphore_mem>>, %arg12: memref<!tpu.dma_semaphore, #tpu.memory_space<semaphore_mem>>, %arg13: memref<!tpu.dma_semaphore, #tpu.memory_space<semaphore_mem>>, %arg14: memref<!tpu.dma_semaphore, #tpu.memory_space<semaphore_mem>>, %arg15: memref<!tpu.dma_semaphore, #tpu.memory_space<semaphore_mem>>) attributes {dimension_semantics = [#tpu.dimension_semantics<core_parallel>, #tpu.dimension_semantics<subcore_parallel>], iteration_bounds = array<i64: 2, 16>, scalar_prefetch = 0 : i64, scratch_operands = 11 : i64, tpu.core_type = #tpu.core_type<sc_vector_subcore>, window_params = [{transform_indices = #map}, {transform_indices = #map}, {transform_indices = #map}]} {
    %mul3A = arith.constant 2 : i32
    %mul3A_0 = arith.muli %arg1, %mul3A : i32
    %add3A = arith.addi %mul3A_0, %arg0 : i32
    %mul3A_1 = arith.constant 512 : i32
    %mul3A_2 = arith.muli %add3A, %mul3A_1 : i32
    %mul3A_3 = arith.constant 32 : i32
    %mul3A_4 = arith.muli %add3A, %mul3A_3 : i32
    %dma_start3A = arith.constant 0 : i32
    %dma_start3A_5 = tpu.memref_slice %arg3[%mul3A_4, %dma_start3A] : memref<1024x16xi32, #tpu.memory_space<hbm>> -> memref<8x16xi32, #tpu.memory_space<hbm>>
    %dma_start3A_6 = arith.constant 0 : i32
    %dma_start3A_7 = tpu.memref_slice %arg3[%mul3A_4, %dma_start3A_6] : memref<1024x16xi32, #tpu.memory_space<hbm>> -> memref<8x16xi32, #tpu.memory_space<hbm>>
    tpu.enqueue_dma source(%dma_start3A_7 : memref<8x16xi32, #tpu.memory_space<hbm>>) target(%arg5 : memref<8x16xi32, #tpu.memory_space<vmem>>) target_semaphore(%arg11 : memref<!tpu.dma_semaphore, #tpu.memory_space<semaphore_mem>>)
    %add3A_8 = arith.constant 0 : i32
    %add3A_9 = arith.addi %mul3A_4, %add3A_8 : i32
    %dma_wait3A = arith.constant 0 : i32
    %dma_wait3A_10 = tpu.memref_slice %arg3[%add3A_9, %dma_wait3A] : memref<1024x16xi32, #tpu.memory_space<hbm>> -> memref<8x16xi32, #tpu.memory_space<hbm>>
    %dma_wait3A_11 = arith.constant 0 : i32
    %dma_wait3A_12 = tpu.memref_slice %arg3[%add3A_9, %dma_wait3A_11] : memref<1024x16xi32, #tpu.memory_space<hbm>> -> memref<8x16xi32, #tpu.memory_space<hbm>>
    tpu.wait_dma2 semaphore(%arg11 : memref<!tpu.dma_semaphore, #tpu.memory_space<semaphore_mem>>) src(%dma_wait3A_12 : memref<8x16xi32, #tpu.memory_space<hbm>>) dst(%arg5 : memref<8x16xi32, #tpu.memory_space<vmem>>)
    %add3A_13 = arith.constant 8 : i32
    %add3A_14 = arith.addi %mul3A_4, %add3A_13 : i32
    %dma_start3A_15 = arith.constant 0 : i32
    %dma_start3A_16 = tpu.memref_slice %arg3[%add3A_14, %dma_start3A_15] : memref<1024x16xi32, #tpu.memory_space<hbm>> -> memref<8x16xi32, #tpu.memory_space<hbm>>
    %dma_start3A_17 = arith.constant 0 : i32
    %dma_start3A_18 = tpu.memref_slice %arg3[%add3A_14, %dma_start3A_17] : memref<1024x16xi32, #tpu.memory_space<hbm>> -> memref<8x16xi32, #tpu.memory_space<hbm>>
    tpu.enqueue_dma source(%dma_start3A_18 : memref<8x16xi32, #tpu.memory_space<hbm>>) target(%arg6 : memref<8x16xi32, #tpu.memory_space<vmem>>) target_semaphore(%arg12 : memref<!tpu.dma_semaphore, #tpu.memory_space<semaphore_mem>>)
    %get3A = arith.constant 0 : i32
    %get3A_19 = arith.index_cast %get3A : i32 to index
    %get3A_20 = arith.constant 0 : index
    %get3A_21 = tpu.vector_load %arg5[%get3A_19, %get3A_20] {strides = array<i32>} : memref<8x16xi32, #tpu.memory_space<vmem>>, vector<1x16xi32>,
    %get3A_22 = vector.shape_cast %get3A_21 : vector<1x16xi32> to vector<16xi32>
    %swap3A = arith.constant 0 : index
    %swap3A_23 = tpu.vector_load %arg7[%swap3A] {strides = array<i32>} : memref<128xi32, #tpu.memory_space<vmem>>, vector<16xi32>,
    %swap3A_24 = vector.shape_cast %swap3A_23 : vector<16xi32> to vector<16xi32>
    %swap3A_25 = vector.shape_cast %get3A_22 : vector<16xi32> to vector<16xi32>
    tpu.vector_store %arg7[%swap3A], %swap3A_25 {strides = array<i32>} : memref<128xi32, #tpu.memory_space<vmem>>, vector<16xi32>,
    %get3A_26 = arith.constant 1 : i32
    %get3A_27 = arith.index_cast %get3A_26 : i32 to index
    %get3A_28 = arith.constant 0 : index
    %get3A_29 = tpu.vector_load %arg5[%get3A_27, %get3A_28] {strides = array<i32>} : memref<8x16xi32, #tpu.memory_space<vmem>>, vector<1x16xi32>,
    %get3A_30 = vector.shape_cast %get3A_29 : vector<1x16xi32> to vector<16xi32>
    %swap3A_31 = arith.constant 16 : index
    %swap3A_32 = tpu.vector_load %arg7[%swap3A_31] {strides = array<i32>} : memref<128xi32, #tpu.memory_space<vmem>>, vector<16xi32>,
    %swap3A_33 = vector.shape_cast %swap3A_32 : vector<16xi32> to vector<16xi32>
    %swap3A_34 = vector.shape_cast %get3A_30 : vector<16xi32> to vector<16xi32>
    tpu.vector_store %arg7[%swap3A_31], %swap3A_34 {strides = array<i32>} : memref<128xi32, #tpu.memory_space<vmem>>, vector<16xi32>,
    %get3A_35 = arith.constant 2 : i32
    %get3A_36 = arith.index_cast %get3A_35 : i32 to index
    %get3A_37 = arith.constant 0 : index
    %get3A_38 = tpu.vector_load %arg5[%get3A_36, %get3A_37] {strides = array<i32>} : memref<8x16xi32, #tpu.memory_space<vmem>>, vector<1x16xi32>,
    %get3A_39 = vector.shape_cast %get3A_38 : vector<1x16xi32> to vector<16xi32>
    %swap3A_40 = arith.constant 32 : index
    %swap3A_41 = tpu.vector_load %arg7[%swap3A_40] {strides = array<i32>} : memref<128xi32, #tpu.memory_space<vmem>>, vector<16xi32>,
    %swap3A_42 = vector.shape_cast %swap3A_41 : vector<16xi32> to vector<16xi32>
    %swap3A_43 = vector.shape_cast %get3A_39 : vector<16xi32> to vector<16xi32>
    tpu.vector_store %arg7[%swap3A_40], %swap3A_43 {strides = array<i32>} : memref<128xi32, #tpu.memory_space<vmem>>, vector<16xi32>,
    %get3A_44 = arith.constant 3 : i32
    %get3A_45 = arith.index_cast %get3A_44 : i32 to index
    %get3A_46 = arith.constant 0 : index
    %get3A_47 = tpu.vector_load %arg5[%get3A_45, %get3A_46] {strides = array<i32>} : memref<8x16xi32, #tpu.memory_space<vmem>>, vector<1x16xi32>,
    %get3A_48 = vector.shape_cast %get3A_47 : vector<1x16xi32> to vector<16xi32>
    %swap3A_49 = arith.constant 48 : index
    %swap3A_50 = tpu.vector_load %arg7[%swap3A_49] {strides = array<i32>} : memref<128xi32, #tpu.memory_space<vmem>>, vector<16xi32>,
    %swap3A_51 = vector.shape_cast %swap3A_50 : vector<16xi32> to vector<16xi32>
    %swap3A_52 = vector.shape_cast %get3A_48 : vector<16xi32> to vector<16xi32>
    tpu.vector_store %arg7[%swap3A_49], %swap3A_52 {strides = array<i32>} : memref<128xi32, #tpu.memory_space<vmem>>, vector<16xi32>,
    %get3A_53 = arith.constant 4 : i32
    %get3A_54 = arith.index_cast %get3A_53 : i32 to index
    %get3A_55 = arith.constant 0 : index
    %get3A_56 = tpu.vector_load %arg5[%get3A_54, %get3A_55] {strides = array<i32>} : memref<8x16xi32, #tpu.memory_space<vmem>>, vector<1x16xi32>,
    %get3A_57 = vector.shape_cast %get3A_56 : vector<1x16xi32> to vector<16xi32>
    %swap3A_58 = arith.constant 64 : index
    %swap3A_59 = tpu.vector_load %arg7[%swap3A_58] {strides = array<i32>} : memref<128xi32, #tpu.memory_space<vmem>>, vector<16xi32>,
    %swap3A_60 = vector.shape_cast %swap3A_59 : vector<16xi32> to vector<16xi32>
    %swap3A_61 = vector.shape_cast %get3A_57 : vector<16xi32> to vector<16xi32>
    tpu.vector_store %arg7[%swap3A_58], %swap3A_61 {strides = array<i32>} : memref<128xi32, #tpu.memory_space<vmem>>, vector<16xi32>,
    %get3A_62 = arith.constant 5 : i32
    %get3A_63 = arith.index_cast %get3A_62 : i32 to index
    %get3A_64 = arith.constant 0 : index
    %get3A_65 = tpu.vector_load %arg5[%get3A_63, %get3A_64] {strides = array<i32>} : memref<8x16xi32, #tpu.memory_space<vmem>>, vector<1x16xi32>,
    %get3A_66 = vector.shape_cast %get3A_65 : vector<1x16xi32> to vector<16xi32>
    %swap3A_67 = arith.constant 80 : index
    %swap3A_68 = tpu.vector_load %arg7[%swap3A_67] {strides = array<i32>} : memref<128xi32, #tpu.memory_space<vmem>>, vector<16xi32>,
    %swap3A_69 = vector.shape_cast %swap3A_68 : vector<16xi32> to vector<16xi32>
    %swap3A_70 = vector.shape_cast %get3A_66 : vector<16xi32> to vector<16xi32>
    tpu.vector_store %arg7[%swap3A_67], %swap3A_70 {strides = array<i32>} : memref<128xi32, #tpu.memory_space<vmem>>, vector<16xi32>,
    %get3A_71 = arith.constant 6 : i32
    %get3A_72 = arith.index_cast %get3A_71 : i32 to index
    %get3A_73 = arith.constant 0 : index
    %get3A_74 = tpu.vector_load %arg5[%get3A_72, %get3A_73] {strides = array<i32>} : memref<8x16xi32, #tpu.memory_space<vmem>>, vector<1x16xi32>,
    %get3A_75 = vector.shape_cast %get3A_74 : vector<1x16xi32> to vector<16xi32>
    %swap3A_76 = arith.constant 96 : index
    %swap3A_77 = tpu.vector_load %arg7[%swap3A_76] {strides = array<i32>} : memref<128xi32, #tpu.memory_space<vmem>>, vector<16xi32>,
    %swap3A_78 = vector.shape_cast %swap3A_77 : vector<16xi32> to vector<16xi32>
    %swap3A_79 = vector.shape_cast %get3A_75 : vector<16xi32> to vector<16xi32>
    tpu.vector_store %arg7[%swap3A_76], %swap3A_79 {strides = array<i32>} : memref<128xi32, #tpu.memory_space<vmem>>, vector<16xi32>,
    %get3A_80 = arith.constant 7 : i32
    %get3A_81 = arith.index_cast %get3A_80 : i32 to index
    %get3A_82 = arith.constant 0 : index
    %get3A_83 = tpu.vector_load %arg5[%get3A_81, %get3A_82] {strides = array<i32>} : memref<8x16xi32, #tpu.memory_space<vmem>>, vector<1x16xi32>,
    %get3A_84 = vector.shape_cast %get3A_83 : vector<1x16xi32> to vector<16xi32>
    %swap3A_85 = arith.constant 112 : index
    %swap3A_86 = tpu.vector_load %arg7[%swap3A_85] {strides = array<i32>} : memref<128xi32, #tpu.memory_space<vmem>>, vector<16xi32>,
    %swap3A_87 = vector.shape_cast %swap3A_86 : vector<16xi32> to vector<16xi32>
    %swap3A_88 = vector.shape_cast %get3A_84 : vector<16xi32> to vector<16xi32>
    tpu.vector_store %arg7[%swap3A_85], %swap3A_88 {strides = array<i32>} : memref<128xi32, #tpu.memory_space<vmem>>, vector<16xi32>,
    %dma_start3A_89 = arith.constant 0 : i32
    %dma_start3A_90 = arith.constant 0 : i32
    %dma_start3A_91 = tpu.memref_slice %arg2[%dma_start3A_89, %dma_start3A_90] : memref<1000x384xi32, #tpu.memory_space<hbm>> -> memref<1000x384xi32, #tpu.memory_space<hbm>>
    tpu.enqueue_indirect_dma source(%dma_start3A_91 : memref<1000x384xi32, #tpu.memory_space<hbm>>) target(%arg9 : memref<128x384xi32, #tpu.memory_space<vmem>>) offsets(%arg7 : memref<128xi32, #tpu.memory_space<vmem>>) semaphore(%arg13 : memref<!tpu.dma_semaphore, #tpu.memory_space<semaphore_mem>>)
    %dma_wait3A_92 = arith.constant 0 : i32
    %dma_wait3A_93 = arith.constant 0 : i32
    %dma_wait3A_94 = tpu.memref_slice %arg2[%dma_wait3A_92, %dma_wait3A_93] : memref<1000x384xi32, #tpu.memory_space<hbm>> -> memref<1000x384xi32, #tpu.memory_space<hbm>>
    tpu.wait_indirect_dma semaphore(%arg13 : memref<!tpu.dma_semaphore, #tpu.memory_space<semaphore_mem>>) src(%dma_wait3A_94 : memref<1000x384xi32, #tpu.memory_space<hbm>>) dst(%arg9 : memref<128x384xi32, #tpu.memory_space<vmem>>)
    %add3A_95 = arith.constant 0 : i32
    %add3A_96 = arith.addi %mul3A_2, %add3A_95 : i32
    %dma_start3A_97 = arith.constant 0 : i32
    %dma_start3A_98 = tpu.memref_slice %arg4[%add3A_96, %dma_start3A_97] : memref<16384x384xi32, #tpu.memory_space<hbm>> -> memref<128x384xi32, #tpu.memory_space<hbm>>
    %dma_start3A_99 = arith.constant 0 : i32
    %dma_start3A_100 = tpu.memref_slice %arg4[%add3A_96, %dma_start3A_99] : memref<16384x384xi32, #tpu.memory_space<hbm>> -> memref<128x384xi32, #tpu.memory_space<hbm>>
    tpu.enqueue_dma source(%arg9 : memref<128x384xi32, #tpu.memory_space<vmem>>) target(%dma_start3A_100 : memref<128x384xi32, #tpu.memory_space<hbm>>) target_semaphore(%arg14 : memref<!tpu.dma_semaphore, #tpu.memory_space<semaphore_mem>>)
    %add3A_101 = arith.constant 8 : i32
    %add3A_102 = arith.addi %mul3A_4, %add3A_101 : i32
    %dma_wait3A_103 = arith.constant 0 : i32
    %dma_wait3A_104 = tpu.memref_slice %arg3[%add3A_102, %dma_wait3A_103] : memref<1024x16xi32, #tpu.memory_space<hbm>> -> memref<8x16xi32, #tpu.memory_space<hbm>>
    %dma_wait3A_105 = arith.constant 0 : i32
    %dma_wait3A_106 = tpu.memref_slice %arg3[%add3A_102, %dma_wait3A_105] : memref<1024x16xi32, #tpu.memory_space<hbm>> -> memref<8x16xi32, #tpu.memory_space<hbm>>
    tpu.wait_dma2 semaphore(%arg12 : memref<!tpu.dma_semaphore, #tpu.memory_space<semaphore_mem>>) src(%dma_wait3A_106 : memref<8x16xi32, #tpu.memory_space<hbm>>) dst(%arg6 : memref<8x16xi32, #tpu.memory_space<vmem>>)
    %add3A_107 = arith.constant 16 : i32
    %add3A_108 = arith.addi %mul3A_4, %add3A_107 : i32
    %dma_start3A_109 = arith.constant 0 : i32
    %dma_start3A_110 = tpu.memref_slice %arg3[%add3A_108, %dma_start3A_109] : memref<1024x16xi32, #tpu.memory_space<hbm>> -> memref<8x16xi32, #tpu.memory_space<hbm>>
    %dma_start3A_111 = arith.constant 0 : i32
    %dma_start3A_112 = tpu.memref_slice %arg3[%add3A_108, %dma_start3A_111] : memref<1024x16xi32, #tpu.memory_space<hbm>> -> memref<8x16xi32, #tpu.memory_space<hbm>>
    tpu.enqueue_dma source(%dma_start3A_112 : memref<8x16xi32, #tpu.memory_space<hbm>>) target(%arg5 : memref<8x16xi32, #tpu.memory_space<vmem>>) target_semaphore(%arg11 : memref<!tpu.dma_semaphore, #tpu.memory_space<semaphore_mem>>)
    %get3A_113 = arith.constant 0 : i32
    %get3A_114 = arith.index_cast %get3A_113 : i32 to index
    %get3A_115 = arith.constant 0 : index
    %get3A_116 = tpu.vector_load %arg6[%get3A_114, %get3A_115] {strides = array<i32>} : memref<8x16xi32, #tpu.memory_space<vmem>>, vector<1x16xi32>,
    %get3A_117 = vector.shape_cast %get3A_116 : vector<1x16xi32> to vector<16xi32>
    %swap3A_118 = arith.constant 0 : index
    %swap3A_119 = tpu.vector_load %arg8[%swap3A_118] {strides = array<i32>} : memref<128xi32, #tpu.memory_space<vmem>>, vector<16xi32>,
    %swap3A_120 = vector.shape_cast %swap3A_119 : vector<16xi32> to vector<16xi32>
    %swap3A_121 = vector.shape_cast %get3A_117 : vector<16xi32> to vector<16xi32>
    tpu.vector_store %arg8[%swap3A_118], %swap3A_121 {strides = array<i32>} : memref<128xi32, #tpu.memory_space<vmem>>, vector<16xi32>,
    %get3A_122 = arith.constant 1 : i32
    %get3A_123 = arith.index_cast %get3A_122 : i32 to index
    %get3A_124 = arith.constant 0 : index
    %get3A_125 = tpu.vector_load %arg6[%get3A_123, %get3A_124] {strides = array<i32>} : memref<8x16xi32, #tpu.memory_space<vmem>>, vector<1x16xi32>,
    %get3A_126 = vector.shape_cast %get3A_125 : vector<1x16xi32> to vector<16xi32>
    %swap3A_127 = arith.constant 16 : index
    %swap3A_128 = tpu.vector_load %arg8[%swap3A_127] {strides = array<i32>} : memref<128xi32, #tpu.memory_space<vmem>>, vector<16xi32>,
    %swap3A_129 = vector.shape_cast %swap3A_128 : vector<16xi32> to vector<16xi32>
    %swap3A_130 = vector.shape_cast %get3A_126 : vector<16xi32> to vector<16xi32>
    tpu.vector_store %arg8[%swap3A_127], %swap3A_130 {strides = array<i32>} : memref<128xi32, #tpu.memory_space<vmem>>, vector<16xi32>,
    %get3A_131 = arith.constant 2 : i32
    %get3A_132 = arith.index_cast %get3A_131 : i32 to index
    %get3A_133 = arith.constant 0 : index
    %get3A_134 = tpu.vector_load %arg6[%get3A_132, %get3A_133] {strides = array<i32>} : memref<8x16xi32, #tpu.memory_space<vmem>>, vector<1x16xi32>,
    %get3A_135 = vector.shape_cast %get3A_134 : vector<1x16xi32> to vector<16xi32>
    %swap3A_136 = arith.constant 32 : index
    %swap3A_137 = tpu.vector_load %arg8[%swap3A_136] {strides = array<i32>} : memref<128xi32, #tpu.memory_space<vmem>>, vector<16xi32>,
    %swap3A_138 = vector.shape_cast %swap3A_137 : vector<16xi32> to vector<16xi32>
    %swap3A_139 = vector.shape_cast %get3A_135 : vector<16xi32> to vector<16xi32>
    tpu.vector_store %arg8[%swap3A_136], %swap3A_139 {strides = array<i32>} : memref<128xi32, #tpu.memory_space<vmem>>, vector<16xi32>,
    %get3A_140 = arith.constant 3 : i32
    %get3A_141 = arith.index_cast %get3A_140 : i32 to index
    %get3A_142 = arith.constant 0 : index
    %get3A_143 = tpu.vector_load %arg6[%get3A_141, %get3A_142] {strides = array<i32>} : memref<8x16xi32, #tpu.memory_space<vmem>>, vector<1x16xi32>,
    %get3A_144 = vector.shape_cast %get3A_143 : vector<1x16xi32> to vector<16xi32>
    %swap3A_145 = arith.constant 48 : index
    %swap3A_146 = tpu.vector_load %arg8[%swap3A_145] {strides = array<i32>} : memref<128xi32, #tpu.memory_space<vmem>>, vector<16xi32>,
    %swap3A_147 = vector.shape_cast %swap3A_146 : vector<16xi32> to vector<16xi32>
    %swap3A_148 = vector.shape_cast %get3A_144 : vector<16xi32> to vector<16xi32>
    tpu.vector_store %arg8[%swap3A_145], %swap3A_148 {strides = array<i32>} : memref<128xi32, #tpu.memory_space<vmem>>, vector<16xi32>,
    %get3A_149 = arith.constant 4 : i32
    %get3A_150 = arith.index_cast %get3A_149 : i32 to index
    %get3A_151 = arith.constant 0 : index
    %get3A_152 = tpu.vector_load %arg6[%get3A_150, %get3A_151] {strides = array<i32>} : memref<8x16xi32, #tpu.memory_space<vmem>>, vector<1x16xi32>,
    %get3A_153 = vector.shape_cast %get3A_152 : vector<1x16xi32> to vector<16xi32>
    %swap3A_154 = arith.constant 64 : index
    %swap3A_155 = tpu.vector_load %arg8[%swap3A_154] {strides = array<i32>} : memref<128xi32, #tpu.memory_space<vmem>>, vector<16xi32>,
    %swap3A_156 = vector.shape_cast %swap3A_155 : vector<16xi32> to vector<16xi32>
    %swap3A_157 = vector.shape_cast %get3A_153 : vector<16xi32> to vector<16xi32>
    tpu.vector_store %arg8[%swap3A_154], %swap3A_157 {strides = array<i32>} : memref<128xi32, #tpu.memory_space<vmem>>, vector<16xi32>,
    %get3A_158 = arith.constant 5 : i32
    %get3A_159 = arith.index_cast %get3A_158 : i32 to index
    %get3A_160 = arith.constant 0 : index
    %get3A_161 = tpu.vector_load %arg6[%get3A_159, %get3A_160] {strides = array<i32>} : memref<8x16xi32, #tpu.memory_space<vmem>>, vector<1x16xi32>,
    %get3A_162 = vector.shape_cast %get3A_161 : vector<1x16xi32> to vector<16xi32>
    %swap3A_163 = arith.constant 80 : index
    %swap3A_164 = tpu.vector_load %arg8[%swap3A_163] {strides = array<i32>} : memref<128xi32, #tpu.memory_space<vmem>>, vector<16xi32>,
    %swap3A_165 = vector.shape_cast %swap3A_164 : vector<16xi32> to vector<16xi32>
    %swap3A_166 = vector.shape_cast %get3A_162 : vector<16xi32> to vector<16xi32>
    tpu.vector_store %arg8[%swap3A_163], %swap3A_166 {strides = array<i32>} : memref<128xi32, #tpu.memory_space<vmem>>, vector<16xi32>,
    %get3A_167 = arith.constant 6 : i32
    %get3A_168 = arith.index_cast %get3A_167 : i32 to index
    %get3A_169 = arith.constant 0 : index
    %get3A_170 = tpu.vector_load %arg6[%get3A_168, %get3A_169] {strides = array<i32>} : memref<8x16xi32, #tpu.memory_space<vmem>>, vector<1x16xi32>,
    %get3A_171 = vector.shape_cast %get3A_170 : vector<1x16xi32> to vector<16xi32>
    %swap3A_172 = arith.constant 96 : index
    %swap3A_173 = tpu.vector_load %arg8[%swap3A_172] {strides = array<i32>} : memref<128xi32, #tpu.memory_space<vmem>>, vector<16xi32>,
    %swap3A_174 = vector.shape_cast %swap3A_173 : vector<16xi32> to vector<16xi32>
    %swap3A_175 = vector.shape_cast %get3A_171 : vector<16xi32> to vector<16xi32>
    tpu.vector_store %arg8[%swap3A_172], %swap3A_175 {strides = array<i32>} : memref<128xi32, #tpu.memory_space<vmem>>, vector<16xi32>,
    %get3A_176 = arith.constant 7 : i32
    %get3A_177 = arith.index_cast %get3A_176 : i32 to index
    %get3A_178 = arith.constant 0 : index
    %get3A_179 = tpu.vector_load %arg6[%get3A_177, %get3A_178] {strides = array<i32>} : memref<8x16xi32, #tpu.memory_space<vmem>>, vector<1x16xi32>,
    %get3A_180 = vector.shape_cast %get3A_179 : vector<1x16xi32> to vector<16xi32>
    %swap3A_181 = arith.constant 112 : index
    %swap3A_182 = tpu.vector_load %arg8[%swap3A_181] {strides = array<i32>} : memref<128xi32, #tpu.memory_space<vmem>>, vector<16xi32>,
    %swap3A_183 = vector.shape_cast %swap3A_182 : vector<16xi32> to vector<16xi32>
    %swap3A_184 = vector.shape_cast %get3A_180 : vector<16xi32> to vector<16xi32>
    tpu.vector_store %arg8[%swap3A_181], %swap3A_184 {strides = array<i32>} : memref<128xi32, #tpu.memory_space<vmem>>, vector<16xi32>,
    %dma_start3A_185 = arith.constant 0 : i32
    %dma_start3A_186 = arith.constant 0 : i32
    %dma_start3A_187 = tpu.memref_slice %arg2[%dma_start3A_185, %dma_start3A_186] : memref<1000x384xi32, #tpu.memory_space<hbm>> -> memref<1000x384xi32, #tpu.memory_space<hbm>>
    tpu.enqueue_indirect_dma source(%dma_start3A_187 : memref<1000x384xi32, #tpu.memory_space<hbm>>) target(%arg10 : memref<128x384xi32, #tpu.memory_space<vmem>>) offsets(%arg8 : memref<128xi32, #tpu.memory_space<vmem>>) semaphore(%arg13 : memref<!tpu.dma_semaphore, #tpu.memory_space<semaphore_mem>>)
    %dma_wait3A_188 = arith.constant 0 : i32
    %dma_wait3A_189 = arith.constant 0 : i32
    %dma_wait3A_190 = tpu.memref_slice %arg2[%dma_wait3A_188, %dma_wait3A_189] : memref<1000x384xi32, #tpu.memory_space<hbm>> -> memref<1000x384xi32, #tpu.memory_space<hbm>>
    tpu.wait_indirect_dma semaphore(%arg13 : memref<!tpu.dma_semaphore, #tpu.memory_space<semaphore_mem>>) src(%dma_wait3A_190 : memref<1000x384xi32, #tpu.memory_space<hbm>>) dst(%arg10 : memref<128x384xi32, #tpu.memory_space<vmem>>)
    %add3A_191 = arith.constant 128 : i32
    %add3A_192 = arith.addi %mul3A_2, %add3A_191 : i32
    %dma_start3A_193 = arith.constant 0 : i32
    %dma_start3A_194 = tpu.memref_slice %arg4[%add3A_192, %dma_start3A_193] : memref<16384x384xi32, #tpu.memory_space<hbm>> -> memref<128x384xi32, #tpu.memory_space<hbm>>
    %dma_start3A_195 = arith.constant 0 : i32
    %dma_start3A_196 = tpu.memref_slice %arg4[%add3A_192, %dma_start3A_195] : memref<16384x384xi32, #tpu.memory_space<hbm>> -> memref<128x384xi32, #tpu.memory_space<hbm>>
    tpu.enqueue_dma source(%arg10 : memref<128x384xi32, #tpu.memory_space<vmem>>) target(%dma_start3A_196 : memref<128x384xi32, #tpu.memory_space<hbm>>) target_semaphore(%arg15 : memref<!tpu.dma_semaphore, #tpu.memory_space<semaphore_mem>>)
    %add3A_197 = arith.constant 16 : i32
    %add3A_198 = arith.addi %mul3A_4, %add3A_197 : i32
    %dma_wait3A_199 = arith.constant 0 : i32
    %dma_wait3A_200 = tpu.memref_slice %arg3[%add3A_198, %dma_wait3A_199] : memref<1024x16xi32, #tpu.memory_space<hbm>> -> memref<8x16xi32, #tpu.memory_space<hbm>>
    %dma_wait3A_201 = arith.constant 0 : i32
    %dma_wait3A_202 = tpu.memref_slice %arg3[%add3A_198, %dma_wait3A_201] : memref<1024x16xi32, #tpu.memory_space<hbm>> -> memref<8x16xi32, #tpu.memory_space<hbm>>
    tpu.wait_dma2 semaphore(%arg11 : memref<!tpu.dma_semaphore, #tpu.memory_space<semaphore_mem>>) src(%dma_wait3A_202 : memref<8x16xi32, #tpu.memory_space<hbm>>) dst(%arg5 : memref<8x16xi32, #tpu.memory_space<vmem>>)
    %add3A_203 = arith.constant 24 : i32
    %add3A_204 = arith.addi %mul3A_4, %add3A_203 : i32
    %dma_start3A_205 = arith.constant 0 : i32
    %dma_start3A_206 = tpu.memref_slice %arg3[%add3A_204, %dma_start3A_205] : memref<1024x16xi32, #tpu.memory_space<hbm>> -> memref<8x16xi32, #tpu.memory_space<hbm>>
    %dma_start3A_207 = arith.constant 0 : i32
    %dma_start3A_208 = tpu.memref_slice %arg3[%add3A_204, %dma_start3A_207] : memref<1024x16xi32, #tpu.memory_space<hbm>> -> memref<8x16xi32, #tpu.memory_space<hbm>>
    tpu.enqueue_dma source(%dma_start3A_208 : memref<8x16xi32, #tpu.memory_space<hbm>>) target(%arg6 : memref<8x16xi32, #tpu.memory_space<vmem>>) target_semaphore(%arg12 : memref<!tpu.dma_semaphore, #tpu.memory_space<semaphore_mem>>)
    %get3A_209 = arith.constant 0 : i32
    %get3A_210 = arith.index_cast %get3A_209 : i32 to index
    %get3A_211 = arith.constant 0 : index
    %get3A_212 = tpu.vector_load %arg5[%get3A_210, %get3A_211] {strides = array<i32>} : memref<8x16xi32, #tpu.memory_space<vmem>>, vector<1x16xi32>,
    %get3A_213 = vector.shape_cast %get3A_212 : vector<1x16xi32> to vector<16xi32>
    %swap3A_214 = arith.constant 0 : index
    %swap3A_215 = tpu.vector_load %arg7[%swap3A_214] {strides = array<i32>} : memref<128xi32, #tpu.memory_space<vmem>>, vector<16xi32>,
    %swap3A_216 = vector.shape_cast %swap3A_215 : vector<16xi32> to vector<16xi32>
    %swap3A_217 = vector.shape_cast %get3A_213 : vector<16xi32> to vector<16xi32>
    tpu.vector_store %arg7[%swap3A_214], %swap3A_217 {strides = array<i32>} : memref<128xi32, #tpu.memory_space<vmem>>, vector<16xi32>,
    %get3A_218 = arith.constant 1 : i32
    %get3A_219 = arith.index_cast %get3A_218 : i32 to index
    %get3A_220 = arith.constant 0 : index
    %get3A_221 = tpu.vector_load %arg5[%get3A_219, %get3A_220] {strides = array<i32>} : memref<8x16xi32, #tpu.memory_space<vmem>>, vector<1x16xi32>,
    %get3A_222 = vector.shape_cast %get3A_221 : vector<1x16xi32> to vector<16xi32>
    %swap3A_223 = arith.constant 16 : index
    %swap3A_224 = tpu.vector_load %arg7[%swap3A_223] {strides = array<i32>} : memref<128xi32, #tpu.memory_space<vmem>>, vector<16xi32>,
    %swap3A_225 = vector.shape_cast %swap3A_224 : vector<16xi32> to vector<16xi32>
    %swap3A_226 = vector.shape_cast %get3A_222 : vector<16xi32> to vector<16xi32>
    tpu.vector_store %arg7[%swap3A_223], %swap3A_226 {strides = array<i32>} : memref<128xi32, #tpu.memory_space<vmem>>, vector<16xi32>,
    %get3A_227 = arith.constant 2 : i32
    %get3A_228 = arith.index_cast %get3A_227 : i32 to index
    %get3A_229 = arith.constant 0 : index
    %get3A_230 = tpu.vector_load %arg5[%get3A_228, %get3A_229] {strides = array<i32>} : memref<8x16xi32, #tpu.memory_space<vmem>>, vector<1x16xi32>,
    %get3A_231 = vector.shape_cast %get3A_230 : vector<1x16xi32> to vector<16xi32>
    %swap3A_232 = arith.constant 32 : index
    %swap3A_233 = tpu.vector_load %arg7[%swap3A_232] {strides = array<i32>} : memref<128xi32, #tpu.memory_space<vmem>>, vector<16xi32>,
    %swap3A_234 = vector.shape_cast %swap3A_233 : vector<16xi32> to vector<16xi32>
    %swap3A_235 = vector.shape_cast %get3A_231 : vector<16xi32> to vector<16xi32>
    tpu.vector_store %arg7[%swap3A_232], %swap3A_235 {strides = array<i32>} : memref<128xi32, #tpu.memory_space<vmem>>, vector<16xi32>,
    %get3A_236 = arith.constant 3 : i32
    %get3A_237 = arith.index_cast %get3A_236 : i32 to index
    %get3A_238 = arith.constant 0 : index
    %get3A_239 = tpu.vector_load %arg5[%get3A_237, %get3A_238] {strides = array<i32>} : memref<8x16xi32, #tpu.memory_space<vmem>>, vector<1x16xi32>,
    %get3A_240 = vector.shape_cast %get3A_239 : vector<1x16xi32> to vector<16xi32>
    %swap3A_241 = arith.constant 48 : index
    %swap3A_242 = tpu.vector_load %arg7[%swap3A_241] {strides = array<i32>} : memref<128xi32, #tpu.memory_space<vmem>>, vector<16xi32>,
    %swap3A_243 = vector.shape_cast %swap3A_242 : vector<16xi32> to vector<16xi32>
    %swap3A_244 = vector.shape_cast %get3A_240 : vector<16xi32> to vector<16xi32>
    tpu.vector_store %arg7[%swap3A_241], %swap3A_244 {strides = array<i32>} : memref<128xi32, #tpu.memory_space<vmem>>, vector<16xi32>,
    %get3A_245 = arith.constant 4 : i32
    %get3A_246 = arith.index_cast %get3A_245 : i32 to index
    %get3A_247 = arith.constant 0 : index
    %get3A_248 = tpu.vector_load %arg5[%get3A_246, %get3A_247] {strides = array<i32>} : memref<8x16xi32, #tpu.memory_space<vmem>>, vector<1x16xi32>,
    %get3A_249 = vector.shape_cast %get3A_248 : vector<1x16xi32> to vector<16xi32>
    %swap3A_250 = arith.constant 64 : index
    %swap3A_251 = tpu.vector_load %arg7[%swap3A_250] {strides = array<i32>} : memref<128xi32, #tpu.memory_space<vmem>>, vector<16xi32>,
    %swap3A_252 = vector.shape_cast %swap3A_251 : vector<16xi32> to vector<16xi32>
    %swap3A_253 = vector.shape_cast %get3A_249 : vector<16xi32> to vector<16xi32>
    tpu.vector_store %arg7[%swap3A_250], %swap3A_253 {strides = array<i32>} : memref<128xi32, #tpu.memory_space<vmem>>, vector<16xi32>,
    %get3A_254 = arith.constant 5 : i32
    %get3A_255 = arith.index_cast %get3A_254 : i32 to index
    %get3A_256 = arith.constant 0 : index
    %get3A_257 = tpu.vector_load %arg5[%get3A_255, %get3A_256] {strides = array<i32>} : memref<8x16xi32, #tpu.memory_space<vmem>>, vector<1x16xi32>,
    %get3A_258 = vector.shape_cast %get3A_257 : vector<1x16xi32> to vector<16xi32>
    %swap3A_259 = arith.constant 80 : index
    %swap3A_260 = tpu.vector_load %arg7[%swap3A_259] {strides = array<i32>} : memref<128xi32, #tpu.memory_space<vmem>>, vector<16xi32>,
    %swap3A_261 = vector.shape_cast %swap3A_260 : vector<16xi32> to vector<16xi32>
    %swap3A_262 = vector.shape_cast %get3A_258 : vector<16xi32> to vector<16xi32>
    tpu.vector_store %arg7[%swap3A_259], %swap3A_262 {strides = array<i32>} : memref<128xi32, #tpu.memory_space<vmem>>, vector<16xi32>,
    %get3A_263 = arith.constant 6 : i32
    %get3A_264 = arith.index_cast %get3A_263 : i32 to index
    %get3A_265 = arith.constant 0 : index
    %get3A_266 = tpu.vector_load %arg5[%get3A_264, %get3A_265] {strides = array<i32>} : memref<8x16xi32, #tpu.memory_space<vmem>>, vector<1x16xi32>,
    %get3A_267 = vector.shape_cast %get3A_266 : vector<1x16xi32> to vector<16xi32>
    %swap3A_268 = arith.constant 96 : index
    %swap3A_269 = tpu.vector_load %arg7[%swap3A_268] {strides = array<i32>} : memref<128xi32, #tpu.memory_space<vmem>>, vector<16xi32>,
    %swap3A_270 = vector.shape_cast %swap3A_269 : vector<16xi32> to vector<16xi32>
    %swap3A_271 = vector.shape_cast %get3A_267 : vector<16xi32> to vector<16xi32>
    tpu.vector_store %arg7[%swap3A_268], %swap3A_271 {strides = array<i32>} : memref<128xi32, #tpu.memory_space<vmem>>, vector<16xi32>,
    %get3A_272 = arith.constant 7 : i32
    %get3A_273 = arith.index_cast %get3A_272 : i32 to index
    %get3A_274 = arith.constant 0 : index
    %get3A_275 = tpu.vector_load %arg5[%get3A_273, %get3A_274] {strides = array<i32>} : memref<8x16xi32, #tpu.memory_space<vmem>>, vector<1x16xi32>,
    %get3A_276 = vector.shape_cast %get3A_275 : vector<1x16xi32> to vector<16xi32>
    %swap3A_277 = arith.constant 112 : index
    %swap3A_278 = tpu.vector_load %arg7[%swap3A_277] {strides = array<i32>} : memref<128xi32, #tpu.memory_space<vmem>>, vector<16xi32>,
    %swap3A_279 = vector.shape_cast %swap3A_278 : vector<16xi32> to vector<16xi32>
    %swap3A_280 = vector.shape_cast %get3A_276 : vector<16xi32> to vector<16xi32>
    tpu.vector_store %arg7[%swap3A_277], %swap3A_280 {strides = array<i32>} : memref<128xi32, #tpu.memory_space<vmem>>, vector<16xi32>,
    %add3A_281 = arith.constant 0 : i32
    %add3A_282 = arith.addi %mul3A_2, %add3A_281 : i32
    %dma_wait3A_283 = arith.constant 0 : i32
    %dma_wait3A_284 = tpu.memref_slice %arg4[%add3A_282, %dma_wait3A_283] : memref<16384x384xi32, #tpu.memory_space<hbm>> -> memref<128x384xi32, #tpu.memory_space<hbm>>
    %dma_wait3A_285 = arith.constant 0 : i32
    %dma_wait3A_286 = tpu.memref_slice %arg4[%add3A_282, %dma_wait3A_285] : memref<16384x384xi32, #tpu.memory_space<hbm>> -> memref<128x384xi32, #tpu.memory_space<hbm>>
    tpu.wait_dma2 semaphore(%arg14 : memref<!tpu.dma_semaphore, #tpu.memory_space<semaphore_mem>>) src(%arg9 : memref<128x384xi32, #tpu.memory_space<vmem>>) dst(%dma_wait3A_286 : memref<128x384xi32, #tpu.memory_space<hbm>>)
    %dma_start3A_287 = arith.constant 0 : i32
    %dma_start3A_288 = arith.constant 0 : i32
    %dma_start3A_289 = tpu.memref_slice %arg2[%dma_start3A_287, %dma_start3A_288] : memref<1000x384xi32, #tpu.memory_space<hbm>> -> memref<1000x384xi32, #tpu.memory_space<hbm>>
    tpu.enqueue_indirect_dma source(%dma_start3A_289 : memref<1000x384xi32, #tpu.memory_space<hbm>>) target(%arg9 : memref<128x384xi32, #tpu.memory_space<vmem>>) offsets(%arg7 : memref<128xi32, #tpu.memory_space<vmem>>) semaphore(%arg13 : memref<!tpu.dma_semaphore, #tpu.memory_space<semaphore_mem>>)
    %dma_wait3A_290 = arith.constant 0 : i32
    %dma_wait3A_291 = arith.constant 0 : i32
    %dma_wait3A_292 = tpu.memref_slice %arg2[%dma_wait3A_290, %dma_wait3A_291] : memref<1000x384xi32, #tpu.memory_space<hbm>> -> memref<1000x384xi32, #tpu.memory_space<hbm>>
    tpu.wait_indirect_dma semaphore(%arg13 : memref<!tpu.dma_semaphore, #tpu.memory_space<semaphore_mem>>) src(%dma_wait3A_292 : memref<1000x384xi32, #tpu.memory_space<hbm>>) dst(%arg9 : memref<128x384xi32, #tpu.memory_space<vmem>>)
    %add3A_293 = arith.constant 256 : i32
    %add3A_294 = arith.addi %mul3A_2, %add3A_293 : i32
    %dma_start3A_295 = arith.constant 0 : i32
    %dma_start3A_296 = tpu.memref_slice %arg4[%add3A_294, %dma_start3A_295] : memref<16384x384xi32, #tpu.memory_space<hbm>> -> memref<128x384xi32, #tpu.memory_space<hbm>>
    %dma_start3A_297 = arith.constant 0 : i32
    %dma_start3A_298 = tpu.memref_slice %arg4[%add3A_294, %dma_start3A_297] : memref<16384x384xi32, #tpu.memory_space<hbm>> -> memref<128x384xi32, #tpu.memory_space<hbm>>
    tpu.enqueue_dma source(%arg9 : memref<128x384xi32, #tpu.memory_space<vmem>>) target(%dma_start3A_298 : memref<128x384xi32, #tpu.memory_space<hbm>>) target_semaphore(%arg14 : memref<!tpu.dma_semaphore, #tpu.memory_space<semaphore_mem>>)
    %add3A_299 = arith.constant 24 : i32
    %add3A_300 = arith.addi %mul3A_4, %add3A_299 : i32
    %dma_wait3A_301 = arith.constant 0 : i32
    %dma_wait3A_302 = tpu.memref_slice %arg3[%add3A_300, %dma_wait3A_301] : memref<1024x16xi32, #tpu.memory_space<hbm>> -> memref<8x16xi32, #tpu.memory_space<hbm>>
    %dma_wait3A_303 = arith.constant 0 : i32
    %dma_wait3A_304 = tpu.memref_slice %arg3[%add3A_300, %dma_wait3A_303] : memref<1024x16xi32, #tpu.memory_space<hbm>> -> memref<8x16xi32, #tpu.memory_space<hbm>>
    tpu.wait_dma2 semaphore(%arg12 : memref<!tpu.dma_semaphore, #tpu.memory_space<semaphore_mem>>) src(%dma_wait3A_304 : memref<8x16xi32, #tpu.memory_space<hbm>>) dst(%arg6 : memref<8x16xi32, #tpu.memory_space<vmem>>)
    %get3A_305 = arith.constant 0 : i32
    %get3A_306 = arith.index_cast %get3A_305 : i32 to index
    %get3A_307 = arith.constant 0 : index
    %get3A_308 = tpu.vector_load %arg6[%get3A_306, %get3A_307] {strides = array<i32>} : memref<8x16xi32, #tpu.memory_space<vmem>>, vector<1x16xi32>,
    %get3A_309 = vector.shape_cast %get3A_308 : vector<1x16xi32> to vector<16xi32>
    %swap3A_310 = arith.constant 0 : index
    %swap3A_311 = tpu.vector_load %arg8[%swap3A_310] {strides = array<i32>} : memref<128xi32, #tpu.memory_space<vmem>>, vector<16xi32>,
    %swap3A_312 = vector.shape_cast %swap3A_311 : vector<16xi32> to vector<16xi32>
    %swap3A_313 = vector.shape_cast %get3A_309 : vector<16xi32> to vector<16xi32>
    tpu.vector_store %arg8[%swap3A_310], %swap3A_313 {strides = array<i32>} : memref<128xi32, #tpu.memory_space<vmem>>, vector<16xi32>,
    %get3A_314 = arith.constant 1 : i32
    %get3A_315 = arith.index_cast %get3A_314 : i32 to index
    %get3A_316 = arith.constant 0 : index
    %get3A_317 = tpu.vector_load %arg6[%get3A_315, %get3A_316] {strides = array<i32>} : memref<8x16xi32, #tpu.memory_space<vmem>>, vector<1x16xi32>,
    %get3A_318 = vector.shape_cast %get3A_317 : vector<1x16xi32> to vector<16xi32>
    %swap3A_319 = arith.constant 16 : index
    %swap3A_320 = tpu.vector_load %arg8[%swap3A_319] {strides = array<i32>} : memref<128xi32, #tpu.memory_space<vmem>>, vector<16xi32>,
    %swap3A_321 = vector.shape_cast %swap3A_320 : vector<16xi32> to vector<16xi32>
    %swap3A_322 = vector.shape_cast %get3A_318 : vector<16xi32> to vector<16xi32>
    tpu.vector_store %arg8[%swap3A_319], %swap3A_322 {strides = array<i32>} : memref<128xi32, #tpu.memory_space<vmem>>, vector<16xi32>,
    %get3A_323 = arith.constant 2 : i32
    %get3A_324 = arith.index_cast %get3A_323 : i32 to index
    %get3A_325 = arith.constant 0 : index
    %get3A_326 = tpu.vector_load %arg6[%get3A_324, %get3A_325] {strides = array<i32>} : memref<8x16xi32, #tpu.memory_space<vmem>>, vector<1x16xi32>,
    %get3A_327 = vector.shape_cast %get3A_326 : vector<1x16xi32> to vector<16xi32>
    %swap3A_328 = arith.constant 32 : index
    %swap3A_329 = tpu.vector_load %arg8[%swap3A_328] {strides = array<i32>} : memref<128xi32, #tpu.memory_space<vmem>>, vector<16xi32>,
    %swap3A_330 = vector.shape_cast %swap3A_329 : vector<16xi32> to vector<16xi32>
    %swap3A_331 = vector.shape_cast %get3A_327 : vector<16xi32> to vector<16xi32>
    tpu.vector_store %arg8[%swap3A_328], %swap3A_331 {strides = array<i32>} : memref<128xi32, #tpu.memory_space<vmem>>, vector<16xi32>,
    %get3A_332 = arith.constant 3 : i32
    %get3A_333 = arith.index_cast %get3A_332 : i32 to index
    %get3A_334 = arith.constant 0 : index
    %get3A_335 = tpu.vector_load %arg6[%get3A_333, %get3A_334] {strides = array<i32>} : memref<8x16xi32, #tpu.memory_space<vmem>>, vector<1x16xi32>,
    %get3A_336 = vector.shape_cast %get3A_335 : vector<1x16xi32> to vector<16xi32>
    %swap3A_337 = arith.constant 48 : index
    %swap3A_338 = tpu.vector_load %arg8[%swap3A_337] {strides = array<i32>} : memref<128xi32, #tpu.memory_space<vmem>>, vector<16xi32>,
    %swap3A_339 = vector.shape_cast %swap3A_338 : vector<16xi32> to vector<16xi32>
    %swap3A_340 = vector.shape_cast %get3A_336 : vector<16xi32> to vector<16xi32>
    tpu.vector_store %arg8[%swap3A_337], %swap3A_340 {strides = array<i32>} : memref<128xi32, #tpu.memory_space<vmem>>, vector<16xi32>,
    %get3A_341 = arith.constant 4 : i32
    %get3A_342 = arith.index_cast %get3A_341 : i32 to index
    %get3A_343 = arith.constant 0 : index
    %get3A_344 = tpu.vector_load %arg6[%get3A_342, %get3A_343] {strides = array<i32>} : memref<8x16xi32, #tpu.memory_space<vmem>>, vector<1x16xi32>,
    %get3A_345 = vector.shape_cast %get3A_344 : vector<1x16xi32> to vector<16xi32>
    %swap3A_346 = arith.constant 64 : index
    %swap3A_347 = tpu.vector_load %arg8[%swap3A_346] {strides = array<i32>} : memref<128xi32, #tpu.memory_space<vmem>>, vector<16xi32>,
    %swap3A_348 = vector.shape_cast %swap3A_347 : vector<16xi32> to vector<16xi32>
    %swap3A_349 = vector.shape_cast %get3A_345 : vector<16xi32> to vector<16xi32>
    tpu.vector_store %arg8[%swap3A_346], %swap3A_349 {strides = array<i32>} : memref<128xi32, #tpu.memory_space<vmem>>, vector<16xi32>,
    %get3A_350 = arith.constant 5 : i32
    %get3A_351 = arith.index_cast %get3A_350 : i32 to index
    %get3A_352 = arith.constant 0 : index
    %get3A_353 = tpu.vector_load %arg6[%get3A_351, %get3A_352] {strides = array<i32>} : memref<8x16xi32, #tpu.memory_space<vmem>>, vector<1x16xi32>,
    %get3A_354 = vector.shape_cast %get3A_353 : vector<1x16xi32> to vector<16xi32>
    %swap3A_355 = arith.constant 80 : index
    %swap3A_356 = tpu.vector_load %arg8[%swap3A_355] {strides = array<i32>} : memref<128xi32, #tpu.memory_space<vmem>>, vector<16xi32>,
    %swap3A_357 = vector.shape_cast %swap3A_356 : vector<16xi32> to vector<16xi32>
    %swap3A_358 = vector.shape_cast %get3A_354 : vector<16xi32> to vector<16xi32>
    tpu.vector_store %arg8[%swap3A_355], %swap3A_358 {strides = array<i32>} : memref<128xi32, #tpu.memory_space<vmem>>, vector<16xi32>,
    %get3A_359 = arith.constant 6 : i32
    %get3A_360 = arith.index_cast %get3A_359 : i32 to index
    %get3A_361 = arith.constant 0 : index
    %get3A_362 = tpu.vector_load %arg6[%get3A_360, %get3A_361] {strides = array<i32>} : memref<8x16xi32, #tpu.memory_space<vmem>>, vector<1x16xi32>,
    %get3A_363 = vector.shape_cast %get3A_362 : vector<1x16xi32> to vector<16xi32>
    %swap3A_364 = arith.constant 96 : index
    %swap3A_365 = tpu.vector_load %arg8[%swap3A_364] {strides = array<i32>} : memref<128xi32, #tpu.memory_space<vmem>>, vector<16xi32>,
    %swap3A_366 = vector.shape_cast %swap3A_365 : vector<16xi32> to vector<16xi32>
    %swap3A_367 = vector.shape_cast %get3A_363 : vector<16xi32> to vector<16xi32>
    tpu.vector_store %arg8[%swap3A_364], %swap3A_367 {strides = array<i32>} : memref<128xi32, #tpu.memory_space<vmem>>, vector<16xi32>,
    %get3A_368 = arith.constant 7 : i32
    %get3A_369 = arith.index_cast %get3A_368 : i32 to index
    %get3A_370 = arith.constant 0 : index
    %get3A_371 = tpu.vector_load %arg6[%get3A_369, %get3A_370] {strides = array<i32>} : memref<8x16xi32, #tpu.memory_space<vmem>>, vector<1x16xi32>,
    %get3A_372 = vector.shape_cast %get3A_371 : vector<1x16xi32> to vector<16xi32>
    %swap3A_373 = arith.constant 112 : index
    %swap3A_374 = tpu.vector_load %arg8[%swap3A_373] {strides = array<i32>} : memref<128xi32, #tpu.memory_space<vmem>>, vector<16xi32>,
    %swap3A_375 = vector.shape_cast %swap3A_374 : vector<16xi32> to vector<16xi32>
    %swap3A_376 = vector.shape_cast %get3A_372 : vector<16xi32> to vector<16xi32>
    tpu.vector_store %arg8[%swap3A_373], %swap3A_376 {strides = array<i32>} : memref<128xi32, #tpu.memory_space<vmem>>, vector<16xi32>,
    %add3A_377 = arith.constant 128 : i32
    %add3A_378 = arith.addi %mul3A_2, %add3A_377 : i32
    %dma_wait3A_379 = arith.constant 0 : i32
    %dma_wait3A_380 = tpu.memref_slice %arg4[%add3A_378, %dma_wait3A_379] : memref<16384x384xi32, #tpu.memory_space<hbm>> -> memref<128x384xi32, #tpu.memory_space<hbm>>
    %dma_wait3A_381 = arith.constant 0 : i32
    %dma_wait3A_382 = tpu.memref_slice %arg4[%add3A_378, %dma_wait3A_381] : memref<16384x384xi32, #tpu.memory_space<hbm>> -> memref<128x384xi32, #tpu.memory_space<hbm>>
    tpu.wait_dma2 semaphore(%arg15 : memref<!tpu.dma_semaphore, #tpu.memory_space<semaphore_mem>>) src(%arg10 : memref<128x384xi32, #tpu.memory_space<vmem>>) dst(%dma_wait3A_382 : memref<128x384xi32, #tpu.memory_space<hbm>>)
    %dma_start3A_383 = arith.constant 0 : i32
    %dma_start3A_384 = arith.constant 0 : i32
    %dma_start3A_385 = tpu.memref_slice %arg2[%dma_start3A_383, %dma_start3A_384] : memref<1000x384xi32, #tpu.memory_space<hbm>> -> memref<1000x384xi32, #tpu.memory_space<hbm>>
    tpu.enqueue_indirect_dma source(%dma_start3A_385 : memref<1000x384xi32, #tpu.memory_space<hbm>>) target(%arg10 : memref<128x384xi32, #tpu.memory_space<vmem>>) offsets(%arg8 : memref<128xi32, #tpu.memory_space<vmem>>) semaphore(%arg13 : memref<!tpu.dma_semaphore, #tpu.memory_space<semaphore_mem>>)
    %dma_wait3A_386 = arith.constant 0 : i32
    %dma_wait3A_387 = arith.constant 0 : i32
    %dma_wait3A_388 = tpu.memref_slice %arg2[%dma_wait3A_386, %dma_wait3A_387] : memref<1000x384xi32, #tpu.memory_space<hbm>> -> memref<1000x384xi32, #tpu.memory_space<hbm>>
    tpu.wait_indirect_dma semaphore(%arg13 : memref<!tpu.dma_semaphore, #tpu.memory_space<semaphore_mem>>) src(%dma_wait3A_388 : memref<1000x384xi32, #tpu.memory_space<hbm>>) dst(%arg10 : memref<128x384xi32, #tpu.memory_space<vmem>>)
    %add3A_389 = arith.constant 384 : i32
    %add3A_390 = arith.addi %mul3A_2, %add3A_389 : i32
    %dma_start3A_391 = arith.constant 0 : i32
    %dma_start3A_392 = tpu.memref_slice %arg4[%add3A_390, %dma_start3A_391] : memref<16384x384xi32, #tpu.memory_space<hbm>> -> memref<128x384xi32, #tpu.memory_space<hbm>>
    %dma_start3A_393 = arith.constant 0 : i32
    %dma_start3A_394 = tpu.memref_slice %arg4[%add3A_390, %dma_start3A_393] : memref<16384x384xi32, #tpu.memory_space<hbm>> -> memref<128x384xi32, #tpu.memory_space<hbm>>
    tpu.enqueue_dma source(%arg10 : memref<128x384xi32, #tpu.memory_space<vmem>>) target(%dma_start3A_394 : memref<128x384xi32, #tpu.memory_space<hbm>>) target_semaphore(%arg15 : memref<!tpu.dma_semaphore, #tpu.memory_space<semaphore_mem>>)
    %add3A_395 = arith.constant 256 : i32
    %add3A_396 = arith.addi %mul3A_2, %add3A_395 : i32
    %dma_wait3A_397 = arith.constant 0 : i32
    %dma_wait3A_398 = tpu.memref_slice %arg4[%add3A_396, %dma_wait3A_397] : memref<16384x384xi32, #tpu.memory_space<hbm>> -> memref<128x384xi32, #tpu.memory_space<hbm>>
    %dma_wait3A_399 = arith.constant 0 : i32
    %dma_wait3A_400 = tpu.memref_slice %arg4[%add3A_396, %dma_wait3A_399] : memref<16384x384xi32, #tpu.memory_space<hbm>> -> memref<128x384xi32, #tpu.memory_space<hbm>>
    tpu.wait_dma2 semaphore(%arg14 : memref<!tpu.dma_semaphore, #tpu.memory_space<semaphore_mem>>) src(%arg9 : memref<128x384xi32, #tpu.memory_space<vmem>>) dst(%dma_wait3A_400 : memref<128x384xi32, #tpu.memory_space<hbm>>)
    %add3A_401 = arith.constant 384 : i32
    %add3A_402 = arith.addi %mul3A_2, %add3A_401 : i32
    %dma_wait3A_403 = arith.constant 0 : i32
    %dma_wait3A_404 = tpu.memref_slice %arg4[%add3A_402, %dma_wait3A_403] : memref<16384x384xi32, #tpu.memory_space<hbm>> -> memref<128x384xi32, #tpu.memory_space<hbm>>
    %dma_wait3A_405 = arith.constant 0 : i32
    %dma_wait3A_406 = tpu.memref_slice %arg4[%add3A_402, %dma_wait3A_405] : memref<16384x384xi32, #tpu.memory_space<hbm>> -> memref<128x384xi32, #tpu.memory_space<hbm>>
    tpu.wait_dma2 semaphore(%arg15 : memref<!tpu.dma_semaphore, #tpu.memory_space<semaphore_mem>>) src(%arg10 : memref<128x384xi32, #tpu.memory_space<vmem>>) dst(%dma_wait3A_406 : memref<128x384xi32, #tpu.memory_space<hbm>>)
    return
  }
}

#map = affine_map<(d0, d1) -> (0, 0)>
module attributes {stable_mosaic.version = 14 : i64} {
  func.func @_sc_gather_body(%arg0: i32, %arg1: i32, %arg2: memref<1000x384xi32, #tpu.memory_space<hbm>>, %arg3: memref<1024x16xi32, #tpu.memory_space<hbm>>, %arg4: memref<16384x384xi32, #tpu.memory_space<hbm>>, %arg5: memref<8x16xi32, #tpu.memory_space<vmem>>, %arg6: memref<8x16xi32, #tpu.memory_space<vmem>>, %arg7: memref<128xi32, #tpu.memory_space<vmem>>, %arg8: memref<128xi32, #tpu.memory_space<vmem>>, %arg9: memref<128x384xi32, #tpu.memory_space<vmem>>, %arg10: memref<128x384xi32, #tpu.memory_space<vmem>>, %arg11: memref<!tpu.dma_semaphore, #tpu.memory_space<semaphore_mem>>, %arg12: memref<!tpu.dma_semaphore, #tpu.memory_space<semaphore_mem>>, %arg13: memref<!tpu.dma_semaphore, #tpu.memory_space<semaphore_mem>>, %arg14: memref<!tpu.dma_semaphore, #tpu.memory_space<semaphore_mem>>, %arg15: memref<!tpu.dma_semaphore, #tpu.memory_space<semaphore_mem>>) attributes {dimension_semantics = [#tpu.dimension_semantics<core_parallel>, #tpu.dimension_semantics<subcore_parallel>], iteration_bounds = array<i64: 2, 16>, scalar_prefetch = 0 : i64, scratch_operands = 11 : i64, tpu.core_type = #tpu.core_type<sc_vector_subcore>, window_params = [{transform_indices = #map}, {transform_indices = #map}, {transform_indices = #map}]} {
    %mul3A = arith.constant 2 : i32
    %mul3A_0 = arith.muli %arg1, %mul3A : i32
    %add3A = arith.addi %mul3A_0, %arg0 : i32
    %mul3A_1 = arith.constant 512 : i32
    %mul3A_2 = arith.muli %add3A, %mul3A_1 : i32
    %mul3A_3 = arith.constant 32 : i32
    %mul3A_4 = arith.muli %add3A, %mul3A_3 : i32
    %dma_start3A = arith.constant 0 : i32
    %dma_start3A_5 = tpu.memref_slice %arg3[%mul3A_4, %dma_start3A] : memref<1024x16xi32, #tpu.memory_space<hbm>> -> memref<8x16xi32, #tpu.memory_space<hbm>>
    %dma_start3A_6 = arith.constant 0 : i32
    %dma_start3A_7 = tpu.memref_slice %arg3[%mul3A_4, %dma_start3A_6] : memref<1024x16xi32, #tpu.memory_space<hbm>> -> memref<8x16xi32, #tpu.memory_space<hbm>>
    tpu.enqueue_dma source(%dma_start3A_7 : memref<8x16xi32, #tpu.memory_space<hbm>>) target(%arg5 : memref<8x16xi32, #tpu.memory_space<vmem>>) target_semaphore(%arg11 : memref<!tpu.dma_semaphore, #tpu.memory_space<semaphore_mem>>)
    %add3A_8 = arith.constant 0 : i32
    %add3A_9 = arith.addi %mul3A_4, %add3A_8 : i32
    %dma_wait3A = arith.constant 0 : i32
    %dma_wait3A_10 = tpu.memref_slice %arg3[%add3A_9, %dma_wait3A] : memref<1024x16xi32, #tpu.memory_space<hbm>> -> memref<8x16xi32, #tpu.memory_space<hbm>>
    %dma_wait3A_11 = arith.constant 0 : i32
    %dma_wait3A_12 = tpu.memref_slice %arg3[%add3A_9, %dma_wait3A_11] : memref<1024x16xi32, #tpu.memory_space<hbm>> -> memref<8x16xi32, #tpu.memory_space<hbm>>
    tpu.wait_dma2 semaphore(%arg11 : memref<!tpu.dma_semaphore, #tpu.memory_space<semaphore_mem>>) src(%dma_wait3A_12 : memref<8x16xi32, #tpu.memory_space<hbm>>) dst(%arg5 : memref<8x16xi32, #tpu.memory_space<vmem>>)
    %add3A_13 = arith.constant 8 : i32
    %add3A_14 = arith.addi %mul3A_4, %add3A_13 : i32
    %dma_start3A_15 = arith.constant 0 : i32
    %dma_start3A_16 = tpu.memref_slice %arg3[%add3A_14, %dma_start3A_15] : memref<1024x16xi32, #tpu.memory_space<hbm>> -> memref<8x16xi32, #tpu.memory_space<hbm>>
    %dma_start3A_17 = arith.constant 0 : i32
    %dma_start3A_18 = tpu.memref_slice %arg3[%add3A_14, %dma_start3A_17] : memref<1024x16xi32, #tpu.memory_space<hbm>> -> memref<8x16xi32, #tpu.memory_space<hbm>>
    tpu.enqueue_dma source(%dma_start3A_18 : memref<8x16xi32, #tpu.memory_space<hbm>>) target(%arg6 : memref<8x16xi32, #tpu.memory_space<vmem>>) target_semaphore(%arg12 : memref<!tpu.dma_semaphore, #tpu.memory_space<semaphore_mem>>)
    %get3A = arith.constant 0 : i32
    %get3A_19 = arith.index_cast %get3A : i32 to index
    %get3A_20 = arith.constant 0 : index
    %get3A_21 = tpu.vector_load %arg5[%get3A_19, %get3A_20] {strides = array<i32>} : memref<8x16xi32, #tpu.memory_space<vmem>>, vector<1x16xi32>,
    %get3A_22 = vector.shape_cast %get3A_21 : vector<1x16xi32> to vector<16xi32>
    %swap3A = arith.constant 0 : index
    %swap3A_23 = tpu.vector_load %arg7[%swap3A] {strides = array<i32>} : memref<128xi32, #tpu.memory_space<vmem>>, vector<16xi32>,
    %swap3A_24 = vector.shape_cast %swap3A_23 : vector<16xi32> to vector<16xi32>
    %swap3A_25 = vector.shape_cast %get3A_22 : vector<16xi32> to vector<16xi32>
    tpu.vector_store %arg7[%swap3A], %swap3A_25 {strides = array<i32>} : memref<128xi32, #tpu.memory_space<vmem>>, vector<16xi32>,
    %get3A_26 = arith.constant 1 : i32
    %get3A_27 = arith.index_cast %get3A_26 : i32 to index
    %get3A_28 = arith.constant 0 : index
    %get3A_29 = tpu.vector_load %arg5[%get3A_27, %get3A_28] {strides = array<i32>} : memref<8x16xi32, #tpu.memory_space<vmem>>, vector<1x16xi32>,
    %get3A_30 = vector.shape_cast %get3A_29 : vector<1x16xi32> to vector<16xi32>
    %swap3A_31 = arith.constant 16 : index
    %swap3A_32 = tpu.vector_load %arg7[%swap3A_31] {strides = array<i32>} : memref<128xi32, #tpu.memory_space<vmem>>, vector<16xi32>,
    %swap3A_33 = vector.shape_cast %swap3A_32 : vector<16xi32> to vector<16xi32>
    %swap3A_34 = vector.shape_cast %get3A_30 : vector<16xi32> to vector<16xi32>
    tpu.vector_store %arg7[%swap3A_31], %swap3A_34 {strides = array<i32>} : memref<128xi32, #tpu.memory_space<vmem>>, vector<16xi32>,
    %get3A_35 = arith.constant 2 : i32
    %get3A_36 = arith.index_cast %get3A_35 : i32 to index
    %get3A_37 = arith.constant 0 : index
    %get3A_38 = tpu.vector_load %arg5[%get3A_36, %get3A_37] {strides = array<i32>} : memref<8x16xi32, #tpu.memory_space<vmem>>, vector<1x16xi32>,
    %get3A_39 = vector.shape_cast %get3A_38 : vector<1x16xi32> to vector<16xi32>
    %swap3A_40 = arith.constant 32 : index
    %swap3A_41 = tpu.vector_load %arg7[%swap3A_40] {strides = array<i32>} : memref<128xi32, #tpu.memory_space<vmem>>, vector<16xi32>,
    %swap3A_42 = vector.shape_cast %swap3A_41 : vector<16xi32> to vector<16xi32>
    %swap3A_43 = vector.shape_cast %get3A_39 : vector<16xi32> to vector<16xi32>
    tpu.vector_store %arg7[%swap3A_40], %swap3A_43 {strides = array<i32>} : memref<128xi32, #tpu.memory_space<vmem>>, vector<16xi32>,
    %get3A_44 = arith.constant 3 : i32
    %get3A_45 = arith.index_cast %get3A_44 : i32 to index
    %get3A_46 = arith.constant 0 : index
    %get3A_47 = tpu.vector_load %arg5[%get3A_45, %get3A_46] {strides = array<i32>} : memref<8x16xi32, #tpu.memory_space<vmem>>, vector<1x16xi32>,
    %get3A_48 = vector.shape_cast %get3A_47 : vector<1x16xi32> to vector<16xi32>
    %swap3A_49 = arith.constant 48 : index
    %swap3A_50 = tpu.vector_load %arg7[%swap3A_49] {strides = array<i32>} : memref<128xi32, #tpu.memory_space<vmem>>, vector<16xi32>,
    %swap3A_51 = vector.shape_cast %swap3A_50 : vector<16xi32> to vector<16xi32>
    %swap3A_52 = vector.shape_cast %get3A_48 : vector<16xi32> to vector<16xi32>
    tpu.vector_store %arg7[%swap3A_49], %swap3A_52 {strides = array<i32>} : memref<128xi32, #tpu.memory_space<vmem>>, vector<16xi32>,
    %get3A_53 = arith.constant 4 : i32
    %get3A_54 = arith.index_cast %get3A_53 : i32 to index
    %get3A_55 = arith.constant 0 : index
    %get3A_56 = tpu.vector_load %arg5[%get3A_54, %get3A_55] {strides = array<i32>} : memref<8x16xi32, #tpu.memory_space<vmem>>, vector<1x16xi32>,
    %get3A_57 = vector.shape_cast %get3A_56 : vector<1x16xi32> to vector<16xi32>
    %swap3A_58 = arith.constant 64 : index
    %swap3A_59 = tpu.vector_load %arg7[%swap3A_58] {strides = array<i32>} : memref<128xi32, #tpu.memory_space<vmem>>, vector<16xi32>,
    %swap3A_60 = vector.shape_cast %swap3A_59 : vector<16xi32> to vector<16xi32>
    %swap3A_61 = vector.shape_cast %get3A_57 : vector<16xi32> to vector<16xi32>
    tpu.vector_store %arg7[%swap3A_58], %swap3A_61 {strides = array<i32>} : memref<128xi32, #tpu.memory_space<vmem>>, vector<16xi32>,
    %get3A_62 = arith.constant 5 : i32
    %get3A_63 = arith.index_cast %get3A_62 : i32 to index
    %get3A_64 = arith.constant 0 : index
    %get3A_65 = tpu.vector_load %arg5[%get3A_63, %get3A_64] {strides = array<i32>} : memref<8x16xi32, #tpu.memory_space<vmem>>, vector<1x16xi32>,
    %get3A_66 = vector.shape_cast %get3A_65 : vector<1x16xi32> to vector<16xi32>
    %swap3A_67 = arith.constant 80 : index
    %swap3A_68 = tpu.vector_load %arg7[%swap3A_67] {strides = array<i32>} : memref<128xi32, #tpu.memory_space<vmem>>, vector<16xi32>,
    %swap3A_69 = vector.shape_cast %swap3A_68 : vector<16xi32> to vector<16xi32>
    %swap3A_70 = vector.shape_cast %get3A_66 : vector<16xi32> to vector<16xi32>
    tpu.vector_store %arg7[%swap3A_67], %swap3A_70 {strides = array<i32>} : memref<128xi32, #tpu.memory_space<vmem>>, vector<16xi32>,
    %get3A_71 = arith.constant 6 : i32
    %get3A_72 = arith.index_cast %get3A_71 : i32 to index
    %get3A_73 = arith.constant 0 : index
    %get3A_74 = tpu.vector_load %arg5[%get3A_72, %get3A_73] {strides = array<i32>} : memref<8x16xi32, #tpu.memory_space<vmem>>, vector<1x16xi32>,
    %get3A_75 = vector.shape_cast %get3A_74 : vector<1x16xi32> to vector<16xi32>
    %swap3A_76 = arith.constant 96 : index
    %swap3A_77 = tpu.vector_load %arg7[%swap3A_76] {strides = array<i32>} : memref<128xi32, #tpu.memory_space<vmem>>, vector<16xi32>,
    %swap3A_78 = vector.shape_cast %swap3A_77 : vector<16xi32> to vector<16xi32>
    %swap3A_79 = vector.shape_cast %get3A_75 : vector<16xi32> to vector<16xi32>
    tpu.vector_store %arg7[%swap3A_76], %swap3A_79 {strides = array<i32>} : memref<128xi32, #tpu.memory_space<vmem>>, vector<16xi32>,
    %get3A_80 = arith.constant 7 : i32
    %get3A_81 = arith.index_cast %get3A_80 : i32 to index
    %get3A_82 = arith.constant 0 : index
    %get3A_83 = tpu.vector_load %arg5[%get3A_81, %get3A_82] {strides = array<i32>} : memref<8x16xi32, #tpu.memory_space<vmem>>, vector<1x16xi32>,
    %get3A_84 = vector.shape_cast %get3A_83 : vector<1x16xi32> to vector<16xi32>
    %swap3A_85 = arith.constant 112 : index
    %swap3A_86 = tpu.vector_load %arg7[%swap3A_85] {strides = array<i32>} : memref<128xi32, #tpu.memory_space<vmem>>, vector<16xi32>,
    %swap3A_87 = vector.shape_cast %swap3A_86 : vector<16xi32> to vector<16xi32>
    %swap3A_88 = vector.shape_cast %get3A_84 : vector<16xi32> to vector<16xi32>
    tpu.vector_store %arg7[%swap3A_85], %swap3A_88 {strides = array<i32>} : memref<128xi32, #tpu.memory_space<vmem>>, vector<16xi32>,
    %dma_start3A_89 = arith.constant 0 : i32
    %dma_start3A_90 = arith.constant 0 : i32
    %dma_start3A_91 = tpu.memref_slice %arg2[%dma_start3A_89, %dma_start3A_90] : memref<1000x384xi32, #tpu.memory_space<hbm>> -> memref<1000x384xi32, #tpu.memory_space<hbm>>
    tpu.enqueue_indirect_dma source(%dma_start3A_91 : memref<1000x384xi32, #tpu.memory_space<hbm>>) target(%arg9 : memref<128x384xi32, #tpu.memory_space<vmem>>) offsets(%arg7 : memref<128xi32, #tpu.memory_space<vmem>>) semaphore(%arg13 : memref<!tpu.dma_semaphore, #tpu.memory_space<semaphore_mem>>)
    %dma_wait3A_92 = arith.constant 0 : i32
    %dma_wait3A_93 = arith.constant 0 : i32
    %dma_wait3A_94 = tpu.memref_slice %arg2[%dma_wait3A_92, %dma_wait3A_93] : memref<1000x384xi32, #tpu.memory_space<hbm>> -> memref<1000x384xi32, #tpu.memory_space<hbm>>
    tpu.wait_indirect_dma semaphore(%arg13 : memref<!tpu.dma_semaphore, #tpu.memory_space<semaphore_mem>>) src(%dma_wait3A_94 : memref<1000x384xi32, #tpu.memory_space<hbm>>) dst(%arg9 : memref<128x384xi32, #tpu.memory_space<vmem>>)
    %add3A_95 = arith.constant 0 : i32
    %add3A_96 = arith.addi %mul3A_2, %add3A_95 : i32
    %dma_start3A_97 = arith.constant 0 : i32
    %dma_start3A_98 = tpu.memref_slice %arg4[%add3A_96, %dma_start3A_97] : memref<16384x384xi32, #tpu.memory_space<hbm>> -> memref<128x384xi32, #tpu.memory_space<hbm>>
    %dma_start3A_99 = arith.constant 0 : i32
    %dma_start3A_100 = tpu.memref_slice %arg4[%add3A_96, %dma_start3A_99] : memref<16384x384xi32, #tpu.memory_space<hbm>> -> memref<128x384xi32, #tpu.memory_space<hbm>>
    tpu.enqueue_dma source(%arg9 : memref<128x384xi32, #tpu.memory_space<vmem>>) target(%dma_start3A_100 : memref<128x384xi32, #tpu.memory_space<hbm>>) target_semaphore(%arg14 : memref<!tpu.dma_semaphore, #tpu.memory_space<semaphore_mem>>)
    %add3A_101 = arith.constant 8 : i32
    %add3A_102 = arith.addi %mul3A_4, %add3A_101 : i32
    %dma_wait3A_103 = arith.constant 0 : i32
    %dma_wait3A_104 = tpu.memref_slice %arg3[%add3A_102, %dma_wait3A_103] : memref<1024x16xi32, #tpu.memory_space<hbm>> -> memref<8x16xi32, #tpu.memory_space<hbm>>
    %dma_wait3A_105 = arith.constant 0 : i32
    %dma_wait3A_106 = tpu.memref_slice %arg3[%add3A_102, %dma_wait3A_105] : memref<1024x16xi32, #tpu.memory_space<hbm>> -> memref<8x16xi32, #tpu.memory_space<hbm>>
    tpu.wait_dma2 semaphore(%arg12 : memref<!tpu.dma_semaphore, #tpu.memory_space<semaphore_mem>>) src(%dma_wait3A_106 : memref<8x16xi32, #tpu.memory_space<hbm>>) dst(%arg6 : memref<8x16xi32, #tpu.memory_space<vmem>>)
    %add3A_107 = arith.constant 16 : i32
    %add3A_108 = arith.addi %mul3A_4, %add3A_107 : i32
    %dma_start3A_109 = arith.constant 0 : i32
    %dma_start3A_110 = tpu.memref_slice %arg3[%add3A_108, %dma_start3A_109] : memref<1024x16xi32, #tpu.memory_space<hbm>> -> memref<8x16xi32, #tpu.memory_space<hbm>>
    %dma_start3A_111 = arith.constant 0 : i32
    %dma_start3A_112 = tpu.memref_slice %arg3[%add3A_108, %dma_start3A_111] : memref<1024x16xi32, #tpu.memory_space<hbm>> -> memref<8x16xi32, #tpu.memory_space<hbm>>
    tpu.enqueue_dma source(%dma_start3A_112 : memref<8x16xi32, #tpu.memory_space<hbm>>) target(%arg5 : memref<8x16xi32, #tpu.memory_space<vmem>>) target_semaphore(%arg11 : memref<!tpu.dma_semaphore, #tpu.memory_space<semaphore_mem>>)
    %get3A_113 = arith.constant 0 : i32
    %get3A_114 = arith.index_cast %get3A_113 : i32 to index
    %get3A_115 = arith.constant 0 : index
    %get3A_116 = tpu.vector_load %arg6[%get3A_114, %get3A_115] {strides = array<i32>} : memref<8x16xi32, #tpu.memory_space<vmem>>, vector<1x16xi32>,
    %get3A_117 = vector.shape_cast %get3A_116 : vector<1x16xi32> to vector<16xi32>
    %swap3A_118 = arith.constant 0 : index
    %swap3A_119 = tpu.vector_load %arg8[%swap3A_118] {strides = array<i32>} : memref<128xi32, #tpu.memory_space<vmem>>, vector<16xi32>,
    %swap3A_120 = vector.shape_cast %swap3A_119 : vector<16xi32> to vector<16xi32>
    %swap3A_121 = vector.shape_cast %get3A_117 : vector<16xi32> to vector<16xi32>
    tpu.vector_store %arg8[%swap3A_118], %swap3A_121 {strides = array<i32>} : memref<128xi32, #tpu.memory_space<vmem>>, vector<16xi32>,
    %get3A_122 = arith.constant 1 : i32
    %get3A_123 = arith.index_cast %get3A_122 : i32 to index
    %get3A_124 = arith.constant 0 : index
    %get3A_125 = tpu.vector_load %arg6[%get3A_123, %get3A_124] {strides = array<i32>} : memref<8x16xi32, #tpu.memory_space<vmem>>, vector<1x16xi32>,
    %get3A_126 = vector.shape_cast %get3A_125 : vector<1x16xi32> to vector<16xi32>
    %swap3A_127 = arith.constant 16 : index
    %swap3A_128 = tpu.vector_load %arg8[%swap3A_127] {strides = array<i32>} : memref<128xi32, #tpu.memory_space<vmem>>, vector<16xi32>,
    %swap3A_129 = vector.shape_cast %swap3A_128 : vector<16xi32> to vector<16xi32>
    %swap3A_130 = vector.shape_cast %get3A_126 : vector<16xi32> to vector<16xi32>
    tpu.vector_store %arg8[%swap3A_127], %swap3A_130 {strides = array<i32>} : memref<128xi32, #tpu.memory_space<vmem>>, vector<16xi32>,
    %get3A_131 = arith.constant 2 : i32
    %get3A_132 = arith.index_cast %get3A_131 : i32 to index
    %get3A_133 = arith.constant 0 : index
    %get3A_134 = tpu.vector_load %arg6[%get3A_132, %get3A_133] {strides = array<i32>} : memref<8x16xi32, #tpu.memory_space<vmem>>, vector<1x16xi32>,
    %get3A_135 = vector.shape_cast %get3A_134 : vector<1x16xi32> to vector<16xi32>
    %swap3A_136 = arith.constant 32 : index
    %swap3A_137 = tpu.vector_load %arg8[%swap3A_136] {strides = array<i32>} : memref<128xi32, #tpu.memory_space<vmem>>, vector<16xi32>,
    %swap3A_138 = vector.shape_cast %swap3A_137 : vector<16xi32> to vector<16xi32>
    %swap3A_139 = vector.shape_cast %get3A_135 : vector<16xi32> to vector<16xi32>
    tpu.vector_store %arg8[%swap3A_136], %swap3A_139 {strides = array<i32>} : memref<128xi32, #tpu.memory_space<vmem>>, vector<16xi32>,
    %get3A_140 = arith.constant 3 : i32
    %get3A_141 = arith.index_cast %get3A_140 : i32 to index
    %get3A_142 = arith.constant 0 : index
    %get3A_143 = tpu.vector_load %arg6[%get3A_141, %get3A_142] {strides = array<i32>} : memref<8x16xi32, #tpu.memory_space<vmem>>, vector<1x16xi32>,
    %get3A_144 = vector.shape_cast %get3A_143 : vector<1x16xi32> to vector<16xi32>
    %swap3A_145 = arith.constant 48 : index
    %swap3A_146 = tpu.vector_load %arg8[%swap3A_145] {strides = array<i32>} : memref<128xi32, #tpu.memory_space<vmem>>, vector<16xi32>,
    %swap3A_147 = vector.shape_cast %swap3A_146 : vector<16xi32> to vector<16xi32>
    %swap3A_148 = vector.shape_cast %get3A_144 : vector<16xi32> to vector<16xi32>
    tpu.vector_store %arg8[%swap3A_145], %swap3A_148 {strides = array<i32>} : memref<128xi32, #tpu.memory_space<vmem>>, vector<16xi32>,
    %get3A_149 = arith.constant 4 : i32
    %get3A_150 = arith.index_cast %get3A_149 : i32 to index
    %get3A_151 = arith.constant 0 : index
    %get3A_152 = tpu.vector_load %arg6[%get3A_150, %get3A_151] {strides = array<i32>} : memref<8x16xi32, #tpu.memory_space<vmem>>, vector<1x16xi32>,
    %get3A_153 = vector.shape_cast %get3A_152 : vector<1x16xi32> to vector<16xi32>
    %swap3A_154 = arith.constant 64 : index
    %swap3A_155 = tpu.vector_load %arg8[%swap3A_154] {strides = array<i32>} : memref<128xi32, #tpu.memory_space<vmem>>, vector<16xi32>,
    %swap3A_156 = vector.shape_cast %swap3A_155 : vector<16xi32> to vector<16xi32>
    %swap3A_157 = vector.shape_cast %get3A_153 : vector<16xi32> to vector<16xi32>
    tpu.vector_store %arg8[%swap3A_154], %swap3A_157 {strides = array<i32>} : memref<128xi32, #tpu.memory_space<vmem>>, vector<16xi32>,
    %get3A_158 = arith.constant 5 : i32
    %get3A_159 = arith.index_cast %get3A_158 : i32 to index
    %get3A_160 = arith.constant 0 : index
    %get3A_161 = tpu.vector_load %arg6[%get3A_159, %get3A_160] {strides = array<i32>} : memref<8x16xi32, #tpu.memory_space<vmem>>, vector<1x16xi32>,
    %get3A_162 = vector.shape_cast %get3A_161 : vector<1x16xi32> to vector<16xi32>
    %swap3A_163 = arith.constant 80 : index
    %swap3A_164 = tpu.vector_load %arg8[%swap3A_163] {strides = array<i32>} : memref<128xi32, #tpu.memory_space<vmem>>, vector<16xi32>,
    %swap3A_165 = vector.shape_cast %swap3A_164 : vector<16xi32> to vector<16xi32>
    %swap3A_166 = vector.shape_cast %get3A_162 : vector<16xi32> to vector<16xi32>
    tpu.vector_store %arg8[%swap3A_163], %swap3A_166 {strides = array<i32>} : memref<128xi32, #tpu.memory_space<vmem>>, vector<16xi32>,
    %get3A_167 = arith.constant 6 : i32
    %get3A_168 = arith.index_cast %get3A_167 : i32 to index
    %get3A_169 = arith.constant 0 : index
    %get3A_170 = tpu.vector_load %arg6[%get3A_168, %get3A_169] {strides = array<i32>} : memref<8x16xi32, #tpu.memory_space<vmem>>, vector<1x16xi32>,
    %get3A_171 = vector.shape_cast %get3A_170 : vector<1x16xi32> to vector<16xi32>
    %swap3A_172 = arith.constant 96 : index
    %swap3A_173 = tpu.vector_load %arg8[%swap3A_172] {strides = array<i32>} : memref<128xi32, #tpu.memory_space<vmem>>, vector<16xi32>,
    %swap3A_174 = vector.shape_cast %swap3A_173 : vector<16xi32> to vector<16xi32>
    %swap3A_175 = vector.shape_cast %get3A_171 : vector<16xi32> to vector<16xi32>
    tpu.vector_store %arg8[%swap3A_172], %swap3A_175 {strides = array<i32>} : memref<128xi32, #tpu.memory_space<vmem>>, vector<16xi32>,
    %get3A_176 = arith.constant 7 : i32
    %get3A_177 = arith.index_cast %get3A_176 : i32 to index
    %get3A_178 = arith.constant 0 : index
    %get3A_179 = tpu.vector_load %arg6[%get3A_177, %get3A_178] {strides = array<i32>} : memref<8x16xi32, #tpu.memory_space<vmem>>, vector<1x16xi32>,
    %get3A_180 = vector.shape_cast %get3A_179 : vector<1x16xi32> to vector<16xi32>
    %swap3A_181 = arith.constant 112 : index
    %swap3A_182 = tpu.vector_load %arg8[%swap3A_181] {strides = array<i32>} : memref<128xi32, #tpu.memory_space<vmem>>, vector<16xi32>,
    %swap3A_183 = vector.shape_cast %swap3A_182 : vector<16xi32> to vector<16xi32>
    %swap3A_184 = vector.shape_cast %get3A_180 : vector<16xi32> to vector<16xi32>
    tpu.vector_store %arg8[%swap3A_181], %swap3A_184 {strides = array<i32>} : memref<128xi32, #tpu.memory_space<vmem>>, vector<16xi32>,
    %dma_start3A_185 = arith.constant 0 : i32
    %dma_start3A_186 = arith.constant 0 : i32
    %dma_start3A_187 = tpu.memref_slice %arg2[%dma_start3A_185, %dma_start3A_186] : memref<1000x384xi32, #tpu.memory_space<hbm>> -> memref<1000x384xi32, #tpu.memory_space<hbm>>
    tpu.enqueue_indirect_dma source(%dma_start3A_187 : memref<1000x384xi32, #tpu.memory_space<hbm>>) target(%arg10 : memref<128x384xi32, #tpu.memory_space<vmem>>) offsets(%arg8 : memref<128xi32, #tpu.memory_space<vmem>>) semaphore(%arg13 : memref<!tpu.dma_semaphore, #tpu.memory_space<semaphore_mem>>)
    %dma_wait3A_188 = arith.constant 0 : i32
    %dma_wait3A_189 = arith.constant 0 : i32
    %dma_wait3A_190 = tpu.memref_slice %arg2[%dma_wait3A_188, %dma_wait3A_189] : memref<1000x384xi32, #tpu.memory_space<hbm>> -> memref<1000x384xi32, #tpu.memory_space<hbm>>
    tpu.wait_indirect_dma semaphore(%arg13 : memref<!tpu.dma_semaphore, #tpu.memory_space<semaphore_mem>>) src(%dma_wait3A_190 : memref<1000x384xi32, #tpu.memory_space<hbm>>) dst(%arg10 : memref<128x384xi32, #tpu.memory_space<vmem>>)
    %add3A_191 = arith.constant 128 : i32
    %add3A_192 = arith.addi %mul3A_2, %add3A_191 : i32
    %dma_start3A_193 = arith.constant 0 : i32
    %dma_start3A_194 = tpu.memref_slice %arg4[%add3A_192, %dma_start3A_193] : memref<16384x384xi32, #tpu.memory_space<hbm>> -> memref<128x384xi32, #tpu.memory_space<hbm>>
    %dma_start3A_195 = arith.constant 0 : i32
    %dma_start3A_196 = tpu.memref_slice %arg4[%add3A_192, %dma_start3A_195] : memref<16384x384xi32, #tpu.memory_space<hbm>> -> memref<128x384xi32, #tpu.memory_space<hbm>>
    tpu.enqueue_dma source(%arg10 : memref<128x384xi32, #tpu.memory_space<vmem>>) target(%dma_start3A_196 : memref<128x384xi32, #tpu.memory_space<hbm>>) target_semaphore(%arg15 : memref<!tpu.dma_semaphore, #tpu.memory_space<semaphore_mem>>)
    %add3A_197 = arith.constant 16 : i32
    %add3A_198 = arith.addi %mul3A_4, %add3A_197 : i32
    %dma_wait3A_199 = arith.constant 0 : i32
    %dma_wait3A_200 = tpu.memref_slice %arg3[%add3A_198, %dma_wait3A_199] : memref<1024x16xi32, #tpu.memory_space<hbm>> -> memref<8x16xi32, #tpu.memory_space<hbm>>
    %dma_wait3A_201 = arith.constant 0 : i32
    %dma_wait3A_202 = tpu.memref_slice %arg3[%add3A_198, %dma_wait3A_201] : memref<1024x16xi32, #tpu.memory_space<hbm>> -> memref<8x16xi32, #tpu.memory_space<hbm>>
    tpu.wait_dma2 semaphore(%arg11 : memref<!tpu.dma_semaphore, #tpu.memory_space<semaphore_mem>>) src(%dma_wait3A_202 : memref<8x16xi32, #tpu.memory_space<hbm>>) dst(%arg5 : memref<8x16xi32, #tpu.memory_space<vmem>>)
    %add3A_203 = arith.constant 24 : i32
    %add3A_204 = arith.addi %mul3A_4, %add3A_203 : i32
    %dma_start3A_205 = arith.constant 0 : i32
    %dma_start3A_206 = tpu.memref_slice %arg3[%add3A_204, %dma_start3A_205] : memref<1024x16xi32, #tpu.memory_space<hbm>> -> memref<8x16xi32, #tpu.memory_space<hbm>>
    %dma_start3A_207 = arith.constant 0 : i32
    %dma_start3A_208 = tpu.memref_slice %arg3[%add3A_204, %dma_start3A_207] : memref<1024x16xi32, #tpu.memory_space<hbm>> -> memref<8x16xi32, #tpu.memory_space<hbm>>
    tpu.enqueue_dma source(%dma_start3A_208 : memref<8x16xi32, #tpu.memory_space<hbm>>) target(%arg6 : memref<8x16xi32, #tpu.memory_space<vmem>>) target_semaphore(%arg12 : memref<!tpu.dma_semaphore, #tpu.memory_space<semaphore_mem>>)
    %get3A_209 = arith.constant 0 : i32
    %get3A_210 = arith.index_cast %get3A_209 : i32 to index
    %get3A_211 = arith.constant 0 : index
    %get3A_212 = tpu.vector_load %arg5[%get3A_210, %get3A_211] {strides = array<i32>} : memref<8x16xi32, #tpu.memory_space<vmem>>, vector<1x16xi32>,
    %get3A_213 = vector.shape_cast %get3A_212 : vector<1x16xi32> to vector<16xi32>
    %swap3A_214 = arith.constant 0 : index
    %swap3A_215 = tpu.vector_load %arg7[%swap3A_214] {strides = array<i32>} : memref<128xi32, #tpu.memory_space<vmem>>, vector<16xi32>,
    %swap3A_216 = vector.shape_cast %swap3A_215 : vector<16xi32> to vector<16xi32>
    %swap3A_217 = vector.shape_cast %get3A_213 : vector<16xi32> to vector<16xi32>
    tpu.vector_store %arg7[%swap3A_214], %swap3A_217 {strides = array<i32>} : memref<128xi32, #tpu.memory_space<vmem>>, vector<16xi32>,
    %get3A_218 = arith.constant 1 : i32
    %get3A_219 = arith.index_cast %get3A_218 : i32 to index
    %get3A_220 = arith.constant 0 : index
    %get3A_221 = tpu.vector_load %arg5[%get3A_219, %get3A_220] {strides = array<i32>} : memref<8x16xi32, #tpu.memory_space<vmem>>, vector<1x16xi32>,
    %get3A_222 = vector.shape_cast %get3A_221 : vector<1x16xi32> to vector<16xi32>
    %swap3A_223 = arith.constant 16 : index
    %swap3A_224 = tpu.vector_load %arg7[%swap3A_223] {strides = array<i32>} : memref<128xi32, #tpu.memory_space<vmem>>, vector<16xi32>,
    %swap3A_225 = vector.shape_cast %swap3A_224 : vector<16xi32> to vector<16xi32>
    %swap3A_226 = vector.shape_cast %get3A_222 : vector<16xi32> to vector<16xi32>
    tpu.vector_store %arg7[%swap3A_223], %swap3A_226 {strides = array<i32>} : memref<128xi32, #tpu.memory_space<vmem>>, vector<16xi32>,
    %get3A_227 = arith.constant 2 : i32
    %get3A_228 = arith.index_cast %get3A_227 : i32 to index
    %get3A_229 = arith.constant 0 : index
    %get3A_230 = tpu.vector_load %arg5[%get3A_228, %get3A_229] {strides = array<i32>} : memref<8x16xi32, #tpu.memory_space<vmem>>, vector<1x16xi32>,
    %get3A_231 = vector.shape_cast %get3A_230 : vector<1x16xi32> to vector<16xi32>
    %swap3A_232 = arith.constant 32 : index
    %swap3A_233 = tpu.vector_load %arg7[%swap3A_232] {strides = array<i32>} : memref<128xi32, #tpu.memory_space<vmem>>, vector<16xi32>,
    %swap3A_234 = vector.shape_cast %swap3A_233 : vector<16xi32> to vector<16xi32>
    %swap3A_235 = vector.shape_cast %get3A_231 : vector<16xi32> to vector<16xi32>
    tpu.vector_store %arg7[%swap3A_232], %swap3A_235 {strides = array<i32>} : memref<128xi32, #tpu.memory_space<vmem>>, vector<16xi32>,
    %get3A_236 = arith.constant 3 : i32
    %get3A_237 = arith.index_cast %get3A_236 : i32 to index
    %get3A_238 = arith.constant 0 : index
    %get3A_239 = tpu.vector_load %arg5[%get3A_237, %get3A_238] {strides = array<i32>} : memref<8x16xi32, #tpu.memory_space<vmem>>, vector<1x16xi32>,
    %get3A_240 = vector.shape_cast %get3A_239 : vector<1x16xi32> to vector<16xi32>
    %swap3A_241 = arith.constant 48 : index
    %swap3A_242 = tpu.vector_load %arg7[%swap3A_241] {strides = array<i32>} : memref<128xi32, #tpu.memory_space<vmem>>, vector<16xi32>,
    %swap3A_243 = vector.shape_cast %swap3A_242 : vector<16xi32> to vector<16xi32>
    %swap3A_244 = vector.shape_cast %get3A_240 : vector<16xi32> to vector<16xi32>
    tpu.vector_store %arg7[%swap3A_241], %swap3A_244 {strides = array<i32>} : memref<128xi32, #tpu.memory_space<vmem>>, vector<16xi32>,
    %get3A_245 = arith.constant 4 : i32
    %get3A_246 = arith.index_cast %get3A_245 : i32 to index
    %get3A_247 = arith.constant 0 : index
    %get3A_248 = tpu.vector_load %arg5[%get3A_246, %get3A_247] {strides = array<i32>} : memref<8x16xi32, #tpu.memory_space<vmem>>, vector<1x16xi32>,
    %get3A_249 = vector.shape_cast %get3A_248 : vector<1x16xi32> to vector<16xi32>
    %swap3A_250 = arith.constant 64 : index
    %swap3A_251 = tpu.vector_load %arg7[%swap3A_250] {strides = array<i32>} : memref<128xi32, #tpu.memory_space<vmem>>, vector<16xi32>,
    %swap3A_252 = vector.shape_cast %swap3A_251 : vector<16xi32> to vector<16xi32>
    %swap3A_253 = vector.shape_cast %get3A_249 : vector<16xi32> to vector<16xi32>
    tpu.vector_store %arg7[%swap3A_250], %swap3A_253 {strides = array<i32>} : memref<128xi32, #tpu.memory_space<vmem>>, vector<16xi32>,
    %get3A_254 = arith.constant 5 : i32
    %get3A_255 = arith.index_cast %get3A_254 : i32 to index
    %get3A_256 = arith.constant 0 : index
    %get3A_257 = tpu.vector_load %arg5[%get3A_255, %get3A_256] {strides = array<i32>} : memref<8x16xi32, #tpu.memory_space<vmem>>, vector<1x16xi32>,
    %get3A_258 = vector.shape_cast %get3A_257 : vector<1x16xi32> to vector<16xi32>
    %swap3A_259 = arith.constant 80 : index
    %swap3A_260 = tpu.vector_load %arg7[%swap3A_259] {strides = array<i32>} : memref<128xi32, #tpu.memory_space<vmem>>, vector<16xi32>,
    %swap3A_261 = vector.shape_cast %swap3A_260 : vector<16xi32> to vector<16xi32>
    %swap3A_262 = vector.shape_cast %get3A_258 : vector<16xi32> to vector<16xi32>
    tpu.vector_store %arg7[%swap3A_259], %swap3A_262 {strides = array<i32>} : memref<128xi32, #tpu.memory_space<vmem>>, vector<16xi32>,
    %get3A_263 = arith.constant 6 : i32
    %get3A_264 = arith.index_cast %get3A_263 : i32 to index
    %get3A_265 = arith.constant 0 : index
    %get3A_266 = tpu.vector_load %arg5[%get3A_264, %get3A_265] {strides = array<i32>} : memref<8x16xi32, #tpu.memory_space<vmem>>, vector<1x16xi32>,
    %get3A_267 = vector.shape_cast %get3A_266 : vector<1x16xi32> to vector<16xi32>
    %swap3A_268 = arith.constant 96 : index
    %swap3A_269 = tpu.vector_load %arg7[%swap3A_268] {strides = array<i32>} : memref<128xi32, #tpu.memory_space<vmem>>, vector<16xi32>,
    %swap3A_270 = vector.shape_cast %swap3A_269 : vector<16xi32> to vector<16xi32>
    %swap3A_271 = vector.shape_cast %get3A_267 : vector<16xi32> to vector<16xi32>
    tpu.vector_store %arg7[%swap3A_268], %swap3A_271 {strides = array<i32>} : memref<128xi32, #tpu.memory_space<vmem>>, vector<16xi32>,
    %get3A_272 = arith.constant 7 : i32
    %get3A_273 = arith.index_cast %get3A_272 : i32 to index
    %get3A_274 = arith.constant 0 : index
    %get3A_275 = tpu.vector_load %arg5[%get3A_273, %get3A_274] {strides = array<i32>} : memref<8x16xi32, #tpu.memory_space<vmem>>, vector<1x16xi32>,
    %get3A_276 = vector.shape_cast %get3A_275 : vector<1x16xi32> to vector<16xi32>
    %swap3A_277 = arith.constant 112 : index
    %swap3A_278 = tpu.vector_load %arg7[%swap3A_277] {strides = array<i32>} : memref<128xi32, #tpu.memory_space<vmem>>, vector<16xi32>,
    %swap3A_279 = vector.shape_cast %swap3A_278 : vector<16xi32> to vector<16xi32>
    %swap3A_280 = vector.shape_cast %get3A_276 : vector<16xi32> to vector<16xi32>
    tpu.vector_store %arg7[%swap3A_277], %swap3A_280 {strides = array<i32>} : memref<128xi32, #tpu.memory_space<vmem>>, vector<16xi32>,
    %add3A_281 = arith.constant 0 : i32
    %add3A_282 = arith.addi %mul3A_2, %add3A_281 : i32
    %dma_wait3A_283 = arith.constant 0 : i32
    %dma_wait3A_284 = tpu.memref_slice %arg4[%add3A_282, %dma_wait3A_283] : memref<16384x384xi32, #tpu.memory_space<hbm>> -> memref<128x384xi32, #tpu.memory_space<hbm>>
    %dma_wait3A_285 = arith.constant 0 : i32
    %dma_wait3A_286 = tpu.memref_slice %arg4[%add3A_282, %dma_wait3A_285] : memref<16384x384xi32, #tpu.memory_space<hbm>> -> memref<128x384xi32, #tpu.memory_space<hbm>>
    tpu.wait_dma2 semaphore(%arg14 : memref<!tpu.dma_semaphore, #tpu.memory_space<semaphore_mem>>) src(%arg9 : memref<128x384xi32, #tpu.memory_space<vmem>>) dst(%dma_wait3A_286 : memref<128x384xi32, #tpu.memory_space<hbm>>)
    %dma_start3A_287 = arith.constant 0 : i32
    %dma_start3A_288 = arith.constant 0 : i32
    %dma_start3A_289 = tpu.memref_slice %arg2[%dma_start3A_287, %dma_start3A_288] : memref<1000x384xi32, #tpu.memory_space<hbm>> -> memref<1000x384xi32, #tpu.memory_space<hbm>>
    tpu.enqueue_indirect_dma source(%dma_start3A_289 : memref<1000x384xi32, #tpu.memory_space<hbm>>) target(%arg9 : memref<128x384xi32, #tpu.memory_space<vmem>>) offsets(%arg7 : memref<128xi32, #tpu.memory_space<vmem>>) semaphore(%arg13 : memref<!tpu.dma_semaphore, #tpu.memory_space<semaphore_mem>>)
    %dma_wait3A_290 = arith.constant 0 : i32
    %dma_wait3A_291 = arith.constant 0 : i32
    %dma_wait3A_292 = tpu.memref_slice %arg2[%dma_wait3A_290, %dma_wait3A_291] : memref<1000x384xi32, #tpu.memory_space<hbm>> -> memref<1000x384xi32, #tpu.memory_space<hbm>>
    tpu.wait_indirect_dma semaphore(%arg13 : memref<!tpu.dma_semaphore, #tpu.memory_space<semaphore_mem>>) src(%dma_wait3A_292 : memref<1000x384xi32, #tpu.memory_space<hbm>>) dst(%arg9 : memref<128x384xi32, #tpu.memory_space<vmem>>)
    %add3A_293 = arith.constant 256 : i32
    %add3A_294 = arith.addi %mul3A_2, %add3A_293 : i32
    %dma_start3A_295 = arith.constant 0 : i32
    %dma_start3A_296 = tpu.memref_slice %arg4[%add3A_294, %dma_start3A_295] : memref<16384x384xi32, #tpu.memory_space<hbm>> -> memref<128x384xi32, #tpu.memory_space<hbm>>
    %dma_start3A_297 = arith.constant 0 : i32
    %dma_start3A_298 = tpu.memref_slice %arg4[%add3A_294, %dma_start3A_297] : memref<16384x384xi32, #tpu.memory_space<hbm>> -> memref<128x384xi32, #tpu.memory_space<hbm>>
    tpu.enqueue_dma source(%arg9 : memref<128x384xi32, #tpu.memory_space<vmem>>) target(%dma_start3A_298 : memref<128x384xi32, #tpu.memory_space<hbm>>) target_semaphore(%arg14 : memref<!tpu.dma_semaphore, #tpu.memory_space<semaphore_mem>>)
    %add3A_299 = arith.constant 24 : i32
    %add3A_300 = arith.addi %mul3A_4, %add3A_299 : i32
    %dma_wait3A_301 = arith.constant 0 : i32
    %dma_wait3A_302 = tpu.memref_slice %arg3[%add3A_300, %dma_wait3A_301] : memref<1024x16xi32, #tpu.memory_space<hbm>> -> memref<8x16xi32, #tpu.memory_space<hbm>>
    %dma_wait3A_303 = arith.constant 0 : i32
    %dma_wait3A_304 = tpu.memref_slice %arg3[%add3A_300, %dma_wait3A_303] : memref<1024x16xi32, #tpu.memory_space<hbm>> -> memref<8x16xi32, #tpu.memory_space<hbm>>
    tpu.wait_dma2 semaphore(%arg12 : memref<!tpu.dma_semaphore, #tpu.memory_space<semaphore_mem>>) src(%dma_wait3A_304 : memref<8x16xi32, #tpu.memory_space<hbm>>) dst(%arg6 : memref<8x16xi32, #tpu.memory_space<vmem>>)
    %get3A_305 = arith.constant 0 : i32
    %get3A_306 = arith.index_cast %get3A_305 : i32 to index
    %get3A_307 = arith.constant 0 : index
    %get3A_308 = tpu.vector_load %arg6[%get3A_306, %get3A_307] {strides = array<i32>} : memref<8x16xi32, #tpu.memory_space<vmem>>, vector<1x16xi32>,
    %get3A_309 = vector.shape_cast %get3A_308 : vector<1x16xi32> to vector<16xi32>
    %swap3A_310 = arith.constant 0 : index
    %swap3A_311 = tpu.vector_load %arg8[%swap3A_310] {strides = array<i32>} : memref<128xi32, #tpu.memory_space<vmem>>, vector<16xi32>,
    %swap3A_312 = vector.shape_cast %swap3A_311 : vector<16xi32> to vector<16xi32>
    %swap3A_313 = vector.shape_cast %get3A_309 : vector<16xi32> to vector<16xi32>
    tpu.vector_store %arg8[%swap3A_310], %swap3A_313 {strides = array<i32>} : memref<128xi32, #tpu.memory_space<vmem>>, vector<16xi32>,
    %get3A_314 = arith.constant 1 : i32
    %get3A_315 = arith.index_cast %get3A_314 : i32 to index
    %get3A_316 = arith.constant 0 : index
    %get3A_317 = tpu.vector_load %arg6[%get3A_315, %get3A_316] {strides = array<i32>} : memref<8x16xi32, #tpu.memory_space<vmem>>, vector<1x16xi32>,
    %get3A_318 = vector.shape_cast %get3A_317 : vector<1x16xi32> to vector<16xi32>
    %swap3A_319 = arith.constant 16 : index
    %swap3A_320 = tpu.vector_load %arg8[%swap3A_319] {strides = array<i32>} : memref<128xi32, #tpu.memory_space<vmem>>, vector<16xi32>,
    %swap3A_321 = vector.shape_cast %swap3A_320 : vector<16xi32> to vector<16xi32>
    %swap3A_322 = vector.shape_cast %get3A_318 : vector<16xi32> to vector<16xi32>
    tpu.vector_store %arg8[%swap3A_319], %swap3A_322 {strides = array<i32>} : memref<128xi32, #tpu.memory_space<vmem>>, vector<16xi32>,
    %get3A_323 = arith.constant 2 : i32
    %get3A_324 = arith.index_cast %get3A_323 : i32 to index
    %get3A_325 = arith.constant 0 : index
    %get3A_326 = tpu.vector_load %arg6[%get3A_324, %get3A_325] {strides = array<i32>} : memref<8x16xi32, #tpu.memory_space<vmem>>, vector<1x16xi32>,
    %get3A_327 = vector.shape_cast %get3A_326 : vector<1x16xi32> to vector<16xi32>
    %swap3A_328 = arith.constant 32 : index
    %swap3A_329 = tpu.vector_load %arg8[%swap3A_328] {strides = array<i32>} : memref<128xi32, #tpu.memory_space<vmem>>, vector<16xi32>,
    %swap3A_330 = vector.shape_cast %swap3A_329 : vector<16xi32> to vector<16xi32>
    %swap3A_331 = vector.shape_cast %get3A_327 : vector<16xi32> to vector<16xi32>
    tpu.vector_store %arg8[%swap3A_328], %swap3A_331 {strides = array<i32>} : memref<128xi32, #tpu.memory_space<vmem>>, vector<16xi32>,
    %get3A_332 = arith.constant 3 : i32
    %get3A_333 = arith.index_cast %get3A_332 : i32 to index
    %get3A_334 = arith.constant 0 : index
    %get3A_335 = tpu.vector_load %arg6[%get3A_333, %get3A_334] {strides = array<i32>} : memref<8x16xi32, #tpu.memory_space<vmem>>, vector<1x16xi32>,
    %get3A_336 = vector.shape_cast %get3A_335 : vector<1x16xi32> to vector<16xi32>
    %swap3A_337 = arith.constant 48 : index
    %swap3A_338 = tpu.vector_load %arg8[%swap3A_337] {strides = array<i32>} : memref<128xi32, #tpu.memory_space<vmem>>, vector<16xi32>,
    %swap3A_339 = vector.shape_cast %swap3A_338 : vector<16xi32> to vector<16xi32>
    %swap3A_340 = vector.shape_cast %get3A_336 : vector<16xi32> to vector<16xi32>
    tpu.vector_store %arg8[%swap3A_337], %swap3A_340 {strides = array<i32>} : memref<128xi32, #tpu.memory_space<vmem>>, vector<16xi32>,
    %get3A_341 = arith.constant 4 : i32
    %get3A_342 = arith.index_cast %get3A_341 : i32 to index
    %get3A_343 = arith.constant 0 : index
    %get3A_344 = tpu.vector_load %arg6[%get3A_342, %get3A_343] {strides = array<i32>} : memref<8x16xi32, #tpu.memory_space<vmem>>, vector<1x16xi32>,
    %get3A_345 = vector.shape_cast %get3A_344 : vector<1x16xi32> to vector<16xi32>
    %swap3A_346 = arith.constant 64 : index
    %swap3A_347 = tpu.vector_load %arg8[%swap3A_346] {strides = array<i32>} : memref<128xi32, #tpu.memory_space<vmem>>, vector<16xi32>,
    %swap3A_348 = vector.shape_cast %swap3A_347 : vector<16xi32> to vector<16xi32>
    %swap3A_349 = vector.shape_cast %get3A_345 : vector<16xi32> to vector<16xi32>
    tpu.vector_store %arg8[%swap3A_346], %swap3A_349 {strides = array<i32>} : memref<128xi32, #tpu.memory_space<vmem>>, vector<16xi32>,
    %get3A_350 = arith.constant 5 : i32
    %get3A_351 = arith.index_cast %get3A_350 : i32 to index
    %get3A_352 = arith.constant 0 : index
    %get3A_353 = tpu.vector_load %arg6[%get3A_351, %get3A_352] {strides = array<i32>} : memref<8x16xi32, #tpu.memory_space<vmem>>, vector<1x16xi32>,
    %get3A_354 = vector.shape_cast %get3A_353 : vector<1x16xi32> to vector<16xi32>
    %swap3A_355 = arith.constant 80 : index
    %swap3A_356 = tpu.vector_load %arg8[%swap3A_355] {strides = array<i32>} : memref<128xi32, #tpu.memory_space<vmem>>, vector<16xi32>,
    %swap3A_357 = vector.shape_cast %swap3A_356 : vector<16xi32> to vector<16xi32>
    %swap3A_358 = vector.shape_cast %get3A_354 : vector<16xi32> to vector<16xi32>
    tpu.vector_store %arg8[%swap3A_355], %swap3A_358 {strides = array<i32>} : memref<128xi32, #tpu.memory_space<vmem>>, vector<16xi32>,
    %get3A_359 = arith.constant 6 : i32
    %get3A_360 = arith.index_cast %get3A_359 : i32 to index
    %get3A_361 = arith.constant 0 : index
    %get3A_362 = tpu.vector_load %arg6[%get3A_360, %get3A_361] {strides = array<i32>} : memref<8x16xi32, #tpu.memory_space<vmem>>, vector<1x16xi32>,
    %get3A_363 = vector.shape_cast %get3A_362 : vector<1x16xi32> to vector<16xi32>
    %swap3A_364 = arith.constant 96 : index
    %swap3A_365 = tpu.vector_load %arg8[%swap3A_364] {strides = array<i32>} : memref<128xi32, #tpu.memory_space<vmem>>, vector<16xi32>,
    %swap3A_366 = vector.shape_cast %swap3A_365 : vector<16xi32> to vector<16xi32>
    %swap3A_367 = vector.shape_cast %get3A_363 : vector<16xi32> to vector<16xi32>
    tpu.vector_store %arg8[%swap3A_364], %swap3A_367 {strides = array<i32>} : memref<128xi32, #tpu.memory_space<vmem>>, vector<16xi32>,
    %get3A_368 = arith.constant 7 : i32
    %get3A_369 = arith.index_cast %get3A_368 : i32 to index
    %get3A_370 = arith.constant 0 : index
    %get3A_371 = tpu.vector_load %arg6[%get3A_369, %get3A_370] {strides = array<i32>} : memref<8x16xi32, #tpu.memory_space<vmem>>, vector<1x16xi32>,
    %get3A_372 = vector.shape_cast %get3A_371 : vector<1x16xi32> to vector<16xi32>
    %swap3A_373 = arith.constant 112 : index
    %swap3A_374 = tpu.vector_load %arg8[%swap3A_373] {strides = array<i32>} : memref<128xi32, #tpu.memory_space<vmem>>, vector<16xi32>,
    %swap3A_375 = vector.shape_cast %swap3A_374 : vector<16xi32> to vector<16xi32>
    %swap3A_376 = vector.shape_cast %get3A_372 : vector<16xi32> to vector<16xi32>
    tpu.vector_store %arg8[%swap3A_373], %swap3A_376 {strides = array<i32>} : memref<128xi32, #tpu.memory_space<vmem>>, vector<16xi32>,
    %add3A_377 = arith.constant 128 : i32
    %add3A_378 = arith.addi %mul3A_2, %add3A_377 : i32
    %dma_wait3A_379 = arith.constant 0 : i32
    %dma_wait3A_380 = tpu.memref_slice %arg4[%add3A_378, %dma_wait3A_379] : memref<16384x384xi32, #tpu.memory_space<hbm>> -> memref<128x384xi32, #tpu.memory_space<hbm>>
    %dma_wait3A_381 = arith.constant 0 : i32
    %dma_wait3A_382 = tpu.memref_slice %arg4[%add3A_378, %dma_wait3A_381] : memref<16384x384xi32, #tpu.memory_space<hbm>> -> memref<128x384xi32, #tpu.memory_space<hbm>>
    tpu.wait_dma2 semaphore(%arg15 : memref<!tpu.dma_semaphore, #tpu.memory_space<semaphore_mem>>) src(%arg10 : memref<128x384xi32, #tpu.memory_space<vmem>>) dst(%dma_wait3A_382 : memref<128x384xi32, #tpu.memory_space<hbm>>)
    %dma_start3A_383 = arith.constant 0 : i32
    %dma_start3A_384 = arith.constant 0 : i32
    %dma_start3A_385 = tpu.memref_slice %arg2[%dma_start3A_383, %dma_start3A_384] : memref<1000x384xi32, #tpu.memory_space<hbm>> -> memref<1000x384xi32, #tpu.memory_space<hbm>>
    tpu.enqueue_indirect_dma source(%dma_start3A_385 : memref<1000x384xi32, #tpu.memory_space<hbm>>) target(%arg10 : memref<128x384xi32, #tpu.memory_space<vmem>>) offsets(%arg8 : memref<128xi32, #tpu.memory_space<vmem>>) semaphore(%arg13 : memref<!tpu.dma_semaphore, #tpu.memory_space<semaphore_mem>>)
    %dma_wait3A_386 = arith.constant 0 : i32
    %dma_wait3A_387 = arith.constant 0 : i32
    %dma_wait3A_388 = tpu.memref_slice %arg2[%dma_wait3A_386, %dma_wait3A_387] : memref<1000x384xi32, #tpu.memory_space<hbm>> -> memref<1000x384xi32, #tpu.memory_space<hbm>>
    tpu.wait_indirect_dma semaphore(%arg13 : memref<!tpu.dma_semaphore, #tpu.memory_space<semaphore_mem>>) src(%dma_wait3A_388 : memref<1000x384xi32, #tpu.memory_space<hbm>>) dst(%arg10 : memref<128x384xi32, #tpu.memory_space<vmem>>)
    %add3A_389 = arith.constant 384 : i32
    %add3A_390 = arith.addi %mul3A_2, %add3A_389 : i32
    %dma_start3A_391 = arith.constant 0 : i32
    %dma_start3A_392 = tpu.memref_slice %arg4[%add3A_390, %dma_start3A_391] : memref<16384x384xi32, #tpu.memory_space<hbm>> -> memref<128x384xi32, #tpu.memory_space<hbm>>
    %dma_start3A_393 = arith.constant 0 : i32
    %dma_start3A_394 = tpu.memref_slice %arg4[%add3A_390, %dma_start3A_393] : memref<16384x384xi32, #tpu.memory_space<hbm>> -> memref<128x384xi32, #tpu.memory_space<hbm>>
    tpu.enqueue_dma source(%arg10 : memref<128x384xi32, #tpu.memory_space<vmem>>) target(%dma_start3A_394 : memref<128x384xi32, #tpu.memory_space<hbm>>) target_semaphore(%arg15 : memref<!tpu.dma_semaphore, #tpu.memory_space<semaphore_mem>>)
    %add3A_395 = arith.constant 256 : i32
    %add3A_396 = arith.addi %mul3A_2, %add3A_395 : i32
    %dma_wait3A_397 = arith.constant 0 : i32
    %dma_wait3A_398 = tpu.memref_slice %arg4[%add3A_396, %dma_wait3A_397] : memref<16384x384xi32, #tpu.memory_space<hbm>> -> memref<128x384xi32, #tpu.memory_space<hbm>>
    %dma_wait3A_399 = arith.constant 0 : i32
    %dma_wait3A_400 = tpu.memref_slice %arg4[%add3A_396, %dma_wait3A_399] : memref<16384x384xi32, #tpu.memory_space<hbm>> -> memref<128x384xi32, #tpu.memory_space<hbm>>
    tpu.wait_dma2 semaphore(%arg14 : memref<!tpu.dma_semaphore, #tpu.memory_space<semaphore_mem>>) src(%arg9 : memref<128x384xi32, #tpu.memory_space<vmem>>) dst(%dma_wait3A_400 : memref<128x384xi32, #tpu.memory_space<hbm>>)
    %add3A_401 = arith.constant 384 : i32
    %add3A_402 = arith.addi %mul3A_2, %add3A_401 : i32
    %dma_wait3A_403 = arith.constant 0 : i32
    %dma_wait3A_404 = tpu.memref_slice %arg4[%add3A_402, %dma_wait3A_403] : memref<16384x384xi32, #tpu.memory_space<hbm>> -> memref<128x384xi32, #tpu.memory_space<hbm>>
    %dma_wait3A_405 = arith.constant 0 : i32
    %dma_wait3A_406 = tpu.memref_slice %arg4[%add3A_402, %dma_wait3A_405] : memref<16384x384xi32, #tpu.memory_space<hbm>> -> memref<128x384xi32, #tpu.memory_space<hbm>>
    tpu.wait_dma2 semaphore(%arg15 : memref<!tpu.dma_semaphore, #tpu.memory_space<semaphore_mem>>) src(%arg10 : memref<128x384xi32, #tpu.memory_space<vmem>>) dst(%dma_wait3A_406 : memref<128x384xi32, #tpu.memory_space<hbm>>)
    return
  }
}

#map = affine_map<(d0, d1) -> (0, 0)>
module attributes {stable_mosaic.version = 14 : i64} {
  func.func @_sc_gather_body(%arg0: i32, %arg1: i32, %arg2: memref<1000x384xi32, #tpu.memory_space<hbm>>, %arg3: memref<1024x16xi32, #tpu.memory_space<hbm>>, %arg4: memref<16384x384xi32, #tpu.memory_space<hbm>>, %arg5: memref<8x16xi32, #tpu.memory_space<vmem>>, %arg6: memref<8x16xi32, #tpu.memory_space<vmem>>, %arg7: memref<128xi32, #tpu.memory_space<vmem>>, %arg8: memref<128xi32, #tpu.memory_space<vmem>>, %arg9: memref<128x384xi32, #tpu.memory_space<vmem>>, %arg10: memref<128x384xi32, #tpu.memory_space<vmem>>, %arg11: memref<!tpu.dma_semaphore, #tpu.memory_space<semaphore_mem>>, %arg12: memref<!tpu.dma_semaphore, #tpu.memory_space<semaphore_mem>>, %arg13: memref<!tpu.dma_semaphore, #tpu.memory_space<semaphore_mem>>, %arg14: memref<!tpu.dma_semaphore, #tpu.memory_space<semaphore_mem>>, %arg15: memref<!tpu.dma_semaphore, #tpu.memory_space<semaphore_mem>>) attributes {dimension_semantics = [#tpu.dimension_semantics<core_parallel>, #tpu.dimension_semantics<subcore_parallel>], iteration_bounds = array<i64: 2, 16>, scalar_prefetch = 0 : i64, scratch_operands = 11 : i64, tpu.core_type = #tpu.core_type<sc_vector_subcore>, window_params = [{transform_indices = #map}, {transform_indices = #map}, {transform_indices = #map}]} {
    %mul3A = arith.constant 2 : i32
    %mul3A_0 = arith.muli %arg1, %mul3A : i32
    %add3A = arith.addi %mul3A_0, %arg0 : i32
    %mul3A_1 = arith.constant 512 : i32
    %mul3A_2 = arith.muli %add3A, %mul3A_1 : i32
    %mul3A_3 = arith.constant 32 : i32
    %mul3A_4 = arith.muli %add3A, %mul3A_3 : i32
    %dma_start3A = arith.constant 0 : i32
    %dma_start3A_5 = tpu.memref_slice %arg3[%mul3A_4, %dma_start3A] : memref<1024x16xi32, #tpu.memory_space<hbm>> -> memref<8x16xi32, #tpu.memory_space<hbm>>
    %dma_start3A_6 = arith.constant 0 : i32
    %dma_start3A_7 = tpu.memref_slice %arg3[%mul3A_4, %dma_start3A_6] : memref<1024x16xi32, #tpu.memory_space<hbm>> -> memref<8x16xi32, #tpu.memory_space<hbm>>
    tpu.enqueue_dma source(%dma_start3A_7 : memref<8x16xi32, #tpu.memory_space<hbm>>) target(%arg5 : memref<8x16xi32, #tpu.memory_space<vmem>>) target_semaphore(%arg11 : memref<!tpu.dma_semaphore, #tpu.memory_space<semaphore_mem>>)
    %add3A_8 = arith.constant 0 : i32
    %add3A_9 = arith.addi %mul3A_4, %add3A_8 : i32
    %dma_wait3A = arith.constant 0 : i32
    %dma_wait3A_10 = tpu.memref_slice %arg3[%add3A_9, %dma_wait3A] : memref<1024x16xi32, #tpu.memory_space<hbm>> -> memref<8x16xi32, #tpu.memory_space<hbm>>
    %dma_wait3A_11 = arith.constant 0 : i32
    %dma_wait3A_12 = tpu.memref_slice %arg3[%add3A_9, %dma_wait3A_11] : memref<1024x16xi32, #tpu.memory_space<hbm>> -> memref<8x16xi32, #tpu.memory_space<hbm>>
    tpu.wait_dma2 semaphore(%arg11 : memref<!tpu.dma_semaphore, #tpu.memory_space<semaphore_mem>>) src(%dma_wait3A_12 : memref<8x16xi32, #tpu.memory_space<hbm>>) dst(%arg5 : memref<8x16xi32, #tpu.memory_space<vmem>>)
    %add3A_13 = arith.constant 8 : i32
    %add3A_14 = arith.addi %mul3A_4, %add3A_13 : i32
    %dma_start3A_15 = arith.constant 0 : i32
    %dma_start3A_16 = tpu.memref_slice %arg3[%add3A_14, %dma_start3A_15] : memref<1024x16xi32, #tpu.memory_space<hbm>> -> memref<8x16xi32, #tpu.memory_space<hbm>>
    %dma_start3A_17 = arith.constant 0 : i32
    %dma_start3A_18 = tpu.memref_slice %arg3[%add3A_14, %dma_start3A_17] : memref<1024x16xi32, #tpu.memory_space<hbm>> -> memref<8x16xi32, #tpu.memory_space<hbm>>
    tpu.enqueue_dma source(%dma_start3A_18 : memref<8x16xi32, #tpu.memory_space<hbm>>) target(%arg6 : memref<8x16xi32, #tpu.memory_space<vmem>>) target_semaphore(%arg12 : memref<!tpu.dma_semaphore, #tpu.memory_space<semaphore_mem>>)
    %get3A = arith.constant 0 : i32
    %get3A_19 = arith.index_cast %get3A : i32 to index
    %get3A_20 = arith.constant 0 : index
    %get3A_21 = tpu.vector_load %arg5[%get3A_19, %get3A_20] {strides = array<i32>} : memref<8x16xi32, #tpu.memory_space<vmem>>, vector<1x16xi32>,
    %get3A_22 = vector.shape_cast %get3A_21 : vector<1x16xi32> to vector<16xi32>
    %swap3A = arith.constant 0 : index
    %swap3A_23 = tpu.vector_load %arg7[%swap3A] {strides = array<i32>} : memref<128xi32, #tpu.memory_space<vmem>>, vector<16xi32>,
    %swap3A_24 = vector.shape_cast %swap3A_23 : vector<16xi32> to vector<16xi32>
    %swap3A_25 = vector.shape_cast %get3A_22 : vector<16xi32> to vector<16xi32>
    tpu.vector_store %arg7[%swap3A], %swap3A_25 {strides = array<i32>} : memref<128xi32, #tpu.memory_space<vmem>>, vector<16xi32>,
    %get3A_26 = arith.constant 1 : i32
    %get3A_27 = arith.index_cast %get3A_26 : i32 to index
    %get3A_28 = arith.constant 0 : index
    %get3A_29 = tpu.vector_load %arg5[%get3A_27, %get3A_28] {strides = array<i32>} : memref<8x16xi32, #tpu.memory_space<vmem>>, vector<1x16xi32>,
    %get3A_30 = vector.shape_cast %get3A_29 : vector<1x16xi32> to vector<16xi32>
    %swap3A_31 = arith.constant 16 : index
    %swap3A_32 = tpu.vector_load %arg7[%swap3A_31] {strides = array<i32>} : memref<128xi32, #tpu.memory_space<vmem>>, vector<16xi32>,
    %swap3A_33 = vector.shape_cast %swap3A_32 : vector<16xi32> to vector<16xi32>
    %swap3A_34 = vector.shape_cast %get3A_30 : vector<16xi32> to vector<16xi32>
    tpu.vector_store %arg7[%swap3A_31], %swap3A_34 {strides = array<i32>} : memref<128xi32, #tpu.memory_space<vmem>>, vector<16xi32>,
    %get3A_35 = arith.constant 2 : i32
    %get3A_36 = arith.index_cast %get3A_35 : i32 to index
    %get3A_37 = arith.constant 0 : index
    %get3A_38 = tpu.vector_load %arg5[%get3A_36, %get3A_37] {strides = array<i32>} : memref<8x16xi32, #tpu.memory_space<vmem>>, vector<1x16xi32>,
    %get3A_39 = vector.shape_cast %get3A_38 : vector<1x16xi32> to vector<16xi32>
    %swap3A_40 = arith.constant 32 : index
    %swap3A_41 = tpu.vector_load %arg7[%swap3A_40] {strides = array<i32>} : memref<128xi32, #tpu.memory_space<vmem>>, vector<16xi32>,
    %swap3A_42 = vector.shape_cast %swap3A_41 : vector<16xi32> to vector<16xi32>
    %swap3A_43 = vector.shape_cast %get3A_39 : vector<16xi32> to vector<16xi32>
    tpu.vector_store %arg7[%swap3A_40], %swap3A_43 {strides = array<i32>} : memref<128xi32, #tpu.memory_space<vmem>>, vector<16xi32>,
    %get3A_44 = arith.constant 3 : i32
    %get3A_45 = arith.index_cast %get3A_44 : i32 to index
    %get3A_46 = arith.constant 0 : index
    %get3A_47 = tpu.vector_load %arg5[%get3A_45, %get3A_46] {strides = array<i32>} : memref<8x16xi32, #tpu.memory_space<vmem>>, vector<1x16xi32>,
    %get3A_48 = vector.shape_cast %get3A_47 : vector<1x16xi32> to vector<16xi32>
    %swap3A_49 = arith.constant 48 : index
    %swap3A_50 = tpu.vector_load %arg7[%swap3A_49] {strides = array<i32>} : memref<128xi32, #tpu.memory_space<vmem>>, vector<16xi32>,
    %swap3A_51 = vector.shape_cast %swap3A_50 : vector<16xi32> to vector<16xi32>
    %swap3A_52 = vector.shape_cast %get3A_48 : vector<16xi32> to vector<16xi32>
    tpu.vector_store %arg7[%swap3A_49], %swap3A_52 {strides = array<i32>} : memref<128xi32, #tpu.memory_space<vmem>>, vector<16xi32>,
    %get3A_53 = arith.constant 4 : i32
    %get3A_54 = arith.index_cast %get3A_53 : i32 to index
    %get3A_55 = arith.constant 0 : index
    %get3A_56 = tpu.vector_load %arg5[%get3A_54, %get3A_55] {strides = array<i32>} : memref<8x16xi32, #tpu.memory_space<vmem>>, vector<1x16xi32>,
    %get3A_57 = vector.shape_cast %get3A_56 : vector<1x16xi32> to vector<16xi32>
    %swap3A_58 = arith.constant 64 : index
    %swap3A_59 = tpu.vector_load %arg7[%swap3A_58] {strides = array<i32>} : memref<128xi32, #tpu.memory_space<vmem>>, vector<16xi32>,
    %swap3A_60 = vector.shape_cast %swap3A_59 : vector<16xi32> to vector<16xi32>
    %swap3A_61 = vector.shape_cast %get3A_57 : vector<16xi32> to vector<16xi32>
    tpu.vector_store %arg7[%swap3A_58], %swap3A_61 {strides = array<i32>} : memref<128xi32, #tpu.memory_space<vmem>>, vector<16xi32>,
    %get3A_62 = arith.constant 5 : i32
    %get3A_63 = arith.index_cast %get3A_62 : i32 to index
    %get3A_64 = arith.constant 0 : index
    %get3A_65 = tpu.vector_load %arg5[%get3A_63, %get3A_64] {strides = array<i32>} : memref<8x16xi32, #tpu.memory_space<vmem>>, vector<1x16xi32>,
    %get3A_66 = vector.shape_cast %get3A_65 : vector<1x16xi32> to vector<16xi32>
    %swap3A_67 = arith.constant 80 : index
    %swap3A_68 = tpu.vector_load %arg7[%swap3A_67] {strides = array<i32>} : memref<128xi32, #tpu.memory_space<vmem>>, vector<16xi32>,
    %swap3A_69 = vector.shape_cast %swap3A_68 : vector<16xi32> to vector<16xi32>
    %swap3A_70 = vector.shape_cast %get3A_66 : vector<16xi32> to vector<16xi32>
    tpu.vector_store %arg7[%swap3A_67], %swap3A_70 {strides = array<i32>} : memref<128xi32, #tpu.memory_space<vmem>>, vector<16xi32>,
    %get3A_71 = arith.constant 6 : i32
    %get3A_72 = arith.index_cast %get3A_71 : i32 to index
    %get3A_73 = arith.constant 0 : index
    %get3A_74 = tpu.vector_load %arg5[%get3A_72, %get3A_73] {strides = array<i32>} : memref<8x16xi32, #tpu.memory_space<vmem>>, vector<1x16xi32>,
    %get3A_75 = vector.shape_cast %get3A_74 : vector<1x16xi32> to vector<16xi32>
    %swap3A_76 = arith.constant 96 : index
    %swap3A_77 = tpu.vector_load %arg7[%swap3A_76] {strides = array<i32>} : memref<128xi32, #tpu.memory_space<vmem>>, vector<16xi32>,
    %swap3A_78 = vector.shape_cast %swap3A_77 : vector<16xi32> to vector<16xi32>
    %swap3A_79 = vector.shape_cast %get3A_75 : vector<16xi32> to vector<16xi32>
    tpu.vector_store %arg7[%swap3A_76], %swap3A_79 {strides = array<i32>} : memref<128xi32, #tpu.memory_space<vmem>>, vector<16xi32>,
    %get3A_80 = arith.constant 7 : i32
    %get3A_81 = arith.index_cast %get3A_80 : i32 to index
    %get3A_82 = arith.constant 0 : index
    %get3A_83 = tpu.vector_load %arg5[%get3A_81, %get3A_82] {strides = array<i32>} : memref<8x16xi32, #tpu.memory_space<vmem>>, vector<1x16xi32>,
    %get3A_84 = vector.shape_cast %get3A_83 : vector<1x16xi32> to vector<16xi32>
    %swap3A_85 = arith.constant 112 : index
    %swap3A_86 = tpu.vector_load %arg7[%swap3A_85] {strides = array<i32>} : memref<128xi32, #tpu.memory_space<vmem>>, vector<16xi32>,
    %swap3A_87 = vector.shape_cast %swap3A_86 : vector<16xi32> to vector<16xi32>
    %swap3A_88 = vector.shape_cast %get3A_84 : vector<16xi32> to vector<16xi32>
    tpu.vector_store %arg7[%swap3A_85], %swap3A_88 {strides = array<i32>} : memref<128xi32, #tpu.memory_space<vmem>>, vector<16xi32>,
    %dma_start3A_89 = arith.constant 0 : i32
    %dma_start3A_90 = arith.constant 0 : i32
    %dma_start3A_91 = tpu.memref_slice %arg2[%dma_start3A_89, %dma_start3A_90] : memref<1000x384xi32, #tpu.memory_space<hbm>> -> memref<1000x384xi32, #tpu.memory_space<hbm>>
    tpu.enqueue_indirect_dma source(%dma_start3A_91 : memref<1000x384xi32, #tpu.memory_space<hbm>>) target(%arg9 : memref<128x384xi32, #tpu.memory_space<vmem>>) offsets(%arg7 : memref<128xi32, #tpu.memory_space<vmem>>) semaphore(%arg13 : memref<!tpu.dma_semaphore, #tpu.memory_space<semaphore_mem>>)
    %dma_wait3A_92 = arith.constant 0 : i32
    %dma_wait3A_93 = arith.constant 0 : i32
    %dma_wait3A_94 = tpu.memref_slice %arg2[%dma_wait3A_92, %dma_wait3A_93] : memref<1000x384xi32, #tpu.memory_space<hbm>> -> memref<1000x384xi32, #tpu.memory_space<hbm>>
    tpu.wait_indirect_dma semaphore(%arg13 : memref<!tpu.dma_semaphore, #tpu.memory_space<semaphore_mem>>) src(%dma_wait3A_94 : memref<1000x384xi32, #tpu.memory_space<hbm>>) dst(%arg9 : memref<128x384xi32, #tpu.memory_space<vmem>>)
    %add3A_95 = arith.constant 0 : i32
    %add3A_96 = arith.addi %mul3A_2, %add3A_95 : i32
    %dma_start3A_97 = arith.constant 0 : i32
    %dma_start3A_98 = tpu.memref_slice %arg4[%add3A_96, %dma_start3A_97] : memref<16384x384xi32, #tpu.memory_space<hbm>> -> memref<128x384xi32, #tpu.memory_space<hbm>>
    %dma_start3A_99 = arith.constant 0 : i32
    %dma_start3A_100 = tpu.memref_slice %arg4[%add3A_96, %dma_start3A_99] : memref<16384x384xi32, #tpu.memory_space<hbm>> -> memref<128x384xi32, #tpu.memory_space<hbm>>
    tpu.enqueue_dma source(%arg9 : memref<128x384xi32, #tpu.memory_space<vmem>>) target(%dma_start3A_100 : memref<128x384xi32, #tpu.memory_space<hbm>>) target_semaphore(%arg14 : memref<!tpu.dma_semaphore, #tpu.memory_space<semaphore_mem>>)
    %add3A_101 = arith.constant 8 : i32
    %add3A_102 = arith.addi %mul3A_4, %add3A_101 : i32
    %dma_wait3A_103 = arith.constant 0 : i32
    %dma_wait3A_104 = tpu.memref_slice %arg3[%add3A_102, %dma_wait3A_103] : memref<1024x16xi32, #tpu.memory_space<hbm>> -> memref<8x16xi32, #tpu.memory_space<hbm>>
    %dma_wait3A_105 = arith.constant 0 : i32
    %dma_wait3A_106 = tpu.memref_slice %arg3[%add3A_102, %dma_wait3A_105] : memref<1024x16xi32, #tpu.memory_space<hbm>> -> memref<8x16xi32, #tpu.memory_space<hbm>>
    tpu.wait_dma2 semaphore(%arg12 : memref<!tpu.dma_semaphore, #tpu.memory_space<semaphore_mem>>) src(%dma_wait3A_106 : memref<8x16xi32, #tpu.memory_space<hbm>>) dst(%arg6 : memref<8x16xi32, #tpu.memory_space<vmem>>)
    %add3A_107 = arith.constant 16 : i32
    %add3A_108 = arith.addi %mul3A_4, %add3A_107 : i32
    %dma_start3A_109 = arith.constant 0 : i32
    %dma_start3A_110 = tpu.memref_slice %arg3[%add3A_108, %dma_start3A_109] : memref<1024x16xi32, #tpu.memory_space<hbm>> -> memref<8x16xi32, #tpu.memory_space<hbm>>
    %dma_start3A_111 = arith.constant 0 : i32
    %dma_start3A_112 = tpu.memref_slice %arg3[%add3A_108, %dma_start3A_111] : memref<1024x16xi32, #tpu.memory_space<hbm>> -> memref<8x16xi32, #tpu.memory_space<hbm>>
    tpu.enqueue_dma source(%dma_start3A_112 : memref<8x16xi32, #tpu.memory_space<hbm>>) target(%arg5 : memref<8x16xi32, #tpu.memory_space<vmem>>) target_semaphore(%arg11 : memref<!tpu.dma_semaphore, #tpu.memory_space<semaphore_mem>>)
    %get3A_113 = arith.constant 0 : i32
    %get3A_114 = arith.index_cast %get3A_113 : i32 to index
    %get3A_115 = arith.constant 0 : index
    %get3A_116 = tpu.vector_load %arg6[%get3A_114, %get3A_115] {strides = array<i32>} : memref<8x16xi32, #tpu.memory_space<vmem>>, vector<1x16xi32>,
    %get3A_117 = vector.shape_cast %get3A_116 : vector<1x16xi32> to vector<16xi32>
    %swap3A_118 = arith.constant 0 : index
    %swap3A_119 = tpu.vector_load %arg8[%swap3A_118] {strides = array<i32>} : memref<128xi32, #tpu.memory_space<vmem>>, vector<16xi32>,
    %swap3A_120 = vector.shape_cast %swap3A_119 : vector<16xi32> to vector<16xi32>
    %swap3A_121 = vector.shape_cast %get3A_117 : vector<16xi32> to vector<16xi32>
    tpu.vector_store %arg8[%swap3A_118], %swap3A_121 {strides = array<i32>} : memref<128xi32, #tpu.memory_space<vmem>>, vector<16xi32>,
    %get3A_122 = arith.constant 1 : i32
    %get3A_123 = arith.index_cast %get3A_122 : i32 to index
    %get3A_124 = arith.constant 0 : index
    %get3A_125 = tpu.vector_load %arg6[%get3A_123, %get3A_124] {strides = array<i32>} : memref<8x16xi32, #tpu.memory_space<vmem>>, vector<1x16xi32>,
    %get3A_126 = vector.shape_cast %get3A_125 : vector<1x16xi32> to vector<16xi32>
    %swap3A_127 = arith.constant 16 : index
    %swap3A_128 = tpu.vector_load %arg8[%swap3A_127] {strides = array<i32>} : memref<128xi32, #tpu.memory_space<vmem>>, vector<16xi32>,
    %swap3A_129 = vector.shape_cast %swap3A_128 : vector<16xi32> to vector<16xi32>
    %swap3A_130 = vector.shape_cast %get3A_126 : vector<16xi32> to vector<16xi32>
    tpu.vector_store %arg8[%swap3A_127], %swap3A_130 {strides = array<i32>} : memref<128xi32, #tpu.memory_space<vmem>>, vector<16xi32>,
    %get3A_131 = arith.constant 2 : i32
    %get3A_132 = arith.index_cast %get3A_131 : i32 to index
    %get3A_133 = arith.constant 0 : index
    %get3A_134 = tpu.vector_load %arg6[%get3A_132, %get3A_133] {strides = array<i32>} : memref<8x16xi32, #tpu.memory_space<vmem>>, vector<1x16xi32>,
    %get3A_135 = vector.shape_cast %get3A_134 : vector<1x16xi32> to vector<16xi32>
    %swap3A_136 = arith.constant 32 : index
    %swap3A_137 = tpu.vector_load %arg8[%swap3A_136] {strides = array<i32>} : memref<128xi32, #tpu.memory_space<vmem>>, vector<16xi32>,
    %swap3A_138 = vector.shape_cast %swap3A_137 : vector<16xi32> to vector<16xi32>
    %swap3A_139 = vector.shape_cast %get3A_135 : vector<16xi32> to vector<16xi32>
    tpu.vector_store %arg8[%swap3A_136], %swap3A_139 {strides = array<i32>} : memref<128xi32, #tpu.memory_space<vmem>>, vector<16xi32>,
    %get3A_140 = arith.constant 3 : i32
    %get3A_141 = arith.index_cast %get3A_140 : i32 to index
    %get3A_142 = arith.constant 0 : index
    %get3A_143 = tpu.vector_load %arg6[%get3A_141, %get3A_142] {strides = array<i32>} : memref<8x16xi32, #tpu.memory_space<vmem>>, vector<1x16xi32>,
    %get3A_144 = vector.shape_cast %get3A_143 : vector<1x16xi32> to vector<16xi32>
    %swap3A_145 = arith.constant 48 : index
    %swap3A_146 = tpu.vector_load %arg8[%swap3A_145] {strides = array<i32>} : memref<128xi32, #tpu.memory_space<vmem>>, vector<16xi32>,
    %swap3A_147 = vector.shape_cast %swap3A_146 : vector<16xi32> to vector<16xi32>
    %swap3A_148 = vector.shape_cast %get3A_144 : vector<16xi32> to vector<16xi32>
    tpu.vector_store %arg8[%swap3A_145], %swap3A_148 {strides = array<i32>} : memref<128xi32, #tpu.memory_space<vmem>>, vector<16xi32>,
    %get3A_149 = arith.constant 4 : i32
    %get3A_150 = arith.index_cast %get3A_149 : i32 to index
    %get3A_151 = arith.constant 0 : index
    %get3A_152 = tpu.vector_load %arg6[%get3A_150, %get3A_151] {strides = array<i32>} : memref<8x16xi32, #tpu.memory_space<vmem>>, vector<1x16xi32>,
    %get3A_153 = vector.shape_cast %get3A_152 : vector<1x16xi32> to vector<16xi32>
    %swap3A_154 = arith.constant 64 : index
    %swap3A_155 = tpu.vector_load %arg8[%swap3A_154] {strides = array<i32>} : memref<128xi32, #tpu.memory_space<vmem>>, vector<16xi32>,
    %swap3A_156 = vector.shape_cast %swap3A_155 : vector<16xi32> to vector<16xi32>
    %swap3A_157 = vector.shape_cast %get3A_153 : vector<16xi32> to vector<16xi32>
    tpu.vector_store %arg8[%swap3A_154], %swap3A_157 {strides = array<i32>} : memref<128xi32, #tpu.memory_space<vmem>>, vector<16xi32>,
    %get3A_158 = arith.constant 5 : i32
    %get3A_159 = arith.index_cast %get3A_158 : i32 to index
    %get3A_160 = arith.constant 0 : index
    %get3A_161 = tpu.vector_load %arg6[%get3A_159, %get3A_160] {strides = array<i32>} : memref<8x16xi32, #tpu.memory_space<vmem>>, vector<1x16xi32>,
    %get3A_162 = vector.shape_cast %get3A_161 : vector<1x16xi32> to vector<16xi32>
    %swap3A_163 = arith.constant 80 : index
    %swap3A_164 = tpu.vector_load %arg8[%swap3A_163] {strides = array<i32>} : memref<128xi32, #tpu.memory_space<vmem>>, vector<16xi32>,
    %swap3A_165 = vector.shape_cast %swap3A_164 : vector<16xi32> to vector<16xi32>
    %swap3A_166 = vector.shape_cast %get3A_162 : vector<16xi32> to vector<16xi32>
    tpu.vector_store %arg8[%swap3A_163], %swap3A_166 {strides = array<i32>} : memref<128xi32, #tpu.memory_space<vmem>>, vector<16xi32>,
    %get3A_167 = arith.constant 6 : i32
    %get3A_168 = arith.index_cast %get3A_167 : i32 to index
    %get3A_169 = arith.constant 0 : index
    %get3A_170 = tpu.vector_load %arg6[%get3A_168, %get3A_169] {strides = array<i32>} : memref<8x16xi32, #tpu.memory_space<vmem>>, vector<1x16xi32>,
    %get3A_171 = vector.shape_cast %get3A_170 : vector<1x16xi32> to vector<16xi32>
    %swap3A_172 = arith.constant 96 : index
    %swap3A_173 = tpu.vector_load %arg8[%swap3A_172] {strides = array<i32>} : memref<128xi32, #tpu.memory_space<vmem>>, vector<16xi32>,
    %swap3A_174 = vector.shape_cast %swap3A_173 : vector<16xi32> to vector<16xi32>
    %swap3A_175 = vector.shape_cast %get3A_171 : vector<16xi32> to vector<16xi32>
    tpu.vector_store %arg8[%swap3A_172], %swap3A_175 {strides = array<i32>} : memref<128xi32, #tpu.memory_space<vmem>>, vector<16xi32>,
    %get3A_176 = arith.constant 7 : i32
    %get3A_177 = arith.index_cast %get3A_176 : i32 to index
    %get3A_178 = arith.constant 0 : index
    %get3A_179 = tpu.vector_load %arg6[%get3A_177, %get3A_178] {strides = array<i32>} : memref<8x16xi32, #tpu.memory_space<vmem>>, vector<1x16xi32>,
    %get3A_180 = vector.shape_cast %get3A_179 : vector<1x16xi32> to vector<16xi32>
    %swap3A_181 = arith.constant 112 : index
    %swap3A_182 = tpu.vector_load %arg8[%swap3A_181] {strides = array<i32>} : memref<128xi32, #tpu.memory_space<vmem>>, vector<16xi32>,
    %swap3A_183 = vector.shape_cast %swap3A_182 : vector<16xi32> to vector<16xi32>
    %swap3A_184 = vector.shape_cast %get3A_180 : vector<16xi32> to vector<16xi32>
    tpu.vector_store %arg8[%swap3A_181], %swap3A_184 {strides = array<i32>} : memref<128xi32, #tpu.memory_space<vmem>>, vector<16xi32>,
    %dma_start3A_185 = arith.constant 0 : i32
    %dma_start3A_186 = arith.constant 0 : i32
    %dma_start3A_187 = tpu.memref_slice %arg2[%dma_start3A_185, %dma_start3A_186] : memref<1000x384xi32, #tpu.memory_space<hbm>> -> memref<1000x384xi32, #tpu.memory_space<hbm>>
    tpu.enqueue_indirect_dma source(%dma_start3A_187 : memref<1000x384xi32, #tpu.memory_space<hbm>>) target(%arg10 : memref<128x384xi32, #tpu.memory_space<vmem>>) offsets(%arg8 : memref<128xi32, #tpu.memory_space<vmem>>) semaphore(%arg13 : memref<!tpu.dma_semaphore, #tpu.memory_space<semaphore_mem>>)
    %dma_wait3A_188 = arith.constant 0 : i32
    %dma_wait3A_189 = arith.constant 0 : i32
    %dma_wait3A_190 = tpu.memref_slice %arg2[%dma_wait3A_188, %dma_wait3A_189] : memref<1000x384xi32, #tpu.memory_space<hbm>> -> memref<1000x384xi32, #tpu.memory_space<hbm>>
    tpu.wait_indirect_dma semaphore(%arg13 : memref<!tpu.dma_semaphore, #tpu.memory_space<semaphore_mem>>) src(%dma_wait3A_190 : memref<1000x384xi32, #tpu.memory_space<hbm>>) dst(%arg10 : memref<128x384xi32, #tpu.memory_space<vmem>>)
    %add3A_191 = arith.constant 128 : i32
    %add3A_192 = arith.addi %mul3A_2, %add3A_191 : i32
    %dma_start3A_193 = arith.constant 0 : i32
    %dma_start3A_194 = tpu.memref_slice %arg4[%add3A_192, %dma_start3A_193] : memref<16384x384xi32, #tpu.memory_space<hbm>> -> memref<128x384xi32, #tpu.memory_space<hbm>>
    %dma_start3A_195 = arith.constant 0 : i32
    %dma_start3A_196 = tpu.memref_slice %arg4[%add3A_192, %dma_start3A_195] : memref<16384x384xi32, #tpu.memory_space<hbm>> -> memref<128x384xi32, #tpu.memory_space<hbm>>
    tpu.enqueue_dma source(%arg10 : memref<128x384xi32, #tpu.memory_space<vmem>>) target(%dma_start3A_196 : memref<128x384xi32, #tpu.memory_space<hbm>>) target_semaphore(%arg15 : memref<!tpu.dma_semaphore, #tpu.memory_space<semaphore_mem>>)
    %add3A_197 = arith.constant 16 : i32
    %add3A_198 = arith.addi %mul3A_4, %add3A_197 : i32
    %dma_wait3A_199 = arith.constant 0 : i32
    %dma_wait3A_200 = tpu.memref_slice %arg3[%add3A_198, %dma_wait3A_199] : memref<1024x16xi32, #tpu.memory_space<hbm>> -> memref<8x16xi32, #tpu.memory_space<hbm>>
    %dma_wait3A_201 = arith.constant 0 : i32
    %dma_wait3A_202 = tpu.memref_slice %arg3[%add3A_198, %dma_wait3A_201] : memref<1024x16xi32, #tpu.memory_space<hbm>> -> memref<8x16xi32, #tpu.memory_space<hbm>>
    tpu.wait_dma2 semaphore(%arg11 : memref<!tpu.dma_semaphore, #tpu.memory_space<semaphore_mem>>) src(%dma_wait3A_202 : memref<8x16xi32, #tpu.memory_space<hbm>>) dst(%arg5 : memref<8x16xi32, #tpu.memory_space<vmem>>)
    %add3A_203 = arith.constant 24 : i32
    %add3A_204 = arith.addi %mul3A_4, %add3A_203 : i32
    %dma_start3A_205 = arith.constant 0 : i32
    %dma_start3A_206 = tpu.memref_slice %arg3[%add3A_204, %dma_start3A_205] : memref<1024x16xi32, #tpu.memory_space<hbm>> -> memref<8x16xi32, #tpu.memory_space<hbm>>
    %dma_start3A_207 = arith.constant 0 : i32
    %dma_start3A_208 = tpu.memref_slice %arg3[%add3A_204, %dma_start3A_207] : memref<1024x16xi32, #tpu.memory_space<hbm>> -> memref<8x16xi32, #tpu.memory_space<hbm>>
    tpu.enqueue_dma source(%dma_start3A_208 : memref<8x16xi32, #tpu.memory_space<hbm>>) target(%arg6 : memref<8x16xi32, #tpu.memory_space<vmem>>) target_semaphore(%arg12 : memref<!tpu.dma_semaphore, #tpu.memory_space<semaphore_mem>>)
    %get3A_209 = arith.constant 0 : i32
    %get3A_210 = arith.index_cast %get3A_209 : i32 to index
    %get3A_211 = arith.constant 0 : index
    %get3A_212 = tpu.vector_load %arg5[%get3A_210, %get3A_211] {strides = array<i32>} : memref<8x16xi32, #tpu.memory_space<vmem>>, vector<1x16xi32>,
    %get3A_213 = vector.shape_cast %get3A_212 : vector<1x16xi32> to vector<16xi32>
    %swap3A_214 = arith.constant 0 : index
    %swap3A_215 = tpu.vector_load %arg7[%swap3A_214] {strides = array<i32>} : memref<128xi32, #tpu.memory_space<vmem>>, vector<16xi32>,
    %swap3A_216 = vector.shape_cast %swap3A_215 : vector<16xi32> to vector<16xi32>
    %swap3A_217 = vector.shape_cast %get3A_213 : vector<16xi32> to vector<16xi32>
    tpu.vector_store %arg7[%swap3A_214], %swap3A_217 {strides = array<i32>} : memref<128xi32, #tpu.memory_space<vmem>>, vector<16xi32>,
    %get3A_218 = arith.constant 1 : i32
    %get3A_219 = arith.index_cast %get3A_218 : i32 to index
    %get3A_220 = arith.constant 0 : index
    %get3A_221 = tpu.vector_load %arg5[%get3A_219, %get3A_220] {strides = array<i32>} : memref<8x16xi32, #tpu.memory_space<vmem>>, vector<1x16xi32>,
    %get3A_222 = vector.shape_cast %get3A_221 : vector<1x16xi32> to vector<16xi32>
    %swap3A_223 = arith.constant 16 : index
    %swap3A_224 = tpu.vector_load %arg7[%swap3A_223] {strides = array<i32>} : memref<128xi32, #tpu.memory_space<vmem>>, vector<16xi32>,
    %swap3A_225 = vector.shape_cast %swap3A_224 : vector<16xi32> to vector<16xi32>
    %swap3A_226 = vector.shape_cast %get3A_222 : vector<16xi32> to vector<16xi32>
    tpu.vector_store %arg7[%swap3A_223], %swap3A_226 {strides = array<i32>} : memref<128xi32, #tpu.memory_space<vmem>>, vector<16xi32>,
    %get3A_227 = arith.constant 2 : i32
    %get3A_228 = arith.index_cast %get3A_227 : i32 to index
    %get3A_229 = arith.constant 0 : index
    %get3A_230 = tpu.vector_load %arg5[%get3A_228, %get3A_229] {strides = array<i32>} : memref<8x16xi32, #tpu.memory_space<vmem>>, vector<1x16xi32>,
    %get3A_231 = vector.shape_cast %get3A_230 : vector<1x16xi32> to vector<16xi32>
    %swap3A_232 = arith.constant 32 : index
    %swap3A_233 = tpu.vector_load %arg7[%swap3A_232] {strides = array<i32>} : memref<128xi32, #tpu.memory_space<vmem>>, vector<16xi32>,
    %swap3A_234 = vector.shape_cast %swap3A_233 : vector<16xi32> to vector<16xi32>
    %swap3A_235 = vector.shape_cast %get3A_231 : vector<16xi32> to vector<16xi32>
    tpu.vector_store %arg7[%swap3A_232], %swap3A_235 {strides = array<i32>} : memref<128xi32, #tpu.memory_space<vmem>>, vector<16xi32>,
    %get3A_236 = arith.constant 3 : i32
    %get3A_237 = arith.index_cast %get3A_236 : i32 to index
    %get3A_238 = arith.constant 0 : index
    %get3A_239 = tpu.vector_load %arg5[%get3A_237, %get3A_238] {strides = array<i32>} : memref<8x16xi32, #tpu.memory_space<vmem>>, vector<1x16xi32>,
    %get3A_240 = vector.shape_cast %get3A_239 : vector<1x16xi32> to vector<16xi32>
    %swap3A_241 = arith.constant 48 : index
    %swap3A_242 = tpu.vector_load %arg7[%swap3A_241] {strides = array<i32>} : memref<128xi32, #tpu.memory_space<vmem>>, vector<16xi32>,
    %swap3A_243 = vector.shape_cast %swap3A_242 : vector<16xi32> to vector<16xi32>
    %swap3A_244 = vector.shape_cast %get3A_240 : vector<16xi32> to vector<16xi32>
    tpu.vector_store %arg7[%swap3A_241], %swap3A_244 {strides = array<i32>} : memref<128xi32, #tpu.memory_space<vmem>>, vector<16xi32>,
    %get3A_245 = arith.constant 4 : i32
    %get3A_246 = arith.index_cast %get3A_245 : i32 to index
    %get3A_247 = arith.constant 0 : index
    %get3A_248 = tpu.vector_load %arg5[%get3A_246, %get3A_247] {strides = array<i32>} : memref<8x16xi32, #tpu.memory_space<vmem>>, vector<1x16xi32>,
    %get3A_249 = vector.shape_cast %get3A_248 : vector<1x16xi32> to vector<16xi32>
    %swap3A_250 = arith.constant 64 : index
    %swap3A_251 = tpu.vector_load %arg7[%swap3A_250] {strides = array<i32>} : memref<128xi32, #tpu.memory_space<vmem>>, vector<16xi32>,
    %swap3A_252 = vector.shape_cast %swap3A_251 : vector<16xi32> to vector<16xi32>
    %swap3A_253 = vector.shape_cast %get3A_249 : vector<16xi32> to vector<16xi32>
    tpu.vector_store %arg7[%swap3A_250], %swap3A_253 {strides = array<i32>} : memref<128xi32, #tpu.memory_space<vmem>>, vector<16xi32>,
    %get3A_254 = arith.constant 5 : i32
    %get3A_255 = arith.index_cast %get3A_254 : i32 to index
    %get3A_256 = arith.constant 0 : index
    %get3A_257 = tpu.vector_load %arg5[%get3A_255, %get3A_256] {strides = array<i32>} : memref<8x16xi32, #tpu.memory_space<vmem>>, vector<1x16xi32>,
    %get3A_258 = vector.shape_cast %get3A_257 : vector<1x16xi32> to vector<16xi32>
    %swap3A_259 = arith.constant 80 : index
    %swap3A_260 = tpu.vector_load %arg7[%swap3A_259] {strides = array<i32>} : memref<128xi32, #tpu.memory_space<vmem>>, vector<16xi32>,
    %swap3A_261 = vector.shape_cast %swap3A_260 : vector<16xi32> to vector<16xi32>
    %swap3A_262 = vector.shape_cast %get3A_258 : vector<16xi32> to vector<16xi32>
    tpu.vector_store %arg7[%swap3A_259], %swap3A_262 {strides = array<i32>} : memref<128xi32, #tpu.memory_space<vmem>>, vector<16xi32>,
    %get3A_263 = arith.constant 6 : i32
    %get3A_264 = arith.index_cast %get3A_263 : i32 to index
    %get3A_265 = arith.constant 0 : index
    %get3A_266 = tpu.vector_load %arg5[%get3A_264, %get3A_265] {strides = array<i32>} : memref<8x16xi32, #tpu.memory_space<vmem>>, vector<1x16xi32>,
    %get3A_267 = vector.shape_cast %get3A_266 : vector<1x16xi32> to vector<16xi32>
    %swap3A_268 = arith.constant 96 : index
    %swap3A_269 = tpu.vector_load %arg7[%swap3A_268] {strides = array<i32>} : memref<128xi32, #tpu.memory_space<vmem>>, vector<16xi32>,
    %swap3A_270 = vector.shape_cast %swap3A_269 : vector<16xi32> to vector<16xi32>
    %swap3A_271 = vector.shape_cast %get3A_267 : vector<16xi32> to vector<16xi32>
    tpu.vector_store %arg7[%swap3A_268], %swap3A_271 {strides = array<i32>} : memref<128xi32, #tpu.memory_space<vmem>>, vector<16xi32>,
    %get3A_272 = arith.constant 7 : i32
    %get3A_273 = arith.index_cast %get3A_272 : i32 to index
    %get3A_274 = arith.constant 0 : index
    %get3A_275 = tpu.vector_load %arg5[%get3A_273, %get3A_274] {strides = array<i32>} : memref<8x16xi32, #tpu.memory_space<vmem>>, vector<1x16xi32>,
    %get3A_276 = vector.shape_cast %get3A_275 : vector<1x16xi32> to vector<16xi32>
    %swap3A_277 = arith.constant 112 : index
    %swap3A_278 = tpu.vector_load %arg7[%swap3A_277] {strides = array<i32>} : memref<128xi32, #tpu.memory_space<vmem>>, vector<16xi32>,
    %swap3A_279 = vector.shape_cast %swap3A_278 : vector<16xi32> to vector<16xi32>
    %swap3A_280 = vector.shape_cast %get3A_276 : vector<16xi32> to vector<16xi32>
    tpu.vector_store %arg7[%swap3A_277], %swap3A_280 {strides = array<i32>} : memref<128xi32, #tpu.memory_space<vmem>>, vector<16xi32>,
    %add3A_281 = arith.constant 0 : i32
    %add3A_282 = arith.addi %mul3A_2, %add3A_281 : i32
    %dma_wait3A_283 = arith.constant 0 : i32
    %dma_wait3A_284 = tpu.memref_slice %arg4[%add3A_282, %dma_wait3A_283] : memref<16384x384xi32, #tpu.memory_space<hbm>> -> memref<128x384xi32, #tpu.memory_space<hbm>>
    %dma_wait3A_285 = arith.constant 0 : i32
    %dma_wait3A_286 = tpu.memref_slice %arg4[%add3A_282, %dma_wait3A_285] : memref<16384x384xi32, #tpu.memory_space<hbm>> -> memref<128x384xi32, #tpu.memory_space<hbm>>
    tpu.wait_dma2 semaphore(%arg14 : memref<!tpu.dma_semaphore, #tpu.memory_space<semaphore_mem>>) src(%arg9 : memref<128x384xi32, #tpu.memory_space<vmem>>) dst(%dma_wait3A_286 : memref<128x384xi32, #tpu.memory_space<hbm>>)
    %dma_start3A_287 = arith.constant 0 : i32
    %dma_start3A_288 = arith.constant 0 : i32
    %dma_start3A_289 = tpu.memref_slice %arg2[%dma_start3A_287, %dma_start3A_288] : memref<1000x384xi32, #tpu.memory_space<hbm>> -> memref<1000x384xi32, #tpu.memory_space<hbm>>
    tpu.enqueue_indirect_dma source(%dma_start3A_289 : memref<1000x384xi32, #tpu.memory_space<hbm>>) target(%arg9 : memref<128x384xi32, #tpu.memory_space<vmem>>) offsets(%arg7 : memref<128xi32, #tpu.memory_space<vmem>>) semaphore(%arg13 : memref<!tpu.dma_semaphore, #tpu.memory_space<semaphore_mem>>)
    %dma_wait3A_290 = arith.constant 0 : i32
    %dma_wait3A_291 = arith.constant 0 : i32
    %dma_wait3A_292 = tpu.memref_slice %arg2[%dma_wait3A_290, %dma_wait3A_291] : memref<1000x384xi32, #tpu.memory_space<hbm>> -> memref<1000x384xi32, #tpu.memory_space<hbm>>
    tpu.wait_indirect_dma semaphore(%arg13 : memref<!tpu.dma_semaphore, #tpu.memory_space<semaphore_mem>>) src(%dma_wait3A_292 : memref<1000x384xi32, #tpu.memory_space<hbm>>) dst(%arg9 : memref<128x384xi32, #tpu.memory_space<vmem>>)
    %add3A_293 = arith.constant 256 : i32
    %add3A_294 = arith.addi %mul3A_2, %add3A_293 : i32
    %dma_start3A_295 = arith.constant 0 : i32
    %dma_start3A_296 = tpu.memref_slice %arg4[%add3A_294, %dma_start3A_295] : memref<16384x384xi32, #tpu.memory_space<hbm>> -> memref<128x384xi32, #tpu.memory_space<hbm>>
    %dma_start3A_297 = arith.constant 0 : i32
    %dma_start3A_298 = tpu.memref_slice %arg4[%add3A_294, %dma_start3A_297] : memref<16384x384xi32, #tpu.memory_space<hbm>> -> memref<128x384xi32, #tpu.memory_space<hbm>>
    tpu.enqueue_dma source(%arg9 : memref<128x384xi32, #tpu.memory_space<vmem>>) target(%dma_start3A_298 : memref<128x384xi32, #tpu.memory_space<hbm>>) target_semaphore(%arg14 : memref<!tpu.dma_semaphore, #tpu.memory_space<semaphore_mem>>)
    %add3A_299 = arith.constant 24 : i32
    %add3A_300 = arith.addi %mul3A_4, %add3A_299 : i32
    %dma_wait3A_301 = arith.constant 0 : i32
    %dma_wait3A_302 = tpu.memref_slice %arg3[%add3A_300, %dma_wait3A_301] : memref<1024x16xi32, #tpu.memory_space<hbm>> -> memref<8x16xi32, #tpu.memory_space<hbm>>
    %dma_wait3A_303 = arith.constant 0 : i32
    %dma_wait3A_304 = tpu.memref_slice %arg3[%add3A_300, %dma_wait3A_303] : memref<1024x16xi32, #tpu.memory_space<hbm>> -> memref<8x16xi32, #tpu.memory_space<hbm>>
    tpu.wait_dma2 semaphore(%arg12 : memref<!tpu.dma_semaphore, #tpu.memory_space<semaphore_mem>>) src(%dma_wait3A_304 : memref<8x16xi32, #tpu.memory_space<hbm>>) dst(%arg6 : memref<8x16xi32, #tpu.memory_space<vmem>>)
    %get3A_305 = arith.constant 0 : i32
    %get3A_306 = arith.index_cast %get3A_305 : i32 to index
    %get3A_307 = arith.constant 0 : index
    %get3A_308 = tpu.vector_load %arg6[%get3A_306, %get3A_307] {strides = array<i32>} : memref<8x16xi32, #tpu.memory_space<vmem>>, vector<1x16xi32>,
    %get3A_309 = vector.shape_cast %get3A_308 : vector<1x16xi32> to vector<16xi32>
    %swap3A_310 = arith.constant 0 : index
    %swap3A_311 = tpu.vector_load %arg8[%swap3A_310] {strides = array<i32>} : memref<128xi32, #tpu.memory_space<vmem>>, vector<16xi32>,
    %swap3A_312 = vector.shape_cast %swap3A_311 : vector<16xi32> to vector<16xi32>
    %swap3A_313 = vector.shape_cast %get3A_309 : vector<16xi32> to vector<16xi32>
    tpu.vector_store %arg8[%swap3A_310], %swap3A_313 {strides = array<i32>} : memref<128xi32, #tpu.memory_space<vmem>>, vector<16xi32>,
    %get3A_314 = arith.constant 1 : i32
    %get3A_315 = arith.index_cast %get3A_314 : i32 to index
    %get3A_316 = arith.constant 0 : index
    %get3A_317 = tpu.vector_load %arg6[%get3A_315, %get3A_316] {strides = array<i32>} : memref<8x16xi32, #tpu.memory_space<vmem>>, vector<1x16xi32>,
    %get3A_318 = vector.shape_cast %get3A_317 : vector<1x16xi32> to vector<16xi32>
    %swap3A_319 = arith.constant 16 : index
    %swap3A_320 = tpu.vector_load %arg8[%swap3A_319] {strides = array<i32>} : memref<128xi32, #tpu.memory_space<vmem>>, vector<16xi32>,
    %swap3A_321 = vector.shape_cast %swap3A_320 : vector<16xi32> to vector<16xi32>
    %swap3A_322 = vector.shape_cast %get3A_318 : vector<16xi32> to vector<16xi32>
    tpu.vector_store %arg8[%swap3A_319], %swap3A_322 {strides = array<i32>} : memref<128xi32, #tpu.memory_space<vmem>>, vector<16xi32>,
    %get3A_323 = arith.constant 2 : i32
    %get3A_324 = arith.index_cast %get3A_323 : i32 to index
    %get3A_325 = arith.constant 0 : index
    %get3A_326 = tpu.vector_load %arg6[%get3A_324, %get3A_325] {strides = array<i32>} : memref<8x16xi32, #tpu.memory_space<vmem>>, vector<1x16xi32>,
    %get3A_327 = vector.shape_cast %get3A_326 : vector<1x16xi32> to vector<16xi32>
    %swap3A_328 = arith.constant 32 : index
    %swap3A_329 = tpu.vector_load %arg8[%swap3A_328] {strides = array<i32>} : memref<128xi32, #tpu.memory_space<vmem>>, vector<16xi32>,
    %swap3A_330 = vector.shape_cast %swap3A_329 : vector<16xi32> to vector<16xi32>
    %swap3A_331 = vector.shape_cast %get3A_327 : vector<16xi32> to vector<16xi32>
    tpu.vector_store %arg8[%swap3A_328], %swap3A_331 {strides = array<i32>} : memref<128xi32, #tpu.memory_space<vmem>>, vector<16xi32>,
    %get3A_332 = arith.constant 3 : i32
    %get3A_333 = arith.index_cast %get3A_332 : i32 to index
    %get3A_334 = arith.constant 0 : index
    %get3A_335 = tpu.vector_load %arg6[%get3A_333, %get3A_334] {strides = array<i32>} : memref<8x16xi32, #tpu.memory_space<vmem>>, vector<1x16xi32>,
    %get3A_336 = vector.shape_cast %get3A_335 : vector<1x16xi32> to vector<16xi32>
    %swap3A_337 = arith.constant 48 : index
    %swap3A_338 = tpu.vector_load %arg8[%swap3A_337] {strides = array<i32>} : memref<128xi32, #tpu.memory_space<vmem>>, vector<16xi32>,
    %swap3A_339 = vector.shape_cast %swap3A_338 : vector<16xi32> to vector<16xi32>
    %swap3A_340 = vector.shape_cast %get3A_336 : vector<16xi32> to vector<16xi32>
    tpu.vector_store %arg8[%swap3A_337], %swap3A_340 {strides = array<i32>} : memref<128xi32, #tpu.memory_space<vmem>>, vector<16xi32>,
    %get3A_341 = arith.constant 4 : i32
    %get3A_342 = arith.index_cast %get3A_341 : i32 to index
    %get3A_343 = arith.constant 0 : index
    %get3A_344 = tpu.vector_load %arg6[%get3A_342, %get3A_343] {strides = array<i32>} : memref<8x16xi32, #tpu.memory_space<vmem>>, vector<1x16xi32>,
    %get3A_345 = vector.shape_cast %get3A_344 : vector<1x16xi32> to vector<16xi32>
    %swap3A_346 = arith.constant 64 : index
    %swap3A_347 = tpu.vector_load %arg8[%swap3A_346] {strides = array<i32>} : memref<128xi32, #tpu.memory_space<vmem>>, vector<16xi32>,
    %swap3A_348 = vector.shape_cast %swap3A_347 : vector<16xi32> to vector<16xi32>
    %swap3A_349 = vector.shape_cast %get3A_345 : vector<16xi32> to vector<16xi32>
    tpu.vector_store %arg8[%swap3A_346], %swap3A_349 {strides = array<i32>} : memref<128xi32, #tpu.memory_space<vmem>>, vector<16xi32>,
    %get3A_350 = arith.constant 5 : i32
    %get3A_351 = arith.index_cast %get3A_350 : i32 to index
    %get3A_352 = arith.constant 0 : index
    %get3A_353 = tpu.vector_load %arg6[%get3A_351, %get3A_352] {strides = array<i32>} : memref<8x16xi32, #tpu.memory_space<vmem>>, vector<1x16xi32>,
    %get3A_354 = vector.shape_cast %get3A_353 : vector<1x16xi32> to vector<16xi32>
    %swap3A_355 = arith.constant 80 : index
    %swap3A_356 = tpu.vector_load %arg8[%swap3A_355] {strides = array<i32>} : memref<128xi32, #tpu.memory_space<vmem>>, vector<16xi32>,
    %swap3A_357 = vector.shape_cast %swap3A_356 : vector<16xi32> to vector<16xi32>
    %swap3A_358 = vector.shape_cast %get3A_354 : vector<16xi32> to vector<16xi32>
    tpu.vector_store %arg8[%swap3A_355], %swap3A_358 {strides = array<i32>} : memref<128xi32, #tpu.memory_space<vmem>>, vector<16xi32>,
    %get3A_359 = arith.constant 6 : i32
    %get3A_360 = arith.index_cast %get3A_359 : i32 to index
    %get3A_361 = arith.constant 0 : index
    %get3A_362 = tpu.vector_load %arg6[%get3A_360, %get3A_361] {strides = array<i32>} : memref<8x16xi32, #tpu.memory_space<vmem>>, vector<1x16xi32>,
    %get3A_363 = vector.shape_cast %get3A_362 : vector<1x16xi32> to vector<16xi32>
    %swap3A_364 = arith.constant 96 : index
    %swap3A_365 = tpu.vector_load %arg8[%swap3A_364] {strides = array<i32>} : memref<128xi32, #tpu.memory_space<vmem>>, vector<16xi32>,
    %swap3A_366 = vector.shape_cast %swap3A_365 : vector<16xi32> to vector<16xi32>
    %swap3A_367 = vector.shape_cast %get3A_363 : vector<16xi32> to vector<16xi32>
    tpu.vector_store %arg8[%swap3A_364], %swap3A_367 {strides = array<i32>} : memref<128xi32, #tpu.memory_space<vmem>>, vector<16xi32>,
    %get3A_368 = arith.constant 7 : i32
    %get3A_369 = arith.index_cast %get3A_368 : i32 to index
    %get3A_370 = arith.constant 0 : index
    %get3A_371 = tpu.vector_load %arg6[%get3A_369, %get3A_370] {strides = array<i32>} : memref<8x16xi32, #tpu.memory_space<vmem>>, vector<1x16xi32>,
    %get3A_372 = vector.shape_cast %get3A_371 : vector<1x16xi32> to vector<16xi32>
    %swap3A_373 = arith.constant 112 : index
    %swap3A_374 = tpu.vector_load %arg8[%swap3A_373] {strides = array<i32>} : memref<128xi32, #tpu.memory_space<vmem>>, vector<16xi32>,
    %swap3A_375 = vector.shape_cast %swap3A_374 : vector<16xi32> to vector<16xi32>
    %swap3A_376 = vector.shape_cast %get3A_372 : vector<16xi32> to vector<16xi32>
    tpu.vector_store %arg8[%swap3A_373], %swap3A_376 {strides = array<i32>} : memref<128xi32, #tpu.memory_space<vmem>>, vector<16xi32>,
    %add3A_377 = arith.constant 128 : i32
    %add3A_378 = arith.addi %mul3A_2, %add3A_377 : i32
    %dma_wait3A_379 = arith.constant 0 : i32
    %dma_wait3A_380 = tpu.memref_slice %arg4[%add3A_378, %dma_wait3A_379] : memref<16384x384xi32, #tpu.memory_space<hbm>> -> memref<128x384xi32, #tpu.memory_space<hbm>>
    %dma_wait3A_381 = arith.constant 0 : i32
    %dma_wait3A_382 = tpu.memref_slice %arg4[%add3A_378, %dma_wait3A_381] : memref<16384x384xi32, #tpu.memory_space<hbm>> -> memref<128x384xi32, #tpu.memory_space<hbm>>
    tpu.wait_dma2 semaphore(%arg15 : memref<!tpu.dma_semaphore, #tpu.memory_space<semaphore_mem>>) src(%arg10 : memref<128x384xi32, #tpu.memory_space<vmem>>) dst(%dma_wait3A_382 : memref<128x384xi32, #tpu.memory_space<hbm>>)
    %dma_start3A_383 = arith.constant 0 : i32
    %dma_start3A_384 = arith.constant 0 : i32
    %dma_start3A_385 = tpu.memref_slice %arg2[%dma_start3A_383, %dma_start3A_384] : memref<1000x384xi32, #tpu.memory_space<hbm>> -> memref<1000x384xi32, #tpu.memory_space<hbm>>
    tpu.enqueue_indirect_dma source(%dma_start3A_385 : memref<1000x384xi32, #tpu.memory_space<hbm>>) target(%arg10 : memref<128x384xi32, #tpu.memory_space<vmem>>) offsets(%arg8 : memref<128xi32, #tpu.memory_space<vmem>>) semaphore(%arg13 : memref<!tpu.dma_semaphore, #tpu.memory_space<semaphore_mem>>)
    %dma_wait3A_386 = arith.constant 0 : i32
    %dma_wait3A_387 = arith.constant 0 : i32
    %dma_wait3A_388 = tpu.memref_slice %arg2[%dma_wait3A_386, %dma_wait3A_387] : memref<1000x384xi32, #tpu.memory_space<hbm>> -> memref<1000x384xi32, #tpu.memory_space<hbm>>
    tpu.wait_indirect_dma semaphore(%arg13 : memref<!tpu.dma_semaphore, #tpu.memory_space<semaphore_mem>>) src(%dma_wait3A_388 : memref<1000x384xi32, #tpu.memory_space<hbm>>) dst(%arg10 : memref<128x384xi32, #tpu.memory_space<vmem>>)
    %add3A_389 = arith.constant 384 : i32
    %add3A_390 = arith.addi %mul3A_2, %add3A_389 : i32
    %dma_start3A_391 = arith.constant 0 : i32
    %dma_start3A_392 = tpu.memref_slice %arg4[%add3A_390, %dma_start3A_391] : memref<16384x384xi32, #tpu.memory_space<hbm>> -> memref<128x384xi32, #tpu.memory_space<hbm>>
    %dma_start3A_393 = arith.constant 0 : i32
    %dma_start3A_394 = tpu.memref_slice %arg4[%add3A_390, %dma_start3A_393] : memref<16384x384xi32, #tpu.memory_space<hbm>> -> memref<128x384xi32, #tpu.memory_space<hbm>>
    tpu.enqueue_dma source(%arg10 : memref<128x384xi32, #tpu.memory_space<vmem>>) target(%dma_start3A_394 : memref<128x384xi32, #tpu.memory_space<hbm>>) target_semaphore(%arg15 : memref<!tpu.dma_semaphore, #tpu.memory_space<semaphore_mem>>)
    %add3A_395 = arith.constant 256 : i32
    %add3A_396 = arith.addi %mul3A_2, %add3A_395 : i32
    %dma_wait3A_397 = arith.constant 0 : i32
    %dma_wait3A_398 = tpu.memref_slice %arg4[%add3A_396, %dma_wait3A_397] : memref<16384x384xi32, #tpu.memory_space<hbm>> -> memref<128x384xi32, #tpu.memory_space<hbm>>
    %dma_wait3A_399 = arith.constant 0 : i32
    %dma_wait3A_400 = tpu.memref_slice %arg4[%add3A_396, %dma_wait3A_399] : memref<16384x384xi32, #tpu.memory_space<hbm>> -> memref<128x384xi32, #tpu.memory_space<hbm>>
    tpu.wait_dma2 semaphore(%arg14 : memref<!tpu.dma_semaphore, #tpu.memory_space<semaphore_mem>>) src(%arg9 : memref<128x384xi32, #tpu.memory_space<vmem>>) dst(%dma_wait3A_400 : memref<128x384xi32, #tpu.memory_space<hbm>>)
    %add3A_401 = arith.constant 384 : i32
    %add3A_402 = arith.addi %mul3A_2, %add3A_401 : i32
    %dma_wait3A_403 = arith.constant 0 : i32
    %dma_wait3A_404 = tpu.memref_slice %arg4[%add3A_402, %dma_wait3A_403] : memref<16384x384xi32, #tpu.memory_space<hbm>> -> memref<128x384xi32, #tpu.memory_space<hbm>>
    %dma_wait3A_405 = arith.constant 0 : i32
    %dma_wait3A_406 = tpu.memref_slice %arg4[%add3A_402, %dma_wait3A_405] : memref<16384x384xi32, #tpu.memory_space<hbm>> -> memref<128x384xi32, #tpu.memory_space<hbm>>
    tpu.wait_dma2 semaphore(%arg15 : memref<!tpu.dma_semaphore, #tpu.memory_space<semaphore_mem>>) src(%arg10 : memref<128x384xi32, #tpu.memory_space<vmem>>) dst(%dma_wait3A_406 : memref<128x384xi32, #tpu.memory_space<hbm>>)
    return
  }
}

#map = affine_map<(d0, d1) -> (0, 0)>
module attributes {stable_mosaic.version = 14 : i64} {
  func.func @_sc_gather_body(%arg0: i32, %arg1: i32, %arg2: memref<1000x384xi32, #tpu.memory_space<hbm>>, %arg3: memref<1024x16xi32, #tpu.memory_space<hbm>>, %arg4: memref<16384x384xi32, #tpu.memory_space<hbm>>, %arg5: memref<8x16xi32, #tpu.memory_space<vmem>>, %arg6: memref<8x16xi32, #tpu.memory_space<vmem>>, %arg7: memref<128xi32, #tpu.memory_space<vmem>>, %arg8: memref<128xi32, #tpu.memory_space<vmem>>, %arg9: memref<128x384xi32, #tpu.memory_space<vmem>>, %arg10: memref<128x384xi32, #tpu.memory_space<vmem>>, %arg11: memref<!tpu.dma_semaphore, #tpu.memory_space<semaphore_mem>>, %arg12: memref<!tpu.dma_semaphore, #tpu.memory_space<semaphore_mem>>, %arg13: memref<!tpu.dma_semaphore, #tpu.memory_space<semaphore_mem>>, %arg14: memref<!tpu.dma_semaphore, #tpu.memory_space<semaphore_mem>>, %arg15: memref<!tpu.dma_semaphore, #tpu.memory_space<semaphore_mem>>) attributes {dimension_semantics = [#tpu.dimension_semantics<core_parallel>, #tpu.dimension_semantics<subcore_parallel>], iteration_bounds = array<i64: 2, 16>, scalar_prefetch = 0 : i64, scratch_operands = 11 : i64, tpu.core_type = #tpu.core_type<sc_vector_subcore>, window_params = [{transform_indices = #map}, {transform_indices = #map}, {transform_indices = #map}]} {
    %mul3A = arith.constant 2 : i32
    %mul3A_0 = arith.muli %arg1, %mul3A : i32
    %add3A = arith.addi %mul3A_0, %arg0 : i32
    %mul3A_1 = arith.constant 512 : i32
    %mul3A_2 = arith.muli %add3A, %mul3A_1 : i32
    %mul3A_3 = arith.constant 32 : i32
    %mul3A_4 = arith.muli %add3A, %mul3A_3 : i32
    %dma_start3A = arith.constant 0 : i32
    %dma_start3A_5 = tpu.memref_slice %arg3[%mul3A_4, %dma_start3A] : memref<1024x16xi32, #tpu.memory_space<hbm>> -> memref<8x16xi32, #tpu.memory_space<hbm>>
    %dma_start3A_6 = arith.constant 0 : i32
    %dma_start3A_7 = tpu.memref_slice %arg3[%mul3A_4, %dma_start3A_6] : memref<1024x16xi32, #tpu.memory_space<hbm>> -> memref<8x16xi32, #tpu.memory_space<hbm>>
    tpu.enqueue_dma source(%dma_start3A_7 : memref<8x16xi32, #tpu.memory_space<hbm>>) target(%arg5 : memref<8x16xi32, #tpu.memory_space<vmem>>) target_semaphore(%arg11 : memref<!tpu.dma_semaphore, #tpu.memory_space<semaphore_mem>>)
    %add3A_8 = arith.constant 0 : i32
    %add3A_9 = arith.addi %mul3A_4, %add3A_8 : i32
    %dma_wait3A = arith.constant 0 : i32
    %dma_wait3A_10 = tpu.memref_slice %arg3[%add3A_9, %dma_wait3A] : memref<1024x16xi32, #tpu.memory_space<hbm>> -> memref<8x16xi32, #tpu.memory_space<hbm>>
    %dma_wait3A_11 = arith.constant 0 : i32
    %dma_wait3A_12 = tpu.memref_slice %arg3[%add3A_9, %dma_wait3A_11] : memref<1024x16xi32, #tpu.memory_space<hbm>> -> memref<8x16xi32, #tpu.memory_space<hbm>>
    tpu.wait_dma2 semaphore(%arg11 : memref<!tpu.dma_semaphore, #tpu.memory_space<semaphore_mem>>) src(%dma_wait3A_12 : memref<8x16xi32, #tpu.memory_space<hbm>>) dst(%arg5 : memref<8x16xi32, #tpu.memory_space<vmem>>)
    %add3A_13 = arith.constant 8 : i32
    %add3A_14 = arith.addi %mul3A_4, %add3A_13 : i32
    %dma_start3A_15 = arith.constant 0 : i32
    %dma_start3A_16 = tpu.memref_slice %arg3[%add3A_14, %dma_start3A_15] : memref<1024x16xi32, #tpu.memory_space<hbm>> -> memref<8x16xi32, #tpu.memory_space<hbm>>
    %dma_start3A_17 = arith.constant 0 : i32
    %dma_start3A_18 = tpu.memref_slice %arg3[%add3A_14, %dma_start3A_17] : memref<1024x16xi32, #tpu.memory_space<hbm>> -> memref<8x16xi32, #tpu.memory_space<hbm>>
    tpu.enqueue_dma source(%dma_start3A_18 : memref<8x16xi32, #tpu.memory_space<hbm>>) target(%arg6 : memref<8x16xi32, #tpu.memory_space<vmem>>) target_semaphore(%arg12 : memref<!tpu.dma_semaphore, #tpu.memory_space<semaphore_mem>>)
    %get3A = arith.constant 0 : i32
    %get3A_19 = arith.index_cast %get3A : i32 to index
    %get3A_20 = arith.constant 0 : index
    %get3A_21 = tpu.vector_load %arg5[%get3A_19, %get3A_20] {strides = array<i32>} : memref<8x16xi32, #tpu.memory_space<vmem>>, vector<1x16xi32>,
    %get3A_22 = vector.shape_cast %get3A_21 : vector<1x16xi32> to vector<16xi32>
    %swap3A = arith.constant 0 : index
    %swap3A_23 = tpu.vector_load %arg7[%swap3A] {strides = array<i32>} : memref<128xi32, #tpu.memory_space<vmem>>, vector<16xi32>,
    %swap3A_24 = vector.shape_cast %swap3A_23 : vector<16xi32> to vector<16xi32>
    %swap3A_25 = vector.shape_cast %get3A_22 : vector<16xi32> to vector<16xi32>
    tpu.vector_store %arg7[%swap3A], %swap3A_25 {strides = array<i32>} : memref<128xi32, #tpu.memory_space<vmem>>, vector<16xi32>,
    %get3A_26 = arith.constant 1 : i32
    %get3A_27 = arith.index_cast %get3A_26 : i32 to index
    %get3A_28 = arith.constant 0 : index
    %get3A_29 = tpu.vector_load %arg5[%get3A_27, %get3A_28] {strides = array<i32>} : memref<8x16xi32, #tpu.memory_space<vmem>>, vector<1x16xi32>,
    %get3A_30 = vector.shape_cast %get3A_29 : vector<1x16xi32> to vector<16xi32>
    %swap3A_31 = arith.constant 16 : index
    %swap3A_32 = tpu.vector_load %arg7[%swap3A_31] {strides = array<i32>} : memref<128xi32, #tpu.memory_space<vmem>>, vector<16xi32>,
    %swap3A_33 = vector.shape_cast %swap3A_32 : vector<16xi32> to vector<16xi32>
    %swap3A_34 = vector.shape_cast %get3A_30 : vector<16xi32> to vector<16xi32>
    tpu.vector_store %arg7[%swap3A_31], %swap3A_34 {strides = array<i32>} : memref<128xi32, #tpu.memory_space<vmem>>, vector<16xi32>,
    %get3A_35 = arith.constant 2 : i32
    %get3A_36 = arith.index_cast %get3A_35 : i32 to index
    %get3A_37 = arith.constant 0 : index
    %get3A_38 = tpu.vector_load %arg5[%get3A_36, %get3A_37] {strides = array<i32>} : memref<8x16xi32, #tpu.memory_space<vmem>>, vector<1x16xi32>,
    %get3A_39 = vector.shape_cast %get3A_38 : vector<1x16xi32> to vector<16xi32>
    %swap3A_40 = arith.constant 32 : index
    %swap3A_41 = tpu.vector_load %arg7[%swap3A_40] {strides = array<i32>} : memref<128xi32, #tpu.memory_space<vmem>>, vector<16xi32>,
    %swap3A_42 = vector.shape_cast %swap3A_41 : vector<16xi32> to vector<16xi32>
    %swap3A_43 = vector.shape_cast %get3A_39 : vector<16xi32> to vector<16xi32>
    tpu.vector_store %arg7[%swap3A_40], %swap3A_43 {strides = array<i32>} : memref<128xi32, #tpu.memory_space<vmem>>, vector<16xi32>,
    %get3A_44 = arith.constant 3 : i32
    %get3A_45 = arith.index_cast %get3A_44 : i32 to index
    %get3A_46 = arith.constant 0 : index
    %get3A_47 = tpu.vector_load %arg5[%get3A_45, %get3A_46] {strides = array<i32>} : memref<8x16xi32, #tpu.memory_space<vmem>>, vector<1x16xi32>,
    %get3A_48 = vector.shape_cast %get3A_47 : vector<1x16xi32> to vector<16xi32>
    %swap3A_49 = arith.constant 48 : index
    %swap3A_50 = tpu.vector_load %arg7[%swap3A_49] {strides = array<i32>} : memref<128xi32, #tpu.memory_space<vmem>>, vector<16xi32>,
    %swap3A_51 = vector.shape_cast %swap3A_50 : vector<16xi32> to vector<16xi32>
    %swap3A_52 = vector.shape_cast %get3A_48 : vector<16xi32> to vector<16xi32>
    tpu.vector_store %arg7[%swap3A_49], %swap3A_52 {strides = array<i32>} : memref<128xi32, #tpu.memory_space<vmem>>, vector<16xi32>,
    %get3A_53 = arith.constant 4 : i32
    %get3A_54 = arith.index_cast %get3A_53 : i32 to index
    %get3A_55 = arith.constant 0 : index
    %get3A_56 = tpu.vector_load %arg5[%get3A_54, %get3A_55] {strides = array<i32>} : memref<8x16xi32, #tpu.memory_space<vmem>>, vector<1x16xi32>,
    %get3A_57 = vector.shape_cast %get3A_56 : vector<1x16xi32> to vector<16xi32>
    %swap3A_58 = arith.constant 64 : index
    %swap3A_59 = tpu.vector_load %arg7[%swap3A_58] {strides = array<i32>} : memref<128xi32, #tpu.memory_space<vmem>>, vector<16xi32>,
    %swap3A_60 = vector.shape_cast %swap3A_59 : vector<16xi32> to vector<16xi32>
    %swap3A_61 = vector.shape_cast %get3A_57 : vector<16xi32> to vector<16xi32>
    tpu.vector_store %arg7[%swap3A_58], %swap3A_61 {strides = array<i32>} : memref<128xi32, #tpu.memory_space<vmem>>, vector<16xi32>,
    %get3A_62 = arith.constant 5 : i32
    %get3A_63 = arith.index_cast %get3A_62 : i32 to index
    %get3A_64 = arith.constant 0 : index
    %get3A_65 = tpu.vector_load %arg5[%get3A_63, %get3A_64] {strides = array<i32>} : memref<8x16xi32, #tpu.memory_space<vmem>>, vector<1x16xi32>,
    %get3A_66 = vector.shape_cast %get3A_65 : vector<1x16xi32> to vector<16xi32>
    %swap3A_67 = arith.constant 80 : index
    %swap3A_68 = tpu.vector_load %arg7[%swap3A_67] {strides = array<i32>} : memref<128xi32, #tpu.memory_space<vmem>>, vector<16xi32>,
    %swap3A_69 = vector.shape_cast %swap3A_68 : vector<16xi32> to vector<16xi32>
    %swap3A_70 = vector.shape_cast %get3A_66 : vector<16xi32> to vector<16xi32>
    tpu.vector_store %arg7[%swap3A_67], %swap3A_70 {strides = array<i32>} : memref<128xi32, #tpu.memory_space<vmem>>, vector<16xi32>,
    %get3A_71 = arith.constant 6 : i32
    %get3A_72 = arith.index_cast %get3A_71 : i32 to index
    %get3A_73 = arith.constant 0 : index
    %get3A_74 = tpu.vector_load %arg5[%get3A_72, %get3A_73] {strides = array<i32>} : memref<8x16xi32, #tpu.memory_space<vmem>>, vector<1x16xi32>,
    %get3A_75 = vector.shape_cast %get3A_74 : vector<1x16xi32> to vector<16xi32>
    %swap3A_76 = arith.constant 96 : index
    %swap3A_77 = tpu.vector_load %arg7[%swap3A_76] {strides = array<i32>} : memref<128xi32, #tpu.memory_space<vmem>>, vector<16xi32>,
    %swap3A_78 = vector.shape_cast %swap3A_77 : vector<16xi32> to vector<16xi32>
    %swap3A_79 = vector.shape_cast %get3A_75 : vector<16xi32> to vector<16xi32>
    tpu.vector_store %arg7[%swap3A_76], %swap3A_79 {strides = array<i32>} : memref<128xi32, #tpu.memory_space<vmem>>, vector<16xi32>,
    %get3A_80 = arith.constant 7 : i32
    %get3A_81 = arith.index_cast %get3A_80 : i32 to index
    %get3A_82 = arith.constant 0 : index
    %get3A_83 = tpu.vector_load %arg5[%get3A_81, %get3A_82] {strides = array<i32>} : memref<8x16xi32, #tpu.memory_space<vmem>>, vector<1x16xi32>,
    %get3A_84 = vector.shape_cast %get3A_83 : vector<1x16xi32> to vector<16xi32>
    %swap3A_85 = arith.constant 112 : index
    %swap3A_86 = tpu.vector_load %arg7[%swap3A_85] {strides = array<i32>} : memref<128xi32, #tpu.memory_space<vmem>>, vector<16xi32>,
    %swap3A_87 = vector.shape_cast %swap3A_86 : vector<16xi32> to vector<16xi32>
    %swap3A_88 = vector.shape_cast %get3A_84 : vector<16xi32> to vector<16xi32>
    tpu.vector_store %arg7[%swap3A_85], %swap3A_88 {strides = array<i32>} : memref<128xi32, #tpu.memory_space<vmem>>, vector<16xi32>,
    %dma_start3A_89 = arith.constant 0 : i32
    %dma_start3A_90 = arith.constant 0 : i32
    %dma_start3A_91 = tpu.memref_slice %arg2[%dma_start3A_89, %dma_start3A_90] : memref<1000x384xi32, #tpu.memory_space<hbm>> -> memref<1000x384xi32, #tpu.memory_space<hbm>>
    tpu.enqueue_indirect_dma source(%dma_start3A_91 : memref<1000x384xi32, #tpu.memory_space<hbm>>) target(%arg9 : memref<128x384xi32, #tpu.memory_space<vmem>>) offsets(%arg7 : memref<128xi32, #tpu.memory_space<vmem>>) semaphore(%arg13 : memref<!tpu.dma_semaphore, #tpu.memory_space<semaphore_mem>>)
    %dma_wait3A_92 = arith.constant 0 : i32
    %dma_wait3A_93 = arith.constant 0 : i32
    %dma_wait3A_94 = tpu.memref_slice %arg2[%dma_wait3A_92, %dma_wait3A_93] : memref<1000x384xi32, #tpu.memory_space<hbm>> -> memref<1000x384xi32, #tpu.memory_space<hbm>>
    tpu.wait_indirect_dma semaphore(%arg13 : memref<!tpu.dma_semaphore, #tpu.memory_space<semaphore_mem>>) src(%dma_wait3A_94 : memref<1000x384xi32, #tpu.memory_space<hbm>>) dst(%arg9 : memref<128x384xi32, #tpu.memory_space<vmem>>)
    %add3A_95 = arith.constant 0 : i32
    %add3A_96 = arith.addi %mul3A_2, %add3A_95 : i32
    %dma_start3A_97 = arith.constant 0 : i32
    %dma_start3A_98 = tpu.memref_slice %arg4[%add3A_96, %dma_start3A_97] : memref<16384x384xi32, #tpu.memory_space<hbm>> -> memref<128x384xi32, #tpu.memory_space<hbm>>
    %dma_start3A_99 = arith.constant 0 : i32
    %dma_start3A_100 = tpu.memref_slice %arg4[%add3A_96, %dma_start3A_99] : memref<16384x384xi32, #tpu.memory_space<hbm>> -> memref<128x384xi32, #tpu.memory_space<hbm>>
    tpu.enqueue_dma source(%arg9 : memref<128x384xi32, #tpu.memory_space<vmem>>) target(%dma_start3A_100 : memref<128x384xi32, #tpu.memory_space<hbm>>) target_semaphore(%arg14 : memref<!tpu.dma_semaphore, #tpu.memory_space<semaphore_mem>>)
    %add3A_101 = arith.constant 8 : i32
    %add3A_102 = arith.addi %mul3A_4, %add3A_101 : i32
    %dma_wait3A_103 = arith.constant 0 : i32
    %dma_wait3A_104 = tpu.memref_slice %arg3[%add3A_102, %dma_wait3A_103] : memref<1024x16xi32, #tpu.memory_space<hbm>> -> memref<8x16xi32, #tpu.memory_space<hbm>>
    %dma_wait3A_105 = arith.constant 0 : i32
    %dma_wait3A_106 = tpu.memref_slice %arg3[%add3A_102, %dma_wait3A_105] : memref<1024x16xi32, #tpu.memory_space<hbm>> -> memref<8x16xi32, #tpu.memory_space<hbm>>
    tpu.wait_dma2 semaphore(%arg12 : memref<!tpu.dma_semaphore, #tpu.memory_space<semaphore_mem>>) src(%dma_wait3A_106 : memref<8x16xi32, #tpu.memory_space<hbm>>) dst(%arg6 : memref<8x16xi32, #tpu.memory_space<vmem>>)
    %add3A_107 = arith.constant 16 : i32
    %add3A_108 = arith.addi %mul3A_4, %add3A_107 : i32
    %dma_start3A_109 = arith.constant 0 : i32
    %dma_start3A_110 = tpu.memref_slice %arg3[%add3A_108, %dma_start3A_109] : memref<1024x16xi32, #tpu.memory_space<hbm>> -> memref<8x16xi32, #tpu.memory_space<hbm>>
    %dma_start3A_111 = arith.constant 0 : i32
    %dma_start3A_112 = tpu.memref_slice %arg3[%add3A_108, %dma_start3A_111] : memref<1024x16xi32, #tpu.memory_space<hbm>> -> memref<8x16xi32, #tpu.memory_space<hbm>>
    tpu.enqueue_dma source(%dma_start3A_112 : memref<8x16xi32, #tpu.memory_space<hbm>>) target(%arg5 : memref<8x16xi32, #tpu.memory_space<vmem>>) target_semaphore(%arg11 : memref<!tpu.dma_semaphore, #tpu.memory_space<semaphore_mem>>)
    %get3A_113 = arith.constant 0 : i32
    %get3A_114 = arith.index_cast %get3A_113 : i32 to index
    %get3A_115 = arith.constant 0 : index
    %get3A_116 = tpu.vector_load %arg6[%get3A_114, %get3A_115] {strides = array<i32>} : memref<8x16xi32, #tpu.memory_space<vmem>>, vector<1x16xi32>,
    %get3A_117 = vector.shape_cast %get3A_116 : vector<1x16xi32> to vector<16xi32>
    %swap3A_118 = arith.constant 0 : index
    %swap3A_119 = tpu.vector_load %arg8[%swap3A_118] {strides = array<i32>} : memref<128xi32, #tpu.memory_space<vmem>>, vector<16xi32>,
    %swap3A_120 = vector.shape_cast %swap3A_119 : vector<16xi32> to vector<16xi32>
    %swap3A_121 = vector.shape_cast %get3A_117 : vector<16xi32> to vector<16xi32>
    tpu.vector_store %arg8[%swap3A_118], %swap3A_121 {strides = array<i32>} : memref<128xi32, #tpu.memory_space<vmem>>, vector<16xi32>,
    %get3A_122 = arith.constant 1 : i32
    %get3A_123 = arith.index_cast %get3A_122 : i32 to index
    %get3A_124 = arith.constant 0 : index
    %get3A_125 = tpu.vector_load %arg6[%get3A_123, %get3A_124] {strides = array<i32>} : memref<8x16xi32, #tpu.memory_space<vmem>>, vector<1x16xi32>,
    %get3A_126 = vector.shape_cast %get3A_125 : vector<1x16xi32> to vector<16xi32>
    %swap3A_127 = arith.constant 16 : index
    %swap3A_128 = tpu.vector_load %arg8[%swap3A_127] {strides = array<i32>} : memref<128xi32, #tpu.memory_space<vmem>>, vector<16xi32>,
    %swap3A_129 = vector.shape_cast %swap3A_128 : vector<16xi32> to vector<16xi32>
    %swap3A_130 = vector.shape_cast %get3A_126 : vector<16xi32> to vector<16xi32>
    tpu.vector_store %arg8[%swap3A_127], %swap3A_130 {strides = array<i32>} : memref<128xi32, #tpu.memory_space<vmem>>, vector<16xi32>,
    %get3A_131 = arith.constant 2 : i32
    %get3A_132 = arith.index_cast %get3A_131 : i32 to index
    %get3A_133 = arith.constant 0 : index
    %get3A_134 = tpu.vector_load %arg6[%get3A_132, %get3A_133] {strides = array<i32>} : memref<8x16xi32, #tpu.memory_space<vmem>>, vector<1x16xi32>,
    %get3A_135 = vector.shape_cast %get3A_134 : vector<1x16xi32> to vector<16xi32>
    %swap3A_136 = arith.constant 32 : index
    %swap3A_137 = tpu.vector_load %arg8[%swap3A_136] {strides = array<i32>} : memref<128xi32, #tpu.memory_space<vmem>>, vector<16xi32>,
    %swap3A_138 = vector.shape_cast %swap3A_137 : vector<16xi32> to vector<16xi32>
    %swap3A_139 = vector.shape_cast %get3A_135 : vector<16xi32> to vector<16xi32>
    tpu.vector_store %arg8[%swap3A_136], %swap3A_139 {strides = array<i32>} : memref<128xi32, #tpu.memory_space<vmem>>, vector<16xi32>,
    %get3A_140 = arith.constant 3 : i32
    %get3A_141 = arith.index_cast %get3A_140 : i32 to index
    %get3A_142 = arith.constant 0 : index
    %get3A_143 = tpu.vector_load %arg6[%get3A_141, %get3A_142] {strides = array<i32>} : memref<8x16xi32, #tpu.memory_space<vmem>>, vector<1x16xi32>,
    %get3A_144 = vector.shape_cast %get3A_143 : vector<1x16xi32> to vector<16xi32>
    %swap3A_145 = arith.constant 48 : index
    %swap3A_146 = tpu.vector_load %arg8[%swap3A_145] {strides = array<i32>} : memref<128xi32, #tpu.memory_space<vmem>>, vector<16xi32>,
    %swap3A_147 = vector.shape_cast %swap3A_146 : vector<16xi32> to vector<16xi32>
    %swap3A_148 = vector.shape_cast %get3A_144 : vector<16xi32> to vector<16xi32>
    tpu.vector_store %arg8[%swap3A_145], %swap3A_148 {strides = array<i32>} : memref<128xi32, #tpu.memory_space<vmem>>, vector<16xi32>,
    %get3A_149 = arith.constant 4 : i32
    %get3A_150 = arith.index_cast %get3A_149 : i32 to index
    %get3A_151 = arith.constant 0 : index
    %get3A_152 = tpu.vector_load %arg6[%get3A_150, %get3A_151] {strides = array<i32>} : memref<8x16xi32, #tpu.memory_space<vmem>>, vector<1x16xi32>,
    %get3A_153 = vector.shape_cast %get3A_152 : vector<1x16xi32> to vector<16xi32>
    %swap3A_154 = arith.constant 64 : index
    %swap3A_155 = tpu.vector_load %arg8[%swap3A_154] {strides = array<i32>} : memref<128xi32, #tpu.memory_space<vmem>>, vector<16xi32>,
    %swap3A_156 = vector.shape_cast %swap3A_155 : vector<16xi32> to vector<16xi32>
    %swap3A_157 = vector.shape_cast %get3A_153 : vector<16xi32> to vector<16xi32>
    tpu.vector_store %arg8[%swap3A_154], %swap3A_157 {strides = array<i32>} : memref<128xi32, #tpu.memory_space<vmem>>, vector<16xi32>,
    %get3A_158 = arith.constant 5 : i32
    %get3A_159 = arith.index_cast %get3A_158 : i32 to index
    %get3A_160 = arith.constant 0 : index
    %get3A_161 = tpu.vector_load %arg6[%get3A_159, %get3A_160] {strides = array<i32>} : memref<8x16xi32, #tpu.memory_space<vmem>>, vector<1x16xi32>,
    %get3A_162 = vector.shape_cast %get3A_161 : vector<1x16xi32> to vector<16xi32>
    %swap3A_163 = arith.constant 80 : index
    %swap3A_164 = tpu.vector_load %arg8[%swap3A_163] {strides = array<i32>} : memref<128xi32, #tpu.memory_space<vmem>>, vector<16xi32>,
    %swap3A_165 = vector.shape_cast %swap3A_164 : vector<16xi32> to vector<16xi32>
    %swap3A_166 = vector.shape_cast %get3A_162 : vector<16xi32> to vector<16xi32>
    tpu.vector_store %arg8[%swap3A_163], %swap3A_166 {strides = array<i32>} : memref<128xi32, #tpu.memory_space<vmem>>, vector<16xi32>,
    %get3A_167 = arith.constant 6 : i32
    %get3A_168 = arith.index_cast %get3A_167 : i32 to index
    %get3A_169 = arith.constant 0 : index
    %get3A_170 = tpu.vector_load %arg6[%get3A_168, %get3A_169] {strides = array<i32>} : memref<8x16xi32, #tpu.memory_space<vmem>>, vector<1x16xi32>,
    %get3A_171 = vector.shape_cast %get3A_170 : vector<1x16xi32> to vector<16xi32>
    %swap3A_172 = arith.constant 96 : index
    %swap3A_173 = tpu.vector_load %arg8[%swap3A_172] {strides = array<i32>} : memref<128xi32, #tpu.memory_space<vmem>>, vector<16xi32>,
    %swap3A_174 = vector.shape_cast %swap3A_173 : vector<16xi32> to vector<16xi32>
    %swap3A_175 = vector.shape_cast %get3A_171 : vector<16xi32> to vector<16xi32>
    tpu.vector_store %arg8[%swap3A_172], %swap3A_175 {strides = array<i32>} : memref<128xi32, #tpu.memory_space<vmem>>, vector<16xi32>,
    %get3A_176 = arith.constant 7 : i32
    %get3A_177 = arith.index_cast %get3A_176 : i32 to index
    %get3A_178 = arith.constant 0 : index
    %get3A_179 = tpu.vector_load %arg6[%get3A_177, %get3A_178] {strides = array<i32>} : memref<8x16xi32, #tpu.memory_space<vmem>>, vector<1x16xi32>,
    %get3A_180 = vector.shape_cast %get3A_179 : vector<1x16xi32> to vector<16xi32>
    %swap3A_181 = arith.constant 112 : index
    %swap3A_182 = tpu.vector_load %arg8[%swap3A_181] {strides = array<i32>} : memref<128xi32, #tpu.memory_space<vmem>>, vector<16xi32>,
    %swap3A_183 = vector.shape_cast %swap3A_182 : vector<16xi32> to vector<16xi32>
    %swap3A_184 = vector.shape_cast %get3A_180 : vector<16xi32> to vector<16xi32>
    tpu.vector_store %arg8[%swap3A_181], %swap3A_184 {strides = array<i32>} : memref<128xi32, #tpu.memory_space<vmem>>, vector<16xi32>,
    %dma_start3A_185 = arith.constant 0 : i32
    %dma_start3A_186 = arith.constant 0 : i32
    %dma_start3A_187 = tpu.memref_slice %arg2[%dma_start3A_185, %dma_start3A_186] : memref<1000x384xi32, #tpu.memory_space<hbm>> -> memref<1000x384xi32, #tpu.memory_space<hbm>>
    tpu.enqueue_indirect_dma source(%dma_start3A_187 : memref<1000x384xi32, #tpu.memory_space<hbm>>) target(%arg10 : memref<128x384xi32, #tpu.memory_space<vmem>>) offsets(%arg8 : memref<128xi32, #tpu.memory_space<vmem>>) semaphore(%arg13 : memref<!tpu.dma_semaphore, #tpu.memory_space<semaphore_mem>>)
    %dma_wait3A_188 = arith.constant 0 : i32
    %dma_wait3A_189 = arith.constant 0 : i32
    %dma_wait3A_190 = tpu.memref_slice %arg2[%dma_wait3A_188, %dma_wait3A_189] : memref<1000x384xi32, #tpu.memory_space<hbm>> -> memref<1000x384xi32, #tpu.memory_space<hbm>>
    tpu.wait_indirect_dma semaphore(%arg13 : memref<!tpu.dma_semaphore, #tpu.memory_space<semaphore_mem>>) src(%dma_wait3A_190 : memref<1000x384xi32, #tpu.memory_space<hbm>>) dst(%arg10 : memref<128x384xi32, #tpu.memory_space<vmem>>)
    %add3A_191 = arith.constant 128 : i32
    %add3A_192 = arith.addi %mul3A_2, %add3A_191 : i32
    %dma_start3A_193 = arith.constant 0 : i32
    %dma_start3A_194 = tpu.memref_slice %arg4[%add3A_192, %dma_start3A_193] : memref<16384x384xi32, #tpu.memory_space<hbm>> -> memref<128x384xi32, #tpu.memory_space<hbm>>
    %dma_start3A_195 = arith.constant 0 : i32
    %dma_start3A_196 = tpu.memref_slice %arg4[%add3A_192, %dma_start3A_195] : memref<16384x384xi32, #tpu.memory_space<hbm>> -> memref<128x384xi32, #tpu.memory_space<hbm>>
    tpu.enqueue_dma source(%arg10 : memref<128x384xi32, #tpu.memory_space<vmem>>) target(%dma_start3A_196 : memref<128x384xi32, #tpu.memory_space<hbm>>) target_semaphore(%arg15 : memref<!tpu.dma_semaphore, #tpu.memory_space<semaphore_mem>>)
    %add3A_197 = arith.constant 16 : i32
    %add3A_198 = arith.addi %mul3A_4, %add3A_197 : i32
    %dma_wait3A_199 = arith.constant 0 : i32
    %dma_wait3A_200 = tpu.memref_slice %arg3[%add3A_198, %dma_wait3A_199] : memref<1024x16xi32, #tpu.memory_space<hbm>> -> memref<8x16xi32, #tpu.memory_space<hbm>>
    %dma_wait3A_201 = arith.constant 0 : i32
    %dma_wait3A_202 = tpu.memref_slice %arg3[%add3A_198, %dma_wait3A_201] : memref<1024x16xi32, #tpu.memory_space<hbm>> -> memref<8x16xi32, #tpu.memory_space<hbm>>
    tpu.wait_dma2 semaphore(%arg11 : memref<!tpu.dma_semaphore, #tpu.memory_space<semaphore_mem>>) src(%dma_wait3A_202 : memref<8x16xi32, #tpu.memory_space<hbm>>) dst(%arg5 : memref<8x16xi32, #tpu.memory_space<vmem>>)
    %add3A_203 = arith.constant 24 : i32
    %add3A_204 = arith.addi %mul3A_4, %add3A_203 : i32
    %dma_start3A_205 = arith.constant 0 : i32
    %dma_start3A_206 = tpu.memref_slice %arg3[%add3A_204, %dma_start3A_205] : memref<1024x16xi32, #tpu.memory_space<hbm>> -> memref<8x16xi32, #tpu.memory_space<hbm>>
    %dma_start3A_207 = arith.constant 0 : i32
    %dma_start3A_208 = tpu.memref_slice %arg3[%add3A_204, %dma_start3A_207] : memref<1024x16xi32, #tpu.memory_space<hbm>> -> memref<8x16xi32, #tpu.memory_space<hbm>>
    tpu.enqueue_dma source(%dma_start3A_208 : memref<8x16xi32, #tpu.memory_space<hbm>>) target(%arg6 : memref<8x16xi32, #tpu.memory_space<vmem>>) target_semaphore(%arg12 : memref<!tpu.dma_semaphore, #tpu.memory_space<semaphore_mem>>)
    %get3A_209 = arith.constant 0 : i32
    %get3A_210 = arith.index_cast %get3A_209 : i32 to index
    %get3A_211 = arith.constant 0 : index
    %get3A_212 = tpu.vector_load %arg5[%get3A_210, %get3A_211] {strides = array<i32>} : memref<8x16xi32, #tpu.memory_space<vmem>>, vector<1x16xi32>,
    %get3A_213 = vector.shape_cast %get3A_212 : vector<1x16xi32> to vector<16xi32>
    %swap3A_214 = arith.constant 0 : index
    %swap3A_215 = tpu.vector_load %arg7[%swap3A_214] {strides = array<i32>} : memref<128xi32, #tpu.memory_space<vmem>>, vector<16xi32>,
    %swap3A_216 = vector.shape_cast %swap3A_215 : vector<16xi32> to vector<16xi32>
    %swap3A_217 = vector.shape_cast %get3A_213 : vector<16xi32> to vector<16xi32>
    tpu.vector_store %arg7[%swap3A_214], %swap3A_217 {strides = array<i32>} : memref<128xi32, #tpu.memory_space<vmem>>, vector<16xi32>,
    %get3A_218 = arith.constant 1 : i32
    %get3A_219 = arith.index_cast %get3A_218 : i32 to index
    %get3A_220 = arith.constant 0 : index
    %get3A_221 = tpu.vector_load %arg5[%get3A_219, %get3A_220] {strides = array<i32>} : memref<8x16xi32, #tpu.memory_space<vmem>>, vector<1x16xi32>,
    %get3A_222 = vector.shape_cast %get3A_221 : vector<1x16xi32> to vector<16xi32>
    %swap3A_223 = arith.constant 16 : index
    %swap3A_224 = tpu.vector_load %arg7[%swap3A_223] {strides = array<i32>} : memref<128xi32, #tpu.memory_space<vmem>>, vector<16xi32>,
    %swap3A_225 = vector.shape_cast %swap3A_224 : vector<16xi32> to vector<16xi32>
    %swap3A_226 = vector.shape_cast %get3A_222 : vector<16xi32> to vector<16xi32>
    tpu.vector_store %arg7[%swap3A_223], %swap3A_226 {strides = array<i32>} : memref<128xi32, #tpu.memory_space<vmem>>, vector<16xi32>,
    %get3A_227 = arith.constant 2 : i32
    %get3A_228 = arith.index_cast %get3A_227 : i32 to index
    %get3A_229 = arith.constant 0 : index
    %get3A_230 = tpu.vector_load %arg5[%get3A_228, %get3A_229] {strides = array<i32>} : memref<8x16xi32, #tpu.memory_space<vmem>>, vector<1x16xi32>,
    %get3A_231 = vector.shape_cast %get3A_230 : vector<1x16xi32> to vector<16xi32>
    %swap3A_232 = arith.constant 32 : index
    %swap3A_233 = tpu.vector_load %arg7[%swap3A_232] {strides = array<i32>} : memref<128xi32, #tpu.memory_space<vmem>>, vector<16xi32>,
    %swap3A_234 = vector.shape_cast %swap3A_233 : vector<16xi32> to vector<16xi32>
    %swap3A_235 = vector.shape_cast %get3A_231 : vector<16xi32> to vector<16xi32>
    tpu.vector_store %arg7[%swap3A_232], %swap3A_235 {strides = array<i32>} : memref<128xi32, #tpu.memory_space<vmem>>, vector<16xi32>,
    %get3A_236 = arith.constant 3 : i32
    %get3A_237 = arith.index_cast %get3A_236 : i32 to index
    %get3A_238 = arith.constant 0 : index
    %get3A_239 = tpu.vector_load %arg5[%get3A_237, %get3A_238] {strides = array<i32>} : memref<8x16xi32, #tpu.memory_space<vmem>>, vector<1x16xi32>,
    %get3A_240 = vector.shape_cast %get3A_239 : vector<1x16xi32> to vector<16xi32>
    %swap3A_241 = arith.constant 48 : index
    %swap3A_242 = tpu.vector_load %arg7[%swap3A_241] {strides = array<i32>} : memref<128xi32, #tpu.memory_space<vmem>>, vector<16xi32>,
    %swap3A_243 = vector.shape_cast %swap3A_242 : vector<16xi32> to vector<16xi32>
    %swap3A_244 = vector.shape_cast %get3A_240 : vector<16xi32> to vector<16xi32>
    tpu.vector_store %arg7[%swap3A_241], %swap3A_244 {strides = array<i32>} : memref<128xi32, #tpu.memory_space<vmem>>, vector<16xi32>,
    %get3A_245 = arith.constant 4 : i32
    %get3A_246 = arith.index_cast %get3A_245 : i32 to index
    %get3A_247 = arith.constant 0 : index
    %get3A_248 = tpu.vector_load %arg5[%get3A_246, %get3A_247] {strides = array<i32>} : memref<8x16xi32, #tpu.memory_space<vmem>>, vector<1x16xi32>,
    %get3A_249 = vector.shape_cast %get3A_248 : vector<1x16xi32> to vector<16xi32>
    %swap3A_250 = arith.constant 64 : index
    %swap3A_251 = tpu.vector_load %arg7[%swap3A_250] {strides = array<i32>} : memref<128xi32, #tpu.memory_space<vmem>>, vector<16xi32>,
    %swap3A_252 = vector.shape_cast %swap3A_251 : vector<16xi32> to vector<16xi32>
    %swap3A_253 = vector.shape_cast %get3A_249 : vector<16xi32> to vector<16xi32>
    tpu.vector_store %arg7[%swap3A_250], %swap3A_253 {strides = array<i32>} : memref<128xi32, #tpu.memory_space<vmem>>, vector<16xi32>,
    %get3A_254 = arith.constant 5 : i32
    %get3A_255 = arith.index_cast %get3A_254 : i32 to index
    %get3A_256 = arith.constant 0 : index
    %get3A_257 = tpu.vector_load %arg5[%get3A_255, %get3A_256] {strides = array<i32>} : memref<8x16xi32, #tpu.memory_space<vmem>>, vector<1x16xi32>,
    %get3A_258 = vector.shape_cast %get3A_257 : vector<1x16xi32> to vector<16xi32>
    %swap3A_259 = arith.constant 80 : index
    %swap3A_260 = tpu.vector_load %arg7[%swap3A_259] {strides = array<i32>} : memref<128xi32, #tpu.memory_space<vmem>>, vector<16xi32>,
    %swap3A_261 = vector.shape_cast %swap3A_260 : vector<16xi32> to vector<16xi32>
    %swap3A_262 = vector.shape_cast %get3A_258 : vector<16xi32> to vector<16xi32>
    tpu.vector_store %arg7[%swap3A_259], %swap3A_262 {strides = array<i32>} : memref<128xi32, #tpu.memory_space<vmem>>, vector<16xi32>,
    %get3A_263 = arith.constant 6 : i32
    %get3A_264 = arith.index_cast %get3A_263 : i32 to index
    %get3A_265 = arith.constant 0 : index
    %get3A_266 = tpu.vector_load %arg5[%get3A_264, %get3A_265] {strides = array<i32>} : memref<8x16xi32, #tpu.memory_space<vmem>>, vector<1x16xi32>,
    %get3A_267 = vector.shape_cast %get3A_266 : vector<1x16xi32> to vector<16xi32>
    %swap3A_268 = arith.constant 96 : index
    %swap3A_269 = tpu.vector_load %arg7[%swap3A_268] {strides = array<i32>} : memref<128xi32, #tpu.memory_space<vmem>>, vector<16xi32>,
    %swap3A_270 = vector.shape_cast %swap3A_269 : vector<16xi32> to vector<16xi32>
    %swap3A_271 = vector.shape_cast %get3A_267 : vector<16xi32> to vector<16xi32>
    tpu.vector_store %arg7[%swap3A_268], %swap3A_271 {strides = array<i32>} : memref<128xi32, #tpu.memory_space<vmem>>, vector<16xi32>,
    %get3A_272 = arith.constant 7 : i32
    %get3A_273 = arith.index_cast %get3A_272 : i32 to index
    %get3A_274 = arith.constant 0 : index
    %get3A_275 = tpu.vector_load %arg5[%get3A_273, %get3A_274] {strides = array<i32>} : memref<8x16xi32, #tpu.memory_space<vmem>>, vector<1x16xi32>,
    %get3A_276 = vector.shape_cast %get3A_275 : vector<1x16xi32> to vector<16xi32>
    %swap3A_277 = arith.constant 112 : index
    %swap3A_278 = tpu.vector_load %arg7[%swap3A_277] {strides = array<i32>} : memref<128xi32, #tpu.memory_space<vmem>>, vector<16xi32>,
    %swap3A_279 = vector.shape_cast %swap3A_278 : vector<16xi32> to vector<16xi32>
    %swap3A_280 = vector.shape_cast %get3A_276 : vector<16xi32> to vector<16xi32>
    tpu.vector_store %arg7[%swap3A_277], %swap3A_280 {strides = array<i32>} : memref<128xi32, #tpu.memory_space<vmem>>, vector<16xi32>,
    %add3A_281 = arith.constant 0 : i32
    %add3A_282 = arith.addi %mul3A_2, %add3A_281 : i32
    %dma_wait3A_283 = arith.constant 0 : i32
    %dma_wait3A_284 = tpu.memref_slice %arg4[%add3A_282, %dma_wait3A_283] : memref<16384x384xi32, #tpu.memory_space<hbm>> -> memref<128x384xi32, #tpu.memory_space<hbm>>
    %dma_wait3A_285 = arith.constant 0 : i32
    %dma_wait3A_286 = tpu.memref_slice %arg4[%add3A_282, %dma_wait3A_285] : memref<16384x384xi32, #tpu.memory_space<hbm>> -> memref<128x384xi32, #tpu.memory_space<hbm>>
    tpu.wait_dma2 semaphore(%arg14 : memref<!tpu.dma_semaphore, #tpu.memory_space<semaphore_mem>>) src(%arg9 : memref<128x384xi32, #tpu.memory_space<vmem>>) dst(%dma_wait3A_286 : memref<128x384xi32, #tpu.memory_space<hbm>>)
    %dma_start3A_287 = arith.constant 0 : i32
    %dma_start3A_288 = arith.constant 0 : i32
    %dma_start3A_289 = tpu.memref_slice %arg2[%dma_start3A_287, %dma_start3A_288] : memref<1000x384xi32, #tpu.memory_space<hbm>> -> memref<1000x384xi32, #tpu.memory_space<hbm>>
    tpu.enqueue_indirect_dma source(%dma_start3A_289 : memref<1000x384xi32, #tpu.memory_space<hbm>>) target(%arg9 : memref<128x384xi32, #tpu.memory_space<vmem>>) offsets(%arg7 : memref<128xi32, #tpu.memory_space<vmem>>) semaphore(%arg13 : memref<!tpu.dma_semaphore, #tpu.memory_space<semaphore_mem>>)
    %dma_wait3A_290 = arith.constant 0 : i32
    %dma_wait3A_291 = arith.constant 0 : i32
    %dma_wait3A_292 = tpu.memref_slice %arg2[%dma_wait3A_290, %dma_wait3A_291] : memref<1000x384xi32, #tpu.memory_space<hbm>> -> memref<1000x384xi32, #tpu.memory_space<hbm>>
    tpu.wait_indirect_dma semaphore(%arg13 : memref<!tpu.dma_semaphore, #tpu.memory_space<semaphore_mem>>) src(%dma_wait3A_292 : memref<1000x384xi32, #tpu.memory_space<hbm>>) dst(%arg9 : memref<128x384xi32, #tpu.memory_space<vmem>>)
    %add3A_293 = arith.constant 256 : i32
    %add3A_294 = arith.addi %mul3A_2, %add3A_293 : i32
    %dma_start3A_295 = arith.constant 0 : i32
    %dma_start3A_296 = tpu.memref_slice %arg4[%add3A_294, %dma_start3A_295] : memref<16384x384xi32, #tpu.memory_space<hbm>> -> memref<128x384xi32, #tpu.memory_space<hbm>>
    %dma_start3A_297 = arith.constant 0 : i32
    %dma_start3A_298 = tpu.memref_slice %arg4[%add3A_294, %dma_start3A_297] : memref<16384x384xi32, #tpu.memory_space<hbm>> -> memref<128x384xi32, #tpu.memory_space<hbm>>
    tpu.enqueue_dma source(%arg9 : memref<128x384xi32, #tpu.memory_space<vmem>>) target(%dma_start3A_298 : memref<128x384xi32, #tpu.memory_space<hbm>>) target_semaphore(%arg14 : memref<!tpu.dma_semaphore, #tpu.memory_space<semaphore_mem>>)
    %add3A_299 = arith.constant 24 : i32
    %add3A_300 = arith.addi %mul3A_4, %add3A_299 : i32
    %dma_wait3A_301 = arith.constant 0 : i32
    %dma_wait3A_302 = tpu.memref_slice %arg3[%add3A_300, %dma_wait3A_301] : memref<1024x16xi32, #tpu.memory_space<hbm>> -> memref<8x16xi32, #tpu.memory_space<hbm>>
    %dma_wait3A_303 = arith.constant 0 : i32
    %dma_wait3A_304 = tpu.memref_slice %arg3[%add3A_300, %dma_wait3A_303] : memref<1024x16xi32, #tpu.memory_space<hbm>> -> memref<8x16xi32, #tpu.memory_space<hbm>>
    tpu.wait_dma2 semaphore(%arg12 : memref<!tpu.dma_semaphore, #tpu.memory_space<semaphore_mem>>) src(%dma_wait3A_304 : memref<8x16xi32, #tpu.memory_space<hbm>>) dst(%arg6 : memref<8x16xi32, #tpu.memory_space<vmem>>)
    %get3A_305 = arith.constant 0 : i32
    %get3A_306 = arith.index_cast %get3A_305 : i32 to index
    %get3A_307 = arith.constant 0 : index
    %get3A_308 = tpu.vector_load %arg6[%get3A_306, %get3A_307] {strides = array<i32>} : memref<8x16xi32, #tpu.memory_space<vmem>>, vector<1x16xi32>,
    %get3A_309 = vector.shape_cast %get3A_308 : vector<1x16xi32> to vector<16xi32>
    %swap3A_310 = arith.constant 0 : index
    %swap3A_311 = tpu.vector_load %arg8[%swap3A_310] {strides = array<i32>} : memref<128xi32, #tpu.memory_space<vmem>>, vector<16xi32>,
    %swap3A_312 = vector.shape_cast %swap3A_311 : vector<16xi32> to vector<16xi32>
    %swap3A_313 = vector.shape_cast %get3A_309 : vector<16xi32> to vector<16xi32>
    tpu.vector_store %arg8[%swap3A_310], %swap3A_313 {strides = array<i32>} : memref<128xi32, #tpu.memory_space<vmem>>, vector<16xi32>,
    %get3A_314 = arith.constant 1 : i32
    %get3A_315 = arith.index_cast %get3A_314 : i32 to index
    %get3A_316 = arith.constant 0 : index
    %get3A_317 = tpu.vector_load %arg6[%get3A_315, %get3A_316] {strides = array<i32>} : memref<8x16xi32, #tpu.memory_space<vmem>>, vector<1x16xi32>,
    %get3A_318 = vector.shape_cast %get3A_317 : vector<1x16xi32> to vector<16xi32>
    %swap3A_319 = arith.constant 16 : index
    %swap3A_320 = tpu.vector_load %arg8[%swap3A_319] {strides = array<i32>} : memref<128xi32, #tpu.memory_space<vmem>>, vector<16xi32>,
    %swap3A_321 = vector.shape_cast %swap3A_320 : vector<16xi32> to vector<16xi32>
    %swap3A_322 = vector.shape_cast %get3A_318 : vector<16xi32> to vector<16xi32>
    tpu.vector_store %arg8[%swap3A_319], %swap3A_322 {strides = array<i32>} : memref<128xi32, #tpu.memory_space<vmem>>, vector<16xi32>,
    %get3A_323 = arith.constant 2 : i32
    %get3A_324 = arith.index_cast %get3A_323 : i32 to index
    %get3A_325 = arith.constant 0 : index
    %get3A_326 = tpu.vector_load %arg6[%get3A_324, %get3A_325] {strides = array<i32>} : memref<8x16xi32, #tpu.memory_space<vmem>>, vector<1x16xi32>,
    %get3A_327 = vector.shape_cast %get3A_326 : vector<1x16xi32> to vector<16xi32>
    %swap3A_328 = arith.constant 32 : index
    %swap3A_329 = tpu.vector_load %arg8[%swap3A_328] {strides = array<i32>} : memref<128xi32, #tpu.memory_space<vmem>>, vector<16xi32>,
    %swap3A_330 = vector.shape_cast %swap3A_329 : vector<16xi32> to vector<16xi32>
    %swap3A_331 = vector.shape_cast %get3A_327 : vector<16xi32> to vector<16xi32>
    tpu.vector_store %arg8[%swap3A_328], %swap3A_331 {strides = array<i32>} : memref<128xi32, #tpu.memory_space<vmem>>, vector<16xi32>,
    %get3A_332 = arith.constant 3 : i32
    %get3A_333 = arith.index_cast %get3A_332 : i32 to index
    %get3A_334 = arith.constant 0 : index
    %get3A_335 = tpu.vector_load %arg6[%get3A_333, %get3A_334] {strides = array<i32>} : memref<8x16xi32, #tpu.memory_space<vmem>>, vector<1x16xi32>,
    %get3A_336 = vector.shape_cast %get3A_335 : vector<1x16xi32> to vector<16xi32>
    %swap3A_337 = arith.constant 48 : index
    %swap3A_338 = tpu.vector_load %arg8[%swap3A_337] {strides = array<i32>} : memref<128xi32, #tpu.memory_space<vmem>>, vector<16xi32>,
    %swap3A_339 = vector.shape_cast %swap3A_338 : vector<16xi32> to vector<16xi32>
    %swap3A_340 = vector.shape_cast %get3A_336 : vector<16xi32> to vector<16xi32>
    tpu.vector_store %arg8[%swap3A_337], %swap3A_340 {strides = array<i32>} : memref<128xi32, #tpu.memory_space<vmem>>, vector<16xi32>,
    %get3A_341 = arith.constant 4 : i32
    %get3A_342 = arith.index_cast %get3A_341 : i32 to index
    %get3A_343 = arith.constant 0 : index
    %get3A_344 = tpu.vector_load %arg6[%get3A_342, %get3A_343] {strides = array<i32>} : memref<8x16xi32, #tpu.memory_space<vmem>>, vector<1x16xi32>,
    %get3A_345 = vector.shape_cast %get3A_344 : vector<1x16xi32> to vector<16xi32>
    %swap3A_346 = arith.constant 64 : index
    %swap3A_347 = tpu.vector_load %arg8[%swap3A_346] {strides = array<i32>} : memref<128xi32, #tpu.memory_space<vmem>>, vector<16xi32>,
    %swap3A_348 = vector.shape_cast %swap3A_347 : vector<16xi32> to vector<16xi32>
    %swap3A_349 = vector.shape_cast %get3A_345 : vector<16xi32> to vector<16xi32>
    tpu.vector_store %arg8[%swap3A_346], %swap3A_349 {strides = array<i32>} : memref<128xi32, #tpu.memory_space<vmem>>, vector<16xi32>,
    %get3A_350 = arith.constant 5 : i32
    %get3A_351 = arith.index_cast %get3A_350 : i32 to index
    %get3A_352 = arith.constant 0 : index
    %get3A_353 = tpu.vector_load %arg6[%get3A_351, %get3A_352] {strides = array<i32>} : memref<8x16xi32, #tpu.memory_space<vmem>>, vector<1x16xi32>,
    %get3A_354 = vector.shape_cast %get3A_353 : vector<1x16xi32> to vector<16xi32>
    %swap3A_355 = arith.constant 80 : index
    %swap3A_356 = tpu.vector_load %arg8[%swap3A_355] {strides = array<i32>} : memref<128xi32, #tpu.memory_space<vmem>>, vector<16xi32>,
    %swap3A_357 = vector.shape_cast %swap3A_356 : vector<16xi32> to vector<16xi32>
    %swap3A_358 = vector.shape_cast %get3A_354 : vector<16xi32> to vector<16xi32>
    tpu.vector_store %arg8[%swap3A_355], %swap3A_358 {strides = array<i32>} : memref<128xi32, #tpu.memory_space<vmem>>, vector<16xi32>,
    %get3A_359 = arith.constant 6 : i32
    %get3A_360 = arith.index_cast %get3A_359 : i32 to index
    %get3A_361 = arith.constant 0 : index
    %get3A_362 = tpu.vector_load %arg6[%get3A_360, %get3A_361] {strides = array<i32>} : memref<8x16xi32, #tpu.memory_space<vmem>>, vector<1x16xi32>,
    %get3A_363 = vector.shape_cast %get3A_362 : vector<1x16xi32> to vector<16xi32>
    %swap3A_364 = arith.constant 96 : index
    %swap3A_365 = tpu.vector_load %arg8[%swap3A_364] {strides = array<i32>} : memref<128xi32, #tpu.memory_space<vmem>>, vector<16xi32>,
    %swap3A_366 = vector.shape_cast %swap3A_365 : vector<16xi32> to vector<16xi32>
    %swap3A_367 = vector.shape_cast %get3A_363 : vector<16xi32> to vector<16xi32>
    tpu.vector_store %arg8[%swap3A_364], %swap3A_367 {strides = array<i32>} : memref<128xi32, #tpu.memory_space<vmem>>, vector<16xi32>,
    %get3A_368 = arith.constant 7 : i32
    %get3A_369 = arith.index_cast %get3A_368 : i32 to index
    %get3A_370 = arith.constant 0 : index
    %get3A_371 = tpu.vector_load %arg6[%get3A_369, %get3A_370] {strides = array<i32>} : memref<8x16xi32, #tpu.memory_space<vmem>>, vector<1x16xi32>,
    %get3A_372 = vector.shape_cast %get3A_371 : vector<1x16xi32> to vector<16xi32>
    %swap3A_373 = arith.constant 112 : index
    %swap3A_374 = tpu.vector_load %arg8[%swap3A_373] {strides = array<i32>} : memref<128xi32, #tpu.memory_space<vmem>>, vector<16xi32>,
    %swap3A_375 = vector.shape_cast %swap3A_374 : vector<16xi32> to vector<16xi32>
    %swap3A_376 = vector.shape_cast %get3A_372 : vector<16xi32> to vector<16xi32>
    tpu.vector_store %arg8[%swap3A_373], %swap3A_376 {strides = array<i32>} : memref<128xi32, #tpu.memory_space<vmem>>, vector<16xi32>,
    %add3A_377 = arith.constant 128 : i32
    %add3A_378 = arith.addi %mul3A_2, %add3A_377 : i32
    %dma_wait3A_379 = arith.constant 0 : i32
    %dma_wait3A_380 = tpu.memref_slice %arg4[%add3A_378, %dma_wait3A_379] : memref<16384x384xi32, #tpu.memory_space<hbm>> -> memref<128x384xi32, #tpu.memory_space<hbm>>
    %dma_wait3A_381 = arith.constant 0 : i32
    %dma_wait3A_382 = tpu.memref_slice %arg4[%add3A_378, %dma_wait3A_381] : memref<16384x384xi32, #tpu.memory_space<hbm>> -> memref<128x384xi32, #tpu.memory_space<hbm>>
    tpu.wait_dma2 semaphore(%arg15 : memref<!tpu.dma_semaphore, #tpu.memory_space<semaphore_mem>>) src(%arg10 : memref<128x384xi32, #tpu.memory_space<vmem>>) dst(%dma_wait3A_382 : memref<128x384xi32, #tpu.memory_space<hbm>>)
    %dma_start3A_383 = arith.constant 0 : i32
    %dma_start3A_384 = arith.constant 0 : i32
    %dma_start3A_385 = tpu.memref_slice %arg2[%dma_start3A_383, %dma_start3A_384] : memref<1000x384xi32, #tpu.memory_space<hbm>> -> memref<1000x384xi32, #tpu.memory_space<hbm>>
    tpu.enqueue_indirect_dma source(%dma_start3A_385 : memref<1000x384xi32, #tpu.memory_space<hbm>>) target(%arg10 : memref<128x384xi32, #tpu.memory_space<vmem>>) offsets(%arg8 : memref<128xi32, #tpu.memory_space<vmem>>) semaphore(%arg13 : memref<!tpu.dma_semaphore, #tpu.memory_space<semaphore_mem>>)
    %dma_wait3A_386 = arith.constant 0 : i32
    %dma_wait3A_387 = arith.constant 0 : i32
    %dma_wait3A_388 = tpu.memref_slice %arg2[%dma_wait3A_386, %dma_wait3A_387] : memref<1000x384xi32, #tpu.memory_space<hbm>> -> memref<1000x384xi32, #tpu.memory_space<hbm>>
    tpu.wait_indirect_dma semaphore(%arg13 : memref<!tpu.dma_semaphore, #tpu.memory_space<semaphore_mem>>) src(%dma_wait3A_388 : memref<1000x384xi32, #tpu.memory_space<hbm>>) dst(%arg10 : memref<128x384xi32, #tpu.memory_space<vmem>>)
    %add3A_389 = arith.constant 384 : i32
    %add3A_390 = arith.addi %mul3A_2, %add3A_389 : i32
    %dma_start3A_391 = arith.constant 0 : i32
    %dma_start3A_392 = tpu.memref_slice %arg4[%add3A_390, %dma_start3A_391] : memref<16384x384xi32, #tpu.memory_space<hbm>> -> memref<128x384xi32, #tpu.memory_space<hbm>>
    %dma_start3A_393 = arith.constant 0 : i32
    %dma_start3A_394 = tpu.memref_slice %arg4[%add3A_390, %dma_start3A_393] : memref<16384x384xi32, #tpu.memory_space<hbm>> -> memref<128x384xi32, #tpu.memory_space<hbm>>
    tpu.enqueue_dma source(%arg10 : memref<128x384xi32, #tpu.memory_space<vmem>>) target(%dma_start3A_394 : memref<128x384xi32, #tpu.memory_space<hbm>>) target_semaphore(%arg15 : memref<!tpu.dma_semaphore, #tpu.memory_space<semaphore_mem>>)
    %add3A_395 = arith.constant 256 : i32
    %add3A_396 = arith.addi %mul3A_2, %add3A_395 : i32
    %dma_wait3A_397 = arith.constant 0 : i32
    %dma_wait3A_398 = tpu.memref_slice %arg4[%add3A_396, %dma_wait3A_397] : memref<16384x384xi32, #tpu.memory_space<hbm>> -> memref<128x384xi32, #tpu.memory_space<hbm>>
    %dma_wait3A_399 = arith.constant 0 : i32
    %dma_wait3A_400 = tpu.memref_slice %arg4[%add3A_396, %dma_wait3A_399] : memref<16384x384xi32, #tpu.memory_space<hbm>> -> memref<128x384xi32, #tpu.memory_space<hbm>>
    tpu.wait_dma2 semaphore(%arg14 : memref<!tpu.dma_semaphore, #tpu.memory_space<semaphore_mem>>) src(%arg9 : memref<128x384xi32, #tpu.memory_space<vmem>>) dst(%dma_wait3A_400 : memref<128x384xi32, #tpu.memory_space<hbm>>)
    %add3A_401 = arith.constant 384 : i32
    %add3A_402 = arith.addi %mul3A_2, %add3A_401 : i32
    %dma_wait3A_403 = arith.constant 0 : i32
    %dma_wait3A_404 = tpu.memref_slice %arg4[%add3A_402, %dma_wait3A_403] : memref<16384x384xi32, #tpu.memory_space<hbm>> -> memref<128x384xi32, #tpu.memory_space<hbm>>
    %dma_wait3A_405 = arith.constant 0 : i32
    %dma_wait3A_406 = tpu.memref_slice %arg4[%add3A_402, %dma_wait3A_405] : memref<16384x384xi32, #tpu.memory_space<hbm>> -> memref<128x384xi32, #tpu.memory_space<hbm>>
    tpu.wait_dma2 semaphore(%arg15 : memref<!tpu.dma_semaphore, #tpu.memory_space<semaphore_mem>>) src(%arg10 : memref<128x384xi32, #tpu.memory_space<vmem>>) dst(%dma_wait3A_406 : memref<128x384xi32, #tpu.memory_space<hbm>>)
    return
  }
}

module attributes {stable_mosaic.version = 14 : i64} {
  func.func @_prep_body(%arg0: memref<256x256xf32, #tpu.memory_space<vmem>>, %arg1: memref<256x256xf32, #tpu.memory_space<vmem>>, %arg2: memref<256x256xf32, #tpu.memory_space<vmem>>, %arg3: memref<256x256xf32, #tpu.memory_space<vmem>>, %arg4: memref<256x256xf32, #tpu.memory_space<vmem>>, %arg5: memref<1x256xf32, #tpu.memory_space<vmem>>, %arg6: memref<1x256xf32, #tpu.memory_space<vmem>>, %arg7: memref<256x256xf32, #tpu.memory_space<vmem>>, %arg8: memref<256x256xf32, #tpu.memory_space<vmem>>, %arg9: memref<256x512xbf16, #tpu.memory_space<vmem>>, %arg10: memref<256x256xbf16, #tpu.memory_space<vmem>>, %arg11: memref<1x256xf32, #tpu.memory_space<vmem>>) attributes {dimension_semantics = [], scalar_prefetch = 0 : i64, scratch_operands = 0 : i64, tpu.core_type = #tpu.core_type<tc>} {
    %get3A = arith.constant 0 : index
    %get3A_0 = arith.constant 0 : index
    %get3A_1 = vector.load %arg1[%get3A, %get3A_0] : memref<256x256xf32, #tpu.memory_space<vmem>>, vector<256x256xf32>
    %get3A_2 = arith.constant 0 : index
    %get3A_3 = arith.constant 0 : index
    %get3A_4 = vector.load %arg0[%get3A_2, %get3A_3] : memref<256x256xf32, #tpu.memory_space<vmem>>, vector<256x256xf32>
    %dot_general3A = arith.constant dense<0.000000e+00> : vector<256x256xf32>
    %dot_general3A_5 = tpu.matmul %get3A_4, %get3A_1, %dot_general3A {dimension_numbers = #tpu.dot_dimension_numbers<[1], [0], [0], [1], [0, 0, 1, 1], [], []>, transpose_lhs_hint = false} : vector<256x256xf32>, vector<256x256xf32>, vector<256x256xf32> -> vector<256x256xf32>
    %swap3A = arith.constant 0 : index
    %swap3A_6 = arith.constant 0 : index
    %swap3A_7 = vector.load %arg7[%swap3A, %swap3A_6] : memref<256x256xf32, #tpu.memory_space<vmem>>, vector<256x256xf32>
    tpu.vector_store %arg7[%swap3A, %swap3A_6], %dot_general3A_5 {strides = array<i32>} : memref<256x256xf32, #tpu.memory_space<vmem>>, vector<256x256xf32>,
    %get3A_8 = arith.constant 0 : index
    %get3A_9 = arith.constant 0 : index
    %get3A_10 = vector.load %arg2[%get3A_8, %get3A_9] : memref<256x256xf32, #tpu.memory_space<vmem>>, vector<256x256xf32>
    %dot_general3A_11 = arith.constant dense<0.000000e+00> : vector<256x256xf32>
    %dot_general3A_12 = tpu.matmul %get3A_10, %get3A_1, %dot_general3A_11 {dimension_numbers = #tpu.dot_dimension_numbers<[1], [0], [0], [1], [0, 0, 1, 1], [], []>, transpose_lhs_hint = false} : vector<256x256xf32>, vector<256x256xf32>, vector<256x256xf32> -> vector<256x256xf32>
    %swap3A_13 = arith.constant 0 : index
    %swap3A_14 = arith.constant 0 : index
    %swap3A_15 = vector.load %arg8[%swap3A_13, %swap3A_14] : memref<256x256xf32, #tpu.memory_space<vmem>>, vector<256x256xf32>
    tpu.vector_store %arg8[%swap3A_13, %swap3A_14], %dot_general3A_12 {strides = array<i32>} : memref<256x256xf32, #tpu.memory_space<vmem>>, vector<256x256xf32>,
    %get3A_16 = arith.constant 0 : index
    %get3A_17 = arith.constant 0 : index
    %get3A_18 = vector.load %arg3[%get3A_16, %get3A_17] : memref<256x256xf32, #tpu.memory_space<vmem>>, vector<256x256xf32>
    %dot_general3A_19 = arith.constant dense<0.000000e+00> : vector<256x256xf32>
    %dot_general3A_20 = tpu.matmul %get3A_18, %get3A_1, %dot_general3A_19 {dimension_numbers = #tpu.dot_dimension_numbers<[1], [0], [0], [1], [0, 0, 1, 1], [], []>, transpose_lhs_hint = false} : vector<256x256xf32>, vector<256x256xf32>, vector<256x256xf32> -> vector<256x256xf32>
    %get3A_21 = arith.constant 0 : index
    %get3A_22 = arith.constant 0 : index
    %get3A_23 = vector.load %arg3[%get3A_21, %get3A_22] : memref<256x256xf32, #tpu.memory_space<vmem>>, vector<256x256xf32>
    %concatenate3A = tpu.concatenate %get3A_23, %dot_general3A_20 in 1 : vector<256x256xf32>, vector<256x256xf32> -> vector<256x512xf32>
    %convert_element_type3A = arith.truncf %concatenate3A : vector<256x512xf32> to vector<256x512xbf16>
    %swap3A_24 = arith.constant 0 : index
    %swap3A_25 = arith.constant 0 : index
    %swap3A_26 = vector.load %arg9[%swap3A_24, %swap3A_25] : memref<256x512xbf16, #tpu.memory_space<vmem>>, vector<256x512xbf16>
    tpu.vector_store %arg9[%swap3A_24, %swap3A_25], %convert_element_type3A {strides = array<i32>} : memref<256x512xbf16, #tpu.memory_space<vmem>>, vector<256x512xbf16>,
    %get3A_27 = arith.constant 0 : index
    %get3A_28 = arith.constant 0 : index
    %get3A_29 = vector.load %arg4[%get3A_27, %get3A_28] : memref<256x256xf32, #tpu.memory_space<vmem>>, vector<256x256xf32>
    %convert_element_type3A_30 = arith.truncf %get3A_29 : vector<256x256xf32> to vector<256x256xbf16>
    %swap3A_31 = arith.constant 0 : index
    %swap3A_32 = arith.constant 0 : index
    %swap3A_33 = vector.load %arg10[%swap3A_31, %swap3A_32] : memref<256x256xbf16, #tpu.memory_space<vmem>>, vector<256x256xbf16>
    tpu.vector_store %arg10[%swap3A_31, %swap3A_32], %convert_element_type3A_30 {strides = array<i32>} : memref<256x256xbf16, #tpu.memory_space<vmem>>, vector<256x256xbf16>,
    %get3A_34 = arith.constant 0 : index
    %get3A_35 = arith.constant 0 : index
    %get3A_36 = vector.load %arg5[%get3A_34, %get3A_35] : memref<1x256xf32, #tpu.memory_space<vmem>>, vector<1x256xf32>
    %get3A_37 = arith.constant 0 : index
    %get3A_38 = arith.constant 0 : index
    %get3A_39 = vector.load %arg6[%get3A_37, %get3A_38] : memref<1x256xf32, #tpu.memory_space<vmem>>, vector<1x256xf32>
    %dot_general3A_40 = arith.constant dense<0.000000e+00> : vector<1x256xf32>
    %dot_general3A_41 = tpu.matmul %get3A_39, %get3A_1, %dot_general3A_40 {dimension_numbers = #tpu.dot_dimension_numbers<[1], [0], [0], [1], [0, 0, 1, 1], [], []>, transpose_lhs_hint = false} : vector<1x256xf32>, vector<256x256xf32>, vector<1x256xf32> -> vector<1x256xf32>
    %add3A = arith.addf %get3A_36, %dot_general3A_41 : vector<1x256xf32>
    %swap3A_42 = arith.constant 0 : index
    %swap3A_43 = arith.constant 0 : index
    %swap3A_44 = vector.load %arg11[%swap3A_42, %swap3A_43] : memref<1x256xf32, #tpu.memory_space<vmem>>, vector<1x256xf32>
    tpu.vector_store %arg11[%swap3A_42, %swap3A_43], %add3A {strides = array<i32>} : memref<1x256xf32, #tpu.memory_space<vmem>>, vector<1x256xf32>,
    return
  }
}

module attributes {stable_mosaic.version = 14 : i64} {
  func.func @_pernode_body(%arg0: i32, %arg1: i32, %arg2: memref<1x512x256xf32, #tpu.memory_space<vmem>>, %arg3: memref<1x512x256xf32, #tpu.memory_space<vmem>>, %arg4: memref<256x256xf32, #tpu.memory_space<vmem>>, %arg5: memref<1x256xf32, #tpu.memory_space<vmem>>, %arg6: memref<256x256xf32, #tpu.memory_space<vmem>>, %arg7: memref<256x256xf32, #tpu.memory_space<vmem>>, %arg8: memref<256x256xf32, #tpu.memory_space<vmem>>, %arg9: memref<256x256xf32, #tpu.memory_space<vmem>>, %arg10: memref<1x256xf32, #tpu.memory_space<vmem>>, %arg11: memref<1x512x384xi32, #tpu.memory_space<vmem>>, %arg12: memref<1x512x512xf32, #tpu.memory_space<vmem>>) attributes {dimension_semantics = [#tpu.dimension_semantics<arbitrary>, #tpu.dimension_semantics<arbitrary>], iteration_bounds = array<i64: 4, 2>, scalar_prefetch = 0 : i64, scratch_operands = 0 : i64, tpu.core_type = #tpu.core_type<tc>, window_params = [{transform_indices = @transform_0, window_bounds = array<i64: 1, 512, 256>}, {transform_indices = @transform_1, window_bounds = array<i64: 1, 512, 256>}, {pipeline_mode = #tpu.pipeline_mode<synchronous>, transform_indices = @transform_2, window_bounds = array<i64: 256, 256>}, {pipeline_mode = #tpu.pipeline_mode<synchronous>, transform_indices = @transform_3, window_bounds = array<i64: 1, 256>}, {pipeline_mode = #tpu.pipeline_mode<synchronous>, transform_indices = @transform_4, window_bounds = array<i64: 256, 256>}, {pipeline_mode = #tpu.pipeline_mode<synchronous>, transform_indices = @transform_5, window_bounds = array<i64: 256, 256>}, {pipeline_mode = #tpu.pipeline_mode<synchronous>, transform_indices = @transform_6, window_bounds = array<i64: 256, 256>}, {pipeline_mode = #tpu.pipeline_mode<synchronous>, transform_indices = @transform_7, window_bounds = array<i64: 256, 256>}, {pipeline_mode = #tpu.pipeline_mode<synchronous>, transform_indices = @transform_8, window_bounds = array<i64: 1, 256>}, {transform_indices = @transform_9, window_bounds = array<i64: 1, 512, 384>}, {transform_indices = @transform_10, window_bounds = array<i64: 1, 512, 512>}]} {
    %get3A = arith.constant 0 : index
    %get3A_0 = arith.constant 0 : index
    %get3A_1 = arith.constant 0 : index
    %get3A_2 = vector.load %arg2[%get3A, %get3A_0, %get3A_1] : memref<1x512x256xf32, #tpu.memory_space<vmem>>, vector<1x512x256xf32>
    %get3A_3 = vector.shape_cast %get3A_2 : vector<1x512x256xf32> to vector<512x256xf32>
    %get3A_4 = arith.constant 0 : index
    %get3A_5 = arith.constant 0 : index
    %get3A_6 = vector.load %arg4[%get3A_4, %get3A_5] : memref<256x256xf32, #tpu.memory_space<vmem>>, vector<256x256xf32>
    %dot_general3A = arith.constant dense<0.000000e+00> : vector<512x256xf32>
    %dot_general3A_7 = tpu.matmul %get3A_3, %get3A_6, %dot_general3A {dimension_numbers = #tpu.dot_dimension_numbers<[1], [0], [0], [1], [0, 0, 1, 1], [], []>, transpose_lhs_hint = false} : vector<512x256xf32>, vector<256x256xf32>, vector<512x256xf32> -> vector<512x256xf32>
    %get3A_8 = arith.constant 0 : index
    %get3A_9 = arith.constant 0 : index
    %get3A_10 = vector.load %arg5[%get3A_8, %get3A_9] : memref<1x256xf32, #tpu.memory_space<vmem>>, vector<1x256xf32>
    %add3A = vector.broadcast %get3A_10 : vector<1x256xf32> to vector<512x256xf32>
    %add3A_11 = arith.addf %dot_general3A_7, %add3A : vector<512x256xf32>
    %get3A_12 = arith.constant 0 : index
    %get3A_13 = arith.constant 0 : index
    %get3A_14 = arith.constant 0 : index
    %get3A_15 = vector.load %arg3[%get3A_12, %get3A_13, %get3A_14] : memref<1x512x256xf32, #tpu.memory_space<vmem>>, vector<1x512x256xf32>
    %get3A_16 = vector.shape_cast %get3A_15 : vector<1x512x256xf32> to vector<512x256xf32>
    %get3A_17 = arith.constant 0 : index
    %get3A_18 = arith.constant 0 : index
    %get3A_19 = vector.load %arg6[%get3A_17, %get3A_18] : memref<256x256xf32, #tpu.memory_space<vmem>>, vector<256x256xf32>
    %dot_general3A_20 = arith.constant dense<0.000000e+00> : vector<512x256xf32>
    %dot_general3A_21 = tpu.matmul %get3A_16, %get3A_19, %dot_general3A_20 {dimension_numbers = #tpu.dot_dimension_numbers<[1], [0], [0], [1], [0, 0, 1, 1], [], []>, transpose_lhs_hint = false} : vector<512x256xf32>, vector<256x256xf32>, vector<512x256xf32> -> vector<512x256xf32>
    %get3A_22 = arith.constant 0 : index
    %get3A_23 = arith.constant 0 : index
    %get3A_24 = vector.load %arg8[%get3A_22, %get3A_23] : memref<256x256xf32, #tpu.memory_space<vmem>>, vector<256x256xf32>
    %dot_general3A_25 = arith.constant dense<0.000000e+00> : vector<512x256xf32>
    %dot_general3A_26 = tpu.matmul %add3A_11, %get3A_24, %dot_general3A_25 {dimension_numbers = #tpu.dot_dimension_numbers<[1], [0], [0], [1], [0, 0, 1, 1], [], []>, transpose_lhs_hint = false} : vector<512x256xf32>, vector<256x256xf32>, vector<512x256xf32> -> vector<512x256xf32>
    %get3A_27 = arith.constant 0 : index
    %get3A_28 = arith.constant 0 : index
    %get3A_29 = vector.load %arg7[%get3A_27, %get3A_28] : memref<256x256xf32, #tpu.memory_space<vmem>>, vector<256x256xf32>
    %dot_general3A_30 = arith.constant dense<0.000000e+00> : vector<512x256xf32>
    %dot_general3A_31 = tpu.matmul %add3A_11, %get3A_29, %dot_general3A_30 {dimension_numbers = #tpu.dot_dimension_numbers<[1], [0], [0], [1], [0, 0, 1, 1], [], []>, transpose_lhs_hint = false} : vector<512x256xf32>, vector<256x256xf32>, vector<512x256xf32> -> vector<512x256xf32>
    %get3A_32 = arith.constant 0 : index
    %get3A_33 = arith.constant 0 : index
    %get3A_34 = vector.load %arg9[%get3A_32, %get3A_33] : memref<256x256xf32, #tpu.memory_space<vmem>>, vector<256x256xf32>
    %dot_general3A_35 = arith.constant dense<0.000000e+00> : vector<512x256xf32>
    %dot_general3A_36 = tpu.matmul %add3A_11, %get3A_34, %dot_general3A_35 {dimension_numbers = #tpu.dot_dimension_numbers<[1], [0], [0], [1], [0, 0, 1, 1], [], []>, transpose_lhs_hint = false} : vector<512x256xf32>, vector<256x256xf32>, vector<512x256xf32> -> vector<512x256xf32>
    %get3A_37 = arith.constant 0 : index
    %get3A_38 = arith.constant 0 : index
    %get3A_39 = vector.load %arg10[%get3A_37, %get3A_38] : memref<1x256xf32, #tpu.memory_space<vmem>>, vector<1x256xf32>
    %add3A_40 = vector.broadcast %get3A_39 : vector<1x256xf32> to vector<512x256xf32>
    %add3A_41 = arith.addf %dot_general3A_36, %add3A_40 : vector<512x256xf32>
    %concatenate3A = tpu.concatenate %dot_general3A_21, %dot_general3A_26, %dot_general3A_31 in 1 : vector<512x256xf32>, vector<512x256xf32>, vector<512x256xf32> -> vector<512x768xf32>
    %slice3A = vector.extract_strided_slice %concatenate3A {offsets = [0, 0], sizes = [512, 384], strides = [1, 1]} : vector<512x768xf32> to vector<512x384xf32>
    %convert_element_type3A = arith.truncf %slice3A : vector<512x384xf32> to vector<512x384xbf16>
    %convert_element_type3A_42 = arith.extf %convert_element_type3A : vector<512x384xbf16> to vector<512x384xf32>
    %slice3A_43 = vector.extract_strided_slice %concatenate3A {offsets = [0, 384], sizes = [512, 384], strides = [1, 1]} : vector<512x768xf32> to vector<512x384xf32>
    %convert_element_type3A_44 = arith.truncf %slice3A_43 : vector<512x384xf32> to vector<512x384xbf16>
    %convert_element_type3A_45 = arith.extf %convert_element_type3A_44 : vector<512x384xbf16> to vector<512x384xf32>
    %bitcast_convert_type3A = tpu.bitcast %convert_element_type3A_45 : vector<512x384xf32> -> vector<512x384xi32>
    %bitcast_convert_type3A_46 = tpu.bitcast %convert_element_type3A_42 : vector<512x384xf32> -> vector<512x384xi32>
    %shift_right_logical3A = arith.constant 16 : i32
    %shift_right_logical3A_47 = vector.broadcast %shift_right_logical3A : i32 to vector<512x384xi32>
    %shift_right_logical3A_48 = arith.shrui %bitcast_convert_type3A_46, %shift_right_logical3A_47 : vector<512x384xi32>
    %or3A = arith.ori %bitcast_convert_type3A, %shift_right_logical3A_48 : vector<512x384xi32>
    %bitcast_convert_type3A_49 = tpu.bitcast %or3A : vector<512x384xi32> -> vector<512x384xi32>
    %swap3A = arith.constant 0 : index
    %swap3A_50 = arith.constant 0 : index
    %swap3A_51 = arith.constant 0 : index
    %swap3A_52 = vector.load %arg11[%swap3A, %swap3A_50, %swap3A_51] : memref<1x512x384xi32, #tpu.memory_space<vmem>>, vector<1x512x384xi32>
    %swap3A_53 = vector.shape_cast %swap3A_52 : vector<1x512x384xi32> to vector<512x384xi32>
    %swap3A_54 = vector.shape_cast %bitcast_convert_type3A_49 : vector<512x384xi32> to vector<1x512x384xi32>
    tpu.vector_store %arg11[%swap3A, %swap3A_50, %swap3A_51], %swap3A_54 {strides = array<i32>} : memref<1x512x384xi32, #tpu.memory_space<vmem>>, vector<1x512x384xi32>,
    %concatenate3A_55 = tpu.concatenate %dot_general3A_21, %add3A_41 in 1 : vector<512x256xf32>, vector<512x256xf32> -> vector<512x512xf32>
    %swap3A_56 = arith.constant 0 : index
    %swap3A_57 = arith.constant 0 : index
    %swap3A_58 = arith.constant 0 : index
    %swap3A_59 = vector.load %arg12[%swap3A_56, %swap3A_57, %swap3A_58] : memref<1x512x512xf32, #tpu.memory_space<vmem>>, vector<1x512x512xf32>
    %swap3A_60 = vector.shape_cast %swap3A_59 : vector<1x512x512xf32> to vector<512x512xf32>
    %swap3A_61 = vector.shape_cast %concatenate3A_55 : vector<512x512xf32> to vector<1x512x512xf32>
    tpu.vector_store %arg12[%swap3A_56, %swap3A_57, %swap3A_58], %swap3A_61 {strides = array<i32>} : memref<1x512x512xf32, #tpu.memory_space<vmem>>, vector<1x512x512xf32>,
    return
  }
  func.func @transform_0(%arg0: i32, %arg1: i32) -> (i32, i32, i32) {
    %c0_i32 = arith.constant 0 : i32
    %c0_i32_0 = arith.constant 0 : i32
    return %arg0, %arg1, %c0_i32 : i32, i32, i32
  }
  func.func @transform_1(%arg0: i32, %arg1: i32) -> (i32, i32, i32) {
    %c0_i32 = arith.constant 0 : i32
    %c0_i32_0 = arith.constant 0 : i32
    return %arg0, %arg1, %c0_i32 : i32, i32, i32
  }
  func.func @transform_2(%arg0: i32, %arg1: i32) -> (i32, i32) {
    %c0_i32 = arith.constant 0 : i32
    %c0_i32_0 = arith.constant 0 : i32
    %c0_i32_1 = arith.constant 0 : i32
    return %c0_i32, %c0_i32_0 : i32, i32
  }
  func.func @transform_3(%arg0: i32, %arg1: i32) -> (i32, i32) {
    %c0_i32 = arith.constant 0 : i32
    %c0_i32_0 = arith.constant 0 : i32
    %c0_i32_1 = arith.constant 0 : i32
    return %c0_i32, %c0_i32_0 : i32, i32
  }
  func.func @transform_4(%arg0: i32, %arg1: i32) -> (i32, i32) {
    %c0_i32 = arith.constant 0 : i32
    %c0_i32_0 = arith.constant 0 : i32
    %c0_i32_1 = arith.constant 0 : i32
    return %c0_i32, %c0_i32_0 : i32, i32
  }
  func.func @transform_5(%arg0: i32, %arg1: i32) -> (i32, i32) {
    %c0_i32 = arith.constant 0 : i32
    %c0_i32_0 = arith.constant 0 : i32
    %c0_i32_1 = arith.constant 0 : i32
    return %c0_i32, %c0_i32_0 : i32, i32
  }
  func.func @transform_6(%arg0: i32, %arg1: i32) -> (i32, i32) {
    %c0_i32 = arith.constant 0 : i32
    %c0_i32_0 = arith.constant 0 : i32
    %c0_i32_1 = arith.constant 0 : i32
    return %c0_i32, %c0_i32_0 : i32, i32
  }
  func.func @transform_7(%arg0: i32, %arg1: i32) -> (i32, i32) {
    %c0_i32 = arith.constant 0 : i32
    %c0_i32_0 = arith.constant 0 : i32
    %c0_i32_1 = arith.constant 0 : i32
    return %c0_i32, %c0_i32_0 : i32, i32
  }
  func.func @transform_8(%arg0: i32, %arg1: i32) -> (i32, i32) {
    %c0_i32 = arith.constant 0 : i32
    %c0_i32_0 = arith.constant 0 : i32
    %c0_i32_1 = arith.constant 0 : i32
    return %c0_i32, %c0_i32_0 : i32, i32
  }
  func.func @transform_9(%arg0: i32, %arg1: i32) -> (i32, i32, i32) {
    %c0_i32 = arith.constant 0 : i32
    %c0_i32_0 = arith.constant 0 : i32
    return %arg0, %arg1, %c0_i32 : i32, i32, i32
  }
  func.func @transform_10(%arg0: i32, %arg1: i32) -> (i32, i32, i32) {
    %c0_i32 = arith.constant 0 : i32
    %c0_i32_0 = arith.constant 0 : i32
    return %arg0, %arg1, %c0_i32 : i32, i32, i32
  }
}

module attributes {stable_mosaic.version = 14 : i64} {
  func.func @_topk_body(%arg0: i32, %arg1: memref<512x4xf32, #tpu.memory_space<vmem>>, %arg2: memref<8x1024xf32, #tpu.memory_space<vmem>>, %arg3: memref<2xf32, #tpu.memory_space<smem>>, %arg4: memref<1xf32, #tpu.memory_space<smem>>, %arg5: memref<512x16xi32, #tpu.memory_space<vmem>>, %arg6: memref<512x16xi32, #tpu.memory_space<vmem>>) attributes {dimension_semantics = [#tpu.dimension_semantics<arbitrary>], iteration_bounds = array<i64: 2>, scalar_prefetch = 0 : i64, scratch_operands = 0 : i64, tpu.core_type = #tpu.core_type<tc>, window_params = [{transform_indices = @transform_0, window_bounds = array<i64: 512, 4>}, {pipeline_mode = #tpu.pipeline_mode<synchronous>, transform_indices = @transform_1, window_bounds = array<i64: 8, 1024>}, {transform_indices = @transform_2, window_bounds = array<i64: 2>}, {transform_indices = @transform_3, window_bounds = array<i64: 1>}, {transform_indices = @transform_4, window_bounds = array<i64: 512, 16>}, {transform_indices = @transform_5, window_bounds = array<i64: 512, 16>}]} {
    %get3A = arith.constant 0 : index
    %get3A_0 = arith.constant 0 : index
    %get3A_1 = vector.load %arg1[%get3A, %get3A_0] : memref<512x4xf32, #tpu.memory_space<vmem>>, vector<512x4xf32>
    %get3A_2 = arith.constant 0 : index
    %get3A_3 = arith.constant 0 : index
    %get3A_4 = vector.load %arg2[%get3A_2, %get3A_3] : memref<8x1024xf32, #tpu.memory_space<vmem>>, vector<8x1024xf32>
    %slice3A = vector.extract_strided_slice %get3A_1 {offsets = [0, 0], sizes = [512, 1], strides = [1, 1]} : vector<512x4xf32> to vector<512x1xf32>
    %slice3A_5 = vector.extract_strided_slice %get3A_1 {offsets = [0, 1], sizes = [512, 1], strides = [1, 1]} : vector<512x4xf32> to vector<512x1xf32>
    %slice3A_6 = vector.extract_strided_slice %get3A_1 {offsets = [0, 2], sizes = [512, 1], strides = [1, 1]} : vector<512x4xf32> to vector<512x1xf32>
    %mul3A = arith.constant 5.000000e-01 : f32
    %mul3A_7 = vector.broadcast %mul3A : f32 to vector<512x1xf32>
    %mul3A_8 = arith.mulf %mul3A_7, %slice3A_6 : vector<512x1xf32>
    %slice3A_9 = vector.extract_strided_slice %get3A_1 {offsets = [0, 3], sizes = [512, 1], strides = [1, 1]} : vector<512x4xf32> to vector<512x1xf32>
    %mul3A_10 = arith.constant 5.000000e-01 : f32
    %mul3A_11 = vector.broadcast %mul3A_10 : f32 to vector<512x1xf32>
    %mul3A_12 = arith.mulf %mul3A_11, %slice3A_9 : vector<512x1xf32>
    %sub3A = arith.subf %slice3A, %mul3A_8 : vector<512x1xf32>
    %sub3A_13 = arith.subf %slice3A_5, %mul3A_12 : vector<512x1xf32>
    %add3A = arith.addf %slice3A, %mul3A_8 : vector<512x1xf32>
    %add3A_14 = arith.addf %slice3A_5, %mul3A_12 : vector<512x1xf32>
    %slice3A_15 = vector.extract_strided_slice %get3A_4 {offsets = [0, 0], sizes = [1, 1024], strides = [1, 1]} : vector<8x1024xf32> to vector<1x1024xf32>
    %slice3A_16 = vector.extract_strided_slice %get3A_4 {offsets = [1, 0], sizes = [1, 1024], strides = [1, 1]} : vector<8x1024xf32> to vector<1x1024xf32>
    %slice3A_17 = vector.extract_strided_slice %get3A_4 {offsets = [2, 0], sizes = [1, 1024], strides = [1, 1]} : vector<8x1024xf32> to vector<1x1024xf32>
    %mul3A_18 = arith.constant 5.000000e-01 : f32
    %mul3A_19 = vector.broadcast %mul3A_18 : f32 to vector<1x1024xf32>
    %mul3A_20 = arith.mulf %mul3A_19, %slice3A_17 : vector<1x1024xf32>
    %slice3A_21 = vector.extract_strided_slice %get3A_4 {offsets = [3, 0], sizes = [1, 1024], strides = [1, 1]} : vector<8x1024xf32> to vector<1x1024xf32>
    %mul3A_22 = arith.constant 5.000000e-01 : f32
    %mul3A_23 = vector.broadcast %mul3A_22 : f32 to vector<1x1024xf32>
    %mul3A_24 = arith.mulf %mul3A_23, %slice3A_21 : vector<1x1024xf32>
    %sub3A_25 = arith.subf %slice3A_15, %mul3A_20 : vector<1x1024xf32>
    %sub3A_26 = arith.subf %slice3A_16, %mul3A_24 : vector<1x1024xf32>
    %add3A_27 = arith.addf %slice3A_15, %mul3A_20 : vector<1x1024xf32>
    %add3A_28 = arith.addf %slice3A_16, %mul3A_24 : vector<1x1024xf32>
    %sub3A_29 = vector.broadcast %slice3A : vector<512x1xf32> to vector<512x1024xf32>
    %sub3A_30 = vector.broadcast %slice3A_15 : vector<1x1024xf32> to vector<512x1024xf32>
    %sub3A_31 = arith.subf %sub3A_29, %sub3A_30 : vector<512x1024xf32>
    %sub3A_32 = vector.broadcast %slice3A_5 : vector<512x1xf32> to vector<512x1024xf32>
    %sub3A_33 = vector.broadcast %slice3A_16 : vector<1x1024xf32> to vector<512x1024xf32>
    %sub3A_34 = arith.subf %sub3A_32, %sub3A_33 : vector<512x1024xf32>
    %mul3A_35 = arith.mulf %sub3A_31, %sub3A_31 : vector<512x1024xf32>
    %mul3A_36 = arith.mulf %sub3A_34, %sub3A_34 : vector<512x1024xf32>
    %add3A_37 = arith.addf %mul3A_35, %mul3A_36 : vector<512x1024xf32>
    %sqrt3A = math.sqrt %add3A_37 : vector<512x1024xf32>
    %min3A = vector.broadcast %add3A : vector<512x1xf32> to vector<512x1024xf32>
    %min3A_38 = vector.broadcast %add3A_27 : vector<1x1024xf32> to vector<512x1024xf32>
    %min3A_39 = arith.minimumf %min3A, %min3A_38 : vector<512x1024xf32>
    %max3A = vector.broadcast %sub3A : vector<512x1xf32> to vector<512x1024xf32>
    %max3A_40 = vector.broadcast %sub3A_25 : vector<1x1024xf32> to vector<512x1024xf32>
    %max3A_41 = arith.maximumf %max3A, %max3A_40 : vector<512x1024xf32>
    %sub3A_42 = arith.subf %min3A_39, %max3A_41 : vector<512x1024xf32>
    %jit3A = arith.constant 0.000000e+00 : f32
    %max3A_43 = vector.broadcast %jit3A : f32 to vector<512x1024xf32>
    %max3A_44 = arith.maximumf %max3A_43, %sub3A_42 : vector<512x1024xf32>
    %min3A_45 = vector.broadcast %add3A_14 : vector<512x1xf32> to vector<512x1024xf32>
    %min3A_46 = vector.broadcast %add3A_28 : vector<1x1024xf32> to vector<512x1024xf32>
    %min3A_47 = arith.minimumf %min3A_45, %min3A_46 : vector<512x1024xf32>
    %max3A_48 = vector.broadcast %sub3A_13 : vector<512x1xf32> to vector<512x1024xf32>
    %max3A_49 = vector.broadcast %sub3A_26 : vector<1x1024xf32> to vector<512x1024xf32>
    %max3A_50 = arith.maximumf %max3A_48, %max3A_49 : vector<512x1024xf32>
    %sub3A_51 = arith.subf %min3A_47, %max3A_50 : vector<512x1024xf32>
    %jit3A_52 = arith.constant 0.000000e+00 : f32
    %max3A_53 = vector.broadcast %jit3A_52 : f32 to vector<512x1024xf32>
    %max3A_54 = arith.maximumf %max3A_53, %sub3A_51 : vector<512x1024xf32>
    %max3A_55 = vector.broadcast %add3A : vector<512x1xf32> to vector<512x1024xf32>
    %max3A_56 = vector.broadcast %add3A_27 : vector<1x1024xf32> to vector<512x1024xf32>
    %max3A_57 = arith.maximumf %max3A_55, %max3A_56 : vector<512x1024xf32>
    %min3A_58 = vector.broadcast %sub3A : vector<512x1xf32> to vector<512x1024xf32>
    %min3A_59 = vector.broadcast %sub3A_25 : vector<1x1024xf32> to vector<512x1024xf32>
    %min3A_60 = arith.minimumf %min3A_58, %min3A_59 : vector<512x1024xf32>
    %sub3A_61 = arith.subf %max3A_57, %min3A_60 : vector<512x1024xf32>
    %jit3A_62 = arith.constant 0.000000e+00 : f32
    %max3A_63 = vector.broadcast %jit3A_62 : f32 to vector<512x1024xf32>
    %max3A_64 = arith.maximumf %max3A_63, %sub3A_61 : vector<512x1024xf32>
    %max3A_65 = vector.broadcast %add3A_14 : vector<512x1xf32> to vector<512x1024xf32>
    %max3A_66 = vector.broadcast %add3A_28 : vector<1x1024xf32> to vector<512x1024xf32>
    %max3A_67 = arith.maximumf %max3A_65, %max3A_66 : vector<512x1024xf32>
    %min3A_68 = vector.broadcast %sub3A_13 : vector<512x1xf32> to vector<512x1024xf32>
    %min3A_69 = vector.broadcast %sub3A_26 : vector<1x1024xf32> to vector<512x1024xf32>
    %min3A_70 = arith.minimumf %min3A_68, %min3A_69 : vector<512x1024xf32>
    %sub3A_71 = arith.subf %max3A_67, %min3A_70 : vector<512x1024xf32>
    %jit3A_72 = arith.constant 0.000000e+00 : f32
    %max3A_73 = vector.broadcast %jit3A_72 : f32 to vector<512x1024xf32>
    %max3A_74 = arith.maximumf %max3A_73, %sub3A_71 : vector<512x1024xf32>
    %mul3A_75 = arith.mulf %max3A_44, %max3A_54 : vector<512x1024xf32>
    %mul3A_76 = arith.mulf %max3A_64, %max3A_74 : vector<512x1024xf32>
    %add3A_77 = arith.constant 9.99999997E-7 : f32
    %add3A_78 = vector.broadcast %add3A_77 : f32 to vector<512x1024xf32>
    %add3A_79 = arith.addf %mul3A_76, %add3A_78 : vector<512x1024xf32>
    %div3A = arith.divf %mul3A_75, %add3A_79 : vector<512x1024xf32>
    %concatenate3A = tpu.concatenate %sqrt3A, %div3A in 0 : vector<512x1024xf32>, vector<512x1024xf32> -> vector<1024x1024xf32>
    %iota3A = tpu.iota {dimensions = array<i32: 0>} : vector<512x1024xi32>
    %iota3A_80 = tpu.iota {dimensions = array<i32: 1>} : vector<512x1024xi32>
    %eq3A = arith.cmpi eq, %iota3A_80, %iota3A : vector<512x1024xi32>
    %get3A_81 = arith.constant 0 : index
    %get3A_82 = memref.load %arg3[%get3A_81] : memref<2xf32, #tpu.memory_space<smem>>
    %jit3A_83 = arith.constant 0.000000e+00 : f32
    %broadcast_in_dim3A = vector.broadcast %get3A_82 : f32 to vector<512x1024xf32>
    %broadcast_in_dim3A_84 = vector.broadcast %jit3A_83 : f32 to vector<512x1024xf32>
    %select_n3A = arith.select %eq3A, %broadcast_in_dim3A, %broadcast_in_dim3A_84 : vector<512x1024xi1>, vector<512x1024xf32>
    %add3A_85 = arith.constant 512 : i32
    %add3A_86 = vector.broadcast %add3A_85 : i32 to vector<512x1024xi32>
    %add3A_87 = arith.addi %iota3A, %add3A_86 : vector<512x1024xi32>
    %eq3A_88 = arith.cmpi eq, %iota3A_80, %add3A_87 : vector<512x1024xi32>
    %get3A_89 = arith.constant 1 : index
    %get3A_90 = memref.load %arg3[%get3A_89] : memref<2xf32, #tpu.memory_space<smem>>
    %jit3A_91 = arith.constant 0.000000e+00 : f32
    %broadcast_in_dim3A_92 = vector.broadcast %get3A_90 : f32 to vector<512x1024xf32>
    %broadcast_in_dim3A_93 = vector.broadcast %jit3A_91 : f32 to vector<512x1024xf32>
    %select_n3A_94 = arith.select %eq3A_88, %broadcast_in_dim3A_92, %broadcast_in_dim3A_93 : vector<512x1024xi1>, vector<512x1024xf32>
    %add3A_95 = arith.addf %select_n3A, %select_n3A_94 : vector<512x1024xf32>
    %dot_general3A = arith.constant dense<0.000000e+00> : vector<512x1024xf32>
    %dot_general3A_96 = tpu.matmul %add3A_95, %concatenate3A, %dot_general3A {dimension_numbers = #tpu.dot_dimension_numbers<[1], [0], [0], [1], [0, 0, 1, 1], [], []>, transpose_lhs_hint = false} : vector<512x1024xf32>, vector<1024x1024xf32>, vector<512x1024xf32> -> vector<512x1024xf32>
    %get3A_97 = arith.constant 0 : index
    %get3A_98 = memref.load %arg4[%get3A_97] : memref<1xf32, #tpu.memory_space<smem>>
    %add3A_99 = vector.broadcast %get3A_98 : f32 to vector<512x1024xf32>
    %add3A_100 = arith.addf %dot_general3A_96, %add3A_99 : vector<512x1024xf32>
    %iota3A_101 = tpu.iota {dimensions = array<i32: 1>} : vector<512x1024xi32>
    %ge3A = arith.constant 1000 : i32
    %ge3A_102 = vector.broadcast %ge3A : i32 to vector<512x1024xi32>
    %ge3A_103 = arith.cmpi sge, %iota3A_101, %ge3A_102 : vector<512x1024xi32>
    %jit3A_104 = arith.constant 0x7F800000 : f32
    %broadcast_in_dim3A_105 = vector.broadcast %jit3A_104 : f32 to vector<512x1024xf32>
    %select_n3A_106 = arith.select %ge3A_103, %broadcast_in_dim3A_105, %add3A_100 : vector<512x1024xi1>, vector<512x1024xf32>
    %reduce_min3A = arith.constant dense<0x7F800000> : vector<512xf32>
    %reduce_min3A_107 = vector.multi_reduction <minimumf>, %select_n3A_106, %reduce_min3A [1] : vector<512x1024xf32> to vector<512xf32>
    %broadcast_in_dim3A_108 = vector.shape_cast %reduce_min3A_107 : vector<512xf32> to vector<512x1xf32>
    %eq3A_109 = vector.broadcast %broadcast_in_dim3A_108 : vector<512x1xf32> to vector<512x1024xf32>
    %eq3A_110 = arith.cmpf oeq, %select_n3A_106, %eq3A_109 : vector<512x1024xf32>
    %jit3A_111 = arith.constant 1073741824 : i32
    %broadcast_in_dim3A_112 = vector.broadcast %jit3A_111 : i32 to vector<512x1024xi32>
    %select_n3A_113 = arith.select %eq3A_110, %iota3A_101, %broadcast_in_dim3A_112 : vector<512x1024xi1>, vector<512x1024xi32>
    %reduce_min3A_114 = arith.constant dense<2147483647> : vector<512xi32>
    %reduce_min3A_115 = vector.multi_reduction <minsi>, %select_n3A_113, %reduce_min3A_114 [1] : vector<512x1024xi32> to vector<512xi32>
    %broadcast_in_dim3A_116 = vector.shape_cast %reduce_min3A_115 : vector<512xi32> to vector<512x1xi32>
    %eq3A_117 = vector.broadcast %broadcast_in_dim3A_116 : vector<512x1xi32> to vector<512x1024xi32>
    %eq3A_118 = arith.cmpi eq, %iota3A_101, %eq3A_117 : vector<512x1024xi32>
    %jit3A_119 = arith.constant 0x7F800000 : f32
    %broadcast_in_dim3A_120 = vector.broadcast %jit3A_119 : f32 to vector<512x1024xf32>
    %select_n3A_121 = arith.select %eq3A_118, %broadcast_in_dim3A_120, %select_n3A_106 : vector<512x1024xi1>, vector<512x1024xf32>
    %reduce_min3A_122 = arith.constant dense<0x7F800000> : vector<512xf32>
    %reduce_min3A_123 = vector.multi_reduction <minimumf>, %select_n3A_121, %reduce_min3A_122 [1] : vector<512x1024xf32> to vector<512xf32>
    %broadcast_in_dim3A_124 = vector.shape_cast %reduce_min3A_123 : vector<512xf32> to vector<512x1xf32>
    %eq3A_125 = vector.broadcast %broadcast_in_dim3A_124 : vector<512x1xf32> to vector<512x1024xf32>
    %eq3A_126 = arith.cmpf oeq, %select_n3A_121, %eq3A_125 : vector<512x1024xf32>
    %jit3A_127 = arith.constant 1073741824 : i32
    %broadcast_in_dim3A_128 = vector.broadcast %jit3A_127 : i32 to vector<512x1024xi32>
    %select_n3A_129 = arith.select %eq3A_126, %iota3A_101, %broadcast_in_dim3A_128 : vector<512x1024xi1>, vector<512x1024xi32>
    %reduce_min3A_130 = arith.constant dense<2147483647> : vector<512xi32>
    %reduce_min3A_131 = vector.multi_reduction <minsi>, %select_n3A_129, %reduce_min3A_130 [1] : vector<512x1024xi32> to vector<512xi32>
    %broadcast_in_dim3A_132 = vector.shape_cast %reduce_min3A_131 : vector<512xi32> to vector<512x1xi32>
    %eq3A_133 = vector.broadcast %broadcast_in_dim3A_132 : vector<512x1xi32> to vector<512x1024xi32>
    %eq3A_134 = arith.cmpi eq, %iota3A_101, %eq3A_133 : vector<512x1024xi32>
    %jit3A_135 = arith.constant 0x7F800000 : f32
    %broadcast_in_dim3A_136 = vector.broadcast %jit3A_135 : f32 to vector<512x1024xf32>
    %select_n3A_137 = arith.select %eq3A_134, %broadcast_in_dim3A_136, %select_n3A_121 : vector<512x1024xi1>, vector<512x1024xf32>
    %reduce_min3A_138 = arith.constant dense<0x7F800000> : vector<512xf32>
    %reduce_min3A_139 = vector.multi_reduction <minimumf>, %select_n3A_137, %reduce_min3A_138 [1] : vector<512x1024xf32> to vector<512xf32>
    %broadcast_in_dim3A_140 = vector.shape_cast %reduce_min3A_139 : vector<512xf32> to vector<512x1xf32>
    %eq3A_141 = vector.broadcast %broadcast_in_dim3A_140 : vector<512x1xf32> to vector<512x1024xf32>
    %eq3A_142 = arith.cmpf oeq, %select_n3A_137, %eq3A_141 : vector<512x1024xf32>
    %jit3A_143 = arith.constant 1073741824 : i32
    %broadcast_in_dim3A_144 = vector.broadcast %jit3A_143 : i32 to vector<512x1024xi32>
    %select_n3A_145 = arith.select %eq3A_142, %iota3A_101, %broadcast_in_dim3A_144 : vector<512x1024xi1>, vector<512x1024xi32>
    %reduce_min3A_146 = arith.constant dense<2147483647> : vector<512xi32>
    %reduce_min3A_147 = vector.multi_reduction <minsi>, %select_n3A_145, %reduce_min3A_146 [1] : vector<512x1024xi32> to vector<512xi32>
    %broadcast_in_dim3A_148 = vector.shape_cast %reduce_min3A_147 : vector<512xi32> to vector<512x1xi32>
    %eq3A_149 = vector.broadcast %broadcast_in_dim3A_148 : vector<512x1xi32> to vector<512x1024xi32>
    %eq3A_150 = arith.cmpi eq, %iota3A_101, %eq3A_149 : vector<512x1024xi32>
    %jit3A_151 = arith.constant 0x7F800000 : f32
    %broadcast_in_dim3A_152 = vector.broadcast %jit3A_151 : f32 to vector<512x1024xf32>
    %select_n3A_153 = arith.select %eq3A_150, %broadcast_in_dim3A_152, %select_n3A_137 : vector<512x1024xi1>, vector<512x1024xf32>
    %reduce_min3A_154 = arith.constant dense<0x7F800000> : vector<512xf32>
    %reduce_min3A_155 = vector.multi_reduction <minimumf>, %select_n3A_153, %reduce_min3A_154 [1] : vector<512x1024xf32> to vector<512xf32>
    %broadcast_in_dim3A_156 = vector.shape_cast %reduce_min3A_155 : vector<512xf32> to vector<512x1xf32>
    %eq3A_157 = vector.broadcast %broadcast_in_dim3A_156 : vector<512x1xf32> to vector<512x1024xf32>
    %eq3A_158 = arith.cmpf oeq, %select_n3A_153, %eq3A_157 : vector<512x1024xf32>
    %jit3A_159 = arith.constant 1073741824 : i32
    %broadcast_in_dim3A_160 = vector.broadcast %jit3A_159 : i32 to vector<512x1024xi32>
    %select_n3A_161 = arith.select %eq3A_158, %iota3A_101, %broadcast_in_dim3A_160 : vector<512x1024xi1>, vector<512x1024xi32>
    %reduce_min3A_162 = arith.constant dense<2147483647> : vector<512xi32>
    %reduce_min3A_163 = vector.multi_reduction <minsi>, %select_n3A_161, %reduce_min3A_162 [1] : vector<512x1024xi32> to vector<512xi32>
    %broadcast_in_dim3A_164 = vector.shape_cast %reduce_min3A_163 : vector<512xi32> to vector<512x1xi32>
    %eq3A_165 = vector.broadcast %broadcast_in_dim3A_164 : vector<512x1xi32> to vector<512x1024xi32>
    %eq3A_166 = arith.cmpi eq, %iota3A_101, %eq3A_165 : vector<512x1024xi32>
    %jit3A_167 = arith.constant 0x7F800000 : f32
    %broadcast_in_dim3A_168 = vector.broadcast %jit3A_167 : f32 to vector<512x1024xf32>
    %select_n3A_169 = arith.select %eq3A_166, %broadcast_in_dim3A_168, %select_n3A_153 : vector<512x1024xi1>, vector<512x1024xf32>
    %reduce_min3A_170 = arith.constant dense<0x7F800000> : vector<512xf32>
    %reduce_min3A_171 = vector.multi_reduction <minimumf>, %select_n3A_169, %reduce_min3A_170 [1] : vector<512x1024xf32> to vector<512xf32>
    %broadcast_in_dim3A_172 = vector.shape_cast %reduce_min3A_171 : vector<512xf32> to vector<512x1xf32>
    %eq3A_173 = vector.broadcast %broadcast_in_dim3A_172 : vector<512x1xf32> to vector<512x1024xf32>
    %eq3A_174 = arith.cmpf oeq, %select_n3A_169, %eq3A_173 : vector<512x1024xf32>
    %jit3A_175 = arith.constant 1073741824 : i32
    %broadcast_in_dim3A_176 = vector.broadcast %jit3A_175 : i32 to vector<512x1024xi32>
    %select_n3A_177 = arith.select %eq3A_174, %iota3A_101, %broadcast_in_dim3A_176 : vector<512x1024xi1>, vector<512x1024xi32>
    %reduce_min3A_178 = arith.constant dense<2147483647> : vector<512xi32>
    %reduce_min3A_179 = vector.multi_reduction <minsi>, %select_n3A_177, %reduce_min3A_178 [1] : vector<512x1024xi32> to vector<512xi32>
    %broadcast_in_dim3A_180 = vector.shape_cast %reduce_min3A_179 : vector<512xi32> to vector<512x1xi32>
    %eq3A_181 = vector.broadcast %broadcast_in_dim3A_180 : vector<512x1xi32> to vector<512x1024xi32>
    %eq3A_182 = arith.cmpi eq, %iota3A_101, %eq3A_181 : vector<512x1024xi32>
    %jit3A_183 = arith.constant 0x7F800000 : f32
    %broadcast_in_dim3A_184 = vector.broadcast %jit3A_183 : f32 to vector<512x1024xf32>
    %select_n3A_185 = arith.select %eq3A_182, %broadcast_in_dim3A_184, %select_n3A_169 : vector<512x1024xi1>, vector<512x1024xf32>
    %reduce_min3A_186 = arith.constant dense<0x7F800000> : vector<512xf32>
    %reduce_min3A_187 = vector.multi_reduction <minimumf>, %select_n3A_185, %reduce_min3A_186 [1] : vector<512x1024xf32> to vector<512xf32>
    %broadcast_in_dim3A_188 = vector.shape_cast %reduce_min3A_187 : vector<512xf32> to vector<512x1xf32>
    %eq3A_189 = vector.broadcast %broadcast_in_dim3A_188 : vector<512x1xf32> to vector<512x1024xf32>
    %eq3A_190 = arith.cmpf oeq, %select_n3A_185, %eq3A_189 : vector<512x1024xf32>
    %jit3A_191 = arith.constant 1073741824 : i32
    %broadcast_in_dim3A_192 = vector.broadcast %jit3A_191 : i32 to vector<512x1024xi32>
    %select_n3A_193 = arith.select %eq3A_190, %iota3A_101, %broadcast_in_dim3A_192 : vector<512x1024xi1>, vector<512x1024xi32>
    %reduce_min3A_194 = arith.constant dense<2147483647> : vector<512xi32>
    %reduce_min3A_195 = vector.multi_reduction <minsi>, %select_n3A_193, %reduce_min3A_194 [1] : vector<512x1024xi32> to vector<512xi32>
    %broadcast_in_dim3A_196 = vector.shape_cast %reduce_min3A_195 : vector<512xi32> to vector<512x1xi32>
    %eq3A_197 = vector.broadcast %broadcast_in_dim3A_196 : vector<512x1xi32> to vector<512x1024xi32>
    %eq3A_198 = arith.cmpi eq, %iota3A_101, %eq3A_197 : vector<512x1024xi32>
    %jit3A_199 = arith.constant 0x7F800000 : f32
    %broadcast_in_dim3A_200 = vector.broadcast %jit3A_199 : f32 to vector<512x1024xf32>
    %select_n3A_201 = arith.select %eq3A_198, %broadcast_in_dim3A_200, %select_n3A_185 : vector<512x1024xi1>, vector<512x1024xf32>
    %reduce_min3A_202 = arith.constant dense<0x7F800000> : vector<512xf32>
    %reduce_min3A_203 = vector.multi_reduction <minimumf>, %select_n3A_201, %reduce_min3A_202 [1] : vector<512x1024xf32> to vector<512xf32>
    %broadcast_in_dim3A_204 = vector.shape_cast %reduce_min3A_203 : vector<512xf32> to vector<512x1xf32>
    %eq3A_205 = vector.broadcast %broadcast_in_dim3A_204 : vector<512x1xf32> to vector<512x1024xf32>
    %eq3A_206 = arith.cmpf oeq, %select_n3A_201, %eq3A_205 : vector<512x1024xf32>
    %jit3A_207 = arith.constant 1073741824 : i32
    %broadcast_in_dim3A_208 = vector.broadcast %jit3A_207 : i32 to vector<512x1024xi32>
    %select_n3A_209 = arith.select %eq3A_206, %iota3A_101, %broadcast_in_dim3A_208 : vector<512x1024xi1>, vector<512x1024xi32>
    %reduce_min3A_210 = arith.constant dense<2147483647> : vector<512xi32>
    %reduce_min3A_211 = vector.multi_reduction <minsi>, %select_n3A_209, %reduce_min3A_210 [1] : vector<512x1024xi32> to vector<512xi32>
    %broadcast_in_dim3A_212 = vector.shape_cast %reduce_min3A_211 : vector<512xi32> to vector<512x1xi32>
    %eq3A_213 = vector.broadcast %broadcast_in_dim3A_212 : vector<512x1xi32> to vector<512x1024xi32>
    %eq3A_214 = arith.cmpi eq, %iota3A_101, %eq3A_213 : vector<512x1024xi32>
    %jit3A_215 = arith.constant 0x7F800000 : f32
    %broadcast_in_dim3A_216 = vector.broadcast %jit3A_215 : f32 to vector<512x1024xf32>
    %select_n3A_217 = arith.select %eq3A_214, %broadcast_in_dim3A_216, %select_n3A_201 : vector<512x1024xi1>, vector<512x1024xf32>
    %reduce_min3A_218 = arith.constant dense<0x7F800000> : vector<512xf32>
    %reduce_min3A_219 = vector.multi_reduction <minimumf>, %select_n3A_217, %reduce_min3A_218 [1] : vector<512x1024xf32> to vector<512xf32>
    %broadcast_in_dim3A_220 = vector.shape_cast %reduce_min3A_219 : vector<512xf32> to vector<512x1xf32>
    %eq3A_221 = vector.broadcast %broadcast_in_dim3A_220 : vector<512x1xf32> to vector<512x1024xf32>
    %eq3A_222 = arith.cmpf oeq, %select_n3A_217, %eq3A_221 : vector<512x1024xf32>
    %jit3A_223 = arith.constant 1073741824 : i32
    %broadcast_in_dim3A_224 = vector.broadcast %jit3A_223 : i32 to vector<512x1024xi32>
    %select_n3A_225 = arith.select %eq3A_222, %iota3A_101, %broadcast_in_dim3A_224 : vector<512x1024xi1>, vector<512x1024xi32>
    %reduce_min3A_226 = arith.constant dense<2147483647> : vector<512xi32>
    %reduce_min3A_227 = vector.multi_reduction <minsi>, %select_n3A_225, %reduce_min3A_226 [1] : vector<512x1024xi32> to vector<512xi32>
    %broadcast_in_dim3A_228 = vector.shape_cast %reduce_min3A_227 : vector<512xi32> to vector<512x1xi32>
    %eq3A_229 = vector.broadcast %broadcast_in_dim3A_228 : vector<512x1xi32> to vector<512x1024xi32>
    %eq3A_230 = arith.cmpi eq, %iota3A_101, %eq3A_229 : vector<512x1024xi32>
    %jit3A_231 = arith.constant 0x7F800000 : f32
    %broadcast_in_dim3A_232 = vector.broadcast %jit3A_231 : f32 to vector<512x1024xf32>
    %select_n3A_233 = arith.select %eq3A_230, %broadcast_in_dim3A_232, %select_n3A_217 : vector<512x1024xi1>, vector<512x1024xf32>
    %reduce_min3A_234 = arith.constant dense<0x7F800000> : vector<512xf32>
    %reduce_min3A_235 = vector.multi_reduction <minimumf>, %select_n3A_233, %reduce_min3A_234 [1] : vector<512x1024xf32> to vector<512xf32>
    %broadcast_in_dim3A_236 = vector.shape_cast %reduce_min3A_235 : vector<512xf32> to vector<512x1xf32>
    %eq3A_237 = vector.broadcast %broadcast_in_dim3A_236 : vector<512x1xf32> to vector<512x1024xf32>
    %eq3A_238 = arith.cmpf oeq, %select_n3A_233, %eq3A_237 : vector<512x1024xf32>
    %jit3A_239 = arith.constant 1073741824 : i32
    %broadcast_in_dim3A_240 = vector.broadcast %jit3A_239 : i32 to vector<512x1024xi32>
    %select_n3A_241 = arith.select %eq3A_238, %iota3A_101, %broadcast_in_dim3A_240 : vector<512x1024xi1>, vector<512x1024xi32>
    %reduce_min3A_242 = arith.constant dense<2147483647> : vector<512xi32>
    %reduce_min3A_243 = vector.multi_reduction <minsi>, %select_n3A_241, %reduce_min3A_242 [1] : vector<512x1024xi32> to vector<512xi32>
    %broadcast_in_dim3A_244 = vector.shape_cast %reduce_min3A_243 : vector<512xi32> to vector<512x1xi32>
    %eq3A_245 = vector.broadcast %broadcast_in_dim3A_244 : vector<512x1xi32> to vector<512x1024xi32>
    %eq3A_246 = arith.cmpi eq, %iota3A_101, %eq3A_245 : vector<512x1024xi32>
    %jit3A_247 = arith.constant 0x7F800000 : f32
    %broadcast_in_dim3A_248 = vector.broadcast %jit3A_247 : f32 to vector<512x1024xf32>
    %select_n3A_249 = arith.select %eq3A_246, %broadcast_in_dim3A_248, %select_n3A_233 : vector<512x1024xi1>, vector<512x1024xf32>
    %reduce_min3A_250 = arith.constant dense<0x7F800000> : vector<512xf32>
    %reduce_min3A_251 = vector.multi_reduction <minimumf>, %select_n3A_249, %reduce_min3A_250 [1] : vector<512x1024xf32> to vector<512xf32>
    %broadcast_in_dim3A_252 = vector.shape_cast %reduce_min3A_251 : vector<512xf32> to vector<512x1xf32>
    %eq3A_253 = vector.broadcast %broadcast_in_dim3A_252 : vector<512x1xf32> to vector<512x1024xf32>
    %eq3A_254 = arith.cmpf oeq, %select_n3A_249, %eq3A_253 : vector<512x1024xf32>
    %jit3A_255 = arith.constant 1073741824 : i32
    %broadcast_in_dim3A_256 = vector.broadcast %jit3A_255 : i32 to vector<512x1024xi32>
    %select_n3A_257 = arith.select %eq3A_254, %iota3A_101, %broadcast_in_dim3A_256 : vector<512x1024xi1>, vector<512x1024xi32>
    %reduce_min3A_258 = arith.constant dense<2147483647> : vector<512xi32>
    %reduce_min3A_259 = vector.multi_reduction <minsi>, %select_n3A_257, %reduce_min3A_258 [1] : vector<512x1024xi32> to vector<512xi32>
    %broadcast_in_dim3A_260 = vector.shape_cast %reduce_min3A_259 : vector<512xi32> to vector<512x1xi32>
    %eq3A_261 = vector.broadcast %broadcast_in_dim3A_260 : vector<512x1xi32> to vector<512x1024xi32>
    %eq3A_262 = arith.cmpi eq, %iota3A_101, %eq3A_261 : vector<512x1024xi32>
    %jit3A_263 = arith.constant 0x7F800000 : f32
    %broadcast_in_dim3A_264 = vector.broadcast %jit3A_263 : f32 to vector<512x1024xf32>
    %select_n3A_265 = arith.select %eq3A_262, %broadcast_in_dim3A_264, %select_n3A_249 : vector<512x1024xi1>, vector<512x1024xf32>
    %reduce_min3A_266 = arith.constant dense<0x7F800000> : vector<512xf32>
    %reduce_min3A_267 = vector.multi_reduction <minimumf>, %select_n3A_265, %reduce_min3A_266 [1] : vector<512x1024xf32> to vector<512xf32>
    %broadcast_in_dim3A_268 = vector.shape_cast %reduce_min3A_267 : vector<512xf32> to vector<512x1xf32>
    %eq3A_269 = vector.broadcast %broadcast_in_dim3A_268 : vector<512x1xf32> to vector<512x1024xf32>
    %eq3A_270 = arith.cmpf oeq, %select_n3A_265, %eq3A_269 : vector<512x1024xf32>
    %jit3A_271 = arith.constant 1073741824 : i32
    %broadcast_in_dim3A_272 = vector.broadcast %jit3A_271 : i32 to vector<512x1024xi32>
    %select_n3A_273 = arith.select %eq3A_270, %iota3A_101, %broadcast_in_dim3A_272 : vector<512x1024xi1>, vector<512x1024xi32>
    %reduce_min3A_274 = arith.constant dense<2147483647> : vector<512xi32>
    %reduce_min3A_275 = vector.multi_reduction <minsi>, %select_n3A_273, %reduce_min3A_274 [1] : vector<512x1024xi32> to vector<512xi32>
    %broadcast_in_dim3A_276 = vector.shape_cast %reduce_min3A_275 : vector<512xi32> to vector<512x1xi32>
    %eq3A_277 = vector.broadcast %broadcast_in_dim3A_276 : vector<512x1xi32> to vector<512x1024xi32>
    %eq3A_278 = arith.cmpi eq, %iota3A_101, %eq3A_277 : vector<512x1024xi32>
    %jit3A_279 = arith.constant 0x7F800000 : f32
    %broadcast_in_dim3A_280 = vector.broadcast %jit3A_279 : f32 to vector<512x1024xf32>
    %select_n3A_281 = arith.select %eq3A_278, %broadcast_in_dim3A_280, %select_n3A_265 : vector<512x1024xi1>, vector<512x1024xf32>
    %reduce_min3A_282 = arith.constant dense<0x7F800000> : vector<512xf32>
    %reduce_min3A_283 = vector.multi_reduction <minimumf>, %select_n3A_281, %reduce_min3A_282 [1] : vector<512x1024xf32> to vector<512xf32>
    %broadcast_in_dim3A_284 = vector.shape_cast %reduce_min3A_283 : vector<512xf32> to vector<512x1xf32>
    %eq3A_285 = vector.broadcast %broadcast_in_dim3A_284 : vector<512x1xf32> to vector<512x1024xf32>
    %eq3A_286 = arith.cmpf oeq, %select_n3A_281, %eq3A_285 : vector<512x1024xf32>
    %jit3A_287 = arith.constant 1073741824 : i32
    %broadcast_in_dim3A_288 = vector.broadcast %jit3A_287 : i32 to vector<512x1024xi32>
    %select_n3A_289 = arith.select %eq3A_286, %iota3A_101, %broadcast_in_dim3A_288 : vector<512x1024xi1>, vector<512x1024xi32>
    %reduce_min3A_290 = arith.constant dense<2147483647> : vector<512xi32>
    %reduce_min3A_291 = vector.multi_reduction <minsi>, %select_n3A_289, %reduce_min3A_290 [1] : vector<512x1024xi32> to vector<512xi32>
    %broadcast_in_dim3A_292 = vector.shape_cast %reduce_min3A_291 : vector<512xi32> to vector<512x1xi32>
    %eq3A_293 = vector.broadcast %broadcast_in_dim3A_292 : vector<512x1xi32> to vector<512x1024xi32>
    %eq3A_294 = arith.cmpi eq, %iota3A_101, %eq3A_293 : vector<512x1024xi32>
    %jit3A_295 = arith.constant 0x7F800000 : f32
    %broadcast_in_dim3A_296 = vector.broadcast %jit3A_295 : f32 to vector<512x1024xf32>
    %select_n3A_297 = arith.select %eq3A_294, %broadcast_in_dim3A_296, %select_n3A_281 : vector<512x1024xi1>, vector<512x1024xf32>
    %reduce_min3A_298 = arith.constant dense<0x7F800000> : vector<512xf32>
    %reduce_min3A_299 = vector.multi_reduction <minimumf>, %select_n3A_297, %reduce_min3A_298 [1] : vector<512x1024xf32> to vector<512xf32>
    %broadcast_in_dim3A_300 = vector.shape_cast %reduce_min3A_299 : vector<512xf32> to vector<512x1xf32>
    %eq3A_301 = vector.broadcast %broadcast_in_dim3A_300 : vector<512x1xf32> to vector<512x1024xf32>
    %eq3A_302 = arith.cmpf oeq, %select_n3A_297, %eq3A_301 : vector<512x1024xf32>
    %jit3A_303 = arith.constant 1073741824 : i32
    %broadcast_in_dim3A_304 = vector.broadcast %jit3A_303 : i32 to vector<512x1024xi32>
    %select_n3A_305 = arith.select %eq3A_302, %iota3A_101, %broadcast_in_dim3A_304 : vector<512x1024xi1>, vector<512x1024xi32>
    %reduce_min3A_306 = arith.constant dense<2147483647> : vector<512xi32>
    %reduce_min3A_307 = vector.multi_reduction <minsi>, %select_n3A_305, %reduce_min3A_306 [1] : vector<512x1024xi32> to vector<512xi32>
    %broadcast_in_dim3A_308 = vector.shape_cast %reduce_min3A_307 : vector<512xi32> to vector<512x1xi32>
    %eq3A_309 = vector.broadcast %broadcast_in_dim3A_308 : vector<512x1xi32> to vector<512x1024xi32>
    %eq3A_310 = arith.cmpi eq, %iota3A_101, %eq3A_309 : vector<512x1024xi32>
    %jit3A_311 = arith.constant 0x7F800000 : f32
    %broadcast_in_dim3A_312 = vector.broadcast %jit3A_311 : f32 to vector<512x1024xf32>
    %select_n3A_313 = arith.select %eq3A_310, %broadcast_in_dim3A_312, %select_n3A_297 : vector<512x1024xi1>, vector<512x1024xf32>
    %reduce_min3A_314 = arith.constant dense<0x7F800000> : vector<512xf32>
    %reduce_min3A_315 = vector.multi_reduction <minimumf>, %select_n3A_313, %reduce_min3A_314 [1] : vector<512x1024xf32> to vector<512xf32>
    %broadcast_in_dim3A_316 = vector.shape_cast %reduce_min3A_315 : vector<512xf32> to vector<512x1xf32>
    %eq3A_317 = vector.broadcast %broadcast_in_dim3A_316 : vector<512x1xf32> to vector<512x1024xf32>
    %eq3A_318 = arith.cmpf oeq, %select_n3A_313, %eq3A_317 : vector<512x1024xf32>
    %jit3A_319 = arith.constant 1073741824 : i32
    %broadcast_in_dim3A_320 = vector.broadcast %jit3A_319 : i32 to vector<512x1024xi32>
    %select_n3A_321 = arith.select %eq3A_318, %iota3A_101, %broadcast_in_dim3A_320 : vector<512x1024xi1>, vector<512x1024xi32>
    %reduce_min3A_322 = arith.constant dense<2147483647> : vector<512xi32>
    %reduce_min3A_323 = vector.multi_reduction <minsi>, %select_n3A_321, %reduce_min3A_322 [1] : vector<512x1024xi32> to vector<512xi32>
    %broadcast_in_dim3A_324 = vector.shape_cast %reduce_min3A_323 : vector<512xi32> to vector<512x1xi32>
    %eq3A_325 = vector.broadcast %broadcast_in_dim3A_324 : vector<512x1xi32> to vector<512x1024xi32>
    %eq3A_326 = arith.cmpi eq, %iota3A_101, %eq3A_325 : vector<512x1024xi32>
    %jit3A_327 = arith.constant 0x7F800000 : f32
    %broadcast_in_dim3A_328 = vector.broadcast %jit3A_327 : f32 to vector<512x1024xf32>
    %select_n3A_329 = arith.select %eq3A_326, %broadcast_in_dim3A_328, %select_n3A_313 : vector<512x1024xi1>, vector<512x1024xf32>
    %reduce_min3A_330 = arith.constant dense<0x7F800000> : vector<512xf32>
    %reduce_min3A_331 = vector.multi_reduction <minimumf>, %select_n3A_329, %reduce_min3A_330 [1] : vector<512x1024xf32> to vector<512xf32>
    %broadcast_in_dim3A_332 = vector.shape_cast %reduce_min3A_331 : vector<512xf32> to vector<512x1xf32>
    %eq3A_333 = vector.broadcast %broadcast_in_dim3A_332 : vector<512x1xf32> to vector<512x1024xf32>
    %eq3A_334 = arith.cmpf oeq, %select_n3A_329, %eq3A_333 : vector<512x1024xf32>
    %jit3A_335 = arith.constant 1073741824 : i32
    %broadcast_in_dim3A_336 = vector.broadcast %jit3A_335 : i32 to vector<512x1024xi32>
    %select_n3A_337 = arith.select %eq3A_334, %iota3A_101, %broadcast_in_dim3A_336 : vector<512x1024xi1>, vector<512x1024xi32>
    %reduce_min3A_338 = arith.constant dense<2147483647> : vector<512xi32>
    %reduce_min3A_339 = vector.multi_reduction <minsi>, %select_n3A_337, %reduce_min3A_338 [1] : vector<512x1024xi32> to vector<512xi32>
    %broadcast_in_dim3A_340 = vector.shape_cast %reduce_min3A_339 : vector<512xi32> to vector<512x1xi32>
    %eq3A_341 = vector.broadcast %broadcast_in_dim3A_340 : vector<512x1xi32> to vector<512x1024xi32>
    %eq3A_342 = arith.cmpi eq, %iota3A_101, %eq3A_341 : vector<512x1024xi32>
    %jit3A_343 = arith.constant 0x7F800000 : f32
    %broadcast_in_dim3A_344 = vector.broadcast %jit3A_343 : f32 to vector<512x1024xf32>
    %select_n3A_345 = arith.select %eq3A_342, %broadcast_in_dim3A_344, %select_n3A_329 : vector<512x1024xi1>, vector<512x1024xf32>
    %reduce_min3A_346 = arith.constant dense<0x7F800000> : vector<512xf32>
    %reduce_min3A_347 = vector.multi_reduction <minimumf>, %select_n3A_345, %reduce_min3A_346 [1] : vector<512x1024xf32> to vector<512xf32>
    %broadcast_in_dim3A_348 = vector.shape_cast %reduce_min3A_347 : vector<512xf32> to vector<512x1xf32>
    %eq3A_349 = vector.broadcast %broadcast_in_dim3A_348 : vector<512x1xf32> to vector<512x1024xf32>
    %eq3A_350 = arith.cmpf oeq, %select_n3A_345, %eq3A_349 : vector<512x1024xf32>
    %jit3A_351 = arith.constant 1073741824 : i32
    %broadcast_in_dim3A_352 = vector.broadcast %jit3A_351 : i32 to vector<512x1024xi32>
    %select_n3A_353 = arith.select %eq3A_350, %iota3A_101, %broadcast_in_dim3A_352 : vector<512x1024xi1>, vector<512x1024xi32>
    %reduce_min3A_354 = arith.constant dense<2147483647> : vector<512xi32>
    %reduce_min3A_355 = vector.multi_reduction <minsi>, %select_n3A_353, %reduce_min3A_354 [1] : vector<512x1024xi32> to vector<512xi32>
    %broadcast_in_dim3A_356 = vector.shape_cast %reduce_min3A_355 : vector<512xi32> to vector<512x1xi32>
    %concatenate3A_357 = tpu.concatenate %broadcast_in_dim3A_116, %broadcast_in_dim3A_132, %broadcast_in_dim3A_148, %broadcast_in_dim3A_164, %broadcast_in_dim3A_180, %broadcast_in_dim3A_196, %broadcast_in_dim3A_212, %broadcast_in_dim3A_228, %broadcast_in_dim3A_244, %broadcast_in_dim3A_260, %broadcast_in_dim3A_276, %broadcast_in_dim3A_292, %broadcast_in_dim3A_308, %broadcast_in_dim3A_324, %broadcast_in_dim3A_340, %broadcast_in_dim3A_356 in 1 : vector<512x1xi32>, vector<512x1xi32>, vector<512x1xi32>, vector<512x1xi32>, vector<512x1xi32>, vector<512x1xi32>, vector<512x1xi32>, vector<512x1xi32>, vector<512x1xi32>, vector<512x1xi32>, vector<512x1xi32>, vector<512x1xi32>, vector<512x1xi32>, vector<512x1xi32>, vector<512x1xi32>, vector<512x1xi32> -> vector<512x16xi32>
    %swap3A = arith.constant 0 : index
    %swap3A_358 = arith.constant 0 : index
    %swap3A_359 = vector.load %arg5[%swap3A, %swap3A_358] : memref<512x16xi32, #tpu.memory_space<vmem>>, vector<512x16xi32>
    tpu.vector_store %arg5[%swap3A, %swap3A_358], %concatenate3A_357 {strides = array<i32>} : memref<512x16xi32, #tpu.memory_space<vmem>>, vector<512x16xi32>,
    %swap3A_360 = arith.constant 0 : index
    %swap3A_361 = arith.constant 0 : index
    %swap3A_362 = vector.load %arg6[%swap3A_360, %swap3A_361] : memref<512x16xi32, #tpu.memory_space<vmem>>, vector<512x16xi32>
    tpu.vector_store %arg6[%swap3A_360, %swap3A_361], %concatenate3A_357 {strides = array<i32>} : memref<512x16xi32, #tpu.memory_space<vmem>>, vector<512x16xi32>,
    return
  }
  func.func @transform_0(%arg0: i32) -> (i32, i32) {
    %c0_i32 = arith.constant 0 : i32
    %c0_i32_0 = arith.constant 0 : i32
    return %arg0, %c0_i32 : i32, i32
  }
  func.func @transform_1(%arg0: i32) -> (i32, i32) {
    %c0_i32 = arith.constant 0 : i32
    %c0_i32_0 = arith.constant 0 : i32
    %c0_i32_1 = arith.constant 0 : i32
    return %c0_i32, %c0_i32_0 : i32, i32
  }
  func.func @transform_2(%arg0: i32) -> i32 {
    %c0_i32 = arith.constant 0 : i32
    %c0_i32_0 = arith.constant 0 : i32
    return %c0_i32 : i32
  }
  func.func @transform_3(%arg0: i32) -> i32 {
    %c0_i32 = arith.constant 0 : i32
    %c0_i32_0 = arith.constant 0 : i32
    return %c0_i32 : i32
  }
  func.func @transform_4(%arg0: i32) -> (i32, i32) {
    %c0_i32 = arith.constant 0 : i32
    %c0_i32_0 = arith.constant 0 : i32
    return %arg0, %c0_i32 : i32, i32
  }
  func.func @transform_5(%arg0: i32) -> (i32, i32) {
    %c0_i32 = arith.constant 0 : i32
    %c0_i32_0 = arith.constant 0 : i32
    return %arg0, %c0_i32 : i32, i32
  }
}

module attributes {stable_mosaic.version = 14 : i64} {
  func.func @_main_body(%arg0: i32, %arg1: memref<4096x384xi32, #tpu.memory_space<vmem>>, %arg2: memref<256x512xf32, #tpu.memory_space<vmem>>, %arg3: memref<256x256xf32, #tpu.memory_space<vmem>>, %arg4: memref<256x512xbf16, #tpu.memory_space<vmem>>, %arg5: memref<256x256xbf16, #tpu.memory_space<vmem>>, %arg6: memref<256x256xf32, #tpu.memory_space<vmem>>, %arg7: memref<1x256xf32, #tpu.memory_space<vmem>>, %arg8: memref<1x256xf32, #tpu.memory_space<vmem>>, %arg9: memref<1x256xf32, #tpu.memory_space<vmem>>, %arg10: memref<1x256xf32, #tpu.memory_space<vmem>>, %arg11: memref<256x256xf32, #tpu.memory_space<vmem>>) attributes {dimension_semantics = [#tpu.dimension_semantics<arbitrary>], iteration_bounds = array<i64: 4>, scalar_prefetch = 0 : i64, scratch_operands = 0 : i64, tpu.core_type = #tpu.core_type<tc>, window_params = [{transform_indices = @transform_0, window_bounds = array<i64: 4096, 384>}, {transform_indices = @transform_1, window_bounds = array<i64: 256, 512>}, {transform_indices = @transform_2, window_bounds = array<i64: 256, 256>}, {pipeline_mode = #tpu.pipeline_mode<synchronous>, transform_indices = @transform_3, window_bounds = array<i64: 256, 512>}, {pipeline_mode = #tpu.pipeline_mode<synchronous>, transform_indices = @transform_4, window_bounds = array<i64: 256, 256>}, {pipeline_mode = #tpu.pipeline_mode<synchronous>, transform_indices = @transform_5, window_bounds = array<i64: 256, 256>}, {pipeline_mode = #tpu.pipeline_mode<synchronous>, transform_indices = @transform_6, window_bounds = array<i64: 1, 256>}, {pipeline_mode = #tpu.pipeline_mode<synchronous>, transform_indices = @transform_7, window_bounds = array<i64: 1, 256>}, {pipeline_mode = #tpu.pipeline_mode<synchronous>, transform_indices = @transform_8, window_bounds = array<i64: 1, 256>}, {pipeline_mode = #tpu.pipeline_mode<synchronous>, transform_indices = @transform_9, window_bounds = array<i64: 1, 256>}, {transform_indices = @transform_10, window_bounds = array<i64: 256, 256>}]} {
    %get3A = arith.constant 0 : index
    %get3A_0 = arith.constant 0 : index
    %get3A_1 = vector.load %arg1[%get3A, %get3A_0] : memref<4096x384xi32, #tpu.memory_space<vmem>>, vector<4096x384xi32>
    %bitcast_convert_type3A = tpu.bitcast %get3A_1 : vector<4096x384xi32> -> vector<4096x384xi32>
    %shift_left3A = arith.constant 16 : i32
    %shift_left3A_2 = vector.broadcast %shift_left3A : i32 to vector<4096x384xi32>
    %shift_left3A_3 = arith.shli %bitcast_convert_type3A, %shift_left3A_2 : vector<4096x384xi32>
    %bitcast_convert_type3A_4 = tpu.bitcast %shift_left3A_3 : vector<4096x384xi32> -> vector<4096x384xf32>
    %and3A = arith.constant -65536 : i32
    %and3A_5 = vector.broadcast %and3A : i32 to vector<4096x384xi32>
    %and3A_6 = arith.andi %bitcast_convert_type3A, %and3A_5 : vector<4096x384xi32>
    %bitcast_convert_type3A_7 = tpu.bitcast %and3A_6 : vector<4096x384xi32> -> vector<4096x384xf32>
    %slice3A = vector.extract_strided_slice %bitcast_convert_type3A_4 {offsets = [0, 0], sizes = [4096, 256], strides = [1, 1]} : vector<4096x384xf32> to vector<4096x256xf32>
    %reshape3A = vector.shape_cast %slice3A : vector<4096x256xf32> to vector<256x16x256xf32>
    %slice3A_8 = vector.extract_strided_slice %bitcast_convert_type3A_4 {offsets = [0, 256], sizes = [4096, 128], strides = [1, 1]} : vector<4096x384xf32> to vector<4096x128xf32>
    %slice3A_9 = vector.extract_strided_slice %bitcast_convert_type3A_7 {offsets = [0, 0], sizes = [4096, 128], strides = [1, 1]} : vector<4096x384xf32> to vector<4096x128xf32>
    %concatenate3A = tpu.concatenate %slice3A_8, %slice3A_9 in 1 : vector<4096x128xf32>, vector<4096x128xf32> -> vector<4096x256xf32>
    %reshape3A_10 = vector.shape_cast %concatenate3A : vector<4096x256xf32> to vector<256x16x256xf32>
    %slice3A_11 = vector.extract_strided_slice %bitcast_convert_type3A_7 {offsets = [0, 128], sizes = [4096, 256], strides = [1, 1]} : vector<4096x384xf32> to vector<4096x256xf32>
    %reshape3A_12 = vector.shape_cast %slice3A_11 : vector<4096x256xf32> to vector<256x16x256xf32>
    %get3A_13 = arith.constant 0 : index
    %get3A_14 = arith.constant 0 : index
    %get3A_15 = vector.load %arg2[%get3A_13, %get3A_14] : memref<256x512xf32, #tpu.memory_space<vmem>>, vector<256x512xf32>
    %slice3A_16 = vector.extract_strided_slice %get3A_15 {offsets = [0, 0], sizes = [256, 256], strides = [1, 1]} : vector<256x512xf32> to vector<256x256xf32>
    %slice3A_17 = vector.extract_strided_slice %get3A_15 {offsets = [0, 256], sizes = [256, 256], strides = [1, 1]} : vector<256x512xf32> to vector<256x256xf32>
    %broadcast_in_dim3A = vector.shape_cast %slice3A_16 : vector<256x256xf32> to vector<256x1x256xf32>
    %sub3A = vector.broadcast %broadcast_in_dim3A : vector<256x1x256xf32> to vector<256x16x256xf32>
    %sub3A_18 = arith.subf %sub3A, %reshape3A : vector<256x16x256xf32>
    %get3A_19 = arith.constant 0 : index
    %get3A_20 = arith.constant 0 : index
    %get3A_21 = vector.load %arg7[%get3A_19, %get3A_20] : memref<1x256xf32, #tpu.memory_space<vmem>>, vector<1x256xf32>
    %broadcast_in_dim3A_22 = vector.shape_cast %get3A_21 : vector<1x256xf32> to vector<1x1x256xf32>
    %add3A = vector.broadcast %broadcast_in_dim3A_22 : vector<1x1x256xf32> to vector<256x16x256xf32>
    %add3A_23 = arith.addf %sub3A_18, %add3A : vector<256x16x256xf32>
    %max3A = arith.constant 0.000000e+00 : f32
    %max3A_24 = vector.broadcast %max3A : f32 to vector<256x16x256xf32>
    %max3A_25 = arith.maximumf %add3A_23, %max3A_24 : vector<256x16x256xf32>
    %reshape3A_26 = vector.shape_cast %max3A_25 : vector<256x16x256xf32> to vector<4096x256xf32>
    %convert_element_type3A = arith.truncf %reshape3A_26 : vector<4096x256xf32> to vector<4096x256xbf16>
    %get3A_27 = arith.constant 0 : index
    %get3A_28 = arith.constant 0 : index
    %get3A_29 = vector.load %arg4[%get3A_27, %get3A_28] : memref<256x512xbf16, #tpu.memory_space<vmem>>, vector<256x512xbf16>
    %dot_general3A = arith.constant dense<0.000000e+00> : vector<4096x512xf32>
    %dot_general3A_30 = tpu.matmul %convert_element_type3A, %get3A_29, %dot_general3A {dimension_numbers = #tpu.dot_dimension_numbers<[1], [0], [0], [1], [0, 0, 1, 1], [], []>, transpose_lhs_hint = false} : vector<4096x256xbf16>, vector<256x512xbf16>, vector<4096x512xf32> -> vector<4096x512xf32>
    %slice3A_31 = vector.extract_strided_slice %dot_general3A_30 {offsets = [0, 0], sizes = [4096, 256], strides = [1, 1]} : vector<4096x512xf32> to vector<4096x256xf32>
    %reshape3A_32 = vector.shape_cast %slice3A_31 : vector<4096x256xf32> to vector<256x16x256xf32>
    %get3A_33 = arith.constant 0 : index
    %get3A_34 = arith.constant 0 : index
    %get3A_35 = vector.load %arg8[%get3A_33, %get3A_34] : memref<1x256xf32, #tpu.memory_space<vmem>>, vector<1x256xf32>
    %broadcast_in_dim3A_36 = vector.shape_cast %get3A_35 : vector<1x256xf32> to vector<1x1x256xf32>
    %add3A_37 = vector.broadcast %broadcast_in_dim3A_36 : vector<1x1x256xf32> to vector<256x16x256xf32>
    %add3A_38 = arith.addf %reshape3A_32, %add3A_37 : vector<256x16x256xf32>
    %slice3A_39 = vector.extract_strided_slice %dot_general3A_30 {offsets = [0, 256], sizes = [4096, 256], strides = [1, 1]} : vector<4096x512xf32> to vector<4096x256xf32>
    %reshape3A_40 = vector.shape_cast %slice3A_39 : vector<4096x256xf32> to vector<256x16x256xf32>
    %broadcast_in_dim3A_41 = vector.shape_cast %slice3A_17 : vector<256x256xf32> to vector<256x1x256xf32>
    %add3A_42 = vector.broadcast %broadcast_in_dim3A_41 : vector<256x1x256xf32> to vector<256x16x256xf32>
    %add3A_43 = arith.addf %reshape3A_40, %add3A_42 : vector<256x16x256xf32>
    %sub3A_44 = arith.subf %add3A_43, %reshape3A_10 : vector<256x16x256xf32>
    %max3A_45 = arith.constant 0.000000e+00 : f32
    %max3A_46 = vector.broadcast %max3A_45 : f32 to vector<256x16x256xf32>
    %max3A_47 = arith.maximumf %sub3A_44, %max3A_46 : vector<256x16x256xf32>
    %reshape3A_48 = vector.shape_cast %max3A_47 : vector<256x16x256xf32> to vector<4096x256xf32>
    %convert_element_type3A_49 = arith.truncf %reshape3A_48 : vector<4096x256xf32> to vector<4096x256xbf16>
    %get3A_50 = arith.constant 0 : index
    %get3A_51 = arith.constant 0 : index
    %get3A_52 = vector.load %arg5[%get3A_50, %get3A_51] : memref<256x256xbf16, #tpu.memory_space<vmem>>, vector<256x256xbf16>
    %dot_general3A_53 = arith.constant dense<0.000000e+00> : vector<4096x256xf32>
    %dot_general3A_54 = tpu.matmul %convert_element_type3A_49, %get3A_52, %dot_general3A_53 {dimension_numbers = #tpu.dot_dimension_numbers<[1], [0], [0], [1], [0, 0, 1, 1], [], []>, transpose_lhs_hint = false} : vector<4096x256xbf16>, vector<256x256xbf16>, vector<4096x256xf32> -> vector<4096x256xf32>
    %reshape3A_55 = vector.shape_cast %dot_general3A_54 : vector<4096x256xf32> to vector<256x16x256xf32>
    %get3A_56 = arith.constant 0 : index
    %get3A_57 = arith.constant 0 : index
    %get3A_58 = vector.load %arg9[%get3A_56, %get3A_57] : memref<1x256xf32, #tpu.memory_space<vmem>>, vector<1x256xf32>
    %broadcast_in_dim3A_59 = vector.shape_cast %get3A_58 : vector<1x256xf32> to vector<1x1x256xf32>
    %add3A_60 = vector.broadcast %broadcast_in_dim3A_59 : vector<1x1x256xf32> to vector<256x16x256xf32>
    %add3A_61 = arith.addf %reshape3A_55, %add3A_60 : vector<256x16x256xf32>
    %mul3A = arith.constant 6.250000e-02 : f32
    %mul3A_62 = vector.broadcast %mul3A : f32 to vector<256x16x256xf32>
    %mul3A_63 = arith.mulf %add3A_61, %mul3A_62 : vector<256x16x256xf32>
    %exp3A = math.exp %mul3A_63 : vector<256x16x256xf32>
    %add3A_64 = arith.addf %reshape3A_12, %add3A_38 : vector<256x16x256xf32>
    %mul3A_65 = arith.mulf %exp3A, %add3A_64 : vector<256x16x256xf32>
    %reduce_sum3A = arith.constant dense<0.000000e+00> : vector<256x256xf32>
    %reduce_sum3A_66 = vector.multi_reduction <add>, %mul3A_65, %reduce_sum3A [1] : vector<256x16x256xf32> to vector<256x256xf32>
    %reduce_sum3A_67 = arith.constant dense<0.000000e+00> : vector<256x256xf32>
    %reduce_sum3A_68 = vector.multi_reduction <add>, %exp3A, %reduce_sum3A_67 [1] : vector<256x16x256xf32> to vector<256x256xf32>
    %div3A = arith.divf %reduce_sum3A_66, %reduce_sum3A_68 : vector<256x256xf32>
    %get3A_69 = arith.constant 0 : index
    %get3A_70 = arith.constant 0 : index
    %get3A_71 = vector.load %arg6[%get3A_69, %get3A_70] : memref<256x256xf32, #tpu.memory_space<vmem>>, vector<256x256xf32>
    %dot_general3A_72 = arith.constant dense<0.000000e+00> : vector<256x256xf32>
    %dot_general3A_73 = tpu.matmul %div3A, %get3A_71, %dot_general3A_72 {dimension_numbers = #tpu.dot_dimension_numbers<[1], [0], [0], [1], [0, 0, 1, 1], [], []>, transpose_lhs_hint = false} : vector<256x256xf32>, vector<256x256xf32>, vector<256x256xf32> -> vector<256x256xf32>
    %get3A_74 = arith.constant 0 : index
    %get3A_75 = arith.constant 0 : index
    %get3A_76 = vector.load %arg10[%get3A_74, %get3A_75] : memref<1x256xf32, #tpu.memory_space<vmem>>, vector<1x256xf32>
    %add3A_77 = vector.broadcast %get3A_76 : vector<1x256xf32> to vector<256x256xf32>
    %add3A_78 = arith.addf %dot_general3A_73, %add3A_77 : vector<256x256xf32>
    %get3A_79 = arith.constant 0 : index
    %get3A_80 = arith.constant 0 : index
    %get3A_81 = vector.load %arg3[%get3A_79, %get3A_80] : memref<256x256xf32, #tpu.memory_space<vmem>>, vector<256x256xf32>
    %add3A_82 = arith.addf %add3A_78, %get3A_81 : vector<256x256xf32>
    %swap3A = arith.constant 0 : index
    %swap3A_83 = arith.constant 0 : index
    %swap3A_84 = vector.load %arg11[%swap3A, %swap3A_83] : memref<256x256xf32, #tpu.memory_space<vmem>>, vector<256x256xf32>
    tpu.vector_store %arg11[%swap3A, %swap3A_83], %add3A_82 {strides = array<i32>} : memref<256x256xf32, #tpu.memory_space<vmem>>, vector<256x256xf32>,
    return
  }
  func.func @transform_0(%arg0: i32) -> (i32, i32) {
    %c0_i32 = arith.constant 0 : i32
    %c0_i32_0 = arith.constant 0 : i32
    return %arg0, %c0_i32 : i32, i32
  }
  func.func @transform_1(%arg0: i32) -> (i32, i32) {
    %c0_i32 = arith.constant 0 : i32
    %c0_i32_0 = arith.constant 0 : i32
    return %arg0, %c0_i32 : i32, i32
  }
  func.func @transform_2(%arg0: i32) -> (i32, i32) {
    %c0_i32 = arith.constant 0 : i32
    %c0_i32_0 = arith.constant 0 : i32
    return %arg0, %c0_i32 : i32, i32
  }
  func.func @transform_3(%arg0: i32) -> (i32, i32) {
    %c0_i32 = arith.constant 0 : i32
    %c0_i32_0 = arith.constant 0 : i32
    %c0_i32_1 = arith.constant 0 : i32
    return %c0_i32, %c0_i32_0 : i32, i32
  }
  func.func @transform_4(%arg0: i32) -> (i32, i32) {
    %c0_i32 = arith.constant 0 : i32
    %c0_i32_0 = arith.constant 0 : i32
    %c0_i32_1 = arith.constant 0 : i32
    return %c0_i32, %c0_i32_0 : i32, i32
  }
  func.func @transform_5(%arg0: i32) -> (i32, i32) {
    %c0_i32 = arith.constant 0 : i32
    %c0_i32_0 = arith.constant 0 : i32
    %c0_i32_1 = arith.constant 0 : i32
    return %c0_i32, %c0_i32_0 : i32, i32
  }
  func.func @transform_6(%arg0: i32) -> (i32, i32) {
    %c0_i32 = arith.constant 0 : i32
    %c0_i32_0 = arith.constant 0 : i32
    %c0_i32_1 = arith.constant 0 : i32
    return %c0_i32, %c0_i32_0 : i32, i32
  }
  func.func @transform_7(%arg0: i32) -> (i32, i32) {
    %c0_i32 = arith.constant 0 : i32
    %c0_i32_0 = arith.constant 0 : i32
    %c0_i32_1 = arith.constant 0 : i32
    return %c0_i32, %c0_i32_0 : i32, i32
  }
  func.func @transform_8(%arg0: i32) -> (i32, i32) {
    %c0_i32 = arith.constant 0 : i32
    %c0_i32_0 = arith.constant 0 : i32
    %c0_i32_1 = arith.constant 0 : i32
    return %c0_i32, %c0_i32_0 : i32, i32
  }
  func.func @transform_9(%arg0: i32) -> (i32, i32) {
    %c0_i32 = arith.constant 0 : i32
    %c0_i32_0 = arith.constant 0 : i32
    %c0_i32_1 = arith.constant 0 : i32
    return %c0_i32, %c0_i32_0 : i32, i32
  }
  func.func @transform_10(%arg0: i32) -> (i32, i32) {
    %c0_i32 = arith.constant 0 : i32
    %c0_i32_0 = arith.constant 0 : i32
    return %arg0, %c0_i32 : i32, i32
  }
}

</mosaic_0001>

<sc_bundles>
// kernel: kernel.16.cloned.1.call-start
scs
__scs_entry_jumppad:
0x0: {  	(pc) =	sbr.rel $0x88, $3  }
0x1: {  	(tag) =	ssettag $0x0;
	lr =	simm.s32 $0x1  }
0x2: {  	[smem:$0x3F8D] =	sst lr;
	_ =	strace $0xD0000000  }
0x3: {  	_ = 	snop  }
0x4: {  	_ = 	snop  }
0x5: {  	_ = 	snop  }
0x6: {  	_ = 	snop  }
0x7: {  	_ = 	snop  }
__scs_overlays_trampoline_lowered:
0x8: {  	[smem:$0x3F9C] =	sst s0  }
0x9: {  	[smem:$0x3F9D] =	sst s1  }
0xa: {  	[smem:$0x3F9E] =	sst s2  }
0xb: {  	[smem:$0x3F9F] =	sst s3  }
0xc: {  	[smem:$0x3FA0] =	sst s4  }
0xd: {  	[smem:$0x3FA1] =	sst s5  }
0xe: {  	[smem:$0x3FA2] =	sst s6  }
0xf: {  	[smem:$0x3FA3] =	sst s7  }
0x10: {  	[smem:$0x3FA4] =	sst s8  }
0x11: {  	[smem:$0x3FA5] =	sst s9;
	s0 =	simm.s32 @!p0 $0x0  }
0x12: {  	s1 =	sld [smem:$0x3F8B];
	s0 =	simm.s32 @p0 $0x1  }
0x13: {  	[smem:$0x3FA6] =	sst s0;
	s0 =	simm.s32 @!p1 $0x0  }
0x14: {  	s2 =	sld [smem:$0x3F8A];
	s0 =	simm.s32 @p1 $0x1  }
0x15: {  	[smem:$0x3FA7] =	sst s0;
	s0 =	simm.s32 @!p2 $0x0  }
0x16: {  	s3 =	sld [smem:$0x3FDB];
	s0 =	simm.s32 @p2 $0x1  }
0x17: {  	s4 =	simm.s32 $0x1BF5;
	[smem:$0x3FA9] =	sst s0  }
0x18: {  	s0 =	sld [smem:$0x3F8C];
	_ =	swait.ge [sflag:s4], $0x0  }
0x19: {  	s7 =	sld [smem:$0x3F8D]  }
0x1a: {  	s8 =	sadd.s32 $0xFFFFE003, lr  }
0x1b: {  	s9 =	sadd.s32 $0xFFFFFEF7, lr;
	s5 =	simm.s32 $0xFFFFFFFF;
	p2 =	slt.u32 s8, $0xFFFFF086  }
0x1c: {  	p1 =	slt.u32 s9, $0xF7A;
	s5 =	simm.s32 @!p2 $0x0  }
0x1d: {  	s5 =	simm.s32 @p1 $0x1;
	p0 =	seq.s32 s7, s2  }
0x1e: {  	s7 =	smul.u32 @!p0 $0xF7A, s2;
	p2 =	seq.s32 @!p0 s5, $0x0  }
0x1f: {  	s9 =	smul.u32 $0xF7A, s1;
	s8 =	simm.s32 @!p0 $0x1BF5;
	p2 =	por !p2, p0  }
0x20: {  	[sflag:s8] =	ssyncset.s32 @!p0 $0xFFFFF086;
	s6 =	sadd.s32 @!p0 s3, s7;
	s7 =	simm.s32 @!p0 $0x108  }
0x21: {  	s3 =	sadd.s32 s3, s9;
	s6 =	sadd.s32 @!p0 $0x88, s6;
	s7 =	simm.s32 @p2 $0x1082  }
0x22: {  	[simem:s7], [sflag:s8] =	dma.local @!p0 [hbm:s6], $0xF7A  }
0x23: {  	s9 =	sor.u32 $0xD0000000, s2;
	s6 =	simm.s32 $0x108;
	_ =	swait.ge @!p0 [sflag:s8], $0x0  }
0x24: {  	s3 =	sadd.s32 $0x88, s3;
	s6 =	simm.s32 @!p1 $0x1082;
	[sflag:s4] =	ssyncset.s32 $0xFFFFF086  }
0x25: {  	[simem:s6], [sflag:s4] =	dma.local [hbm:s3], $0xF7A  }
0x26: {  	[smem:$0x3F8D] =	sst s1;
	(tag) =	ssettag s2;
	_ =	strace s9  }
0x27: {  	s1 =	sld [smem:$0x3F9D]  }
0x28: {  	s2 =	sld [smem:$0x3F9E]  }
0x29: {  	s4 =	sld [smem:$0x3FA0]  }
0x2a: {  	p0 =	seq.s32 s5, $0x0;
	s5 =	sld [smem:$0x3FA1]  }
0x2b: {  	s6 =	sld [smem:$0x3FA2]  }
0x2c: {  	s7 =	sld [smem:$0x3FA3]  }
0x2d: {  	s3 =	simm.s32 $0x108;
	s8 =	sld [smem:$0x3FA4]  }
0x2e: {  	s3 =	simm.s32 @!p0 $0x1082;
	s9 =	sld [smem:$0x3FA5]  }
0x2f: {  	lr =	sadd.s32 s0, s3;
	s0 =	sld [smem:$0x3F9C]  }
0x30: {  	s3 =	sld [smem:$0x3F9F]  }
0x31: {  	[smem:$0x3FA8] =	sst s10  }
0x32: {  	s10 =	sld [smem:$0x3FA6];
	_ =	sdelay $0x3  }
0x33: {  	p0 =	seq.s32 s10, $0x1;
	s10 =	sld [smem:$0x3FA8];
	_ =	sdelay $0x3  }
0x34: {  	[smem:$0x3FA8] =	sst s10  }
0x35: {  	s10 =	sld [smem:$0x3FA7];
	_ =	sdelay $0x3  }
0x36: {  	p1 =	seq.s32 s10, $0x1;
	s10 =	sld [smem:$0x3FA8];
	_ =	sdelay $0x3  }
0x37: {  	[smem:$0x3FA8] =	sst s10  }
0x38: {  	s10 =	sld [smem:$0x3FA9]  }
0x39: {  	_ = 	snop;
	(pc) =	sbr.ind lr, $3  }
0x3a: {  	_ = 	snop  }
0x3b: {  	_ = 	snop  }
0x3c: {  	p2 =	seq.s32 s10, $0x1;
	s10 =	sld [smem:$0x3FA8]  }
0x3d: {  	_ =	shalt  }
0x3e: {  	_ =	shalt  }
0x3f: {  	_ =	shalt  }
0x40: {  	_ =	shalt  }
0x41: {  	_ =	shalt  }
0x42: {  	_ =	shalt  }
0x43: {  	_ =	shalt  }
0x44: {  	_ =	shalt  }
0x45: {  	_ =	shalt  }
0x46: {  	_ =	shalt  }
0x47: {  	_ =	shalt  }
0x48: {  	_ =	shalt  }
0x49: {  	_ =	shalt  }
0x4a: {  	_ =	shalt  }
0x4b: {  	_ =	shalt  }
0x4c: {  	_ =	shalt  }
0x4d: {  	_ =	shalt  }
0x4e: {  	_ =	shalt  }
0x4f: {  	_ =	shalt  }
0x50: {  	_ =	shalt  }
0x51: {  	_ =	shalt  }
0x52: {  	_ =	shalt  }
0x53: {  	_ =	shalt  }
0x54: {  	_ =	shalt  }
0x55: {  	_ =	shalt  }
0x56: {  	_ =	shalt  }
0x57: {  	_ =	shalt  }
0x58: {  	_ =	shalt  }
0x59: {  	_ =	shalt  }
0x5a: {  	_ =	shalt  }
0x5b: {  	_ =	shalt  }
0x5c: {  	_ =	shalt  }
0x5d: {  	_ =	shalt  }
0x5e: {  	_ =	shalt  }
0x5f: {  	_ =	shalt  }
0x60: {  	_ =	shalt  }
0x61: {  	_ =	shalt  }
0x62: {  	_ =	shalt  }
0x63: {  	_ =	shalt  }
0x64: {  	_ =	shalt  }
0x65: {  	_ =	shalt  }
0x66: {  	_ =	shalt  }
0x67: {  	_ =	shalt  }
0x68: {  	_ =	shalt  }
0x69: {  	_ =	shalt  }
0x6a: {  	_ =	shalt  }
0x6b: {  	_ =	shalt  }
0x6c: {  	_ =	shalt  }
0x6d: {  	_ =	shalt  }
0x6e: {  	_ =	shalt  }
0x6f: {  	_ =	shalt  }
0x70: {  	_ =	shalt  }
0x71: {  	_ =	shalt  }
0x72: {  	_ =	shalt  }
0x73: {  	_ =	shalt  }
0x74: {  	_ =	shalt  }
0x75: {  	_ =	shalt  }
0x76: {  	_ =	shalt  }
0x77: {  	_ =	shalt  }
0x78: {  	_ =	shalt  }
0x79: {  	_ =	shalt  }
0x7a: {  	_ =	shalt  }
0x7b: {  	_ =	shalt  }
0x7c: {  	_ =	shalt  }
0x7d: {  	_ =	shalt  }
0x7e: {  	_ =	shalt  }
0x7f: {  	_ =	shalt  }
0x80: {  	_ =	shalt  }
0x81: {  	_ =	shalt  }
0x82: {  	_ =	shalt  }
0x83: {  	_ =	shalt  }
0x84: {  	_ =	shalt  }
0x85: {  	_ =	shalt  }
0x86: {  	_ =	shalt  }
0x87: {  	_ =	shalt  }
.Lfunc_end0:
.L_simem_size_0:
called_computation_lowered:
.L_overlay_start_0:
0x88: {  	s2 =	sld [smem:$0x3FD9]  }
0x89: {  	s3 =	sld [smem:$0x3FFE];
	_ =	sdelay $0x1  }
0x8a: {  	s1 =	srdreg.scid  }
0x8b: {  	s0 =	sand.u32 $0x1, s1  }
0x8c: {  	s14 =	sshll.u32 s0, $0xA;
	s2 =	sadd.s32 s3, s2  }
0x8d: {  	s2 =	sadd.s32 s2, s14  }
0x8e: {  	[smem:$0x3FB4] =	sst s2  }
0x8f: {  	_ = 	snop  }
0x90: {  	s2 =	sld [smem:$0x3FD0];
	_ =	sdelay $0x2  }
0x91: {  	s15 =	simm.s32 $0xD;
	s4 =	simm.s32 $0x10  }
0x92: {  	[smem:s4], [sflag:s15] =	dma.local [hbm:s2], $0x1  }
0x93: {  	_ =	swait.eq [sflag:s15], $0x1  }
0x94: {  	[sflag:s15] =	ssyncset.done $0x0  }
0x95: {  	[sflag:s15] =	ssyncadd.s32 $0xFFFFFFFF  }
0x96: {  	s16 =	sld [smem:$0x10];
	(tm) =	ssettm $0x1  }
0x97: {  	s17 =	sld [smem:$0x3FFB];
	_ =	sdelay $0x3  }
0x98: {  	_ =	strace s17  }
0x99: {  	s3 =	sld [smem:$0x3FFC];
	_ =	sdelay $0x3  }
0x9a: {  	_ =	strace s3  }
0x9b: {  	s3 =	sld [smem:$0x3FFD];
	_ =	sdelay $0x3  }
0x9c: {  	_ =	strace s3  }
0x9d: {  	_ =	strace $0x8FFFFFFF  }
0x9e: {  	s18 =	sld [smem:$0x3FDB];
	_ =	sdelay $0x1  }
0x9f: {  	s19 =	simm.s32 $_scs_section_size  }
0xa0: {  	s5 =	simm.s32 $_size__tile_overlayer_lowered;
	s6 =	simm.s32 $_tile_overlayer_lowered  }
0xa1: {  	s22 =	simm.s32 $0x1BFF;
	s21 =	sshll.u32 s6, $0x1;
	s3 =	sadd.s32 s19, s18  }
0xa2: {  	s7 =	simm.s32 $0x0;
	s20 =	sshll.u32 s5, $0x1;
	s5 =	sadd.s32 s21, s3  }
0xa3: {  	[timem:s7], [sflag:s22] =	dma.local [hbm:s5], s20  }
0xa4: {  	_ =	swait.ge [sflag:s22], s20  }
0xa5: {  	s4 =	ssub.s32 $0x0, s20;
	[sflag:s22] =	ssyncset.done $0x0  }
0xa6: {  	[sflag:s22] =	ssyncadd.s32 s4;
	_ =	sdelay $0x1  }
0xa7: {  	s23 =	simm.s32 $0x1B8B  }
0xa8: {  	_ =	swait.ge [sflag:s23], $0x1  }
0xa9: {  	[sflag:s23] =	ssyncset.done $0x0  }
0xaa: {  	s25 =	simm.s32 $0x1B8E;
	s24 =	sld [smem:$0x3FFE];
	[sflag:s23] =	ssyncadd.s32 $0xFFFFFFFF  }
0xab: {  	s26 =	simm.s32 $execute0_lowered;
	[smem:$0x3FD2] =	sst s25  }
0xac: {  	s5 =	sshll.u32 s26, $0x1;
	_ =	strace $0x80000046;
	[dreg:$0x1] =	wrdreg $0xFFFFFFFF  }
0xad: {  	s28 =	simm.s32 $_size_execute0_lowered;
	s3 =	sadd.s32 s3, s5;
	[dreg:$0x0] =	wrdreg $0x0  }
0xae: {  	s5 =	sshll.u32 s28, $0x1;
	[dreg:$0x2] =	wrdreg s3  }
0xaf: {  	[dreg:$0x3] =	wrdreg s5  }
0xb0: {  	[dreg:$0x4] =	wrdreg $0xC0  }
0xb1: {  	_ =	task [dreg:s7], $0x5FFFF  }
0xb2: {  	[dreg:$0x1] =	wrdreg $0xFFFFFFFF  }
0xb3: {  	[dreg:$0x0] =	wrdreg $0x60  }
0xb4: {  	[dreg:$0x2] =	wrdreg s16  }
0xb5: {  	[dreg:$0x3] =	wrdreg s24  }
0xb6: {  	[dreg:$0x4] =	wrdreg $0x9  }
0xb7: {  	_ =	task.clear_ibuf [dreg:s7], $0x5FFFF;
	_ =	strace $0x90000046  }
0xb8: {  	s29 =	simm.s32 $0x9;
	_ =	strace $0x80000048  }
0xb9: {  	_ =	swait.ge [sflag:s29], $0x1  }
0xba: {  	[sflag:s29] =	ssyncadd.s32 $0xFFFFFFFF  }
0xbb: {  	_ =	strace $0x90000048  }
0xbc: {  	_ =	sfence  }
0xbd: {  	s30 =	sld [smem:$0x0];
	_ =	sdelay $0x2  }
0xbe: {  	s31 =	sshll.u32 s1, $0xD;
	s1 =	sshrl.u32 s1, $0x2  }
0xbf: {  	s3 =	sand.u32 $0x4000, s31;
	s1 =	sadd.s32 s1, s30  }
0xc0: {  	s0 =	sor.u32 s3, s0;
	s1 =	sshll.u32 s1, $0x11  }
0xc1: {  	s0 =	sor.u32 s1, s0  }
0xc2: {  	s0 =	sadd.s32 $0x8F2B, s0  }
0xc3: {  	[sflag:s0] =	ssyncadd.remote.s32 $0x1  }
0xc4: {  	_ =	sfence.sel $0xFFFF  }
0xc5: {  	[dreg:$0x0] =	wrdreg $0xFFFFFFFF;
	(pc) =	sbr.abs _section_cstart, $3  }
0xc6: {  	[dreg:$0x1] =	wrdreg $0xFFFFFFFF  }
0xc7: {  	_ =	task.clear_ibuf [dreg:s7], $0x2FFFF;
	_ =	strace $0x9FFFFFFF  }
0xc8: {  	(tm) =	ssettm $0x7FFFFFFF  }
0xc9: {  	_ =	shalt  }
tec
execute0_lowered:
.L_overlay_start_1:
0x0: {  	(tag) =	ssettag $0x1  }
0x1: {  	s2 =	rddreg [dreg:$0x0]  }
0x2: {  	s0 =	rddreg [dreg:$0x1]  }
0x3: {  	s1 =	srdreg.scid;
	s4 =	stileid.u32;
	s3 =	simm.s32 $0x0  }
0x4: {  	s17 =	simm.s32 $0x3;
	s29 =	simm.s32 $0x4;
	s30 =	simm.s32 $0x5  }
0x5: {  	s18 =	simm.s32 $0x1;
	s19 =	simm.s32 $0x900;
	s10 =	simm.s32 $0x1D00  }
0x6: {  	s11 =	simm.s32 $0x2100;
	s12 =	simm.s32 $0x2900;
	s13 =	simm.s32 $0x2D00  }
0x7: {  	s14 =	simm.s32 $0x3500;
	s15 =	simm.s32 $0x3900;
	s16 =	simm.s32 $0x4100  }
0x8: {  	s20 =	simm.s32 $0x4D00;
	s21 =	simm.s32 $0x5100;
	s22 =	simm.s32 $0x5900  }
0x9: {  	s23 =	simm.s32 $0x5D00;
	s24 =	simm.s32 $0x6500;
	s28 =	simm.s32 $0x7500  }
0xa: {  	s1 =	sand.u32 $0x1, s1;
	s4 =	sshll.u32 s4, $0x1;
	[smem:$0x7FF] =	sst s3  }
0xb: {  	s9 =	simm.s32 $0x7D00;
	s4 =	sor.u32 s1, s4;
	_ =	strace $0x80000047  }
0xc: {  	s1 =	ssub.s32 $0x2, s1;
	s5 =	sshll.u32 s4, $0x9;
	s8 =	smul.u32 $0x6000, s4  }
0xd: {  	s6 =	sshrl.u32 s1, $0x1;
	s4 =	smul.u32 $0x30000, s4;
	s5 =	sadd.s32 s5, s0  }
0xe: {  	s0 =	sadd.s32 $0x6B800, s0;
	s1 =	ssub.s32 s1, s6;
	s7 =	sadd.s32 $0x67800, s5  }
0xf: {  	s25 =	sadd.s32 $0x67880, s5;
	s8 =	sadd.s32 s0, s8;
	[dreg:$0x3] =	wrdreg s7  }
0x10: {  	s26 =	sadd.s32 $0x67900, s5;
	s4 =	sshrl.u32 s4, $0x3;
	[dreg:$0x4] =	wrdreg s25  }
0x11: {  	s5 =	sadd.s32 $0x67980, s5;
	s6 =	smax.u32 s1, $0x1;
	[dreg:$0x5] =	wrdreg s26  }
0x12: {  	s1 =	simm.s32 $0xC900;
	[dreg:$0xa] =	wrdreg s8;
	s31 =	sadd.s32 $0x1800, s8  }
0x13: {  	s0 =	sadd.s32 s0, s4;
	[dreg:$0x7] =	wrdreg s5;
	s5 =	sadd.s32 $0x100, s2  }
0x14: {  	v2 =	vlaneseq.u32;
	s8 =	simm.s32 $0x1500;
	[dreg:$0x6] =	wrdreg s31;
	s4 =	sadd.s32 $0x3000, s0  }
0x15: {  	vm0 =	vmmov $0xffff;
	vm1 =	vmmov $0xff;
	v1 =	vshrl.u32 v2, $0x3;
	s25 =	simm.s32 $0x6900;
	s0 =	sadd.s32 $0x4800, s0;
	[dreg:$0x8] =	wrdreg s4  }
0x16: {  	v0 =	vand.u32 $0x7, v2;
	v2 =	vor.u32 $0x8, v2;
	v1 =	vmul.u32 $0x8, v1;
	s26 =	simm.s32 $0x7100;
	s7 =	simm.s32 $0x8100;
	[dreg:$0x9] =	wrdreg s0  }
.LBB2_1:
0x17: {  	s31 =	rddreg [dreg:$0x3]  }
0x18: {  	[tilespmem:s3], [sflag:$0x1] =	stream.linear.gather [hbm4b:s31+s3], $0x400, $0x38;
	[tilespmem:$0x18900] =	vst v63  }
0x19: {  	_ =	swait.ge [sflag:s18], $0x400  }
0x1a: {  	[sflag:s18] =	ssyncset.done $0x0  }
0x1b: {  	s4 =	simm.s32 $0x400;
	s0 =	rddreg [dreg:$0x4];
	[sflag:s18] =	ssyncadd.s32 $0xFFFFFC00  }
0x1c: {  	[tilespmem:s4], [sflag:$0x2] =	stream.linear.gather [hbm4b:s0+s3], $0x400, $0x38;
	[tilespmem:$0x18900] =	vst v63  }
0x1d: {  	v3 =	vld [tilespmem:$0x0];
	_ =	sdelay $0x3  }
0x1e: {  	v4 =	vld [tilespmem:$0x80]  }
0x1f: {  	v5 =	vld [tilespmem:$0x100];
	v6 =	vshrl.u32 v3, $0x3  }
0x20: {  	v7 =	vld [tilespmem:$0x180];
	v6 =	vmul.u32 $0x18, v6  }
0x21: {  	v8 =	vld [tilespmem:$0x200];
	v9 =	vand.u32 $0x7, v3  }
0x22: {  	[tilespmem:$0x800] =	vst v3;
	v3 =	vld [tilespmem:$0x280];
	v6 =	vor.u32 v9, v6  }
0x23: {  	v60 =	vld [tilespmem:$0x300];
	[tilespmem:$0x810] =	vst v4;
	v9 =	vperm.xlane v6, v0  }
0x24: {  	v61 =	vld [tilespmem:$0x380];
	[tilespmem:$0x820] =	vst v5  }
0x25: {  	[tilespmem:$0x830] =	vst v7;
	v62 =	vadd.s32 v1, v9  }
0x26: {  	[tilespmem:$0x840] =	vst v8  }
0x27: {  	[tilespmem:$0x850] =	vst v3;
	v3 =	vperm.xlane v6, v2  }
0x28: {  	[tilespmem:$0x860] =	vst v60  }
0x29: {  	[tilespmem:$0x870] =	vst v61;
	v3 =	vadd.s32 v1, v3  }
0x2a: {  	[tilespmem:s19], [sflag:$0x3] =	stream.indirect_vreg.gather [hbm4b:s2+s3], $0x80, v62, vm0, $0xb8;
	[tilespmem:$0x18900] =	vst v63  }
0x2b: {  	s0 =	simm.s32 $0x1100  }
0x2c: {  	[tilespmem:s0], [sflag:$0x3] =	stream.indirect_vreg.gather [hbm4b:s5+s3], $0x80, v62, vm1, $0xb8;
	[tilespmem:$0x18900] =	vst v63  }
0x2d: {  	_ = 	snop  }
0x2e: {  	[tilespmem:s8], [sflag:$0x3] =	stream.indirect_vreg.gather [hbm4b:s2+s3], $0x80, v3, vm0, $0xb8;
	[tilespmem:$0x18900] =	vst v63  }
0x2f: {  	_ = 	snop  }
0x30: {  	[tilespmem:s10], [sflag:$0x3] =	stream.indirect_vreg.gather [hbm4b:s5+s3], $0x80, v3, vm1, $0xb8;
	[tilespmem:$0x18900] =	vst v63  }
0x31: {  	v3 =	vld [tilespmem:$0x810];
	_ =	sdelay $0x4  }
0x32: {  	v63 =	vshrl.u32 v3, $0x3  }
0x33: {  	v4 =	vmul.u32 $0x18, v63  }
0x34: {  	v3 =	vand.u32 $0x7, v3  }
0x35: {  	v3 =	vor.u32 v3, v4  }
0x36: {  	v4 =	vperm.xlane v3, v0;
	_ =	sdelay $0x1  }
0x37: {  	v4 =	vadd.s32 v1, v4;
	_ =	sdelay $0x1  }
0x38: {  	v3 =	vperm.xlane v3, v2;
	_ =	sdelay $0x1  }
0x39: {  	v3 =	vadd.s32 v1, v3  }
0x3a: {  	[tilespmem:s11], [sflag:$0x3] =	stream.indirect_vreg.gather [hbm4b:s2+s3], $0x80, v4, vm0, $0xb8;
	[tilespmem:$0x18900] =	vst v63  }
0x3b: {  	_ = 	snop  }
0x3c: {  	[tilespmem:s12], [sflag:$0x3] =	stream.indirect_vreg.gather [hbm4b:s5+s3], $0x80, v4, vm1, $0xb8;
	[tilespmem:$0x18900] =	vst v63  }
0x3d: {  	_ = 	snop  }
0x3e: {  	[tilespmem:s13], [sflag:$0x3] =	stream.indirect_vreg.gather [hbm4b:s2+s3], $0x80, v3, vm0, $0xb8;
	[tilespmem:$0x18900] =	vst v63  }
0x3f: {  	_ = 	snop  }
0x40: {  	[tilespmem:s14], [sflag:$0x3] =	stream.indirect_vreg.gather [hbm4b:s5+s3], $0x80, v3, vm1, $0xb8;
	[tilespmem:$0x18900] =	vst v63  }
0x41: {  	v3 =	vld [tilespmem:$0x820];
	_ =	sdelay $0x4  }
0x42: {  	v8 =	vshrl.u32 v3, $0x3  }
0x43: {  	v4 =	vmul.u32 $0x18, v8  }
0x44: {  	v3 =	vand.u32 $0x7, v3  }
0x45: {  	v3 =	vor.u32 v3, v4  }
0x46: {  	v4 =	vperm.xlane v3, v0;
	_ =	sdelay $0x1  }
0x47: {  	v4 =	vadd.s32 v1, v4;
	_ =	sdelay $0x1  }
0x48: {  	v3 =	vperm.xlane v3, v2;
	_ =	sdelay $0x1  }
0x49: {  	v3 =	vadd.s32 v1, v3  }
0x4a: {  	[tilespmem:s15], [sflag:$0x3] =	stream.indirect_vreg.gather [hbm4b:s2+s3], $0x80, v4, vm0, $0xb8;
	[tilespmem:$0x18900] =	vst v63  }
0x4b: {  	_ = 	snop  }
0x4c: {  	[tilespmem:s16], [sflag:$0x3] =	stream.indirect_vreg.gather [hbm4b:s5+s3], $0x80, v4, vm1, $0xb8;
	[tilespmem:$0x18900] =	vst v63  }
0x4d: {  	s31 =	simm.s32 $0x4500  }
0x4e: {  	[tilespmem:s31], [sflag:$0x3] =	stream.indirect_vreg.gather [hbm4b:s2+s3], $0x80, v3, vm0, $0xb8;
	[tilespmem:$0x18900] =	vst v63  }
0x4f: {  	_ = 	snop  }
0x50: {  	[tilespmem:s20], [sflag:$0x3] =	stream.indirect_vreg.gather [hbm4b:s5+s3], $0x80, v3, vm1, $0xb8;
	[tilespmem:$0x18900] =	vst v63  }
0x51: {  	v3 =	vld [tilespmem:$0x830];
	_ =	sdelay $0x4  }
0x52: {  	v9 =	vshrl.u32 v3, $0x3  }
0x53: {  	v4 =	vmul.u32 $0x18, v9  }
0x54: {  	v3 =	vand.u32 $0x7, v3  }
0x55: {  	v3 =	vor.u32 v3, v4  }
0x56: {  	v4 =	vperm.xlane v3, v0;
	_ =	sdelay $0x1  }
0x57: {  	v4 =	vadd.s32 v1, v4;
	_ =	sdelay $0x1  }
0x58: {  	v3 =	vperm.xlane v3, v2;
	_ =	sdelay $0x1  }
0x59: {  	v3 =	vadd.s32 v1, v3  }
0x5a: {  	[tilespmem:s21], [sflag:$0x3] =	stream.indirect_vreg.gather [hbm4b:s2+s3], $0x80, v4, vm0, $0xb8;
	[tilespmem:$0x18900] =	vst v63  }
0x5b: {  	_ = 	snop  }
0x5c: {  	[tilespmem:s22], [sflag:$0x3] =	stream.indirect_vreg.gather [hbm4b:s5+s3], $0x80, v4, vm1, $0xb8;
	[tilespmem:$0x18900] =	vst v63  }
0x5d: {  	_ = 	snop  }
0x5e: {  	[tilespmem:s23], [sflag:$0x3] =	stream.indirect_vreg.gather [hbm4b:s2+s3], $0x80, v3, vm0, $0xb8;
	[tilespmem:$0x18900] =	vst v63  }
0x5f: {  	_ = 	snop  }
0x60: {  	[tilespmem:s24], [sflag:$0x3] =	stream.indirect_vreg.gather [hbm4b:s5+s3], $0x80, v3, vm1, $0xb8;
	[tilespmem:$0x18900] =	vst v63  }
0x61: {  	v3 =	vld [tilespmem:$0x840];
	_ =	sdelay $0x4  }
0x62: {  	v10 =	vshrl.u32 v3, $0x3  }
0x63: {  	v4 =	vmul.u32 $0x18, v10  }
0x64: {  	v3 =	vand.u32 $0x7, v3  }
0x65: {  	v3 =	vor.u32 v3, v4  }
0x66: {  	v4 =	vperm.xlane v3, v0;
	_ =	sdelay $0x1  }
0x67: {  	v4 =	vadd.s32 v1, v4;
	_ =	sdelay $0x1  }
0x68: {  	v3 =	vperm.xlane v3, v2;
	_ =	sdelay $0x1  }
0x69: {  	v3 =	vadd.s32 v1, v3  }
0x6a: {  	[tilespmem:s25], [sflag:$0x3] =	stream.indirect_vreg.gather [hbm4b:s2+s3], $0x80, v4, vm0, $0xb8;
	[tilespmem:$0x18900] =	vst v63  }
0x6b: {  	_ = 	snop  }
0x6c: {  	[tilespmem:s26], [sflag:$0x3] =	stream.indirect_vreg.gather [hbm4b:s5+s3], $0x80, v4, vm1, $0xb8;
	[tilespmem:$0x18900] =	vst v63  }
0x6d: {  	_ = 	snop  }
0x6e: {  	[tilespmem:s28], [sflag:$0x3] =	stream.indirect_vreg.gather [hbm4b:s2+s3], $0x80, v3, vm0, $0xb8;
	[tilespmem:$0x18900] =	vst v63  }
0x6f: {  	_ = 	snop  }
0x70: {  	[tilespmem:s9], [sflag:$0x3] =	stream.indirect_vreg.gather [hbm4b:s5+s3], $0x80, v3, vm1, $0xb8;
	[tilespmem:$0x18900] =	vst v63  }
0x71: {  	v3 =	vld [tilespmem:$0x850];
	_ =	sdelay $0x4  }
0x72: {  	v11 =	vshrl.u32 v3, $0x3  }
0x73: {  	v4 =	vmul.u32 $0x18, v11  }
0x74: {  	v3 =	vand.u32 $0x7, v3  }
0x75: {  	v3 =	vor.u32 v3, v4  }
0x76: {  	v4 =	vperm.xlane v3, v0;
	_ =	sdelay $0x1  }
0x77: {  	v4 =	vadd.s32 v1, v4;
	_ =	sdelay $0x1  }
0x78: {  	v3 =	vperm.xlane v3, v2;
	_ =	sdelay $0x1  }
0x79: {  	v3 =	vadd.s32 v1, v3  }
0x7a: {  	[tilespmem:s7], [sflag:$0x3] =	stream.indirect_vreg.gather [hbm4b:s2+s3], $0x80, v4, vm0, $0xb8;
	[tilespmem:$0x18900] =	vst v63  }
0x7b: {  	s31 =	simm.s32 $0x8900  }
0x7c: {  	[tilespmem:s31], [sflag:$0x3] =	stream.indirect_vreg.gather [hbm4b:s5+s3], $0x80, v4, vm1, $0xb8;
	[tilespmem:$0x18900] =	vst v63  }
0x7d: {  	s31 =	simm.s32 $0x8D00  }
0x7e: {  	[tilespmem:s31], [sflag:$0x3] =	stream.indirect_vreg.gather [hbm4b:s2+s3], $0x80, v3, vm0, $0xb8;
	[tilespmem:$0x18900] =	vst v63  }
0x7f: {  	s31 =	simm.s32 $0x9500  }
0x80: {  	[tilespmem:s31], [sflag:$0x3] =	stream.indirect_vreg.gather [hbm4b:s5+s3], $0x80, v3, vm1, $0xb8;
	[tilespmem:$0x18900] =	vst v63  }
0x81: {  	v3 =	vld [tilespmem:$0x860];
	_ =	sdelay $0x4  }
0x82: {  	v12 =	vshrl.u32 v3, $0x3  }
0x83: {  	v4 =	vmul.u32 $0x18, v12  }
0x84: {  	v3 =	vand.u32 $0x7, v3  }
0x85: {  	v3 =	vor.u32 v3, v4  }
0x86: {  	v4 =	vperm.xlane v3, v0;
	_ =	sdelay $0x1  }
0x87: {  	v4 =	vadd.s32 v1, v4;
	_ =	sdelay $0x1  }
0x88: {  	v3 =	vperm.xlane v3, v2;
	_ =	sdelay $0x1  }
0x89: {  	s31 =	simm.s32 $0x9900;
	v3 =	vadd.s32 v1, v3  }
0x8a: {  	[tilespmem:s31], [sflag:$0x3] =	stream.indirect_vreg.gather [hbm4b:s2+s3], $0x80, v4, vm0, $0xb8;
	[tilespmem:$0x18900] =	vst v63  }
0x8b: {  	s31 =	simm.s32 $0xA100  }
0x8c: {  	[tilespmem:s31], [sflag:$0x3] =	stream.indirect_vreg.gather [hbm4b:s5+s3], $0x80, v4, vm1, $0xb8;
	[tilespmem:$0x18900] =	vst v63  }
0x8d: {  	s31 =	simm.s32 $0xA500  }
0x8e: {  	[tilespmem:s31], [sflag:$0x3] =	stream.indirect_vreg.gather [hbm4b:s2+s3], $0x80, v3, vm0, $0xb8;
	[tilespmem:$0x18900] =	vst v63  }
0x8f: {  	s31 =	simm.s32 $0xAD00  }
0x90: {  	[tilespmem:s31], [sflag:$0x3] =	stream.indirect_vreg.gather [hbm4b:s5+s3], $0x80, v3, vm1, $0xb8;
	[tilespmem:$0x18900] =	vst v63  }
0x91: {  	v3 =	vld [tilespmem:$0x870];
	_ =	sdelay $0x4  }
0x92: {  	v13 =	vshrl.u32 v3, $0x3  }
0x93: {  	v4 =	vmul.u32 $0x18, v13  }
0x94: {  	v3 =	vand.u32 $0x7, v3  }
0x95: {  	v3 =	vor.u32 v3, v4  }
0x96: {  	v4 =	vperm.xlane v3, v0;
	_ =	sdelay $0x1  }
0x97: {  	v4 =	vadd.s32 v1, v4;
	_ =	sdelay $0x1  }
0x98: {  	v3 =	vperm.xlane v3, v2;
	_ =	sdelay $0x1  }
0x99: {  	s31 =	simm.s32 $0xB100;
	v3 =	vadd.s32 v1, v3  }
0x9a: {  	[tilespmem:s31], [sflag:$0x3] =	stream.indirect_vreg.gather [hbm4b:s2+s3], $0x80, v4, vm0, $0xb8;
	[tilespmem:$0x18900] =	vst v63  }
0x9b: {  	s31 =	simm.s32 $0xB900  }
0x9c: {  	[tilespmem:s31], [sflag:$0x3] =	stream.indirect_vreg.gather [hbm4b:s5+s3], $0x80, v4, vm1, $0xb8;
	[tilespmem:$0x18900] =	vst v63  }
0x9d: {  	s31 =	simm.s32 $0xBD00  }
0x9e: {  	[tilespmem:s31], [sflag:$0x3] =	stream.indirect_vreg.gather [hbm4b:s2+s3], $0x80, v3, vm0, $0xb8;
	[tilespmem:$0x18900] =	vst v63  }
0x9f: {  	s31 =	simm.s32 $0xC500  }
0xa0: {  	[tilespmem:s31], [sflag:$0x3] =	stream.indirect_vreg.gather [hbm4b:s5+s3], $0x80, v3, vm1, $0xb8;
	[tilespmem:$0x18900] =	vst v63  }
0xa1: {  	_ =	swait.ge [sflag:s17], $0xC000  }
0xa2: {  	[sflag:s17] =	ssyncset.done $0x0  }
0xa3: {  	s0 =	rddreg [dreg:$0xa];
	[sflag:s17] =	ssyncadd.s32 $0xFFFF4000  }
0xa4: {  	[hbm4b:s0+s3] =	stream.linear.scatter [tilespmem:s19], [sflag:$0x4], $0xC000, $0x38;
	[tilespmem:$0x18900] =	vst v63  }
0xa5: {  	s0 =	simm.s32 $0x2  }
0xa6: {  	_ =	swait.ge [sflag:s0], $0x400  }
0xa7: {  	[sflag:s0] =	ssyncset.done $0x0  }
0xa8: {  	s31 =	rddreg [dreg:$0x5];
	[sflag:s0] =	ssyncadd.s32 $0xFFFFFC00  }
0xa9: {  	[tilespmem:s3], [sflag:$0x1] =	stream.linear.gather [hbm4b:s31+s3], $0x400, $0x38;
	[tilespmem:$0x18900] =	vst v63  }
0xaa: {  	v3 =	vld [tilespmem:$0x400];
	_ =	sdelay $0x3  }
0xab: {  	v14 =	vld [tilespmem:$0x480]  }
0xac: {  	v15 =	vld [tilespmem:$0x500];
	v16 =	vshrl.u32 v3, $0x3  }
0xad: {  	v17 =	vld [tilespmem:$0x580];
	v6 =	vmul.u32 $0x18, v16  }
0xae: {  	v18 =	vld [tilespmem:$0x600];
	v19 =	vand.u32 $0x7, v3  }
0xaf: {  	[tilespmem:$0x880] =	vst v3;
	v3 =	vld [tilespmem:$0x680];
	v6 =	vor.u32 v19, v6  }
0xb0: {  	v20 =	vld [tilespmem:$0x700];
	[tilespmem:$0x890] =	vst v14;
	v9 =	vperm.xlane v6, v0  }
0xb1: {  	v21 =	vld [tilespmem:$0x780];
	[tilespmem:$0x8A0] =	vst v15  }
0xb2: {  	[tilespmem:$0x8B0] =	vst v17;
	v22 =	vadd.s32 v1, v9  }
0xb3: {  	[tilespmem:$0x8C0] =	vst v18  }
0xb4: {  	[tilespmem:$0x8D0] =	vst v3;
	v3 =	vperm.xlane v6, v2  }
0xb5: {  	[tilespmem:$0x8E0] =	vst v20  }
0xb6: {  	[tilespmem:$0x8F0] =	vst v21;
	v3 =	vadd.s32 v1, v3  }
0xb7: {  	[tilespmem:s1], [sflag:$0x3] =	stream.indirect_vreg.gather [hbm4b:s2+s3], $0x80, v22, vm0, $0xb8;
	[tilespmem:$0x18900] =	vst v63  }
0xb8: {  	s31 =	simm.s32 $0xD100  }
0xb9: {  	[tilespmem:s31], [sflag:$0x3] =	stream.indirect_vreg.gather [hbm4b:s5+s3], $0x80, v22, vm1, $0xb8;
	[tilespmem:$0x18900] =	vst v63  }
0xba: {  	s31 =	simm.s32 $0xD500  }
0xbb: {  	[tilespmem:s31], [sflag:$0x3] =	stream.indirect_vreg.gather [hbm4b:s2+s3], $0x80, v3, vm0, $0xb8;
	[tilespmem:$0x18900] =	vst v63  }
0xbc: {  	s31 =	simm.s32 $0xDD00  }
0xbd: {  	[tilespmem:s31], [sflag:$0x3] =	stream.indirect_vreg.gather [hbm4b:s5+s3], $0x80, v3, vm1, $0xb8;
	[tilespmem:$0x18900] =	vst v63  }
0xbe: {  	v3 =	vld [tilespmem:$0x890];
	_ =	sdelay $0x4  }
0xbf: {  	v23 =	vshrl.u32 v3, $0x3  }
0xc0: {  	v4 =	vmul.u32 $0x18, v23  }
0xc1: {  	v3 =	vand.u32 $0x7, v3  }
0xc2: {  	v3 =	vor.u32 v3, v4  }
0xc3: {  	v4 =	vperm.xlane v3, v0;
	_ =	sdelay $0x1  }
0xc4: {  	v4 =	vadd.s32 v1, v4;
	_ =	sdelay $0x1  }
0xc5: {  	v3 =	vperm.xlane v3, v2;
	_ =	sdelay $0x1  }
0xc6: {  	s31 =	simm.s32 $0xE100;
	v3 =	vadd.s32 v1, v3  }
0xc7: {  	[tilespmem:s31], [sflag:$0x3] =	stream.indirect_vreg.gather [hbm4b:s2+s3], $0x80, v4, vm0, $0xb8;
	[tilespmem:$0x18900] =	vst v63  }
0xc8: {  	s31 =	simm.s32 $0xE900  }
0xc9: {  	[tilespmem:s31], [sflag:$0x3] =	stream.indirect_vreg.gather [hbm4b:s5+s3], $0x80, v4, vm1, $0xb8;
	[tilespmem:$0x18900] =	vst v63  }
0xca: {  	s31 =	simm.s32 $0xED00  }
0xcb: {  	[tilespmem:s31], [sflag:$0x3] =	stream.indirect_vreg.gather [hbm4b:s2+s3], $0x80, v3, vm0, $0xb8;
	[tilespmem:$0x18900] =	vst v63  }
0xcc: {  	s31 =	simm.s32 $0xF500  }
0xcd: {  	[tilespmem:s31], [sflag:$0x3] =	stream.indirect_vreg.gather [hbm4b:s5+s3], $0x80, v3, vm1, $0xb8;
	[tilespmem:$0x18900] =	vst v63  }
0xce: {  	v3 =	vld [tilespmem:$0x8A0];
	_ =	sdelay $0x4  }
0xcf: {  	v24 =	vshrl.u32 v3, $0x3  }
0xd0: {  	v4 =	vmul.u32 $0x18, v24  }
0xd1: {  	v3 =	vand.u32 $0x7, v3  }
0xd2: {  	v3 =	vor.u32 v3, v4  }
0xd3: {  	v4 =	vperm.xlane v3, v0;
	_ =	sdelay $0x1  }
0xd4: {  	v4 =	vadd.s32 v1, v4;
	_ =	sdelay $0x1  }
0xd5: {  	v3 =	vperm.xlane v3, v2;
	_ =	sdelay $0x1  }
0xd6: {  	s31 =	simm.s32 $0xF900;
	v3 =	vadd.s32 v1, v3  }
0xd7: {  	[tilespmem:s31], [sflag:$0x3] =	stream.indirect_vreg.gather [hbm4b:s2+s3], $0x80, v4, vm0, $0xb8;
	[tilespmem:$0x18900] =	vst v63  }
0xd8: {  	s31 =	simm.s32 $0x10100  }
0xd9: {  	[tilespmem:s31], [sflag:$0x3] =	stream.indirect_vreg.gather [hbm4b:s5+s3], $0x80, v4, vm1, $0xb8;
	[tilespmem:$0x18900] =	vst v63  }
0xda: {  	s31 =	simm.s32 $0x10500  }
0xdb: {  	[tilespmem:s31], [sflag:$0x3] =	stream.indirect_vreg.gather [hbm4b:s2+s3], $0x80, v3, vm0, $0xb8;
	[tilespmem:$0x18900] =	vst v63  }
0xdc: {  	s31 =	simm.s32 $0x10D00  }
0xdd: {  	[tilespmem:s31], [sflag:$0x3] =	stream.indirect_vreg.gather [hbm4b:s5+s3], $0x80, v3, vm1, $0xb8;
	[tilespmem:$0x18900] =	vst v63  }
0xde: {  	v3 =	vld [tilespmem:$0x8B0];
	_ =	sdelay $0x4  }
0xdf: {  	v25 =	vshrl.u32 v3, $0x3  }
0xe0: {  	v4 =	vmul.u32 $0x18, v25  }
0xe1: {  	v3 =	vand.u32 $0x7, v3  }
0xe2: {  	v3 =	vor.u32 v3, v4  }
0xe3: {  	v4 =	vperm.xlane v3, v0;
	_ =	sdelay $0x1  }
0xe4: {  	v4 =	vadd.s32 v1, v4;
	_ =	sdelay $0x1  }
0xe5: {  	v3 =	vperm.xlane v3, v2;
	_ =	sdelay $0x1  }
0xe6: {  	s31 =	simm.s32 $0x11100;
	v3 =	vadd.s32 v1, v3  }
0xe7: {  	[tilespmem:s31], [sflag:$0x3] =	stream.indirect_vreg.gather [hbm4b:s2+s3], $0x80, v4, vm0, $0xb8;
	[tilespmem:$0x18900] =	vst v63  }
0xe8: {  	s31 =	simm.s32 $0x11900  }
0xe9: {  	[tilespmem:s31], [sflag:$0x3] =	stream.indirect_vreg.gather [hbm4b:s5+s3], $0x80, v4, vm1, $0xb8;
	[tilespmem:$0x18900] =	vst v63  }
0xea: {  	s31 =	simm.s32 $0x11D00  }
0xeb: {  	[tilespmem:s31], [sflag:$0x3] =	stream.indirect_vreg.gather [hbm4b:s2+s3], $0x80, v3, vm0, $0xb8;
	[tilespmem:$0x18900] =	vst v63  }
0xec: {  	s31 =	simm.s32 $0x12500  }
0xed: {  	[tilespmem:s31], [sflag:$0x3] =	stream.indirect_vreg.gather [hbm4b:s5+s3], $0x80, v3, vm1, $0xb8;
	[tilespmem:$0x18900] =	vst v63  }
0xee: {  	v3 =	vld [tilespmem:$0x8C0];
	_ =	sdelay $0x4  }
0xef: {  	v26 =	vshrl.u32 v3, $0x3  }
0xf0: {  	v4 =	vmul.u32 $0x18, v26  }
0xf1: {  	v3 =	vand.u32 $0x7, v3  }
0xf2: {  	v3 =	vor.u32 v3, v4  }
0xf3: {  	v4 =	vperm.xlane v3, v0;
	_ =	sdelay $0x1  }
0xf4: {  	v4 =	vadd.s32 v1, v4;
	_ =	sdelay $0x1  }
0xf5: {  	v3 =	vperm.xlane v3, v2;
	_ =	sdelay $0x1  }
0xf6: {  	s31 =	simm.s32 $0x12900;
	v3 =	vadd.s32 v1, v3  }
0xf7: {  	[tilespmem:s31], [sflag:$0x3] =	stream.indirect_vreg.gather [hbm4b:s2+s3], $0x80, v4, vm0, $0xb8;
	[tilespmem:$0x18900] =	vst v63  }
0xf8: {  	s31 =	simm.s32 $0x13100  }
0xf9: {  	[tilespmem:s31], [sflag:$0x3] =	stream.indirect_vreg.gather [hbm4b:s5+s3], $0x80, v4, vm1, $0xb8;
	[tilespmem:$0x18900] =	vst v63  }
0xfa: {  	s31 =	simm.s32 $0x13500  }
0xfb: {  	[tilespmem:s31], [sflag:$0x3] =	stream.indirect_vreg.gather [hbm4b:s2+s3], $0x80, v3, vm0, $0xb8;
	[tilespmem:$0x18900] =	vst v63  }
0xfc: {  	s31 =	simm.s32 $0x13D00  }
0xfd: {  	[tilespmem:s31], [sflag:$0x3] =	stream.indirect_vreg.gather [hbm4b:s5+s3], $0x80, v3, vm1, $0xb8;
	[tilespmem:$0x18900] =	vst v63  }
0xfe: {  	v3 =	vld [tilespmem:$0x8D0];
	_ =	sdelay $0x4  }
0xff: {  	v27 =	vshrl.u32 v3, $0x3  }
0x100: {  	v4 =	vmul.u32 $0x18, v27  }
0x101: {  	v3 =	vand.u32 $0x7, v3  }
0x102: {  	v3 =	vor.u32 v3, v4  }
0x103: {  	v4 =	vperm.xlane v3, v0;
	_ =	sdelay $0x1  }
0x104: {  	v4 =	vadd.s32 v1, v4;
	_ =	sdelay $0x1  }
0x105: {  	v3 =	vperm.xlane v3, v2;
	_ =	sdelay $0x1  }
0x106: {  	s31 =	simm.s32 $0x14100;
	v3 =	vadd.s32 v1, v3  }
0x107: {  	[tilespmem:s31], [sflag:$0x3] =	stream.indirect_vreg.gather [hbm4b:s2+s3], $0x80, v4, vm0, $0xb8;
	[tilespmem:$0x18900] =	vst v63  }
0x108: {  	s31 =	simm.s32 $0x14900  }
0x109: {  	[tilespmem:s31], [sflag:$0x3] =	stream.indirect_vreg.gather [hbm4b:s5+s3], $0x80, v4, vm1, $0xb8;
	[tilespmem:$0x18900] =	vst v63  }
0x10a: {  	s31 =	simm.s32 $0x14D00  }
0x10b: {  	[tilespmem:s31], [sflag:$0x3] =	stream.indirect_vreg.gather [hbm4b:s2+s3], $0x80, v3, vm0, $0xb8;
	[tilespmem:$0x18900] =	vst v63  }
0x10c: {  	s31 =	simm.s32 $0x15500  }
0x10d: {  	[tilespmem:s31], [sflag:$0x3] =	stream.indirect_vreg.gather [hbm4b:s5+s3], $0x80, v3, vm1, $0xb8;
	[tilespmem:$0x18900] =	vst v63  }
0x10e: {  	v3 =	vld [tilespmem:$0x8E0];
	_ =	sdelay $0x4  }
0x10f: {  	v28 =	vshrl.u32 v3, $0x3  }
0x110: {  	v4 =	vmul.u32 $0x18, v28  }
0x111: {  	v3 =	vand.u32 $0x7, v3  }
0x112: {  	v3 =	vor.u32 v3, v4  }
0x113: {  	v4 =	vperm.xlane v3, v0;
	_ =	sdelay $0x1  }
0x114: {  	v4 =	vadd.s32 v1, v4;
	_ =	sdelay $0x1  }
0x115: {  	v3 =	vperm.xlane v3, v2;
	_ =	sdelay $0x1  }
0x116: {  	s31 =	simm.s32 $0x15900;
	v3 =	vadd.s32 v1, v3  }
0x117: {  	[tilespmem:s31], [sflag:$0x3] =	stream.indirect_vreg.gather [hbm4b:s2+s3], $0x80, v4, vm0, $0xb8;
	[tilespmem:$0x18900] =	vst v63  }
0x118: {  	s31 =	simm.s32 $0x16100  }
0x119: {  	[tilespmem:s31], [sflag:$0x3] =	stream.indirect_vreg.gather [hbm4b:s5+s3], $0x80, v4, vm1, $0xb8;
	[tilespmem:$0x18900] =	vst v63  }
0x11a: {  	s31 =	simm.s32 $0x16500  }
0x11b: {  	[tilespmem:s31], [sflag:$0x3] =	stream.indirect_vreg.gather [hbm4b:s2+s3], $0x80, v3, vm0, $0xb8;
	[tilespmem:$0x18900] =	vst v63  }
0x11c: {  	s31 =	simm.s32 $0x16D00  }
0x11d: {  	[tilespmem:s31], [sflag:$0x3] =	stream.indirect_vreg.gather [hbm4b:s5+s3], $0x80, v3, vm1, $0xb8;
	[tilespmem:$0x18900] =	vst v63  }
0x11e: {  	v3 =	vld [tilespmem:$0x8F0];
	_ =	sdelay $0x4  }
0x11f: {  	v29 =	vshrl.u32 v3, $0x3  }
0x120: {  	v4 =	vmul.u32 $0x18, v29  }
0x121: {  	v3 =	vand.u32 $0x7, v3  }
0x122: {  	v3 =	vor.u32 v3, v4  }
0x123: {  	v4 =	vperm.xlane v3, v0;
	_ =	sdelay $0x1  }
0x124: {  	v4 =	vadd.s32 v1, v4;
	_ =	sdelay $0x1  }
0x125: {  	v3 =	vperm.xlane v3, v2;
	_ =	sdelay $0x1  }
0x126: {  	s31 =	simm.s32 $0x17100;
	v3 =	vadd.s32 v1, v3  }
0x127: {  	[tilespmem:s31], [sflag:$0x3] =	stream.indirect_vreg.gather [hbm4b:s2+s3], $0x80, v4, vm0, $0xb8;
	[tilespmem:$0x18900] =	vst v63  }
0x128: {  	s31 =	simm.s32 $0x17900  }
0x129: {  	[tilespmem:s31], [sflag:$0x3] =	stream.indirect_vreg.gather [hbm4b:s5+s3], $0x80, v4, vm1, $0xb8;
	[tilespmem:$0x18900] =	vst v63  }
0x12a: {  	s31 =	simm.s32 $0x17D00  }
0x12b: {  	[tilespmem:s31], [sflag:$0x3] =	stream.indirect_vreg.gather [hbm4b:s2+s3], $0x80, v3, vm0, $0xb8;
	[tilespmem:$0x18900] =	vst v63  }
0x12c: {  	s31 =	simm.s32 $0x18500  }
0x12d: {  	[tilespmem:s31], [sflag:$0x3] =	stream.indirect_vreg.gather [hbm4b:s5+s3], $0x80, v3, vm1, $0xb8;
	[tilespmem:$0x18900] =	vst v63  }
0x12e: {  	_ =	swait.ge [sflag:s17], $0xC000  }
0x12f: {  	[sflag:s17] =	ssyncset.done $0x0  }
0x130: {  	s31 =	rddreg [dreg:$0x6];
	[sflag:s17] =	ssyncadd.s32 $0xFFFF4000  }
0x131: {  	[hbm4b:s31+s3] =	stream.linear.scatter [tilespmem:s1], [sflag:$0x5], $0xC000, $0x38;
	[tilespmem:$0x18900] =	vst v63  }
0x132: {  	_ =	swait.ge [sflag:s18], $0x400  }
0x133: {  	[sflag:s18] =	ssyncset.done $0x0  }
0x134: {  	s31 =	rddreg [dreg:$0x7];
	[sflag:s18] =	ssyncadd.s32 $0xFFFFFC00  }
0x135: {  	[tilespmem:s4], [sflag:$0x2] =	stream.linear.gather [hbm4b:s31+s3], $0x400, $0x38;
	[tilespmem:$0x18900] =	vst v63  }
0x136: {  	v3 =	vld [tilespmem:$0x0]  }
0x137: {  	v30 =	vld [tilespmem:$0x80]  }
0x138: {  	v31 =	vld [tilespmem:$0x100]  }
0x139: {  	v32 =	vld [tilespmem:$0x180]  }
0x13a: {  	v33 =	vld [tilespmem:$0x200]  }
0x13b: {  	v34 =	vld [tilespmem:$0x280];
	[tilespmem:$0x800] =	vst v3;
	v35 =	vshrl.u32 v3, $0x3  }
0x13c: {  	v36 =	vld [tilespmem:$0x300];
	[tilespmem:$0x810] =	vst v30;
	v9 =	vmul.u32 $0x18, v35  }
0x13d: {  	v37 =	vld [tilespmem:$0x380];
	[tilespmem:$0x820] =	vst v31;
	v3 =	vand.u32 $0x7, v3  }
0x13e: {  	[tilespmem:$0x830] =	vst v32;
	v3 =	vor.u32 v3, v9  }
0x13f: {  	[tilespmem:$0x840] =	vst v33;
	v38 =	vperm.xlane v3, v0  }
0x140: {  	[tilespmem:$0x850] =	vst v34  }
0x141: {  	[tilespmem:$0x860] =	vst v36;
	v39 =	vadd.s32 v1, v38  }
0x142: {  	[tilespmem:$0x870] =	vst v37  }
0x143: {  	_ =	swait.ge [sflag:s29], $0xC000;
	v3 =	vperm.xlane v3, v2  }
0x144: {  	[sflag:s29] =	ssyncset.done $0x0  }
0x145: {  	[sflag:s29] =	ssyncadd.s32 $0xFFFF4000;
	v3 =	vadd.s32 v1, v3  }
0x146: {  	[tilespmem:s19], [sflag:$0x3] =	stream.indirect_vreg.gather [hbm4b:s2+s3], $0x80, v39, vm0, $0xb8;
	[tilespmem:$0x18900] =	vst v63  }
0x147: {  	s31 =	simm.s32 $0x1100  }
0x148: {  	[tilespmem:s31], [sflag:$0x3] =	stream.indirect_vreg.gather [hbm4b:s5+s3], $0x80, v39, vm1, $0xb8;
	[tilespmem:$0x18900] =	vst v63  }
0x149: {  	_ = 	snop  }
0x14a: {  	[tilespmem:s8], [sflag:$0x3] =	stream.indirect_vreg.gather [hbm4b:s2+s3], $0x80, v3, vm0, $0xb8;
	[tilespmem:$0x18900] =	vst v63  }
0x14b: {  	_ = 	snop  }
0x14c: {  	[tilespmem:s10], [sflag:$0x3] =	stream.indirect_vreg.gather [hbm4b:s5+s3], $0x80, v3, vm1, $0xb8;
	[tilespmem:$0x18900] =	vst v63  }
0x14d: {  	v3 =	vld [tilespmem:$0x810];
	_ =	sdelay $0x4  }
0x14e: {  	v40 =	vshrl.u32 v3, $0x3  }
0x14f: {  	v4 =	vmul.u32 $0x18, v40  }
0x150: {  	v3 =	vand.u32 $0x7, v3  }
0x151: {  	v3 =	vor.u32 v3, v4  }
0x152: {  	v4 =	vperm.xlane v3, v0;
	_ =	sdelay $0x1  }
0x153: {  	v4 =	vadd.s32 v1, v4;
	_ =	sdelay $0x1  }
0x154: {  	v3 =	vperm.xlane v3, v2;
	_ =	sdelay $0x1  }
0x155: {  	v3 =	vadd.s32 v1, v3  }
0x156: {  	[tilespmem:s11], [sflag:$0x3] =	stream.indirect_vreg.gather [hbm4b:s2+s3], $0x80, v4, vm0, $0xb8;
	[tilespmem:$0x18900] =	vst v63  }
0x157: {  	_ = 	snop  }
0x158: {  	[tilespmem:s12], [sflag:$0x3] =	stream.indirect_vreg.gather [hbm4b:s5+s3], $0x80, v4, vm1, $0xb8;
	[tilespmem:$0x18900] =	vst v63  }
0x159: {  	_ = 	snop  }
0x15a: {  	[tilespmem:s13], [sflag:$0x3] =	stream.indirect_vreg.gather [hbm4b:s2+s3], $0x80, v3, vm0, $0xb8;
	[tilespmem:$0x18900] =	vst v63  }
0x15b: {  	_ = 	snop  }
0x15c: {  	[tilespmem:s14], [sflag:$0x3] =	stream.indirect_vreg.gather [hbm4b:s5+s3], $0x80, v3, vm1, $0xb8;
	[tilespmem:$0x18900] =	vst v63  }
0x15d: {  	v3 =	vld [tilespmem:$0x820];
	_ =	sdelay $0x4  }
0x15e: {  	v41 =	vshrl.u32 v3, $0x3  }
0x15f: {  	v4 =	vmul.u32 $0x18, v41  }
0x160: {  	v3 =	vand.u32 $0x7, v3  }
0x161: {  	v3 =	vor.u32 v3, v4  }
0x162: {  	v4 =	vperm.xlane v3, v0;
	_ =	sdelay $0x1  }
0x163: {  	v4 =	vadd.s32 v1, v4;
	_ =	sdelay $0x1  }
0x164: {  	v3 =	vperm.xlane v3, v2;
	_ =	sdelay $0x1  }
0x165: {  	v3 =	vadd.s32 v1, v3  }
0x166: {  	[tilespmem:s15], [sflag:$0x3] =	stream.indirect_vreg.gather [hbm4b:s2+s3], $0x80, v4, vm0, $0xb8;
	[tilespmem:$0x18900] =	vst v63  }
0x167: {  	_ = 	snop  }
0x168: {  	[tilespmem:s16], [sflag:$0x3] =	stream.indirect_vreg.gather [hbm4b:s5+s3], $0x80, v4, vm1, $0xb8;
	[tilespmem:$0x18900] =	vst v63  }
0x169: {  	s31 =	simm.s32 $0x4500  }
0x16a: {  	[tilespmem:s31], [sflag:$0x3] =	stream.indirect_vreg.gather [hbm4b:s2+s3], $0x80, v3, vm0, $0xb8;
	[tilespmem:$0x18900] =	vst v63  }
0x16b: {  	_ = 	snop  }
0x16c: {  	[tilespmem:s20], [sflag:$0x3] =	stream.indirect_vreg.gather [hbm4b:s5+s3], $0x80, v3, vm1, $0xb8;
	[tilespmem:$0x18900] =	vst v63  }
0x16d: {  	v3 =	vld [tilespmem:$0x830];
	_ =	sdelay $0x4  }
0x16e: {  	v42 =	vshrl.u32 v3, $0x3  }
0x16f: {  	v4 =	vmul.u32 $0x18, v42  }
0x170: {  	v3 =	vand.u32 $0x7, v3  }
0x171: {  	v3 =	vor.u32 v3, v4  }
0x172: {  	v4 =	vperm.xlane v3, v0;
	_ =	sdelay $0x1  }
0x173: {  	v4 =	vadd.s32 v1, v4;
	_ =	sdelay $0x1  }
0x174: {  	v3 =	vperm.xlane v3, v2;
	_ =	sdelay $0x1  }
0x175: {  	v3 =	vadd.s32 v1, v3  }
0x176: {  	[tilespmem:s21], [sflag:$0x3] =	stream.indirect_vreg.gather [hbm4b:s2+s3], $0x80, v4, vm0, $0xb8;
	[tilespmem:$0x18900] =	vst v63  }
0x177: {  	_ = 	snop  }
0x178: {  	[tilespmem:s22], [sflag:$0x3] =	stream.indirect_vreg.gather [hbm4b:s5+s3], $0x80, v4, vm1, $0xb8;
	[tilespmem:$0x18900] =	vst v63  }
0x179: {  	_ = 	snop  }
0x17a: {  	[tilespmem:s23], [sflag:$0x3] =	stream.indirect_vreg.gather [hbm4b:s2+s3], $0x80, v3, vm0, $0xb8;
	[tilespmem:$0x18900] =	vst v63  }
0x17b: {  	_ = 	snop  }
0x17c: {  	[tilespmem:s24], [sflag:$0x3] =	stream.indirect_vreg.gather [hbm4b:s5+s3], $0x80, v3, vm1, $0xb8;
	[tilespmem:$0x18900] =	vst v63  }
0x17d: {  	v3 =	vld [tilespmem:$0x840];
	_ =	sdelay $0x4  }
0x17e: {  	v43 =	vshrl.u32 v3, $0x3  }
0x17f: {  	v4 =	vmul.u32 $0x18, v43  }
0x180: {  	v3 =	vand.u32 $0x7, v3  }
0x181: {  	v3 =	vor.u32 v3, v4  }
0x182: {  	v4 =	vperm.xlane v3, v0;
	_ =	sdelay $0x1  }
0x183: {  	v4 =	vadd.s32 v1, v4;
	_ =	sdelay $0x1  }
0x184: {  	v3 =	vperm.xlane v3, v2;
	_ =	sdelay $0x1  }
0x185: {  	v3 =	vadd.s32 v1, v3  }
0x186: {  	[tilespmem:s25], [sflag:$0x3] =	stream.indirect_vreg.gather [hbm4b:s2+s3], $0x80, v4, vm0, $0xb8;
	[tilespmem:$0x18900] =	vst v63  }
0x187: {  	_ = 	snop  }
0x188: {  	[tilespmem:s26], [sflag:$0x3] =	stream.indirect_vreg.gather [hbm4b:s5+s3], $0x80, v4, vm1, $0xb8;
	[tilespmem:$0x18900] =	vst v63  }
0x189: {  	_ = 	snop  }
0x18a: {  	[tilespmem:s28], [sflag:$0x3] =	stream.indirect_vreg.gather [hbm4b:s2+s3], $0x80, v3, vm0, $0xb8;
	[tilespmem:$0x18900] =	vst v63  }
0x18b: {  	_ = 	snop  }
0x18c: {  	[tilespmem:s9], [sflag:$0x3] =	stream.indirect_vreg.gather [hbm4b:s5+s3], $0x80, v3, vm1, $0xb8;
	[tilespmem:$0x18900] =	vst v63  }
0x18d: {  	v3 =	vld [tilespmem:$0x850];
	_ =	sdelay $0x4  }
0x18e: {  	v44 =	vshrl.u32 v3, $0x3  }
0x18f: {  	v4 =	vmul.u32 $0x18, v44  }
0x190: {  	v3 =	vand.u32 $0x7, v3  }
0x191: {  	v3 =	vor.u32 v3, v4  }
0x192: {  	v4 =	vperm.xlane v3, v0;
	_ =	sdelay $0x1  }
0x193: {  	v4 =	vadd.s32 v1, v4;
	_ =	sdelay $0x1  }
0x194: {  	v3 =	vperm.xlane v3, v2;
	_ =	sdelay $0x1  }
0x195: {  	v3 =	vadd.s32 v1, v3  }
0x196: {  	[tilespmem:s7], [sflag:$0x3] =	stream.indirect_vreg.gather [hbm4b:s2+s3], $0x80, v4, vm0, $0xb8;
	[tilespmem:$0x18900] =	vst v63  }
0x197: {  	s31 =	simm.s32 $0x8900  }
0x198: {  	[tilespmem:s31], [sflag:$0x3] =	stream.indirect_vreg.gather [hbm4b:s5+s3], $0x80, v4, vm1, $0xb8;
	[tilespmem:$0x18900] =	vst v63  }
0x199: {  	s31 =	simm.s32 $0x8D00  }
0x19a: {  	[tilespmem:s31], [sflag:$0x3] =	stream.indirect_vreg.gather [hbm4b:s2+s3], $0x80, v3, vm0, $0xb8;
	[tilespmem:$0x18900] =	vst v63  }
0x19b: {  	s31 =	simm.s32 $0x9500  }
0x19c: {  	[tilespmem:s31], [sflag:$0x3] =	stream.indirect_vreg.gather [hbm4b:s5+s3], $0x80, v3, vm1, $0xb8;
	[tilespmem:$0x18900] =	vst v63  }
0x19d: {  	v3 =	vld [tilespmem:$0x860];
	_ =	sdelay $0x4  }
0x19e: {  	v45 =	vshrl.u32 v3, $0x3  }
0x19f: {  	v4 =	vmul.u32 $0x18, v45  }
0x1a0: {  	v3 =	vand.u32 $0x7, v3  }
0x1a1: {  	v3 =	vor.u32 v3, v4  }
0x1a2: {  	v4 =	vperm.xlane v3, v0;
	_ =	sdelay $0x1  }
0x1a3: {  	v4 =	vadd.s32 v1, v4;
	_ =	sdelay $0x1  }
0x1a4: {  	v3 =	vperm.xlane v3, v2;
	_ =	sdelay $0x1  }
0x1a5: {  	s31 =	simm.s32 $0x9900;
	v3 =	vadd.s32 v1, v3  }
0x1a6: {  	[tilespmem:s31], [sflag:$0x3] =	stream.indirect_vreg.gather [hbm4b:s2+s3], $0x80, v4, vm0, $0xb8;
	[tilespmem:$0x18900] =	vst v63  }
0x1a7: {  	s31 =	simm.s32 $0xA100  }
0x1a8: {  	[tilespmem:s31], [sflag:$0x3] =	stream.indirect_vreg.gather [hbm4b:s5+s3], $0x80, v4, vm1, $0xb8;
	[tilespmem:$0x18900] =	vst v63  }
0x1a9: {  	s31 =	simm.s32 $0xA500  }
0x1aa: {  	[tilespmem:s31], [sflag:$0x3] =	stream.indirect_vreg.gather [hbm4b:s2+s3], $0x80, v3, vm0, $0xb8;
	[tilespmem:$0x18900] =	vst v63  }
0x1ab: {  	s31 =	simm.s32 $0xAD00  }
0x1ac: {  	[tilespmem:s31], [sflag:$0x3] =	stream.indirect_vreg.gather [hbm4b:s5+s3], $0x80, v3, vm1, $0xb8;
	[tilespmem:$0x18900] =	vst v63  }
0x1ad: {  	v3 =	vld [tilespmem:$0x870];
	_ =	sdelay $0x4  }
0x1ae: {  	v46 =	vshrl.u32 v3, $0x3  }
0x1af: {  	v4 =	vmul.u32 $0x18, v46  }
0x1b0: {  	v3 =	vand.u32 $0x7, v3  }
0x1b1: {  	v3 =	vor.u32 v3, v4  }
0x1b2: {  	v4 =	vperm.xlane v3, v0;
	_ =	sdelay $0x1  }
0x1b3: {  	v4 =	vadd.s32 v1, v4;
	_ =	sdelay $0x1  }
0x1b4: {  	v3 =	vperm.xlane v3, v2;
	_ =	sdelay $0x1  }
0x1b5: {  	s31 =	simm.s32 $0xB100;
	v3 =	vadd.s32 v1, v3  }
0x1b6: {  	[tilespmem:s31], [sflag:$0x3] =	stream.indirect_vreg.gather [hbm4b:s2+s3], $0x80, v4, vm0, $0xb8;
	[tilespmem:$0x18900] =	vst v63  }
0x1b7: {  	s31 =	simm.s32 $0xB900  }
0x1b8: {  	[tilespmem:s31], [sflag:$0x3] =	stream.indirect_vreg.gather [hbm4b:s5+s3], $0x80, v4, vm1, $0xb8;
	[tilespmem:$0x18900] =	vst v63  }
0x1b9: {  	s31 =	simm.s32 $0xBD00  }
0x1ba: {  	[tilespmem:s31], [sflag:$0x3] =	stream.indirect_vreg.gather [hbm4b:s2+s3], $0x80, v3, vm0, $0xb8;
	[tilespmem:$0x18900] =	vst v63  }
0x1bb: {  	s31 =	simm.s32 $0xC500  }
0x1bc: {  	[tilespmem:s31], [sflag:$0x3] =	stream.indirect_vreg.gather [hbm4b:s5+s3], $0x80, v3, vm1, $0xb8;
	[tilespmem:$0x18900] =	vst v63  }
0x1bd: {  	_ =	swait.ge [sflag:s17], $0xC000  }
0x1be: {  	[sflag:s17] =	ssyncset.done $0x0  }
0x1bf: {  	s4 =	rddreg [dreg:$0x8];
	[sflag:s17] =	ssyncadd.s32 $0xFFFF4000  }
0x1c0: {  	[hbm4b:s4+s3] =	stream.linear.scatter [tilespmem:s19], [sflag:$0x4], $0xC000, $0x38;
	[tilespmem:$0x18900] =	vst v63  }
0x1c1: {  	_ =	swait.ge [sflag:s0], $0x400  }
0x1c2: {  	[sflag:s0] =	ssyncset.done $0x0  }
0x1c3: {  	[sflag:s0] =	ssyncadd.s32 $0xFFFFFC00  }
0x1c4: {  	v3 =	vld [tilespmem:$0x400]  }
0x1c5: {  	v47 =	vld [tilespmem:$0x480]  }
0x1c6: {  	v48 =	vld [tilespmem:$0x500]  }
0x1c7: {  	v49 =	vld [tilespmem:$0x580]  }
0x1c8: {  	v50 =	vld [tilespmem:$0x600]  }
0x1c9: {  	v51 =	vld [tilespmem:$0x680];
	[tilespmem:$0x880] =	vst v3;
	v52 =	vshrl.u32 v3, $0x3  }
0x1ca: {  	v53 =	vld [tilespmem:$0x700];
	[tilespmem:$0x890] =	vst v47;
	v9 =	vmul.u32 $0x18, v52  }
0x1cb: {  	v54 =	vld [tilespmem:$0x780];
	[tilespmem:$0x8A0] =	vst v48;
	v3 =	vand.u32 $0x7, v3  }
0x1cc: {  	[tilespmem:$0x8B0] =	vst v49;
	v3 =	vor.u32 v3, v9  }
0x1cd: {  	[tilespmem:$0x8C0] =	vst v50;
	v55 =	vperm.xlane v3, v0  }
0x1ce: {  	[tilespmem:$0x8D0] =	vst v51  }
0x1cf: {  	[tilespmem:$0x8E0] =	vst v53;
	v56 =	vadd.s32 v1, v55  }
0x1d0: {  	[tilespmem:$0x8F0] =	vst v54  }
0x1d1: {  	_ =	swait.ge [sflag:s30], $0xC000;
	v3 =	vperm.xlane v3, v2  }
0x1d2: {  	[sflag:s30] =	ssyncset.done $0x0  }
0x1d3: {  	[sflag:s30] =	ssyncadd.s32 $0xFFFF4000;
	v3 =	vadd.s32 v1, v3  }
0x1d4: {  	[tilespmem:s1], [sflag:$0x3] =	stream.indirect_vreg.gather [hbm4b:s2+s3], $0x80, v56, vm0, $0xb8;
	[tilespmem:$0x18900] =	vst v63  }
0x1d5: {  	s31 =	simm.s32 $0xD100  }
0x1d6: {  	[tilespmem:s31], [sflag:$0x3] =	stream.indirect_vreg.gather [hbm4b:s5+s3], $0x80, v56, vm1, $0xb8;
	[tilespmem:$0x18900] =	vst v63  }
0x1d7: {  	s4 =	simm.s32 $0xD500  }
0x1d8: {  	[tilespmem:s4], [sflag:$0x3] =	stream.indirect_vreg.gather [hbm4b:s2+s3], $0x80, v3, vm0, $0xb8;
	[tilespmem:$0x18900] =	vst v63  }
0x1d9: {  	s31 =	simm.s32 $0xDD00  }
0x1da: {  	[tilespmem:s31], [sflag:$0x3] =	stream.indirect_vreg.gather [hbm4b:s5+s3], $0x80, v3, vm1, $0xb8;
	[tilespmem:$0x18900] =	vst v63  }
0x1db: {  	v3 =	vld [tilespmem:$0x890];
	_ =	sdelay $0x4  }
0x1dc: {  	v57 =	vshrl.u32 v3, $0x3  }
0x1dd: {  	v4 =	vmul.u32 $0x18, v57  }
0x1de: {  	v3 =	vand.u32 $0x7, v3  }
0x1df: {  	v3 =	vor.u32 v3, v4  }
0x1e0: {  	v4 =	vperm.xlane v3, v0;
	_ =	sdelay $0x1  }
0x1e1: {  	v4 =	vadd.s32 v1, v4;
	_ =	sdelay $0x1  }
0x1e2: {  	v3 =	vperm.xlane v3, v2;
	_ =	sdelay $0x1  }
0x1e3: {  	s4 =	simm.s32 $0xE100;
	v3 =	vadd.s32 v1, v3  }
0x1e4: {  	[tilespmem:s4], [sflag:$0x3] =	stream.indirect_vreg.gather [hbm4b:s2+s3], $0x80, v4, vm0, $0xb8;
	[tilespmem:$0x18900] =	vst v63  }
0x1e5: {  	s31 =	simm.s32 $0xE900  }
0x1e6: {  	[tilespmem:s31], [sflag:$0x3] =	stream.indirect_vreg.gather [hbm4b:s5+s3], $0x80, v4, vm1, $0xb8;
	[tilespmem:$0x18900] =	vst v63  }
0x1e7: {  	s4 =	simm.s32 $0xED00  }
0x1e8: {  	[tilespmem:s4], [sflag:$0x3] =	stream.indirect_vreg.gather [hbm4b:s2+s3], $0x80, v3, vm0, $0xb8;
	[tilespmem:$0x18900] =	vst v63  }
0x1e9: {  	s31 =	simm.s32 $0xF500  }
0x1ea: {  	[tilespmem:s31], [sflag:$0x3] =	stream.indirect_vreg.gather [hbm4b:s5+s3], $0x80, v3, vm1, $0xb8;
	[tilespmem:$0x18900] =	vst v63  }
0x1eb: {  	v3 =	vld [tilespmem:$0x8A0];
	_ =	sdelay $0x4  }
0x1ec: {  	v58 =	vshrl.u32 v3, $0x3  }
0x1ed: {  	v4 =	vmul.u32 $0x18, v58  }
0x1ee: {  	v3 =	vand.u32 $0x7, v3  }
0x1ef: {  	v3 =	vor.u32 v3, v4  }
0x1f0: {  	v4 =	vperm.xlane v3, v0;
	_ =	sdelay $0x1  }
0x1f1: {  	v4 =	vadd.s32 v1, v4;
	_ =	sdelay $0x1  }
0x1f2: {  	v3 =	vperm.xlane v3, v2;
	_ =	sdelay $0x1  }
0x1f3: {  	s4 =	simm.s32 $0xF900;
	v3 =	vadd.s32 v1, v3  }
0x1f4: {  	[tilespmem:s4], [sflag:$0x3] =	stream.indirect_vreg.gather [hbm4b:s2+s3], $0x80, v4, vm0, $0xb8;
	[tilespmem:$0x18900] =	vst v63  }
0x1f5: {  	s31 =	simm.s32 $0x10100  }
0x1f6: {  	[tilespmem:s31], [sflag:$0x3] =	stream.indirect_vreg.gather [hbm4b:s5+s3], $0x80, v4, vm1, $0xb8;
	[tilespmem:$0x18900] =	vst v63  }
0x1f7: {  	s4 =	simm.s32 $0x10500  }
0x1f8: {  	[tilespmem:s4], [sflag:$0x3] =	stream.indirect_vreg.gather [hbm4b:s2+s3], $0x80, v3, vm0, $0xb8;
	[tilespmem:$0x18900] =	vst v63  }
0x1f9: {  	s31 =	simm.s32 $0x10D00  }
0x1fa: {  	[tilespmem:s31], [sflag:$0x3] =	stream.indirect_vreg.gather [hbm4b:s5+s3], $0x80, v3, vm1, $0xb8;
	[tilespmem:$0x18900] =	vst v63  }
0x1fb: {  	v3 =	vld [tilespmem:$0x8B0];
	_ =	sdelay $0x4  }
0x1fc: {  	v59 =	vshrl.u32 v3, $0x3  }
0x1fd: {  	v4 =	vmul.u32 $0x18, v59  }
0x1fe: {  	v3 =	vand.u32 $0x7, v3  }
0x1ff: {  	v3 =	vor.u32 v3, v4  }
0x200: {  	v4 =	vperm.xlane v3, v0;
	_ =	sdelay $0x1  }
0x201: {  	v4 =	vadd.s32 v1, v4;
	_ =	sdelay $0x1  }
0x202: {  	v3 =	vperm.xlane v3, v2;
	_ =	sdelay $0x1  }
0x203: {  	s4 =	simm.s32 $0x11100;
	v3 =	vadd.s32 v1, v3  }
0x204: {  	[tilespmem:s4], [sflag:$0x3] =	stream.indirect_vreg.gather [hbm4b:s2+s3], $0x80, v4, vm0, $0xb8;
	[tilespmem:$0x18900] =	vst v63  }
0x205: {  	s31 =	simm.s32 $0x11900  }
0x206: {  	[tilespmem:s31], [sflag:$0x3] =	stream.indirect_vreg.gather [hbm4b:s5+s3], $0x80, v4, vm1, $0xb8;
	[tilespmem:$0x18900] =	vst v63  }
0x207: {  	s4 =	simm.s32 $0x11D00  }
0x208: {  	[tilespmem:s4], [sflag:$0x3] =	stream.indirect_vreg.gather [hbm4b:s2+s3], $0x80, v3, vm0, $0xb8;
	[tilespmem:$0x18900] =	vst v63  }
0x209: {  	s31 =	simm.s32 $0x12500  }
0x20a: {  	[tilespmem:s31], [sflag:$0x3] =	stream.indirect_vreg.gather [hbm4b:s5+s3], $0x80, v3, vm1, $0xb8;
	[tilespmem:$0x18900] =	vst v63  }
0x20b: {  	v3 =	vld [tilespmem:$0x8C0];
	_ =	sdelay $0x4  }
0x20c: {  	v60 =	vshrl.u32 v3, $0x3  }
0x20d: {  	v4 =	vmul.u32 $0x18, v60  }
0x20e: {  	v3 =	vand.u32 $0x7, v3  }
0x20f: {  	v3 =	vor.u32 v3, v4  }
0x210: {  	v4 =	vperm.xlane v3, v0;
	_ =	sdelay $0x1  }
0x211: {  	v4 =	vadd.s32 v1, v4;
	_ =	sdelay $0x1  }
0x212: {  	v3 =	vperm.xlane v3, v2;
	_ =	sdelay $0x1  }
0x213: {  	s4 =	simm.s32 $0x12900;
	v3 =	vadd.s32 v1, v3  }
0x214: {  	[tilespmem:s4], [sflag:$0x3] =	stream.indirect_vreg.gather [hbm4b:s2+s3], $0x80, v4, vm0, $0xb8;
	[tilespmem:$0x18900] =	vst v63  }
0x215: {  	s31 =	simm.s32 $0x13100  }
0x216: {  	[tilespmem:s31], [sflag:$0x3] =	stream.indirect_vreg.gather [hbm4b:s5+s3], $0x80, v4, vm1, $0xb8;
	[tilespmem:$0x18900] =	vst v63  }
0x217: {  	s4 =	simm.s32 $0x13500  }
0x218: {  	[tilespmem:s4], [sflag:$0x3] =	stream.indirect_vreg.gather [hbm4b:s2+s3], $0x80, v3, vm0, $0xb8;
	[tilespmem:$0x18900] =	vst v63  }
0x219: {  	s31 =	simm.s32 $0x13D00  }
0x21a: {  	[tilespmem:s31], [sflag:$0x3] =	stream.indirect_vreg.gather [hbm4b:s5+s3], $0x80, v3, vm1, $0xb8;
	[tilespmem:$0x18900] =	vst v63  }
0x21b: {  	v3 =	vld [tilespmem:$0x8D0];
	_ =	sdelay $0x4  }
0x21c: {  	v61 =	vshrl.u32 v3, $0x3  }
0x21d: {  	v4 =	vmul.u32 $0x18, v61  }
0x21e: {  	v3 =	vand.u32 $0x7, v3  }
0x21f: {  	v3 =	vor.u32 v3, v4  }
0x220: {  	v4 =	vperm.xlane v3, v0;
	_ =	sdelay $0x1  }
0x221: {  	v4 =	vadd.s32 v1, v4;
	_ =	sdelay $0x1  }
0x222: {  	v3 =	vperm.xlane v3, v2;
	_ =	sdelay $0x1  }
0x223: {  	s4 =	simm.s32 $0x14100;
	v3 =	vadd.s32 v1, v3  }
0x224: {  	[tilespmem:s4], [sflag:$0x3] =	stream.indirect_vreg.gather [hbm4b:s2+s3], $0x80, v4, vm0, $0xb8;
	[tilespmem:$0x18900] =	vst v63  }
0x225: {  	s31 =	simm.s32 $0x14900  }
0x226: {  	[tilespmem:s31], [sflag:$0x3] =	stream.indirect_vreg.gather [hbm4b:s5+s3], $0x80, v4, vm1, $0xb8;
	[tilespmem:$0x18900] =	vst v63  }
0x227: {  	s4 =	simm.s32 $0x14D00  }
0x228: {  	[tilespmem:s4], [sflag:$0x3] =	stream.indirect_vreg.gather [hbm4b:s2+s3], $0x80, v3, vm0, $0xb8;
	[tilespmem:$0x18900] =	vst v63  }
0x229: {  	s31 =	simm.s32 $0x15500  }
0x22a: {  	[tilespmem:s31], [sflag:$0x3] =	stream.indirect_vreg.gather [hbm4b:s5+s3], $0x80, v3, vm1, $0xb8;
	[tilespmem:$0x18900] =	vst v63  }
0x22b: {  	v3 =	vld [tilespmem:$0x8E0];
	_ =	sdelay $0x4  }
0x22c: {  	v62 =	vshrl.u32 v3, $0x3  }
0x22d: {  	v4 =	vmul.u32 $0x18, v62  }
0x22e: {  	v3 =	vand.u32 $0x7, v3  }
0x22f: {  	v3 =	vor.u32 v3, v4  }
0x230: {  	v4 =	vperm.xlane v3, v0;
	_ =	sdelay $0x1  }
0x231: {  	v4 =	vadd.s32 v1, v4;
	_ =	sdelay $0x1  }
0x232: {  	v3 =	vperm.xlane v3, v2;
	_ =	sdelay $0x1  }
0x233: {  	s4 =	simm.s32 $0x15900;
	v3 =	vadd.s32 v1, v3  }
0x234: {  	[tilespmem:s4], [sflag:$0x3] =	stream.indirect_vreg.gather [hbm4b:s2+s3], $0x80, v4, vm0, $0xb8;
	[tilespmem:$0x18900] =	vst v63  }
0x235: {  	s31 =	simm.s32 $0x16100  }
0x236: {  	[tilespmem:s31], [sflag:$0x3] =	stream.indirect_vreg.gather [hbm4b:s5+s3], $0x80, v4, vm1, $0xb8;
	[tilespmem:$0x18900] =	vst v63  }
0x237: {  	s4 =	simm.s32 $0x16500  }
0x238: {  	[tilespmem:s4], [sflag:$0x3] =	stream.indirect_vreg.gather [hbm4b:s2+s3], $0x80, v3, vm0, $0xb8;
	[tilespmem:$0x18900] =	vst v63  }
0x239: {  	s31 =	simm.s32 $0x16D00  }
0x23a: {  	[tilespmem:s31], [sflag:$0x3] =	stream.indirect_vreg.gather [hbm4b:s5+s3], $0x80, v3, vm1, $0xb8;
	[tilespmem:$0x18900] =	vst v63  }
0x23b: {  	v3 =	vld [tilespmem:$0x8F0];
	_ =	sdelay $0x4  }
0x23c: {  	v63 =	vshrl.u32 v3, $0x3  }
0x23d: {  	v4 =	vmul.u32 $0x18, v63  }
0x23e: {  	v3 =	vand.u32 $0x7, v3  }
0x23f: {  	v3 =	vor.u32 v3, v4  }
0x240: {  	v4 =	vperm.xlane v3, v0;
	_ =	sdelay $0x1  }
0x241: {  	v4 =	vadd.s32 v1, v4;
	_ =	sdelay $0x1  }
0x242: {  	v3 =	vperm.xlane v3, v2;
	_ =	sdelay $0x1  }
0x243: {  	s4 =	simm.s32 $0x17100;
	v3 =	vadd.s32 v1, v3  }
0x244: {  	[tilespmem:s4], [sflag:$0x3] =	stream.indirect_vreg.gather [hbm4b:s2+s3], $0x80, v4, vm0, $0xb8;
	[tilespmem:$0x18900] =	vst v63  }
0x245: {  	s31 =	simm.s32 $0x17900  }
0x246: {  	[tilespmem:s31], [sflag:$0x3] =	stream.indirect_vreg.gather [hbm4b:s5+s3], $0x80, v4, vm1, $0xb8;
	[tilespmem:$0x18900] =	vst v63  }
0x247: {  	s4 =	simm.s32 $0x17D00  }
0x248: {  	[tilespmem:s4], [sflag:$0x3] =	stream.indirect_vreg.gather [hbm4b:s2+s3], $0x80, v3, vm0, $0xb8;
	[tilespmem:$0x18900] =	vst v63  }
0x249: {  	s31 =	simm.s32 $0x18500  }
0x24a: {  	[tilespmem:s31], [sflag:$0x3] =	stream.indirect_vreg.gather [hbm4b:s5+s3], $0x80, v3, vm1, $0xb8;
	[tilespmem:$0x18900] =	vst v63  }
0x24b: {  	_ =	swait.ge [sflag:s17], $0xC000  }
0x24c: {  	[sflag:s17] =	ssyncset.done $0x0  }
0x24d: {  	s4 =	rddreg [dreg:$0x9];
	[sflag:s17] =	ssyncadd.s32 $0xFFFF4000  }
0x24e: {  	[hbm4b:s4+s3] =	stream.linear.scatter [tilespmem:s1], [sflag:$0x5], $0xC000, $0x38;
	[tilespmem:$0x18900] =	vst v63  }
0x24f: {  	p0 =	sne.s32 s6, $0x1;
	_ =	swait.ge [sflag:s29], $0xC000  }
.Ltmp0:
0x250: {  	[sflag:s29] =	ssyncset.done $0x0;
	(pc) =	sbr.rel @p0 .LBB2_1-.Ltmp0, $4  }
0x251: {  	[sflag:s29] =	ssyncadd.s32 $0xFFFF4000  }
0x252: {  	_ =	swait.ge [sflag:s30], $0xC000  }
0x253: {  	[sflag:s30] =	ssyncset.done $0x0  }
0x254: {  	s6 =	sadd.s32 $0xFFFFFFFF, s6;
	[sflag:s30] =	ssyncadd.s32 $0xFFFF4000  }
0x255: {  	_ =	sfence.sel $0x180000  }
0x256: {  	[bflag:$0x0] =	sbarrier.arrive $0xFFFF  }
0x257: {  	_ =	strace $0x90000047  }
0x258: {  	s0 =	stileid.u32;
	[bflag:$0x2] =	sbarrier.arrive $0xFFFF  }
0x259: {  	p0 =	sne.s32 s0, $0x0;
	s0 =	rddreg [dreg:$0x2]  }
0x25a: {  	s0 =	sadd.s32 @!p0 $0x100000, s0  }
0x25b: {  	[sflag:s0] =	ssyncadd.tile.s32 @!p0 $0x1;
	_ =	shalt  }
.Lfunc_end2:
_tile_overlayer_lowered:
.L_overlay_start_2:
0x25c: {  	(tag) =	ssettag $0x2  }
0x25d: {  	s0 =	rddreg [dreg:$0x0];
	s2 =	stileid.u32  }
0x25e: {  	s1 =	rddreg [dreg:$0x1];
	p0 =	sne.s32 s2, $0x0  }
0x25f: {  	s3 =	rddreg [dreg:$0x2];
	[bflag:$0x3] =	sbarrier.arrive $0xFFFF;
	s2 =	simm.s32 @!p0 $0x1C06  }
0x260: {  	[timem:s3], [sflag:s2] =	dma.local @!p0 [hbm:s0], s1  }
0x261: {  	s0 =	simm.s32 @!p0 $0x6  }
0x262: {  	_ =	swait.ge @!p0 [sflag:s0], s1  }
0x263: {  	s1 =	ssub.s32 @!p0 $0x0, s1;
	[sflag:s0] =	ssyncset.done @!p0 $0x0  }
0x264: {  	[sflag:s0] =	ssyncadd.s32 @!p0 s1  }
0x265: {  	[bflag:$0x3] =	sbarrier.arrive $0xFFFF  }
0x266: {  	_ =	shalt  }

// kernel: kernel.19.cloned.1.call-start
scs
__scs_entry_jumppad:
0x0: {  	(pc) =	sbr.rel $0x88, $3  }
0x1: {  	(tag) =	ssettag $0x0;
	lr =	simm.s32 $0x1  }
0x2: {  	[smem:$0x3F8D] =	sst lr;
	_ =	strace $0xD0000000  }
0x3: {  	_ = 	snop  }
0x4: {  	_ = 	snop  }
0x5: {  	_ = 	snop  }
0x6: {  	_ = 	snop  }
0x7: {  	_ = 	snop  }
__scs_overlays_trampoline_lowered:
0x8: {  	[smem:$0x3F9C] =	sst s0  }
0x9: {  	[smem:$0x3F9D] =	sst s1  }
0xa: {  	[smem:$0x3F9E] =	sst s2  }
0xb: {  	[smem:$0x3F9F] =	sst s3  }
0xc: {  	[smem:$0x3FA0] =	sst s4  }
0xd: {  	[smem:$0x3FA1] =	sst s5  }
0xe: {  	[smem:$0x3FA2] =	sst s6  }
0xf: {  	[smem:$0x3FA3] =	sst s7  }
0x10: {  	[smem:$0x3FA4] =	sst s8  }
0x11: {  	[smem:$0x3FA5] =	sst s9;
	s0 =	simm.s32 @!p0 $0x0  }
0x12: {  	s1 =	sld [smem:$0x3F8B];
	s0 =	simm.s32 @p0 $0x1  }
0x13: {  	[smem:$0x3FA6] =	sst s0;
	s0 =	simm.s32 @!p1 $0x0  }
0x14: {  	s2 =	sld [smem:$0x3F8A];
	s0 =	simm.s32 @p1 $0x1  }
0x15: {  	[smem:$0x3FA7] =	sst s0;
	s0 =	simm.s32 @!p2 $0x0  }
0x16: {  	s3 =	sld [smem:$0x3FDB];
	s0 =	simm.s32 @p2 $0x1  }
0x17: {  	s4 =	simm.s32 $0x1BF5;
	[smem:$0x3FA9] =	sst s0  }
0x18: {  	s0 =	sld [smem:$0x3F8C];
	_ =	swait.ge [sflag:s4], $0x0  }
0x19: {  	s7 =	sld [smem:$0x3F8D]  }
0x1a: {  	s8 =	sadd.s32 $0xFFFFE003, lr  }
0x1b: {  	s9 =	sadd.s32 $0xFFFFFEF7, lr;
	s5 =	simm.s32 $0xFFFFFFFF;
	p2 =	slt.u32 s8, $0xFFFFF086  }
0x1c: {  	p1 =	slt.u32 s9, $0xF7A;
	s5 =	simm.s32 @!p2 $0x0  }
0x1d: {  	s5 =	simm.s32 @p1 $0x1;
	p0 =	seq.s32 s7, s2  }
0x1e: {  	s7 =	smul.u32 @!p0 $0xF7A, s2;
	p2 =	seq.s32 @!p0 s5, $0x0  }
0x1f: {  	s9 =	smul.u32 $0xF7A, s1;
	s8 =	simm.s32 @!p0 $0x1BF5;
	p2 =	por !p2, p0  }
0x20: {  	[sflag:s8] =	ssyncset.s32 @!p0 $0xFFFFF086;
	s6 =	sadd.s32 @!p0 s3, s7;
	s7 =	simm.s32 @!p0 $0x108  }
0x21: {  	s3 =	sadd.s32 s3, s9;
	s6 =	sadd.s32 @!p0 $0x88, s6;
	s7 =	simm.s32 @p2 $0x1082  }
0x22: {  	[simem:s7], [sflag:s8] =	dma.local @!p0 [hbm:s6], $0xF7A  }
0x23: {  	s9 =	sor.u32 $0xD0000000, s2;
	s6 =	simm.s32 $0x108;
	_ =	swait.ge @!p0 [sflag:s8], $0x0  }
0x24: {  	s3 =	sadd.s32 $0x88, s3;
	s6 =	simm.s32 @!p1 $0x1082;
	[sflag:s4] =	ssyncset.s32 $0xFFFFF086  }
0x25: {  	[simem:s6], [sflag:s4] =	dma.local [hbm:s3], $0xF7A  }
0x26: {  	[smem:$0x3F8D] =	sst s1;
	(tag) =	ssettag s2;
	_ =	strace s9  }
0x27: {  	s1 =	sld [smem:$0x3F9D]  }
0x28: {  	s2 =	sld [smem:$0x3F9E]  }
0x29: {  	s4 =	sld [smem:$0x3FA0]  }
0x2a: {  	p0 =	seq.s32 s5, $0x0;
	s5 =	sld [smem:$0x3FA1]  }
0x2b: {  	s6 =	sld [smem:$0x3FA2]  }
0x2c: {  	s7 =	sld [smem:$0x3FA3]  }
0x2d: {  	s3 =	simm.s32 $0x108;
	s8 =	sld [smem:$0x3FA4]  }
0x2e: {  	s3 =	simm.s32 @!p0 $0x1082;
	s9 =	sld [smem:$0x3FA5]  }
0x2f: {  	lr =	sadd.s32 s0, s3;
	s0 =	sld [smem:$0x3F9C]  }
0x30: {  	s3 =	sld [smem:$0x3F9F]  }
0x31: {  	[smem:$0x3FA8] =	sst s10  }
0x32: {  	s10 =	sld [smem:$0x3FA6];
	_ =	sdelay $0x3  }
0x33: {  	p0 =	seq.s32 s10, $0x1;
	s10 =	sld [smem:$0x3FA8];
	_ =	sdelay $0x3  }
0x34: {  	[smem:$0x3FA8] =	sst s10  }
0x35: {  	s10 =	sld [smem:$0x3FA7];
	_ =	sdelay $0x3  }
0x36: {  	p1 =	seq.s32 s10, $0x1;
	s10 =	sld [smem:$0x3FA8];
	_ =	sdelay $0x3  }
0x37: {  	[smem:$0x3FA8] =	sst s10  }
0x38: {  	s10 =	sld [smem:$0x3FA9]  }
0x39: {  	_ = 	snop;
	(pc) =	sbr.ind lr, $3  }
0x3a: {  	_ = 	snop  }
0x3b: {  	_ = 	snop  }
0x3c: {  	p2 =	seq.s32 s10, $0x1;
	s10 =	sld [smem:$0x3FA8]  }
0x3d: {  	_ =	shalt  }
0x3e: {  	_ =	shalt  }
0x3f: {  	_ =	shalt  }
0x40: {  	_ =	shalt  }
0x41: {  	_ =	shalt  }
0x42: {  	_ =	shalt  }
0x43: {  	_ =	shalt  }
0x44: {  	_ =	shalt  }
0x45: {  	_ =	shalt  }
0x46: {  	_ =	shalt  }
0x47: {  	_ =	shalt  }
0x48: {  	_ =	shalt  }
0x49: {  	_ =	shalt  }
0x4a: {  	_ =	shalt  }
0x4b: {  	_ =	shalt  }
0x4c: {  	_ =	shalt  }
0x4d: {  	_ =	shalt  }
0x4e: {  	_ =	shalt  }
0x4f: {  	_ =	shalt  }
0x50: {  	_ =	shalt  }
0x51: {  	_ =	shalt  }
0x52: {  	_ =	shalt  }
0x53: {  	_ =	shalt  }
0x54: {  	_ =	shalt  }
0x55: {  	_ =	shalt  }
0x56: {  	_ =	shalt  }
0x57: {  	_ =	shalt  }
0x58: {  	_ =	shalt  }
0x59: {  	_ =	shalt  }
0x5a: {  	_ =	shalt  }
0x5b: {  	_ =	shalt  }
0x5c: {  	_ =	shalt  }
0x5d: {  	_ =	shalt  }
0x5e: {  	_ =	shalt  }
0x5f: {  	_ =	shalt  }
0x60: {  	_ =	shalt  }
0x61: {  	_ =	shalt  }
0x62: {  	_ =	shalt  }
0x63: {  	_ =	shalt  }
0x64: {  	_ =	shalt  }
0x65: {  	_ =	shalt  }
0x66: {  	_ =	shalt  }
0x67: {  	_ =	shalt  }
0x68: {  	_ =	shalt  }
0x69: {  	_ =	shalt  }
0x6a: {  	_ =	shalt  }
0x6b: {  	_ =	shalt  }
0x6c: {  	_ =	shalt  }
0x6d: {  	_ =	shalt  }
0x6e: {  	_ =	shalt  }
0x6f: {  	_ =	shalt  }
0x70: {  	_ =	shalt  }
0x71: {  	_ =	shalt  }
0x72: {  	_ =	shalt  }
0x73: {  	_ =	shalt  }
0x74: {  	_ =	shalt  }
0x75: {  	_ =	shalt  }
0x76: {  	_ =	shalt  }
0x77: {  	_ =	shalt  }
0x78: {  	_ =	shalt  }
0x79: {  	_ =	shalt  }
0x7a: {  	_ =	shalt  }
0x7b: {  	_ =	shalt  }
0x7c: {  	_ =	shalt  }
0x7d: {  	_ =	shalt  }
0x7e: {  	_ =	shalt  }
0x7f: {  	_ =	shalt  }
0x80: {  	_ =	shalt  }
0x81: {  	_ =	shalt  }
0x82: {  	_ =	shalt  }
0x83: {  	_ =	shalt  }
0x84: {  	_ =	shalt  }
0x85: {  	_ =	shalt  }
0x86: {  	_ =	shalt  }
0x87: {  	_ =	shalt  }
.Lfunc_end0:
.L_simem_size_0:
called_computation.1_lowered:
.L_overlay_start_0:
0x88: {  	s2 =	sld [smem:$0x3FD9]  }
0x89: {  	s3 =	sld [smem:$0x3FFE];
	_ =	sdelay $0x1  }
0x8a: {  	s1 =	srdreg.scid  }
0x8b: {  	s0 =	sand.u32 $0x1, s1  }
0x8c: {  	s17 =	sshll.u32 s0, $0xA;
	s2 =	sadd.s32 s3, s2  }
0x8d: {  	s2 =	sadd.s32 s2, s17  }
0x8e: {  	[smem:$0x3FB4] =	sst s2  }
0x8f: {  	_ = 	snop  }
0x90: {  	(tm) =	ssettm $0x1  }
0x91: {  	s18 =	sld [smem:$0x3FFB];
	_ =	sdelay $0x3  }
0x92: {  	_ =	strace s18  }
0x93: {  	s2 =	sld [smem:$0x3FFC];
	_ =	sdelay $0x3  }
0x94: {  	_ =	strace s2  }
0x95: {  	s2 =	sld [smem:$0x3FFD];
	_ =	sdelay $0x3  }
0x96: {  	_ =	strace s2  }
0x97: {  	_ =	strace $0x8FFFFFFF  }
0x98: {  	s19 =	sld [smem:$0x3FDB];
	_ =	sdelay $0x1  }
0x99: {  	s20 =	simm.s32 $_scs_section_size  }
0x9a: {  	s4 =	simm.s32 $_size__tile_overlayer_lowered;
	s5 =	simm.s32 $_tile_overlayer_lowered  }
0x9b: {  	s6 =	simm.s32 $0x1BFF;
	s21 =	sshll.u32 s5, $0x1;
	s3 =	sadd.s32 s20, s19  }
0x9c: {  	s22 =	simm.s32 $0x0;
	s4 =	sshll.u32 s4, $0x1;
	s5 =	sadd.s32 s21, s3  }
0x9d: {  	[timem:s22], [sflag:s6] =	dma.local [hbm:s5], s4  }
0x9e: {  	_ =	swait.ge [sflag:s6], s4  }
0x9f: {  	s4 =	ssub.s32 $0x0, s4;
	[sflag:s6] =	ssyncset.done $0x0  }
0xa0: {  	[sflag:s6] =	ssyncadd.s32 s4;
	_ =	sdelay $0x1  }
0xa1: {  	s23 =	simm.s32 $0x1B8B  }
0xa2: {  	_ =	swait.ge [sflag:s23], $0x1  }
0xa3: {  	[sflag:s23] =	ssyncset.done $0x0  }
0xa4: {  	[sflag:s23] =	ssyncadd.s32 $0xFFFFFFFF  }
0xa5: {  	s4 =	sld [smem:$0x0]  }
0xa6: {  	s5 =	sand.u32 $0xFFFFFFFE, s1  }
0xa7: {  	p0 =	sne.s32 s1, s5  }
0xa8: {  	s5 =	sshll.u32 @p0 s5, $0xE  }
0xa9: {  	s5 =	sadd.s32 @p0 $0x11B8D, s5;
	s6 =	sshll.u32 @p0 s4, $0x11  }
0xaa: {  	s5 =	sor.u32 @p0 s6, s5  }
0xab: {  	[sflag:s5] =	ssyncadd.remote.s32 @p0 $0x1;
	_ =	sdelay $0x1  }
0xac: {  	s5 =	simm.s32 @p0 $0x1B8D  }
0xad: {  	_ =	swait.eq @p0 [sflag:s5], $0x1  }
0xae: {  	[sflag:s5] =	ssyncadd.s32 @p0 $0xFFFFFFFF  }
0xaf: {  	s6 =	sshll.u32 @!p0 s1, $0xE  }
0xb0: {  	s6 =	sor.u32 @!p0 $0x4000, s6;
	s5 =	simm.s32 @!p0 $0x1B8D  }
0xb1: {  	s4 =	sshll.u32 @!p0 s4, $0x11;
	s6 =	sadd.s32 @!p0 $0x11B8D, s6;
	_ =	swait.eq @!p0 [sflag:s5], $0x1  }
0xb2: {  	s4 =	sor.u32 @!p0 s4, s6;
	[sflag:s5] =	ssyncadd.s32 @!p0 $0xFFFFFFFF  }
0xb3: {  	s25 =	simm.s32 $0x1B8E;
	s24 =	sld [smem:$0x3FFE];
	[sflag:s4] =	ssyncadd.remote.s32 @!p0 $0x1  }
0xb4: {  	s26 =	simm.s32 $execute0_lowered;
	[smem:$0x3FD2] =	sst s25  }
0xb5: {  	s5 =	sshll.u32 s26, $0x1;
	_ =	strace $0x8000004F;
	[dreg:$0x1] =	wrdreg $0xFFFFFFFF  }
0xb6: {  	s28 =	simm.s32 $_size_execute0_lowered;
	s3 =	sadd.s32 s3, s5;
	[dreg:$0x0] =	wrdreg $0x0  }
0xb7: {  	s5 =	sshll.u32 s28, $0x1;
	[dreg:$0x2] =	wrdreg s3  }
0xb8: {  	[dreg:$0x3] =	wrdreg s5  }
0xb9: {  	[dreg:$0x4] =	wrdreg $0xC0  }
0xba: {  	_ =	task [dreg:s22], $0x5FFFF  }
0xbb: {  	[dreg:$0x1] =	wrdreg $0xFFFFFFFF  }
0xbc: {  	[dreg:$0x0] =	wrdreg $0x60  }
0xbd: {  	[dreg:$0x2] =	wrdreg s24  }
0xbe: {  	[dreg:$0x3] =	wrdreg $0xA  }
0xbf: {  	_ =	task.clear_ibuf [dreg:s22], $0x4FFFF;
	_ =	strace $0x9000004F  }
0xc0: {  	s29 =	simm.s32 $0xA;
	_ =	strace $0x80000051  }
0xc1: {  	_ =	swait.ge [sflag:s29], $0x1  }
0xc2: {  	[sflag:s29] =	ssyncadd.s32 $0xFFFFFFFF  }
0xc3: {  	_ =	strace $0x90000051  }
0xc4: {  	_ =	sfence  }
0xc5: {  	s30 =	sld [smem:$0x0];
	_ =	sdelay $0x2  }
0xc6: {  	s31 =	sshll.u32 s1, $0xD;
	s1 =	sshrl.u32 s1, $0x2  }
0xc7: {  	s4 =	sand.u32 $0x4000, s31;
	s1 =	sadd.s32 s1, s30  }
0xc8: {  	s0 =	sor.u32 s4, s0;
	s1 =	sshll.u32 s1, $0x11  }
0xc9: {  	s0 =	sor.u32 s1, s0  }
0xca: {  	s0 =	sadd.s32 $0x8F2B, s0  }
0xcb: {  	[sflag:s0] =	ssyncadd.remote.s32 $0x1  }
0xcc: {  	_ =	sfence.sel $0xFFFF  }
0xcd: {  	[dreg:$0x0] =	wrdreg $0xFFFFFFFF;
	(pc) =	sbr.abs _section_cstart, $3  }
0xce: {  	[dreg:$0x1] =	wrdreg $0xFFFFFFFF  }
0xcf: {  	_ =	task.clear_ibuf [dreg:s22], $0x2FFFF;
	_ =	strace $0x9FFFFFFF  }
0xd0: {  	(tm) =	ssettm $0x7FFFFFFF  }
0xd1: {  	_ =	shalt  }
tec
execute0_lowered:
.L_overlay_start_1:
0x0: {  	(tag) =	ssettag $0x1  }
0x1: {  	s0 =	rddreg [dreg:$0x0];
	s1 =	srdreg.scid  }
0x2: {  	s3 =	stileid.u32;
	s2 =	simm.s32 $0x0;
	s17 =	simm.s32 $0x3  }
0x3: {  	s29 =	simm.s32 $0x4;
	s30 =	simm.s32 $0x5;
	s18 =	simm.s32 $0x1  }
0x4: {  	s19 =	simm.s32 $0x900;
	s10 =	simm.s32 $0x1D00;
	s11 =	simm.s32 $0x2100  }
0x5: {  	s12 =	simm.s32 $0x2900;
	s13 =	simm.s32 $0x2D00;
	s14 =	simm.s32 $0x3500  }
0x6: {  	s15 =	simm.s32 $0x3900;
	s16 =	simm.s32 $0x4100;
	s20 =	simm.s32 $0x4D00  }
0x7: {  	s21 =	simm.s32 $0x5100;
	s22 =	simm.s32 $0x5900;
	s23 =	simm.s32 $0x5D00  }
0x8: {  	s28 =	simm.s32 $0x7500;
	s1 =	sand.u32 $0x1, s1;
	s3 =	sshll.u32 s3, $0x1  }
0x9: {  	[smem:$0x7FF] =	sst s2;
	s6 =	sadd.s32 $0x2B7800, s0;
	s4 =	sor.u32 s1, s3  }
0xa: {  	_ =	strace $0x80000050;
	s3 =	sadd.s32 $0x5BC00, s0;
	s5 =	sshll.u32 s4, $0x9  }
0xb: {  	s1 =	ssub.s32 $0x2, s1;
	s9 =	smul.u32 $0x6000, s4;
	s5 =	sadd.s32 s5, s0  }
0xc: {  	s7 =	sshrl.u32 s1, $0x1;
	s4 =	smul.u32 $0x30000, s4;
	s8 =	sadd.s32 $0x2B3800, s5  }
0xd: {  	s1 =	ssub.s32 s1, s7;
	s24 =	sadd.s32 $0x2B3880, s5;
	[dreg:$0x2] =	wrdreg s8  }
0xe: {  	s7 =	simm.s32 $0x8100;
	s25 =	sadd.s32 $0x2B3900, s5;
	[dreg:$0x3] =	wrdreg s24  }
0xf: {  	s9 =	sadd.s32 s6, s9;
	s4 =	sshrl.u32 s4, $0x3;
	[dreg:$0x4] =	wrdreg s25  }
0x10: {  	s5 =	sadd.s32 $0x2B3980, s5;
	[dreg:$0x9] =	wrdreg s9;
	s26 =	sadd.s32 $0x1800, s9  }
0x11: {  	s4 =	sadd.s32 s6, s4;
	[dreg:$0x6] =	wrdreg s5;
	s5 =	sadd.s32 $0x5BD00, s0  }
0x12: {  	s8 =	simm.s32 $0x1500;
	s24 =	simm.s32 $0x6500;
	s25 =	simm.s32 $0x6900  }
0x13: {  	v2 =	vlaneseq.u32;
	s9 =	simm.s32 $0x7D00;
	[dreg:$0x5] =	wrdreg s26;
	s6 =	sadd.s32 $0x3000, s4  }
0x14: {  	vm0 =	vmmov $0xffff;
	vm1 =	vmmov $0xff;
	v1 =	vshrl.u32 v2, $0x3;
	s31 =	sadd.s32 $0x4800, s4;
	s26 =	simm.s32 $0x7100;
	[dreg:$0x7] =	wrdreg s6  }
0x15: {  	v0 =	vand.u32 $0x7, v2;
	v2 =	vor.u32 $0x8, v2;
	v1 =	vmul.u32 $0x8, v1;
	[dreg:$0x8] =	wrdreg s31;
	s6 =	smax.u32 s1, $0x1;
	s1 =	simm.s32 $0xC900  }
.LBB2_1:
0x16: {  	s31 =	rddreg [dreg:$0x2]  }
0x17: {  	[tilespmem:s2], [sflag:$0x1] =	stream.linear.gather [hbm4b:s31+s2], $0x400, $0x38;
	[tilespmem:$0x18900] =	vst v63  }
0x18: {  	_ =	swait.ge [sflag:s18], $0x400  }
0x19: {  	[sflag:s18] =	ssyncset.done $0x0  }
0x1a: {  	s4 =	simm.s32 $0x400;
	s0 =	rddreg [dreg:$0x3];
	[sflag:s18] =	ssyncadd.s32 $0xFFFFFC00  }
0x1b: {  	[tilespmem:s4], [sflag:$0x2] =	stream.linear.gather [hbm4b:s0+s2], $0x400, $0x38;
	[tilespmem:$0x18900] =	vst v63  }
0x1c: {  	v3 =	vld [tilespmem:$0x0];
	_ =	sdelay $0x3  }
0x1d: {  	v4 =	vld [tilespmem:$0x80]  }
0x1e: {  	v5 =	vld [tilespmem:$0x100];
	v6 =	vshrl.u32 v3, $0x3  }
0x1f: {  	v7 =	vld [tilespmem:$0x180];
	v6 =	vmul.u32 $0x18, v6  }
0x20: {  	v8 =	vld [tilespmem:$0x200];
	v9 =	vand.u32 $0x7, v3  }
0x21: {  	[tilespmem:$0x800] =	vst v3;
	v3 =	vld [tilespmem:$0x280];
	v6 =	vor.u32 v9, v6  }
0x22: {  	v60 =	vld [tilespmem:$0x300];
	[tilespmem:$0x810] =	vst v4;
	v9 =	vperm.xlane v6, v0  }
0x23: {  	v61 =	vld [tilespmem:$0x380];
	[tilespmem:$0x820] =	vst v5  }
0x24: {  	[tilespmem:$0x830] =	vst v7;
	v62 =	vadd.s32 v1, v9  }
0x25: {  	[tilespmem:$0x840] =	vst v8  }
0x26: {  	[tilespmem:$0x850] =	vst v3;
	v3 =	vperm.xlane v6, v2  }
0x27: {  	[tilespmem:$0x860] =	vst v60  }
0x28: {  	[tilespmem:$0x870] =	vst v61;
	v3 =	vadd.s32 v1, v3  }
0x29: {  	[tilespmem:s19], [sflag:$0x3] =	stream.indirect_vreg.gather [hbm4b:s3+s2], $0x80, v62, vm0, $0xb8;
	[tilespmem:$0x18900] =	vst v63  }
0x2a: {  	s0 =	simm.s32 $0x1100  }
0x2b: {  	[tilespmem:s0], [sflag:$0x3] =	stream.indirect_vreg.gather [hbm4b:s5+s2], $0x80, v62, vm1, $0xb8;
	[tilespmem:$0x18900] =	vst v63  }
0x2c: {  	_ = 	snop  }
0x2d: {  	[tilespmem:s8], [sflag:$0x3] =	stream.indirect_vreg.gather [hbm4b:s3+s2], $0x80, v3, vm0, $0xb8;
	[tilespmem:$0x18900] =	vst v63  }
0x2e: {  	_ = 	snop  }
0x2f: {  	[tilespmem:s10], [sflag:$0x3] =	stream.indirect_vreg.gather [hbm4b:s5+s2], $0x80, v3, vm1, $0xb8;
	[tilespmem:$0x18900] =	vst v63  }
0x30: {  	v3 =	vld [tilespmem:$0x810];
	_ =	sdelay $0x4  }
0x31: {  	v63 =	vshrl.u32 v3, $0x3  }
0x32: {  	v4 =	vmul.u32 $0x18, v63  }
0x33: {  	v3 =	vand.u32 $0x7, v3  }
0x34: {  	v3 =	vor.u32 v3, v4  }
0x35: {  	v4 =	vperm.xlane v3, v0;
	_ =	sdelay $0x1  }
0x36: {  	v4 =	vadd.s32 v1, v4;
	_ =	sdelay $0x1  }
0x37: {  	v3 =	vperm.xlane v3, v2;
	_ =	sdelay $0x1  }
0x38: {  	v3 =	vadd.s32 v1, v3  }
0x39: {  	[tilespmem:s11], [sflag:$0x3] =	stream.indirect_vreg.gather [hbm4b:s3+s2], $0x80, v4, vm0, $0xb8;
	[tilespmem:$0x18900] =	vst v63  }
0x3a: {  	_ = 	snop  }
0x3b: {  	[tilespmem:s12], [sflag:$0x3] =	stream.indirect_vreg.gather [hbm4b:s5+s2], $0x80, v4, vm1, $0xb8;
	[tilespmem:$0x18900] =	vst v63  }
0x3c: {  	_ = 	snop  }
0x3d: {  	[tilespmem:s13], [sflag:$0x3] =	stream.indirect_vreg.gather [hbm4b:s3+s2], $0x80, v3, vm0, $0xb8;
	[tilespmem:$0x18900] =	vst v63  }
0x3e: {  	_ = 	snop  }
0x3f: {  	[tilespmem:s14], [sflag:$0x3] =	stream.indirect_vreg.gather [hbm4b:s5+s2], $0x80, v3, vm1, $0xb8;
	[tilespmem:$0x18900] =	vst v63  }
0x40: {  	v3 =	vld [tilespmem:$0x820];
	_ =	sdelay $0x4  }
0x41: {  	v8 =	vshrl.u32 v3, $0x3  }
0x42: {  	v4 =	vmul.u32 $0x18, v8  }
0x43: {  	v3 =	vand.u32 $0x7, v3  }
0x44: {  	v3 =	vor.u32 v3, v4  }
0x45: {  	v4 =	vperm.xlane v3, v0;
	_ =	sdelay $0x1  }
0x46: {  	v4 =	vadd.s32 v1, v4;
	_ =	sdelay $0x1  }
0x47: {  	v3 =	vperm.xlane v3, v2;
	_ =	sdelay $0x1  }
0x48: {  	v3 =	vadd.s32 v1, v3  }
0x49: {  	[tilespmem:s15], [sflag:$0x3] =	stream.indirect_vreg.gather [hbm4b:s3+s2], $0x80, v4, vm0, $0xb8;
	[tilespmem:$0x18900] =	vst v63  }
0x4a: {  	_ = 	snop  }
0x4b: {  	[tilespmem:s16], [sflag:$0x3] =	stream.indirect_vreg.gather [hbm4b:s5+s2], $0x80, v4, vm1, $0xb8;
	[tilespmem:$0x18900] =	vst v63  }
0x4c: {  	s31 =	simm.s32 $0x4500  }
0x4d: {  	[tilespmem:s31], [sflag:$0x3] =	stream.indirect_vreg.gather [hbm4b:s3+s2], $0x80, v3, vm0, $0xb8;
	[tilespmem:$0x18900] =	vst v63  }
0x4e: {  	_ = 	snop  }
0x4f: {  	[tilespmem:s20], [sflag:$0x3] =	stream.indirect_vreg.gather [hbm4b:s5+s2], $0x80, v3, vm1, $0xb8;
	[tilespmem:$0x18900] =	vst v63  }
0x50: {  	v3 =	vld [tilespmem:$0x830];
	_ =	sdelay $0x4  }
0x51: {  	v9 =	vshrl.u32 v3, $0x3  }
0x52: {  	v4 =	vmul.u32 $0x18, v9  }
0x53: {  	v3 =	vand.u32 $0x7, v3  }
0x54: {  	v3 =	vor.u32 v3, v4  }
0x55: {  	v4 =	vperm.xlane v3, v0;
	_ =	sdelay $0x1  }
0x56: {  	v4 =	vadd.s32 v1, v4;
	_ =	sdelay $0x1  }
0x57: {  	v3 =	vperm.xlane v3, v2;
	_ =	sdelay $0x1  }
0x58: {  	v3 =	vadd.s32 v1, v3  }
0x59: {  	[tilespmem:s21], [sflag:$0x3] =	stream.indirect_vreg.gather [hbm4b:s3+s2], $0x80, v4, vm0, $0xb8;
	[tilespmem:$0x18900] =	vst v63  }
0x5a: {  	_ = 	snop  }
0x5b: {  	[tilespmem:s22], [sflag:$0x3] =	stream.indirect_vreg.gather [hbm4b:s5+s2], $0x80, v4, vm1, $0xb8;
	[tilespmem:$0x18900] =	vst v63  }
0x5c: {  	_ = 	snop  }
0x5d: {  	[tilespmem:s23], [sflag:$0x3] =	stream.indirect_vreg.gather [hbm4b:s3+s2], $0x80, v3, vm0, $0xb8;
	[tilespmem:$0x18900] =	vst v63  }
0x5e: {  	_ = 	snop  }
0x5f: {  	[tilespmem:s24], [sflag:$0x3] =	stream.indirect_vreg.gather [hbm4b:s5+s2], $0x80, v3, vm1, $0xb8;
	[tilespmem:$0x18900] =	vst v63  }
0x60: {  	v3 =	vld [tilespmem:$0x840];
	_ =	sdelay $0x4  }
0x61: {  	v10 =	vshrl.u32 v3, $0x3  }
0x62: {  	v4 =	vmul.u32 $0x18, v10  }
0x63: {  	v3 =	vand.u32 $0x7, v3  }
0x64: {  	v3 =	vor.u32 v3, v4  }
0x65: {  	v4 =	vperm.xlane v3, v0;
	_ =	sdelay $0x1  }
0x66: {  	v4 =	vadd.s32 v1, v4;
	_ =	sdelay $0x1  }
0x67: {  	v3 =	vperm.xlane v3, v2;
	_ =	sdelay $0x1  }
0x68: {  	v3 =	vadd.s32 v1, v3  }
0x69: {  	[tilespmem:s25], [sflag:$0x3] =	stream.indirect_vreg.gather [hbm4b:s3+s2], $0x80, v4, vm0, $0xb8;
	[tilespmem:$0x18900] =	vst v63  }
0x6a: {  	_ = 	snop  }
0x6b: {  	[tilespmem:s26], [sflag:$0x3] =	stream.indirect_vreg.gather [hbm4b:s5+s2], $0x80, v4, vm1, $0xb8;
	[tilespmem:$0x18900] =	vst v63  }
0x6c: {  	_ = 	snop  }
0x6d: {  	[tilespmem:s28], [sflag:$0x3] =	stream.indirect_vreg.gather [hbm4b:s3+s2], $0x80, v3, vm0, $0xb8;
	[tilespmem:$0x18900] =	vst v63  }
0x6e: {  	_ = 	snop  }
0x6f: {  	[tilespmem:s9], [sflag:$0x3] =	stream.indirect_vreg.gather [hbm4b:s5+s2], $0x80, v3, vm1, $0xb8;
	[tilespmem:$0x18900] =	vst v63  }
0x70: {  	v3 =	vld [tilespmem:$0x850];
	_ =	sdelay $0x4  }
0x71: {  	v11 =	vshrl.u32 v3, $0x3  }
0x72: {  	v4 =	vmul.u32 $0x18, v11  }
0x73: {  	v3 =	vand.u32 $0x7, v3  }
0x74: {  	v3 =	vor.u32 v3, v4  }
0x75: {  	v4 =	vperm.xlane v3, v0;
	_ =	sdelay $0x1  }
0x76: {  	v4 =	vadd.s32 v1, v4;
	_ =	sdelay $0x1  }
0x77: {  	v3 =	vperm.xlane v3, v2;
	_ =	sdelay $0x1  }
0x78: {  	v3 =	vadd.s32 v1, v3  }
0x79: {  	[tilespmem:s7], [sflag:$0x3] =	stream.indirect_vreg.gather [hbm4b:s3+s2], $0x80, v4, vm0, $0xb8;
	[tilespmem:$0x18900] =	vst v63  }
0x7a: {  	s31 =	simm.s32 $0x8900  }
0x7b: {  	[tilespmem:s31], [sflag:$0x3] =	stream.indirect_vreg.gather [hbm4b:s5+s2], $0x80, v4, vm1, $0xb8;
	[tilespmem:$0x18900] =	vst v63  }
0x7c: {  	s31 =	simm.s32 $0x8D00  }
0x7d: {  	[tilespmem:s31], [sflag:$0x3] =	stream.indirect_vreg.gather [hbm4b:s3+s2], $0x80, v3, vm0, $0xb8;
	[tilespmem:$0x18900] =	vst v63  }
0x7e: {  	s31 =	simm.s32 $0x9500  }
0x7f: {  	[tilespmem:s31], [sflag:$0x3] =	stream.indirect_vreg.gather [hbm4b:s5+s2], $0x80, v3, vm1, $0xb8;
	[tilespmem:$0x18900] =	vst v63  }
0x80: {  	v3 =	vld [tilespmem:$0x860];
	_ =	sdelay $0x4  }
0x81: {  	v12 =	vshrl.u32 v3, $0x3  }
0x82: {  	v4 =	vmul.u32 $0x18, v12  }
0x83: {  	v3 =	vand.u32 $0x7, v3  }
0x84: {  	v3 =	vor.u32 v3, v4  }
0x85: {  	v4 =	vperm.xlane v3, v0;
	_ =	sdelay $0x1  }
0x86: {  	v4 =	vadd.s32 v1, v4;
	_ =	sdelay $0x1  }
0x87: {  	v3 =	vperm.xlane v3, v2;
	_ =	sdelay $0x1  }
0x88: {  	s31 =	simm.s32 $0x9900;
	v3 =	vadd.s32 v1, v3  }
0x89: {  	[tilespmem:s31], [sflag:$0x3] =	stream.indirect_vreg.gather [hbm4b:s3+s2], $0x80, v4, vm0, $0xb8;
	[tilespmem:$0x18900] =	vst v63  }
0x8a: {  	s31 =	simm.s32 $0xA100  }
0x8b: {  	[tilespmem:s31], [sflag:$0x3] =	stream.indirect_vreg.gather [hbm4b:s5+s2], $0x80, v4, vm1, $0xb8;
	[tilespmem:$0x18900] =	vst v63  }
0x8c: {  	s31 =	simm.s32 $0xA500  }
0x8d: {  	[tilespmem:s31], [sflag:$0x3] =	stream.indirect_vreg.gather [hbm4b:s3+s2], $0x80, v3, vm0, $0xb8;
	[tilespmem:$0x18900] =	vst v63  }
0x8e: {  	s31 =	simm.s32 $0xAD00  }
0x8f: {  	[tilespmem:s31], [sflag:$0x3] =	stream.indirect_vreg.gather [hbm4b:s5+s2], $0x80, v3, vm1, $0xb8;
	[tilespmem:$0x18900] =	vst v63  }
0x90: {  	v3 =	vld [tilespmem:$0x870];
	_ =	sdelay $0x4  }
0x91: {  	v13 =	vshrl.u32 v3, $0x3  }
0x92: {  	v4 =	vmul.u32 $0x18, v13  }
0x93: {  	v3 =	vand.u32 $0x7, v3  }
0x94: {  	v3 =	vor.u32 v3, v4  }
0x95: {  	v4 =	vperm.xlane v3, v0;
	_ =	sdelay $0x1  }
0x96: {  	v4 =	vadd.s32 v1, v4;
	_ =	sdelay $0x1  }
0x97: {  	v3 =	vperm.xlane v3, v2;
	_ =	sdelay $0x1  }
0x98: {  	s31 =	simm.s32 $0xB100;
	v3 =	vadd.s32 v1, v3  }
0x99: {  	[tilespmem:s31], [sflag:$0x3] =	stream.indirect_vreg.gather [hbm4b:s3+s2], $0x80, v4, vm0, $0xb8;
	[tilespmem:$0x18900] =	vst v63  }
0x9a: {  	s31 =	simm.s32 $0xB900  }
0x9b: {  	[tilespmem:s31], [sflag:$0x3] =	stream.indirect_vreg.gather [hbm4b:s5+s2], $0x80, v4, vm1, $0xb8;
	[tilespmem:$0x18900] =	vst v63  }
0x9c: {  	s31 =	simm.s32 $0xBD00  }
0x9d: {  	[tilespmem:s31], [sflag:$0x3] =	stream.indirect_vreg.gather [hbm4b:s3+s2], $0x80, v3, vm0, $0xb8;
	[tilespmem:$0x18900] =	vst v63  }
0x9e: {  	s31 =	simm.s32 $0xC500  }
0x9f: {  	[tilespmem:s31], [sflag:$0x3] =	stream.indirect_vreg.gather [hbm4b:s5+s2], $0x80, v3, vm1, $0xb8;
	[tilespmem:$0x18900] =	vst v63  }
0xa0: {  	_ =	swait.ge [sflag:s17], $0xC000  }
0xa1: {  	[sflag:s17] =	ssyncset.done $0x0  }
0xa2: {  	s0 =	rddreg [dreg:$0x9];
	[sflag:s17] =	ssyncadd.s32 $0xFFFF4000  }
0xa3: {  	[hbm4b:s0+s2] =	stream.linear.scatter [tilespmem:s19], [sflag:$0x4], $0xC000, $0x38;
	[tilespmem:$0x18900] =	vst v63  }
0xa4: {  	s0 =	simm.s32 $0x2  }
0xa5: {  	_ =	swait.ge [sflag:s0], $0x400  }
0xa6: {  	[sflag:s0] =	ssyncset.done $0x0  }
0xa7: {  	s31 =	rddreg [dreg:$0x4];
	[sflag:s0] =	ssyncadd.s32 $0xFFFFFC00  }
0xa8: {  	[tilespmem:s2], [sflag:$0x1] =	stream.linear.gather [hbm4b:s31+s2], $0x400, $0x38;
	[tilespmem:$0x18900] =	vst v63  }
0xa9: {  	v3 =	vld [tilespmem:$0x400];
	_ =	sdelay $0x3  }
0xaa: {  	v14 =	vld [tilespmem:$0x480]  }
0xab: {  	v15 =	vld [tilespmem:$0x500];
	v16 =	vshrl.u32 v3, $0x3  }
0xac: {  	v17 =	vld [tilespmem:$0x580];
	v6 =	vmul.u32 $0x18, v16  }
0xad: {  	v18 =	vld [tilespmem:$0x600];
	v19 =	vand.u32 $0x7, v3  }
0xae: {  	[tilespmem:$0x880] =	vst v3;
	v3 =	vld [tilespmem:$0x680];
	v6 =	vor.u32 v19, v6  }
0xaf: {  	v20 =	vld [tilespmem:$0x700];
	[tilespmem:$0x890] =	vst v14;
	v9 =	vperm.xlane v6, v0  }
0xb0: {  	v21 =	vld [tilespmem:$0x780];
	[tilespmem:$0x8A0] =	vst v15  }
0xb1: {  	[tilespmem:$0x8B0] =	vst v17;
	v22 =	vadd.s32 v1, v9  }
0xb2: {  	[tilespmem:$0x8C0] =	vst v18  }
0xb3: {  	[tilespmem:$0x8D0] =	vst v3;
	v3 =	vperm.xlane v6, v2  }
0xb4: {  	[tilespmem:$0x8E0] =	vst v20  }
0xb5: {  	[tilespmem:$0x8F0] =	vst v21;
	v3 =	vadd.s32 v1, v3  }
0xb6: {  	[tilespmem:s1], [sflag:$0x3] =	stream.indirect_vreg.gather [hbm4b:s3+s2], $0x80, v22, vm0, $0xb8;
	[tilespmem:$0x18900] =	vst v63  }
0xb7: {  	s31 =	simm.s32 $0xD100  }
0xb8: {  	[tilespmem:s31], [sflag:$0x3] =	stream.indirect_vreg.gather [hbm4b:s5+s2], $0x80, v22, vm1, $0xb8;
	[tilespmem:$0x18900] =	vst v63  }
0xb9: {  	s31 =	simm.s32 $0xD500  }
0xba: {  	[tilespmem:s31], [sflag:$0x3] =	stream.indirect_vreg.gather [hbm4b:s3+s2], $0x80, v3, vm0, $0xb8;
	[tilespmem:$0x18900] =	vst v63  }
0xbb: {  	s31 =	simm.s32 $0xDD00  }
0xbc: {  	[tilespmem:s31], [sflag:$0x3] =	stream.indirect_vreg.gather [hbm4b:s5+s2], $0x80, v3, vm1, $0xb8;
	[tilespmem:$0x18900] =	vst v63  }
0xbd: {  	v3 =	vld [tilespmem:$0x890];
	_ =	sdelay $0x4  }
0xbe: {  	v23 =	vshrl.u32 v3, $0x3  }
0xbf: {  	v4 =	vmul.u32 $0x18, v23  }
0xc0: {  	v3 =	vand.u32 $0x7, v3  }
0xc1: {  	v3 =	vor.u32 v3, v4  }
0xc2: {  	v4 =	vperm.xlane v3, v0;
	_ =	sdelay $0x1  }
0xc3: {  	v4 =	vadd.s32 v1, v4;
	_ =	sdelay $0x1  }
0xc4: {  	v3 =	vperm.xlane v3, v2;
	_ =	sdelay $0x1  }
0xc5: {  	s31 =	simm.s32 $0xE100;
	v3 =	vadd.s32 v1, v3  }
0xc6: {  	[tilespmem:s31], [sflag:$0x3] =	stream.indirect_vreg.gather [hbm4b:s3+s2], $0x80, v4, vm0, $0xb8;
	[tilespmem:$0x18900] =	vst v63  }
0xc7: {  	s31 =	simm.s32 $0xE900  }
0xc8: {  	[tilespmem:s31], [sflag:$0x3] =	stream.indirect_vreg.gather [hbm4b:s5+s2], $0x80, v4, vm1, $0xb8;
	[tilespmem:$0x18900] =	vst v63  }
0xc9: {  	s31 =	simm.s32 $0xED00  }
0xca: {  	[tilespmem:s31], [sflag:$0x3] =	stream.indirect_vreg.gather [hbm4b:s3+s2], $0x80, v3, vm0, $0xb8;
	[tilespmem:$0x18900] =	vst v63  }
0xcb: {  	s31 =	simm.s32 $0xF500  }
0xcc: {  	[tilespmem:s31], [sflag:$0x3] =	stream.indirect_vreg.gather [hbm4b:s5+s2], $0x80, v3, vm1, $0xb8;
	[tilespmem:$0x18900] =	vst v63  }
0xcd: {  	v3 =	vld [tilespmem:$0x8A0];
	_ =	sdelay $0x4  }
0xce: {  	v24 =	vshrl.u32 v3, $0x3  }
0xcf: {  	v4 =	vmul.u32 $0x18, v24  }
0xd0: {  	v3 =	vand.u32 $0x7, v3  }
0xd1: {  	v3 =	vor.u32 v3, v4  }
0xd2: {  	v4 =	vperm.xlane v3, v0;
	_ =	sdelay $0x1  }
0xd3: {  	v4 =	vadd.s32 v1, v4;
	_ =	sdelay $0x1  }
0xd4: {  	v3 =	vperm.xlane v3, v2;
	_ =	sdelay $0x1  }
0xd5: {  	s31 =	simm.s32 $0xF900;
	v3 =	vadd.s32 v1, v3  }
0xd6: {  	[tilespmem:s31], [sflag:$0x3] =	stream.indirect_vreg.gather [hbm4b:s3+s2], $0x80, v4, vm0, $0xb8;
	[tilespmem:$0x18900] =	vst v63  }
0xd7: {  	s31 =	simm.s32 $0x10100  }
0xd8: {  	[tilespmem:s31], [sflag:$0x3] =	stream.indirect_vreg.gather [hbm4b:s5+s2], $0x80, v4, vm1, $0xb8;
	[tilespmem:$0x18900] =	vst v63  }
0xd9: {  	s31 =	simm.s32 $0x10500  }
0xda: {  	[tilespmem:s31], [sflag:$0x3] =	stream.indirect_vreg.gather [hbm4b:s3+s2], $0x80, v3, vm0, $0xb8;
	[tilespmem:$0x18900] =	vst v63  }
0xdb: {  	s31 =	simm.s32 $0x10D00  }
0xdc: {  	[tilespmem:s31], [sflag:$0x3] =	stream.indirect_vreg.gather [hbm4b:s5+s2], $0x80, v3, vm1, $0xb8;
	[tilespmem:$0x18900] =	vst v63  }
0xdd: {  	v3 =	vld [tilespmem:$0x8B0];
	_ =	sdelay $0x4  }
0xde: {  	v25 =	vshrl.u32 v3, $0x3  }
0xdf: {  	v4 =	vmul.u32 $0x18, v25  }
0xe0: {  	v3 =	vand.u32 $0x7, v3  }
0xe1: {  	v3 =	vor.u32 v3, v4  }
0xe2: {  	v4 =	vperm.xlane v3, v0;
	_ =	sdelay $0x1  }
0xe3: {  	v4 =	vadd.s32 v1, v4;
	_ =	sdelay $0x1  }
0xe4: {  	v3 =	vperm.xlane v3, v2;
	_ =	sdelay $0x1  }
0xe5: {  	s31 =	simm.s32 $0x11100;
	v3 =	vadd.s32 v1, v3  }
0xe6: {  	[tilespmem:s31], [sflag:$0x3] =	stream.indirect_vreg.gather [hbm4b:s3+s2], $0x80, v4, vm0, $0xb8;
	[tilespmem:$0x18900] =	vst v63  }
0xe7: {  	s31 =	simm.s32 $0x11900  }
0xe8: {  	[tilespmem:s31], [sflag:$0x3] =	stream.indirect_vreg.gather [hbm4b:s5+s2], $0x80, v4, vm1, $0xb8;
	[tilespmem:$0x18900] =	vst v63  }
0xe9: {  	s31 =	simm.s32 $0x11D00  }
0xea: {  	[tilespmem:s31], [sflag:$0x3] =	stream.indirect_vreg.gather [hbm4b:s3+s2], $0x80, v3, vm0, $0xb8;
	[tilespmem:$0x18900] =	vst v63  }
0xeb: {  	s31 =	simm.s32 $0x12500  }
0xec: {  	[tilespmem:s31], [sflag:$0x3] =	stream.indirect_vreg.gather [hbm4b:s5+s2], $0x80, v3, vm1, $0xb8;
	[tilespmem:$0x18900] =	vst v63  }
0xed: {  	v3 =	vld [tilespmem:$0x8C0];
	_ =	sdelay $0x4  }
0xee: {  	v26 =	vshrl.u32 v3, $0x3  }
0xef: {  	v4 =	vmul.u32 $0x18, v26  }
0xf0: {  	v3 =	vand.u32 $0x7, v3  }
0xf1: {  	v3 =	vor.u32 v3, v4  }
0xf2: {  	v4 =	vperm.xlane v3, v0;
	_ =	sdelay $0x1  }
0xf3: {  	v4 =	vadd.s32 v1, v4;
	_ =	sdelay $0x1  }
0xf4: {  	v3 =	vperm.xlane v3, v2;
	_ =	sdelay $0x1  }
0xf5: {  	s31 =	simm.s32 $0x12900;
	v3 =	vadd.s32 v1, v3  }
0xf6: {  	[tilespmem:s31], [sflag:$0x3] =	stream.indirect_vreg.gather [hbm4b:s3+s2], $0x80, v4, vm0, $0xb8;
	[tilespmem:$0x18900] =	vst v63  }
0xf7: {  	s31 =	simm.s32 $0x13100  }
0xf8: {  	[tilespmem:s31], [sflag:$0x3] =	stream.indirect_vreg.gather [hbm4b:s5+s2], $0x80, v4, vm1, $0xb8;
	[tilespmem:$0x18900] =	vst v63  }
0xf9: {  	s31 =	simm.s32 $0x13500  }
0xfa: {  	[tilespmem:s31], [sflag:$0x3] =	stream.indirect_vreg.gather [hbm4b:s3+s2], $0x80, v3, vm0, $0xb8;
	[tilespmem:$0x18900] =	vst v63  }
0xfb: {  	s31 =	simm.s32 $0x13D00  }
0xfc: {  	[tilespmem:s31], [sflag:$0x3] =	stream.indirect_vreg.gather [hbm4b:s5+s2], $0x80, v3, vm1, $0xb8;
	[tilespmem:$0x18900] =	vst v63  }
0xfd: {  	v3 =	vld [tilespmem:$0x8D0];
	_ =	sdelay $0x4  }
0xfe: {  	v27 =	vshrl.u32 v3, $0x3  }
0xff: {  	v4 =	vmul.u32 $0x18, v27  }
0x100: {  	v3 =	vand.u32 $0x7, v3  }
0x101: {  	v3 =	vor.u32 v3, v4  }
0x102: {  	v4 =	vperm.xlane v3, v0;
	_ =	sdelay $0x1  }
0x103: {  	v4 =	vadd.s32 v1, v4;
	_ =	sdelay $0x1  }
0x104: {  	v3 =	vperm.xlane v3, v2;
	_ =	sdelay $0x1  }
0x105: {  	s31 =	simm.s32 $0x14100;
	v3 =	vadd.s32 v1, v3  }
0x106: {  	[tilespmem:s31], [sflag:$0x3] =	stream.indirect_vreg.gather [hbm4b:s3+s2], $0x80, v4, vm0, $0xb8;
	[tilespmem:$0x18900] =	vst v63  }
0x107: {  	s31 =	simm.s32 $0x14900  }
0x108: {  	[tilespmem:s31], [sflag:$0x3] =	stream.indirect_vreg.gather [hbm4b:s5+s2], $0x80, v4, vm1, $0xb8;
	[tilespmem:$0x18900] =	vst v63  }
0x109: {  	s31 =	simm.s32 $0x14D00  }
0x10a: {  	[tilespmem:s31], [sflag:$0x3] =	stream.indirect_vreg.gather [hbm4b:s3+s2], $0x80, v3, vm0, $0xb8;
	[tilespmem:$0x18900] =	vst v63  }
0x10b: {  	s31 =	simm.s32 $0x15500  }
0x10c: {  	[tilespmem:s31], [sflag:$0x3] =	stream.indirect_vreg.gather [hbm4b:s5+s2], $0x80, v3, vm1, $0xb8;
	[tilespmem:$0x18900] =	vst v63  }
0x10d: {  	v3 =	vld [tilespmem:$0x8E0];
	_ =	sdelay $0x4  }
0x10e: {  	v28 =	vshrl.u32 v3, $0x3  }
0x10f: {  	v4 =	vmul.u32 $0x18, v28  }
0x110: {  	v3 =	vand.u32 $0x7, v3  }
0x111: {  	v3 =	vor.u32 v3, v4  }
0x112: {  	v4 =	vperm.xlane v3, v0;
	_ =	sdelay $0x1  }
0x113: {  	v4 =	vadd.s32 v1, v4;
	_ =	sdelay $0x1  }
0x114: {  	v3 =	vperm.xlane v3, v2;
	_ =	sdelay $0x1  }
0x115: {  	s31 =	simm.s32 $0x15900;
	v3 =	vadd.s32 v1, v3  }
0x116: {  	[tilespmem:s31], [sflag:$0x3] =	stream.indirect_vreg.gather [hbm4b:s3+s2], $0x80, v4, vm0, $0xb8;
	[tilespmem:$0x18900] =	vst v63  }
0x117: {  	s31 =	simm.s32 $0x16100  }
0x118: {  	[tilespmem:s31], [sflag:$0x3] =	stream.indirect_vreg.gather [hbm4b:s5+s2], $0x80, v4, vm1, $0xb8;
	[tilespmem:$0x18900] =	vst v63  }
0x119: {  	s31 =	simm.s32 $0x16500  }
0x11a: {  	[tilespmem:s31], [sflag:$0x3] =	stream.indirect_vreg.gather [hbm4b:s3+s2], $0x80, v3, vm0, $0xb8;
	[tilespmem:$0x18900] =	vst v63  }
0x11b: {  	s31 =	simm.s32 $0x16D00  }
0x11c: {  	[tilespmem:s31], [sflag:$0x3] =	stream.indirect_vreg.gather [hbm4b:s5+s2], $0x80, v3, vm1, $0xb8;
	[tilespmem:$0x18900] =	vst v63  }
0x11d: {  	v3 =	vld [tilespmem:$0x8F0];
	_ =	sdelay $0x4  }
0x11e: {  	v29 =	vshrl.u32 v3, $0x3  }
0x11f: {  	v4 =	vmul.u32 $0x18, v29  }
0x120: {  	v3 =	vand.u32 $0x7, v3  }
0x121: {  	v3 =	vor.u32 v3, v4  }
0x122: {  	v4 =	vperm.xlane v3, v0;
	_ =	sdelay $0x1  }
0x123: {  	v4 =	vadd.s32 v1, v4;
	_ =	sdelay $0x1  }
0x124: {  	v3 =	vperm.xlane v3, v2;
	_ =	sdelay $0x1  }
0x125: {  	s31 =	simm.s32 $0x17100;
	v3 =	vadd.s32 v1, v3  }
0x126: {  	[tilespmem:s31], [sflag:$0x3] =	stream.indirect_vreg.gather [hbm4b:s3+s2], $0x80, v4, vm0, $0xb8;
	[tilespmem:$0x18900] =	vst v63  }
0x127: {  	s31 =	simm.s32 $0x17900  }
0x128: {  	[tilespmem:s31], [sflag:$0x3] =	stream.indirect_vreg.gather [hbm4b:s5+s2], $0x80, v4, vm1, $0xb8;
	[tilespmem:$0x18900] =	vst v63  }
0x129: {  	s31 =	simm.s32 $0x17D00  }
0x12a: {  	[tilespmem:s31], [sflag:$0x3] =	stream.indirect_vreg.gather [hbm4b:s3+s2], $0x80, v3, vm0, $0xb8;
	[tilespmem:$0x18900] =	vst v63  }
0x12b: {  	s31 =	simm.s32 $0x18500  }
0x12c: {  	[tilespmem:s31], [sflag:$0x3] =	stream.indirect_vreg.gather [hbm4b:s5+s2], $0x80, v3, vm1, $0xb8;
	[tilespmem:$0x18900] =	vst v63  }
0x12d: {  	_ =	swait.ge [sflag:s17], $0xC000  }
0x12e: {  	[sflag:s17] =	ssyncset.done $0x0  }
0x12f: {  	s31 =	rddreg [dreg:$0x5];
	[sflag:s17] =	ssyncadd.s32 $0xFFFF4000  }
0x130: {  	[hbm4b:s31+s2] =	stream.linear.scatter [tilespmem:s1], [sflag:$0x5], $0xC000, $0x38;
	[tilespmem:$0x18900] =	vst v63  }
0x131: {  	_ =	swait.ge [sflag:s18], $0x400  }
0x132: {  	[sflag:s18] =	ssyncset.done $0x0  }
0x133: {  	s31 =	rddreg [dreg:$0x6];
	[sflag:s18] =	ssyncadd.s32 $0xFFFFFC00  }
0x134: {  	[tilespmem:s4], [sflag:$0x2] =	stream.linear.gather [hbm4b:s31+s2], $0x400, $0x38;
	[tilespmem:$0x18900] =	vst v63  }
0x135: {  	v3 =	vld [tilespmem:$0x0]  }
0x136: {  	v30 =	vld [tilespmem:$0x80]  }
0x137: {  	v31 =	vld [tilespmem:$0x100]  }
0x138: {  	v32 =	vld [tilespmem:$0x180]  }
0x139: {  	v33 =	vld [tilespmem:$0x200]  }
0x13a: {  	v34 =	vld [tilespmem:$0x280];
	[tilespmem:$0x800] =	vst v3;
	v35 =	vshrl.u32 v3, $0x3  }
0x13b: {  	v36 =	vld [tilespmem:$0x300];
	[tilespmem:$0x810] =	vst v30;
	v9 =	vmul.u32 $0x18, v35  }
0x13c: {  	v37 =	vld [tilespmem:$0x380];
	[tilespmem:$0x820] =	vst v31;
	v3 =	vand.u32 $0x7, v3  }
0x13d: {  	[tilespmem:$0x830] =	vst v32;
	v3 =	vor.u32 v3, v9  }
0x13e: {  	[tilespmem:$0x840] =	vst v33;
	v38 =	vperm.xlane v3, v0  }
0x13f: {  	[tilespmem:$0x850] =	vst v34  }
0x140: {  	[tilespmem:$0x860] =	vst v36;
	v39 =	vadd.s32 v1, v38  }
0x141: {  	[tilespmem:$0x870] =	vst v37  }
0x142: {  	_ =	swait.ge [sflag:s29], $0xC000;
	v3 =	vperm.xlane v3, v2  }
0x143: {  	[sflag:s29] =	ssyncset.done $0x0  }
0x144: {  	[sflag:s29] =	ssyncadd.s32 $0xFFFF4000;
	v3 =	vadd.s32 v1, v3  }
0x145: {  	[tilespmem:s19], [sflag:$0x3] =	stream.indirect_vreg.gather [hbm4b:s3+s2], $0x80, v39, vm0, $0xb8;
	[tilespmem:$0x18900] =	vst v63  }
0x146: {  	s31 =	simm.s32 $0x1100  }
0x147: {  	[tilespmem:s31], [sflag:$0x3] =	stream.indirect_vreg.gather [hbm4b:s5+s2], $0x80, v39, vm1, $0xb8;
	[tilespmem:$0x18900] =	vst v63  }
0x148: {  	_ = 	snop  }
0x149: {  	[tilespmem:s8], [sflag:$0x3] =	stream.indirect_vreg.gather [hbm4b:s3+s2], $0x80, v3, vm0, $0xb8;
	[tilespmem:$0x18900] =	vst v63  }
0x14a: {  	_ = 	snop  }
0x14b: {  	[tilespmem:s10], [sflag:$0x3] =	stream.indirect_vreg.gather [hbm4b:s5+s2], $0x80, v3, vm1, $0xb8;
	[tilespmem:$0x18900] =	vst v63  }
0x14c: {  	v3 =	vld [tilespmem:$0x810];
	_ =	sdelay $0x4  }
0x14d: {  	v40 =	vshrl.u32 v3, $0x3  }
0x14e: {  	v4 =	vmul.u32 $0x18, v40  }
0x14f: {  	v3 =	vand.u32 $0x7, v3  }
0x150: {  	v3 =	vor.u32 v3, v4  }
0x151: {  	v4 =	vperm.xlane v3, v0;
	_ =	sdelay $0x1  }
0x152: {  	v4 =	vadd.s32 v1, v4;
	_ =	sdelay $0x1  }
0x153: {  	v3 =	vperm.xlane v3, v2;
	_ =	sdelay $0x1  }
0x154: {  	v3 =	vadd.s32 v1, v3  }
0x155: {  	[tilespmem:s11], [sflag:$0x3] =	stream.indirect_vreg.gather [hbm4b:s3+s2], $0x80, v4, vm0, $0xb8;
	[tilespmem:$0x18900] =	vst v63  }
0x156: {  	_ = 	snop  }
0x157: {  	[tilespmem:s12], [sflag:$0x3] =	stream.indirect_vreg.gather [hbm4b:s5+s2], $0x80, v4, vm1, $0xb8;
	[tilespmem:$0x18900] =	vst v63  }
0x158: {  	_ = 	snop  }
0x159: {  	[tilespmem:s13], [sflag:$0x3] =	stream.indirect_vreg.gather [hbm4b:s3+s2], $0x80, v3, vm0, $0xb8;
	[tilespmem:$0x18900] =	vst v63  }
0x15a: {  	_ = 	snop  }
0x15b: {  	[tilespmem:s14], [sflag:$0x3] =	stream.indirect_vreg.gather [hbm4b:s5+s2], $0x80, v3, vm1, $0xb8;
	[tilespmem:$0x18900] =	vst v63  }
0x15c: {  	v3 =	vld [tilespmem:$0x820];
	_ =	sdelay $0x4  }
0x15d: {  	v41 =	vshrl.u32 v3, $0x3  }
0x15e: {  	v4 =	vmul.u32 $0x18, v41  }
0x15f: {  	v3 =	vand.u32 $0x7, v3  }
0x160: {  	v3 =	vor.u32 v3, v4  }
0x161: {  	v4 =	vperm.xlane v3, v0;
	_ =	sdelay $0x1  }
0x162: {  	v4 =	vadd.s32 v1, v4;
	_ =	sdelay $0x1  }
0x163: {  	v3 =	vperm.xlane v3, v2;
	_ =	sdelay $0x1  }
0x164: {  	v3 =	vadd.s32 v1, v3  }
0x165: {  	[tilespmem:s15], [sflag:$0x3] =	stream.indirect_vreg.gather [hbm4b:s3+s2], $0x80, v4, vm0, $0xb8;
	[tilespmem:$0x18900] =	vst v63  }
0x166: {  	_ = 	snop  }
0x167: {  	[tilespmem:s16], [sflag:$0x3] =	stream.indirect_vreg.gather [hbm4b:s5+s2], $0x80, v4, vm1, $0xb8;
	[tilespmem:$0x18900] =	vst v63  }
0x168: {  	s31 =	simm.s32 $0x4500  }
0x169: {  	[tilespmem:s31], [sflag:$0x3] =	stream.indirect_vreg.gather [hbm4b:s3+s2], $0x80, v3, vm0, $0xb8;
	[tilespmem:$0x18900] =	vst v63  }
0x16a: {  	_ = 	snop  }
0x16b: {  	[tilespmem:s20], [sflag:$0x3] =	stream.indirect_vreg.gather [hbm4b:s5+s2], $0x80, v3, vm1, $0xb8;
	[tilespmem:$0x18900] =	vst v63  }
0x16c: {  	v3 =	vld [tilespmem:$0x830];
	_ =	sdelay $0x4  }
0x16d: {  	v42 =	vshrl.u32 v3, $0x3  }
0x16e: {  	v4 =	vmul.u32 $0x18, v42  }
0x16f: {  	v3 =	vand.u32 $0x7, v3  }
0x170: {  	v3 =	vor.u32 v3, v4  }
0x171: {  	v4 =	vperm.xlane v3, v0;
	_ =	sdelay $0x1  }
0x172: {  	v4 =	vadd.s32 v1, v4;
	_ =	sdelay $0x1  }
0x173: {  	v3 =	vperm.xlane v3, v2;
	_ =	sdelay $0x1  }
0x174: {  	v3 =	vadd.s32 v1, v3  }
0x175: {  	[tilespmem:s21], [sflag:$0x3] =	stream.indirect_vreg.gather [hbm4b:s3+s2], $0x80, v4, vm0, $0xb8;
	[tilespmem:$0x18900] =	vst v63  }
0x176: {  	_ = 	snop  }
0x177: {  	[tilespmem:s22], [sflag:$0x3] =	stream.indirect_vreg.gather [hbm4b:s5+s2], $0x80, v4, vm1, $0xb8;
	[tilespmem:$0x18900] =	vst v63  }
0x178: {  	_ = 	snop  }
0x179: {  	[tilespmem:s23], [sflag:$0x3] =	stream.indirect_vreg.gather [hbm4b:s3+s2], $0x80, v3, vm0, $0xb8;
	[tilespmem:$0x18900] =	vst v63  }
0x17a: {  	_ = 	snop  }
0x17b: {  	[tilespmem:s24], [sflag:$0x3] =	stream.indirect_vreg.gather [hbm4b:s5+s2], $0x80, v3, vm1, $0xb8;
	[tilespmem:$0x18900] =	vst v63  }
0x17c: {  	v3 =	vld [tilespmem:$0x840];
	_ =	sdelay $0x4  }
0x17d: {  	v43 =	vshrl.u32 v3, $0x3  }
0x17e: {  	v4 =	vmul.u32 $0x18, v43  }
0x17f: {  	v3 =	vand.u32 $0x7, v3  }
0x180: {  	v3 =	vor.u32 v3, v4  }
0x181: {  	v4 =	vperm.xlane v3, v0;
	_ =	sdelay $0x1  }
0x182: {  	v4 =	vadd.s32 v1, v4;
	_ =	sdelay $0x1  }
0x183: {  	v3 =	vperm.xlane v3, v2;
	_ =	sdelay $0x1  }
0x184: {  	v3 =	vadd.s32 v1, v3  }
0x185: {  	[tilespmem:s25], [sflag:$0x3] =	stream.indirect_vreg.gather [hbm4b:s3+s2], $0x80, v4, vm0, $0xb8;
	[tilespmem:$0x18900] =	vst v63  }
0x186: {  	_ = 	snop  }
0x187: {  	[tilespmem:s26], [sflag:$0x3] =	stream.indirect_vreg.gather [hbm4b:s5+s2], $0x80, v4, vm1, $0xb8;
	[tilespmem:$0x18900] =	vst v63  }
0x188: {  	_ = 	snop  }
0x189: {  	[tilespmem:s28], [sflag:$0x3] =	stream.indirect_vreg.gather [hbm4b:s3+s2], $0x80, v3, vm0, $0xb8;
	[tilespmem:$0x18900] =	vst v63  }
0x18a: {  	_ = 	snop  }
0x18b: {  	[tilespmem:s9], [sflag:$0x3] =	stream.indirect_vreg.gather [hbm4b:s5+s2], $0x80, v3, vm1, $0xb8;
	[tilespmem:$0x18900] =	vst v63  }
0x18c: {  	v3 =	vld [tilespmem:$0x850];
	_ =	sdelay $0x4  }
0x18d: {  	v44 =	vshrl.u32 v3, $0x3  }
0x18e: {  	v4 =	vmul.u32 $0x18, v44  }
0x18f: {  	v3 =	vand.u32 $0x7, v3  }
0x190: {  	v3 =	vor.u32 v3, v4  }
0x191: {  	v4 =	vperm.xlane v3, v0;
	_ =	sdelay $0x1  }
0x192: {  	v4 =	vadd.s32 v1, v4;
	_ =	sdelay $0x1  }
0x193: {  	v3 =	vperm.xlane v3, v2;
	_ =	sdelay $0x1  }
0x194: {  	v3 =	vadd.s32 v1, v3  }
0x195: {  	[tilespmem:s7], [sflag:$0x3] =	stream.indirect_vreg.gather [hbm4b:s3+s2], $0x80, v4, vm0, $0xb8;
	[tilespmem:$0x18900] =	vst v63  }
0x196: {  	s31 =	simm.s32 $0x8900  }
0x197: {  	[tilespmem:s31], [sflag:$0x3] =	stream.indirect_vreg.gather [hbm4b:s5+s2], $0x80, v4, vm1, $0xb8;
	[tilespmem:$0x18900] =	vst v63  }
0x198: {  	s31 =	simm.s32 $0x8D00  }
0x199: {  	[tilespmem:s31], [sflag:$0x3] =	stream.indirect_vreg.gather [hbm4b:s3+s2], $0x80, v3, vm0, $0xb8;
	[tilespmem:$0x18900] =	vst v63  }
0x19a: {  	s31 =	simm.s32 $0x9500  }
0x19b: {  	[tilespmem:s31], [sflag:$0x3] =	stream.indirect_vreg.gather [hbm4b:s5+s2], $0x80, v3, vm1, $0xb8;
	[tilespmem:$0x18900] =	vst v63  }
0x19c: {  	v3 =	vld [tilespmem:$0x860];
	_ =	sdelay $0x4  }
0x19d: {  	v45 =	vshrl.u32 v3, $0x3  }
0x19e: {  	v4 =	vmul.u32 $0x18, v45  }
0x19f: {  	v3 =	vand.u32 $0x7, v3  }
0x1a0: {  	v3 =	vor.u32 v3, v4  }
0x1a1: {  	v4 =	vperm.xlane v3, v0;
	_ =	sdelay $0x1  }
0x1a2: {  	v4 =	vadd.s32 v1, v4;
	_ =	sdelay $0x1  }
0x1a3: {  	v3 =	vperm.xlane v3, v2;
	_ =	sdelay $0x1  }
0x1a4: {  	s31 =	simm.s32 $0x9900;
	v3 =	vadd.s32 v1, v3  }
0x1a5: {  	[tilespmem:s31], [sflag:$0x3] =	stream.indirect_vreg.gather [hbm4b:s3+s2], $0x80, v4, vm0, $0xb8;
	[tilespmem:$0x18900] =	vst v63  }
0x1a6: {  	s31 =	simm.s32 $0xA100  }
0x1a7: {  	[tilespmem:s31], [sflag:$0x3] =	stream.indirect_vreg.gather [hbm4b:s5+s2], $0x80, v4, vm1, $0xb8;
	[tilespmem:$0x18900] =	vst v63  }
0x1a8: {  	s31 =	simm.s32 $0xA500  }
0x1a9: {  	[tilespmem:s31], [sflag:$0x3] =	stream.indirect_vreg.gather [hbm4b:s3+s2], $0x80, v3, vm0, $0xb8;
	[tilespmem:$0x18900] =	vst v63  }
0x1aa: {  	s31 =	simm.s32 $0xAD00  }
0x1ab: {  	[tilespmem:s31], [sflag:$0x3] =	stream.indirect_vreg.gather [hbm4b:s5+s2], $0x80, v3, vm1, $0xb8;
	[tilespmem:$0x18900] =	vst v63  }
0x1ac: {  	v3 =	vld [tilespmem:$0x870];
	_ =	sdelay $0x4  }
0x1ad: {  	v46 =	vshrl.u32 v3, $0x3  }
0x1ae: {  	v4 =	vmul.u32 $0x18, v46  }
0x1af: {  	v3 =	vand.u32 $0x7, v3  }
0x1b0: {  	v3 =	vor.u32 v3, v4  }
0x1b1: {  	v4 =	vperm.xlane v3, v0;
	_ =	sdelay $0x1  }
0x1b2: {  	v4 =	vadd.s32 v1, v4;
	_ =	sdelay $0x1  }
0x1b3: {  	v3 =	vperm.xlane v3, v2;
	_ =	sdelay $0x1  }
0x1b4: {  	s31 =	simm.s32 $0xB100;
	v3 =	vadd.s32 v1, v3  }
0x1b5: {  	[tilespmem:s31], [sflag:$0x3] =	stream.indirect_vreg.gather [hbm4b:s3+s2], $0x80, v4, vm0, $0xb8;
	[tilespmem:$0x18900] =	vst v63  }
0x1b6: {  	s31 =	simm.s32 $0xB900  }
0x1b7: {  	[tilespmem:s31], [sflag:$0x3] =	stream.indirect_vreg.gather [hbm4b:s5+s2], $0x80, v4, vm1, $0xb8;
	[tilespmem:$0x18900] =	vst v63  }
0x1b8: {  	s31 =	simm.s32 $0xBD00  }
0x1b9: {  	[tilespmem:s31], [sflag:$0x3] =	stream.indirect_vreg.gather [hbm4b:s3+s2], $0x80, v3, vm0, $0xb8;
	[tilespmem:$0x18900] =	vst v63  }
0x1ba: {  	s31 =	simm.s32 $0xC500  }
0x1bb: {  	[tilespmem:s31], [sflag:$0x3] =	stream.indirect_vreg.gather [hbm4b:s5+s2], $0x80, v3, vm1, $0xb8;
	[tilespmem:$0x18900] =	vst v63  }
0x1bc: {  	_ =	swait.ge [sflag:s17], $0xC000  }
0x1bd: {  	[sflag:s17] =	ssyncset.done $0x0  }
0x1be: {  	s4 =	rddreg [dreg:$0x7];
	[sflag:s17] =	ssyncadd.s32 $0xFFFF4000  }
0x1bf: {  	[hbm4b:s4+s2] =	stream.linear.scatter [tilespmem:s19], [sflag:$0x4], $0xC000, $0x38;
	[tilespmem:$0x18900] =	vst v63  }
0x1c0: {  	_ =	swait.ge [sflag:s0], $0x400  }
0x1c1: {  	[sflag:s0] =	ssyncset.done $0x0  }
0x1c2: {  	[sflag:s0] =	ssyncadd.s32 $0xFFFFFC00  }
0x1c3: {  	v3 =	vld [tilespmem:$0x400]  }
0x1c4: {  	v47 =	vld [tilespmem:$0x480]  }
0x1c5: {  	v48 =	vld [tilespmem:$0x500]  }
0x1c6: {  	v49 =	vld [tilespmem:$0x580]  }
0x1c7: {  	v50 =	vld [tilespmem:$0x600]  }
0x1c8: {  	v51 =	vld [tilespmem:$0x680];
	[tilespmem:$0x880] =	vst v3;
	v52 =	vshrl.u32 v3, $0x3  }
0x1c9: {  	v53 =	vld [tilespmem:$0x700];
	[tilespmem:$0x890] =	vst v47;
	v9 =	vmul.u32 $0x18, v52  }
0x1ca: {  	v54 =	vld [tilespmem:$0x780];
	[tilespmem:$0x8A0] =	vst v48;
	v3 =	vand.u32 $0x7, v3  }
0x1cb: {  	[tilespmem:$0x8B0] =	vst v49;
	v3 =	vor.u32 v3, v9  }
0x1cc: {  	[tilespmem:$0x8C0] =	vst v50;
	v55 =	vperm.xlane v3, v0  }
0x1cd: {  	[tilespmem:$0x8D0] =	vst v51  }
0x1ce: {  	[tilespmem:$0x8E0] =	vst v53;
	v56 =	vadd.s32 v1, v55  }
0x1cf: {  	[tilespmem:$0x8F0] =	vst v54  }
0x1d0: {  	_ =	swait.ge [sflag:s30], $0xC000;
	v3 =	vperm.xlane v3, v2  }
0x1d1: {  	[sflag:s30] =	ssyncset.done $0x0  }
0x1d2: {  	[sflag:s30] =	ssyncadd.s32 $0xFFFF4000;
	v3 =	vadd.s32 v1, v3  }
0x1d3: {  	[tilespmem:s1], [sflag:$0x3] =	stream.indirect_vreg.gather [hbm4b:s3+s2], $0x80, v56, vm0, $0xb8;
	[tilespmem:$0x18900] =	vst v63  }
0x1d4: {  	s31 =	simm.s32 $0xD100  }
0x1d5: {  	[tilespmem:s31], [sflag:$0x3] =	stream.indirect_vreg.gather [hbm4b:s5+s2], $0x80, v56, vm1, $0xb8;
	[tilespmem:$0x18900] =	vst v63  }
0x1d6: {  	s4 =	simm.s32 $0xD500  }
0x1d7: {  	[tilespmem:s4], [sflag:$0x3] =	stream.indirect_vreg.gather [hbm4b:s3+s2], $0x80, v3, vm0, $0xb8;
	[tilespmem:$0x18900] =	vst v63  }
0x1d8: {  	s31 =	simm.s32 $0xDD00  }
0x1d9: {  	[tilespmem:s31], [sflag:$0x3] =	stream.indirect_vreg.gather [hbm4b:s5+s2], $0x80, v3, vm1, $0xb8;
	[tilespmem:$0x18900] =	vst v63  }
0x1da: {  	v3 =	vld [tilespmem:$0x890];
	_ =	sdelay $0x4  }
0x1db: {  	v57 =	vshrl.u32 v3, $0x3  }
0x1dc: {  	v4 =	vmul.u32 $0x18, v57  }
0x1dd: {  	v3 =	vand.u32 $0x7, v3  }
0x1de: {  	v3 =	vor.u32 v3, v4  }
0x1df: {  	v4 =	vperm.xlane v3, v0;
	_ =	sdelay $0x1  }
0x1e0: {  	v4 =	vadd.s32 v1, v4;
	_ =	sdelay $0x1  }
0x1e1: {  	v3 =	vperm.xlane v3, v2;
	_ =	sdelay $0x1  }
0x1e2: {  	s4 =	simm.s32 $0xE100;
	v3 =	vadd.s32 v1, v3  }
0x1e3: {  	[tilespmem:s4], [sflag:$0x3] =	stream.indirect_vreg.gather [hbm4b:s3+s2], $0x80, v4, vm0, $0xb8;
	[tilespmem:$0x18900] =	vst v63  }
0x1e4: {  	s31 =	simm.s32 $0xE900  }
0x1e5: {  	[tilespmem:s31], [sflag:$0x3] =	stream.indirect_vreg.gather [hbm4b:s5+s2], $0x80, v4, vm1, $0xb8;
	[tilespmem:$0x18900] =	vst v63  }
0x1e6: {  	s4 =	simm.s32 $0xED00  }
0x1e7: {  	[tilespmem:s4], [sflag:$0x3] =	stream.indirect_vreg.gather [hbm4b:s3+s2], $0x80, v3, vm0, $0xb8;
	[tilespmem:$0x18900] =	vst v63  }
0x1e8: {  	s31 =	simm.s32 $0xF500  }
0x1e9: {  	[tilespmem:s31], [sflag:$0x3] =	stream.indirect_vreg.gather [hbm4b:s5+s2], $0x80, v3, vm1, $0xb8;
	[tilespmem:$0x18900] =	vst v63  }
0x1ea: {  	v3 =	vld [tilespmem:$0x8A0];
	_ =	sdelay $0x4  }
0x1eb: {  	v58 =	vshrl.u32 v3, $0x3  }
0x1ec: {  	v4 =	vmul.u32 $0x18, v58  }
0x1ed: {  	v3 =	vand.u32 $0x7, v3  }
0x1ee: {  	v3 =	vor.u32 v3, v4  }
0x1ef: {  	v4 =	vperm.xlane v3, v0;
	_ =	sdelay $0x1  }
0x1f0: {  	v4 =	vadd.s32 v1, v4;
	_ =	sdelay $0x1  }
0x1f1: {  	v3 =	vperm.xlane v3, v2;
	_ =	sdelay $0x1  }
0x1f2: {  	s4 =	simm.s32 $0xF900;
	v3 =	vadd.s32 v1, v3  }
0x1f3: {  	[tilespmem:s4], [sflag:$0x3] =	stream.indirect_vreg.gather [hbm4b:s3+s2], $0x80, v4, vm0, $0xb8;
	[tilespmem:$0x18900] =	vst v63  }
0x1f4: {  	s31 =	simm.s32 $0x10100  }
0x1f5: {  	[tilespmem:s31], [sflag:$0x3] =	stream.indirect_vreg.gather [hbm4b:s5+s2], $0x80, v4, vm1, $0xb8;
	[tilespmem:$0x18900] =	vst v63  }
0x1f6: {  	s4 =	simm.s32 $0x10500  }
0x1f7: {  	[tilespmem:s4], [sflag:$0x3] =	stream.indirect_vreg.gather [hbm4b:s3+s2], $0x80, v3, vm0, $0xb8;
	[tilespmem:$0x18900] =	vst v63  }
0x1f8: {  	s31 =	simm.s32 $0x10D00  }
0x1f9: {  	[tilespmem:s31], [sflag:$0x3] =	stream.indirect_vreg.gather [hbm4b:s5+s2], $0x80, v3, vm1, $0xb8;
	[tilespmem:$0x18900] =	vst v63  }
0x1fa: {  	v3 =	vld [tilespmem:$0x8B0];
	_ =	sdelay $0x4  }
0x1fb: {  	v59 =	vshrl.u32 v3, $0x3  }
0x1fc: {  	v4 =	vmul.u32 $0x18, v59  }
0x1fd: {  	v3 =	vand.u32 $0x7, v3  }
0x1fe: {  	v3 =	vor.u32 v3, v4  }
0x1ff: {  	v4 =	vperm.xlane v3, v0;
	_ =	sdelay $0x1  }
0x200: {  	v4 =	vadd.s32 v1, v4;
	_ =	sdelay $0x1  }
0x201: {  	v3 =	vperm.xlane v3, v2;
	_ =	sdelay $0x1  }
0x202: {  	s4 =	simm.s32 $0x11100;
	v3 =	vadd.s32 v1, v3  }
0x203: {  	[tilespmem:s4], [sflag:$0x3] =	stream.indirect_vreg.gather [hbm4b:s3+s2], $0x80, v4, vm0, $0xb8;
	[tilespmem:$0x18900] =	vst v63  }
0x204: {  	s31 =	simm.s32 $0x11900  }
0x205: {  	[tilespmem:s31], [sflag:$0x3] =	stream.indirect_vreg.gather [hbm4b:s5+s2], $0x80, v4, vm1, $0xb8;
	[tilespmem:$0x18900] =	vst v63  }
0x206: {  	s4 =	simm.s32 $0x11D00  }
0x207: {  	[tilespmem:s4], [sflag:$0x3] =	stream.indirect_vreg.gather [hbm4b:s3+s2], $0x80, v3, vm0, $0xb8;
	[tilespmem:$0x18900] =	vst v63  }
0x208: {  	s31 =	simm.s32 $0x12500  }
0x209: {  	[tilespmem:s31], [sflag:$0x3] =	stream.indirect_vreg.gather [hbm4b:s5+s2], $0x80, v3, vm1, $0xb8;
	[tilespmem:$0x18900] =	vst v63  }
0x20a: {  	v3 =	vld [tilespmem:$0x8C0];
	_ =	sdelay $0x4  }
0x20b: {  	v60 =	vshrl.u32 v3, $0x3  }
0x20c: {  	v4 =	vmul.u32 $0x18, v60  }
0x20d: {  	v3 =	vand.u32 $0x7, v3  }
0x20e: {  	v3 =	vor.u32 v3, v4  }
0x20f: {  	v4 =	vperm.xlane v3, v0;
	_ =	sdelay $0x1  }
0x210: {  	v4 =	vadd.s32 v1, v4;
	_ =	sdelay $0x1  }
0x211: {  	v3 =	vperm.xlane v3, v2;
	_ =	sdelay $0x1  }
0x212: {  	s4 =	simm.s32 $0x12900;
	v3 =	vadd.s32 v1, v3  }
0x213: {  	[tilespmem:s4], [sflag:$0x3] =	stream.indirect_vreg.gather [hbm4b:s3+s2], $0x80, v4, vm0, $0xb8;
	[tilespmem:$0x18900] =	vst v63  }
0x214: {  	s31 =	simm.s32 $0x13100  }
0x215: {  	[tilespmem:s31], [sflag:$0x3] =	stream.indirect_vreg.gather [hbm4b:s5+s2], $0x80, v4, vm1, $0xb8;
	[tilespmem:$0x18900] =	vst v63  }
0x216: {  	s4 =	simm.s32 $0x13500  }
0x217: {  	[tilespmem:s4], [sflag:$0x3] =	stream.indirect_vreg.gather [hbm4b:s3+s2], $0x80, v3, vm0, $0xb8;
	[tilespmem:$0x18900] =	vst v63  }
0x218: {  	s31 =	simm.s32 $0x13D00  }
0x219: {  	[tilespmem:s31], [sflag:$0x3] =	stream.indirect_vreg.gather [hbm4b:s5+s2], $0x80, v3, vm1, $0xb8;
	[tilespmem:$0x18900] =	vst v63  }
0x21a: {  	v3 =	vld [tilespmem:$0x8D0];
	_ =	sdelay $0x4  }
0x21b: {  	v61 =	vshrl.u32 v3, $0x3  }
0x21c: {  	v4 =	vmul.u32 $0x18, v61  }
0x21d: {  	v3 =	vand.u32 $0x7, v3  }
0x21e: {  	v3 =	vor.u32 v3, v4  }
0x21f: {  	v4 =	vperm.xlane v3, v0;
	_ =	sdelay $0x1  }
0x220: {  	v4 =	vadd.s32 v1, v4;
	_ =	sdelay $0x1  }
0x221: {  	v3 =	vperm.xlane v3, v2;
	_ =	sdelay $0x1  }
0x222: {  	s4 =	simm.s32 $0x14100;
	v3 =	vadd.s32 v1, v3  }
0x223: {  	[tilespmem:s4], [sflag:$0x3] =	stream.indirect_vreg.gather [hbm4b:s3+s2], $0x80, v4, vm0, $0xb8;
	[tilespmem:$0x18900] =	vst v63  }
0x224: {  	s31 =	simm.s32 $0x14900  }
0x225: {  	[tilespmem:s31], [sflag:$0x3] =	stream.indirect_vreg.gather [hbm4b:s5+s2], $0x80, v4, vm1, $0xb8;
	[tilespmem:$0x18900] =	vst v63  }
0x226: {  	s4 =	simm.s32 $0x14D00  }
0x227: {  	[tilespmem:s4], [sflag:$0x3] =	stream.indirect_vreg.gather [hbm4b:s3+s2], $0x80, v3, vm0, $0xb8;
	[tilespmem:$0x18900] =	vst v63  }
0x228: {  	s31 =	simm.s32 $0x15500  }
0x229: {  	[tilespmem:s31], [sflag:$0x3] =	stream.indirect_vreg.gather [hbm4b:s5+s2], $0x80, v3, vm1, $0xb8;
	[tilespmem:$0x18900] =	vst v63  }
0x22a: {  	v3 =	vld [tilespmem:$0x8E0];
	_ =	sdelay $0x4  }
0x22b: {  	v62 =	vshrl.u32 v3, $0x3  }
0x22c: {  	v4 =	vmul.u32 $0x18, v62  }
0x22d: {  	v3 =	vand.u32 $0x7, v3  }
0x22e: {  	v3 =	vor.u32 v3, v4  }
0x22f: {  	v4 =	vperm.xlane v3, v0;
	_ =	sdelay $0x1  }
0x230: {  	v4 =	vadd.s32 v1, v4;
	_ =	sdelay $0x1  }
0x231: {  	v3 =	vperm.xlane v3, v2;
	_ =	sdelay $0x1  }
0x232: {  	s4 =	simm.s32 $0x15900;
	v3 =	vadd.s32 v1, v3  }
0x233: {  	[tilespmem:s4], [sflag:$0x3] =	stream.indirect_vreg.gather [hbm4b:s3+s2], $0x80, v4, vm0, $0xb8;
	[tilespmem:$0x18900] =	vst v63  }
0x234: {  	s31 =	simm.s32 $0x16100  }
0x235: {  	[tilespmem:s31], [sflag:$0x3] =	stream.indirect_vreg.gather [hbm4b:s5+s2], $0x80, v4, vm1, $0xb8;
	[tilespmem:$0x18900] =	vst v63  }
0x236: {  	s4 =	simm.s32 $0x16500  }
0x237: {  	[tilespmem:s4], [sflag:$0x3] =	stream.indirect_vreg.gather [hbm4b:s3+s2], $0x80, v3, vm0, $0xb8;
	[tilespmem:$0x18900] =	vst v63  }
0x238: {  	s31 =	simm.s32 $0x16D00  }
0x239: {  	[tilespmem:s31], [sflag:$0x3] =	stream.indirect_vreg.gather [hbm4b:s5+s2], $0x80, v3, vm1, $0xb8;
	[tilespmem:$0x18900] =	vst v63  }
0x23a: {  	v3 =	vld [tilespmem:$0x8F0];
	_ =	sdelay $0x4  }
0x23b: {  	v63 =	vshrl.u32 v3, $0x3  }
0x23c: {  	v4 =	vmul.u32 $0x18, v63  }
0x23d: {  	v3 =	vand.u32 $0x7, v3  }
0x23e: {  	v3 =	vor.u32 v3, v4  }
0x23f: {  	v4 =	vperm.xlane v3, v0;
	_ =	sdelay $0x1  }
0x240: {  	v4 =	vadd.s32 v1, v4;
	_ =	sdelay $0x1  }
0x241: {  	v3 =	vperm.xlane v3, v2;
	_ =	sdelay $0x1  }
0x242: {  	s4 =	simm.s32 $0x17100;
	v3 =	vadd.s32 v1, v3  }
0x243: {  	[tilespmem:s4], [sflag:$0x3] =	stream.indirect_vreg.gather [hbm4b:s3+s2], $0x80, v4, vm0, $0xb8;
	[tilespmem:$0x18900] =	vst v63  }
0x244: {  	s31 =	simm.s32 $0x17900  }
0x245: {  	[tilespmem:s31], [sflag:$0x3] =	stream.indirect_vreg.gather [hbm4b:s5+s2], $0x80, v4, vm1, $0xb8;
	[tilespmem:$0x18900] =	vst v63  }
0x246: {  	s4 =	simm.s32 $0x17D00  }
0x247: {  	[tilespmem:s4], [sflag:$0x3] =	stream.indirect_vreg.gather [hbm4b:s3+s2], $0x80, v3, vm0, $0xb8;
	[tilespmem:$0x18900] =	vst v63  }
0x248: {  	s31 =	simm.s32 $0x18500  }
0x249: {  	[tilespmem:s31], [sflag:$0x3] =	stream.indirect_vreg.gather [hbm4b:s5+s2], $0x80, v3, vm1, $0xb8;
	[tilespmem:$0x18900] =	vst v63  }
0x24a: {  	_ =	swait.ge [sflag:s17], $0xC000  }
0x24b: {  	[sflag:s17] =	ssyncset.done $0x0  }
0x24c: {  	s4 =	rddreg [dreg:$0x8];
	[sflag:s17] =	ssyncadd.s32 $0xFFFF4000  }
0x24d: {  	[hbm4b:s4+s2] =	stream.linear.scatter [tilespmem:s1], [sflag:$0x5], $0xC000, $0x38;
	[tilespmem:$0x18900] =	vst v63  }
0x24e: {  	p0 =	sne.s32 s6, $0x1;
	_ =	swait.ge [sflag:s29], $0xC000  }
.Ltmp0:
0x24f: {  	[sflag:s29] =	ssyncset.done $0x0;
	(pc) =	sbr.rel @p0 .LBB2_1-.Ltmp0, $4  }
0x250: {  	[sflag:s29] =	ssyncadd.s32 $0xFFFF4000  }
0x251: {  	_ =	swait.ge [sflag:s30], $0xC000  }
0x252: {  	[sflag:s30] =	ssyncset.done $0x0  }
0x253: {  	s6 =	sadd.s32 $0xFFFFFFFF, s6;
	[sflag:s30] =	ssyncadd.s32 $0xFFFF4000  }
0x254: {  	_ =	sfence.sel $0x180000  }
0x255: {  	[bflag:$0x0] =	sbarrier.arrive $0xFFFF  }
0x256: {  	_ =	strace $0x90000050  }
0x257: {  	s0 =	stileid.u32;
	[bflag:$0x2] =	sbarrier.arrive $0xFFFF  }
0x258: {  	p0 =	sne.s32 s0, $0x0;
	s0 =	rddreg [dreg:$0x1]  }
0x259: {  	s0 =	sadd.s32 @!p0 $0x100000, s0  }
0x25a: {  	[sflag:s0] =	ssyncadd.tile.s32 @!p0 $0x1;
	_ =	shalt  }
.Lfunc_end2:
_tile_overlayer_lowered:
.L_overlay_start_2:
0x25b: {  	(tag) =	ssettag $0x2  }
0x25c: {  	s0 =	rddreg [dreg:$0x0];
	s2 =	stileid.u32  }
0x25d: {  	s1 =	rddreg [dreg:$0x1];
	p0 =	sne.s32 s2, $0x0  }
0x25e: {  	s3 =	rddreg [dreg:$0x2];
	[bflag:$0x3] =	sbarrier.arrive $0xFFFF;
	s2 =	simm.s32 @!p0 $0x1C06  }
0x25f: {  	[timem:s3], [sflag:s2] =	dma.local @!p0 [hbm:s0], s1  }
0x260: {  	s0 =	simm.s32 @!p0 $0x6  }
0x261: {  	_ =	swait.ge @!p0 [sflag:s0], s1  }
0x262: {  	s1 =	ssub.s32 @!p0 $0x0, s1;
	[sflag:s0] =	ssyncset.done @!p0 $0x0  }
0x263: {  	[sflag:s0] =	ssyncadd.s32 @!p0 s1  }
0x264: {  	[bflag:$0x3] =	sbarrier.arrive $0xFFFF  }
0x265: {  	_ =	shalt  }

// kernel: kernel.22.cloned.1.call-start
scs
__scs_entry_jumppad:
0x0: {  	(pc) =	sbr.rel $0x88, $3  }
0x1: {  	(tag) =	ssettag $0x0;
	lr =	simm.s32 $0x1  }
0x2: {  	[smem:$0x3F8D] =	sst lr;
	_ =	strace $0xD0000000  }
0x3: {  	_ = 	snop  }
0x4: {  	_ = 	snop  }
0x5: {  	_ = 	snop  }
0x6: {  	_ = 	snop  }
0x7: {  	_ = 	snop  }
__scs_overlays_trampoline_lowered:
0x8: {  	[smem:$0x3F9C] =	sst s0  }
0x9: {  	[smem:$0x3F9D] =	sst s1  }
0xa: {  	[smem:$0x3F9E] =	sst s2  }
0xb: {  	[smem:$0x3F9F] =	sst s3  }
0xc: {  	[smem:$0x3FA0] =	sst s4  }
0xd: {  	[smem:$0x3FA1] =	sst s5  }
0xe: {  	[smem:$0x3FA2] =	sst s6  }
0xf: {  	[smem:$0x3FA3] =	sst s7  }
0x10: {  	[smem:$0x3FA4] =	sst s8  }
0x11: {  	[smem:$0x3FA5] =	sst s9;
	s0 =	simm.s32 @!p0 $0x0  }
0x12: {  	s1 =	sld [smem:$0x3F8B];
	s0 =	simm.s32 @p0 $0x1  }
0x13: {  	[smem:$0x3FA6] =	sst s0;
	s0 =	simm.s32 @!p1 $0x0  }
0x14: {  	s2 =	sld [smem:$0x3F8A];
	s0 =	simm.s32 @p1 $0x1  }
0x15: {  	[smem:$0x3FA7] =	sst s0;
	s0 =	simm.s32 @!p2 $0x0  }
0x16: {  	s3 =	sld [smem:$0x3FDB];
	s0 =	simm.s32 @p2 $0x1  }
0x17: {  	s4 =	simm.s32 $0x1BF5;
	[smem:$0x3FA9] =	sst s0  }
0x18: {  	s0 =	sld [smem:$0x3F8C];
	_ =	swait.ge [sflag:s4], $0x0  }
0x19: {  	s7 =	sld [smem:$0x3F8D]  }
0x1a: {  	s8 =	sadd.s32 $0xFFFFE003, lr  }
0x1b: {  	s9 =	sadd.s32 $0xFFFFFEF7, lr;
	s5 =	simm.s32 $0xFFFFFFFF;
	p2 =	slt.u32 s8, $0xFFFFF086  }
0x1c: {  	p1 =	slt.u32 s9, $0xF7A;
	s5 =	simm.s32 @!p2 $0x0  }
0x1d: {  	s5 =	simm.s32 @p1 $0x1;
	p0 =	seq.s32 s7, s2  }
0x1e: {  	s7 =	smul.u32 @!p0 $0xF7A, s2;
	p2 =	seq.s32 @!p0 s5, $0x0  }
0x1f: {  	s9 =	smul.u32 $0xF7A, s1;
	s8 =	simm.s32 @!p0 $0x1BF5;
	p2 =	por !p2, p0  }
0x20: {  	[sflag:s8] =	ssyncset.s32 @!p0 $0xFFFFF086;
	s6 =	sadd.s32 @!p0 s3, s7;
	s7 =	simm.s32 @!p0 $0x108  }
0x21: {  	s3 =	sadd.s32 s3, s9;
	s6 =	sadd.s32 @!p0 $0x88, s6;
	s7 =	simm.s32 @p2 $0x1082  }
0x22: {  	[simem:s7], [sflag:s8] =	dma.local @!p0 [hbm:s6], $0xF7A  }
0x23: {  	s9 =	sor.u32 $0xD0000000, s2;
	s6 =	simm.s32 $0x108;
	_ =	swait.ge @!p0 [sflag:s8], $0x0  }
0x24: {  	s3 =	sadd.s32 $0x88, s3;
	s6 =	simm.s32 @!p1 $0x1082;
	[sflag:s4] =	ssyncset.s32 $0xFFFFF086  }
0x25: {  	[simem:s6], [sflag:s4] =	dma.local [hbm:s3], $0xF7A  }
0x26: {  	[smem:$0x3F8D] =	sst s1;
	(tag) =	ssettag s2;
	_ =	strace s9  }
0x27: {  	s1 =	sld [smem:$0x3F9D]  }
0x28: {  	s2 =	sld [smem:$0x3F9E]  }
0x29: {  	s4 =	sld [smem:$0x3FA0]  }
0x2a: {  	p0 =	seq.s32 s5, $0x0;
	s5 =	sld [smem:$0x3FA1]  }
0x2b: {  	s6 =	sld [smem:$0x3FA2]  }
0x2c: {  	s7 =	sld [smem:$0x3FA3]  }
0x2d: {  	s3 =	simm.s32 $0x108;
	s8 =	sld [smem:$0x3FA4]  }
0x2e: {  	s3 =	simm.s32 @!p0 $0x1082;
	s9 =	sld [smem:$0x3FA5]  }
0x2f: {  	lr =	sadd.s32 s0, s3;
	s0 =	sld [smem:$0x3F9C]  }
0x30: {  	s3 =	sld [smem:$0x3F9F]  }
0x31: {  	[smem:$0x3FA8] =	sst s10  }
0x32: {  	s10 =	sld [smem:$0x3FA6];
	_ =	sdelay $0x3  }
0x33: {  	p0 =	seq.s32 s10, $0x1;
	s10 =	sld [smem:$0x3FA8];
	_ =	sdelay $0x3  }
0x34: {  	[smem:$0x3FA8] =	sst s10  }
0x35: {  	s10 =	sld [smem:$0x3FA7];
	_ =	sdelay $0x3  }
0x36: {  	p1 =	seq.s32 s10, $0x1;
	s10 =	sld [smem:$0x3FA8];
	_ =	sdelay $0x3  }
0x37: {  	[smem:$0x3FA8] =	sst s10  }
0x38: {  	s10 =	sld [smem:$0x3FA9]  }
0x39: {  	_ = 	snop;
	(pc) =	sbr.ind lr, $3  }
0x3a: {  	_ = 	snop  }
0x3b: {  	_ = 	snop  }
0x3c: {  	p2 =	seq.s32 s10, $0x1;
	s10 =	sld [smem:$0x3FA8]  }
0x3d: {  	_ =	shalt  }
0x3e: {  	_ =	shalt  }
0x3f: {  	_ =	shalt  }
0x40: {  	_ =	shalt  }
0x41: {  	_ =	shalt  }
0x42: {  	_ =	shalt  }
0x43: {  	_ =	shalt  }
0x44: {  	_ =	shalt  }
0x45: {  	_ =	shalt  }
0x46: {  	_ =	shalt  }
0x47: {  	_ =	shalt  }
0x48: {  	_ =	shalt  }
0x49: {  	_ =	shalt  }
0x4a: {  	_ =	shalt  }
0x4b: {  	_ =	shalt  }
0x4c: {  	_ =	shalt  }
0x4d: {  	_ =	shalt  }
0x4e: {  	_ =	shalt  }
0x4f: {  	_ =	shalt  }
0x50: {  	_ =	shalt  }
0x51: {  	_ =	shalt  }
0x52: {  	_ =	shalt  }
0x53: {  	_ =	shalt  }
0x54: {  	_ =	shalt  }
0x55: {  	_ =	shalt  }
0x56: {  	_ =	shalt  }
0x57: {  	_ =	shalt  }
0x58: {  	_ =	shalt  }
0x59: {  	_ =	shalt  }
0x5a: {  	_ =	shalt  }
0x5b: {  	_ =	shalt  }
0x5c: {  	_ =	shalt  }
0x5d: {  	_ =	shalt  }
0x5e: {  	_ =	shalt  }
0x5f: {  	_ =	shalt  }
0x60: {  	_ =	shalt  }
0x61: {  	_ =	shalt  }
0x62: {  	_ =	shalt  }
0x63: {  	_ =	shalt  }
0x64: {  	_ =	shalt  }
0x65: {  	_ =	shalt  }
0x66: {  	_ =	shalt  }
0x67: {  	_ =	shalt  }
0x68: {  	_ =	shalt  }
0x69: {  	_ =	shalt  }
0x6a: {  	_ =	shalt  }
0x6b: {  	_ =	shalt  }
0x6c: {  	_ =	shalt  }
0x6d: {  	_ =	shalt  }
0x6e: {  	_ =	shalt  }
0x6f: {  	_ =	shalt  }
0x70: {  	_ =	shalt  }
0x71: {  	_ =	shalt  }
0x72: {  	_ =	shalt  }
0x73: {  	_ =	shalt  }
0x74: {  	_ =	shalt  }
0x75: {  	_ =	shalt  }
0x76: {  	_ =	shalt  }
0x77: {  	_ =	shalt  }
0x78: {  	_ =	shalt  }
0x79: {  	_ =	shalt  }
0x7a: {  	_ =	shalt  }
0x7b: {  	_ =	shalt  }
0x7c: {  	_ =	shalt  }
0x7d: {  	_ =	shalt  }
0x7e: {  	_ =	shalt  }
0x7f: {  	_ =	shalt  }
0x80: {  	_ =	shalt  }
0x81: {  	_ =	shalt  }
0x82: {  	_ =	shalt  }
0x83: {  	_ =	shalt  }
0x84: {  	_ =	shalt  }
0x85: {  	_ =	shalt  }
0x86: {  	_ =	shalt  }
0x87: {  	_ =	shalt  }
.Lfunc_end0:
.L_simem_size_0:
called_computation.2_lowered:
.L_overlay_start_0:
0x88: {  	s2 =	sld [smem:$0x3FD9]  }
0x89: {  	s3 =	sld [smem:$0x3FFE];
	_ =	sdelay $0x1  }
0x8a: {  	s1 =	srdreg.scid  }
0x8b: {  	s0 =	sand.u32 $0x1, s1  }
0x8c: {  	s17 =	sshll.u32 s0, $0xA;
	s2 =	sadd.s32 s3, s2  }
0x8d: {  	s2 =	sadd.s32 s2, s17  }
0x8e: {  	[smem:$0x3FB4] =	sst s2  }
0x8f: {  	_ = 	snop  }
0x90: {  	(tm) =	ssettm $0x1  }
0x91: {  	s18 =	sld [smem:$0x3FFB];
	_ =	sdelay $0x3  }
0x92: {  	_ =	strace s18  }
0x93: {  	s2 =	sld [smem:$0x3FFC];
	_ =	sdelay $0x3  }
0x94: {  	_ =	strace s2  }
0x95: {  	s2 =	sld [smem:$0x3FFD];
	_ =	sdelay $0x3  }
0x96: {  	_ =	strace s2  }
0x97: {  	_ =	strace $0x8FFFFFFF  }
0x98: {  	s19 =	sld [smem:$0x3FDB];
	_ =	sdelay $0x1  }
0x99: {  	s20 =	simm.s32 $_scs_section_size  }
0x9a: {  	s4 =	simm.s32 $_size__tile_overlayer_lowered;
	s5 =	simm.s32 $_tile_overlayer_lowered  }
0x9b: {  	s6 =	simm.s32 $0x1BFF;
	s21 =	sshll.u32 s5, $0x1;
	s3 =	sadd.s32 s20, s19  }
0x9c: {  	s22 =	simm.s32 $0x0;
	s4 =	sshll.u32 s4, $0x1;
	s5 =	sadd.s32 s21, s3  }
0x9d: {  	[timem:s22], [sflag:s6] =	dma.local [hbm:s5], s4  }
0x9e: {  	_ =	swait.ge [sflag:s6], s4  }
0x9f: {  	s4 =	ssub.s32 $0x0, s4;
	[sflag:s6] =	ssyncset.done $0x0  }
0xa0: {  	[sflag:s6] =	ssyncadd.s32 s4;
	_ =	sdelay $0x1  }
0xa1: {  	s23 =	simm.s32 $0x1B8B  }
0xa2: {  	_ =	swait.ge [sflag:s23], $0x1  }
0xa3: {  	[sflag:s23] =	ssyncset.done $0x0  }
0xa4: {  	[sflag:s23] =	ssyncadd.s32 $0xFFFFFFFF  }
0xa5: {  	s4 =	sld [smem:$0x0]  }
0xa6: {  	s5 =	sand.u32 $0xFFFFFFFE, s1  }
0xa7: {  	p0 =	sne.s32 s1, s5  }
0xa8: {  	s5 =	sshll.u32 @p0 s5, $0xE  }
0xa9: {  	s5 =	sadd.s32 @p0 $0x11B8D, s5;
	s6 =	sshll.u32 @p0 s4, $0x11  }
0xaa: {  	s5 =	sor.u32 @p0 s6, s5  }
0xab: {  	[sflag:s5] =	ssyncadd.remote.s32 @p0 $0x1;
	_ =	sdelay $0x1  }
0xac: {  	s5 =	simm.s32 @p0 $0x1B8D  }
0xad: {  	_ =	swait.eq @p0 [sflag:s5], $0x1  }
0xae: {  	[sflag:s5] =	ssyncadd.s32 @p0 $0xFFFFFFFF  }
0xaf: {  	s6 =	sshll.u32 @!p0 s1, $0xE  }
0xb0: {  	s6 =	sor.u32 @!p0 $0x4000, s6;
	s5 =	simm.s32 @!p0 $0x1B8D  }
0xb1: {  	s4 =	sshll.u32 @!p0 s4, $0x11;
	s6 =	sadd.s32 @!p0 $0x11B8D, s6;
	_ =	swait.eq @!p0 [sflag:s5], $0x1  }
0xb2: {  	s4 =	sor.u32 @!p0 s4, s6;
	[sflag:s5] =	ssyncadd.s32 @!p0 $0xFFFFFFFF  }
0xb3: {  	s25 =	simm.s32 $0x1B8E;
	s24 =	sld [smem:$0x3FFE];
	[sflag:s4] =	ssyncadd.remote.s32 @!p0 $0x1  }
0xb4: {  	s26 =	simm.s32 $execute0_lowered;
	[smem:$0x3FD2] =	sst s25  }
0xb5: {  	s5 =	sshll.u32 s26, $0x1;
	_ =	strace $0x8000004C;
	[dreg:$0x1] =	wrdreg $0xFFFFFFFF  }
0xb6: {  	s28 =	simm.s32 $_size_execute0_lowered;
	s3 =	sadd.s32 s3, s5;
	[dreg:$0x0] =	wrdreg $0x0  }
0xb7: {  	s5 =	sshll.u32 s28, $0x1;
	[dreg:$0x2] =	wrdreg s3  }
0xb8: {  	[dreg:$0x3] =	wrdreg s5  }
0xb9: {  	[dreg:$0x4] =	wrdreg $0xC0  }
0xba: {  	_ =	task [dreg:s22], $0x5FFFF  }
0xbb: {  	[dreg:$0x1] =	wrdreg $0xFFFFFFFF  }
0xbc: {  	[dreg:$0x0] =	wrdreg $0x60  }
0xbd: {  	[dreg:$0x2] =	wrdreg s24  }
0xbe: {  	[dreg:$0x3] =	wrdreg $0xB  }
0xbf: {  	_ =	task.clear_ibuf [dreg:s22], $0x4FFFF;
	_ =	strace $0x9000004C  }
0xc0: {  	s29 =	simm.s32 $0xB;
	_ =	strace $0x8000004E  }
0xc1: {  	_ =	swait.ge [sflag:s29], $0x1  }
0xc2: {  	[sflag:s29] =	ssyncadd.s32 $0xFFFFFFFF  }
0xc3: {  	_ =	strace $0x9000004E  }
0xc4: {  	_ =	sfence  }
0xc5: {  	s30 =	sld [smem:$0x0];
	_ =	sdelay $0x2  }
0xc6: {  	s31 =	sshll.u32 s1, $0xD;
	s1 =	sshrl.u32 s1, $0x2  }
0xc7: {  	s4 =	sand.u32 $0x4000, s31;
	s1 =	sadd.s32 s1, s30  }
0xc8: {  	s0 =	sor.u32 s4, s0;
	s1 =	sshll.u32 s1, $0x11  }
0xc9: {  	s0 =	sor.u32 s1, s0  }
0xca: {  	s0 =	sadd.s32 $0x8F2B, s0  }
0xcb: {  	[sflag:s0] =	ssyncadd.remote.s32 $0x1  }
0xcc: {  	_ =	sfence.sel $0xFFFF  }
0xcd: {  	[dreg:$0x0] =	wrdreg $0xFFFFFFFF;
	(pc) =	sbr.abs _section_cstart, $3  }
0xce: {  	[dreg:$0x1] =	wrdreg $0xFFFFFFFF  }
0xcf: {  	_ =	task.clear_ibuf [dreg:s22], $0x2FFFF;
	_ =	strace $0x9FFFFFFF  }
0xd0: {  	(tm) =	ssettm $0x7FFFFFFF  }
0xd1: {  	_ =	shalt  }
tec
execute0_lowered:
.L_overlay_start_1:
0x0: {  	(tag) =	ssettag $0x1  }
0x1: {  	s0 =	rddreg [dreg:$0x0];
	s1 =	srdreg.scid  }
0x2: {  	s3 =	stileid.u32;
	s2 =	simm.s32 $0x0;
	s17 =	simm.s32 $0x3  }
0x3: {  	s29 =	simm.s32 $0x4;
	s30 =	simm.s32 $0x5;
	s18 =	simm.s32 $0x1  }
0x4: {  	s19 =	simm.s32 $0x900;
	s10 =	simm.s32 $0x1D00;
	s11 =	simm.s32 $0x2100  }
0x5: {  	s12 =	simm.s32 $0x2900;
	s13 =	simm.s32 $0x2D00;
	s14 =	simm.s32 $0x3500  }
0x6: {  	s15 =	simm.s32 $0x3900;
	s16 =	simm.s32 $0x4100;
	s20 =	simm.s32 $0x4D00  }
0x7: {  	s21 =	simm.s32 $0x5100;
	s22 =	simm.s32 $0x5900;
	s23 =	simm.s32 $0x5D00  }
0x8: {  	s28 =	simm.s32 $0x7500;
	s1 =	sand.u32 $0x1, s1;
	s3 =	sshll.u32 s3, $0x1  }
0x9: {  	[smem:$0x7FF] =	sst s2;
	s6 =	sadd.s32 $0x1F3800, s0;
	s4 =	sor.u32 s1, s3  }
0xa: {  	_ =	strace $0x8000004D;
	s3 =	sadd.s32 $0x50000, s0;
	s5 =	sshll.u32 s4, $0x9  }
0xb: {  	s1 =	ssub.s32 $0x2, s1;
	s9 =	smul.u32 $0x6000, s4;
	s5 =	sadd.s32 s5, s0  }
0xc: {  	s7 =	sshrl.u32 s1, $0x1;
	s4 =	smul.u32 $0x30000, s4;
	s8 =	sadd.s32 $0x1EF800, s5  }
0xd: {  	s1 =	ssub.s32 s1, s7;
	s24 =	sadd.s32 $0x1EF880, s5;
	[dreg:$0x2] =	wrdreg s8  }
0xe: {  	s7 =	simm.s32 $0x8100;
	s25 =	sadd.s32 $0x1EF900, s5;
	[dreg:$0x3] =	wrdreg s24  }
0xf: {  	s9 =	sadd.s32 s6, s9;
	s4 =	sshrl.u32 s4, $0x3;
	[dreg:$0x4] =	wrdreg s25  }
0x10: {  	s5 =	sadd.s32 $0x1EF980, s5;
	[dreg:$0x9] =	wrdreg s9;
	s26 =	sadd.s32 $0x1800, s9  }
0x11: {  	s4 =	sadd.s32 s6, s4;
	[dreg:$0x6] =	wrdreg s5;
	s5 =	sadd.s32 $0x50100, s0  }
0x12: {  	s8 =	simm.s32 $0x1500;
	s24 =	simm.s32 $0x6500;
	s25 =	simm.s32 $0x6900  }
0x13: {  	v2 =	vlaneseq.u32;
	s9 =	simm.s32 $0x7D00;
	[dreg:$0x5] =	wrdreg s26;
	s6 =	sadd.s32 $0x3000, s4  }
0x14: {  	vm0 =	vmmov $0xffff;
	vm1 =	vmmov $0xff;
	v1 =	vshrl.u32 v2, $0x3;
	s31 =	sadd.s32 $0x4800, s4;
	s26 =	simm.s32 $0x7100;
	[dreg:$0x7] =	wrdreg s6  }
0x15: {  	v0 =	vand.u32 $0x7, v2;
	v2 =	vor.u32 $0x8, v2;
	v1 =	vmul.u32 $0x8, v1;
	[dreg:$0x8] =	wrdreg s31;
	s6 =	smax.u32 s1, $0x1;
	s1 =	simm.s32 $0xC900  }
.LBB2_1:
0x16: {  	s31 =	rddreg [dreg:$0x2]  }
0x17: {  	[tilespmem:s2], [sflag:$0x1] =	stream.linear.gather [hbm4b:s31+s2], $0x400, $0x38;
	[tilespmem:$0x18900] =	vst v63  }
0x18: {  	_ =	swait.ge [sflag:s18], $0x400  }
0x19: {  	[sflag:s18] =	ssyncset.done $0x0  }
0x1a: {  	s4 =	simm.s32 $0x400;
	s0 =	rddreg [dreg:$0x3];
	[sflag:s18] =	ssyncadd.s32 $0xFFFFFC00  }
0x1b: {  	[tilespmem:s4], [sflag:$0x2] =	stream.linear.gather [hbm4b:s0+s2], $0x400, $0x38;
	[tilespmem:$0x18900] =	vst v63  }
0x1c: {  	v3 =	vld [tilespmem:$0x0];
	_ =	sdelay $0x3  }
0x1d: {  	v4 =	vld [tilespmem:$0x80]  }
0x1e: {  	v5 =	vld [tilespmem:$0x100];
	v6 =	vshrl.u32 v3, $0x3  }
0x1f: {  	v7 =	vld [tilespmem:$0x180];
	v6 =	vmul.u32 $0x18, v6  }
0x20: {  	v8 =	vld [tilespmem:$0x200];
	v9 =	vand.u32 $0x7, v3  }
0x21: {  	[tilespmem:$0x800] =	vst v3;
	v3 =	vld [tilespmem:$0x280];
	v6 =	vor.u32 v9, v6  }
0x22: {  	v60 =	vld [tilespmem:$0x300];
	[tilespmem:$0x810] =	vst v4;
	v9 =	vperm.xlane v6, v0  }
0x23: {  	v61 =	vld [tilespmem:$0x380];
	[tilespmem:$0x820] =	vst v5  }
0x24: {  	[tilespmem:$0x830] =	vst v7;
	v62 =	vadd.s32 v1, v9  }
0x25: {  	[tilespmem:$0x840] =	vst v8  }
0x26: {  	[tilespmem:$0x850] =	vst v3;
	v3 =	vperm.xlane v6, v2  }
0x27: {  	[tilespmem:$0x860] =	vst v60  }
0x28: {  	[tilespmem:$0x870] =	vst v61;
	v3 =	vadd.s32 v1, v3  }
0x29: {  	[tilespmem:s19], [sflag:$0x3] =	stream.indirect_vreg.gather [hbm4b:s3+s2], $0x80, v62, vm0, $0xb8;
	[tilespmem:$0x18900] =	vst v63  }
0x2a: {  	s0 =	simm.s32 $0x1100  }
0x2b: {  	[tilespmem:s0], [sflag:$0x3] =	stream.indirect_vreg.gather [hbm4b:s5+s2], $0x80, v62, vm1, $0xb8;
	[tilespmem:$0x18900] =	vst v63  }
0x2c: {  	_ = 	snop  }
0x2d: {  	[tilespmem:s8], [sflag:$0x3] =	stream.indirect_vreg.gather [hbm4b:s3+s2], $0x80, v3, vm0, $0xb8;
	[tilespmem:$0x18900] =	vst v63  }
0x2e: {  	_ = 	snop  }
0x2f: {  	[tilespmem:s10], [sflag:$0x3] =	stream.indirect_vreg.gather [hbm4b:s5+s2], $0x80, v3, vm1, $0xb8;
	[tilespmem:$0x18900] =	vst v63  }
0x30: {  	v3 =	vld [tilespmem:$0x810];
	_ =	sdelay $0x4  }
0x31: {  	v63 =	vshrl.u32 v3, $0x3  }
0x32: {  	v4 =	vmul.u32 $0x18, v63  }
0x33: {  	v3 =	vand.u32 $0x7, v3  }
0x34: {  	v3 =	vor.u32 v3, v4  }
0x35: {  	v4 =	vperm.xlane v3, v0;
	_ =	sdelay $0x1  }
0x36: {  	v4 =	vadd.s32 v1, v4;
	_ =	sdelay $0x1  }
0x37: {  	v3 =	vperm.xlane v3, v2;
	_ =	sdelay $0x1  }
0x38: {  	v3 =	vadd.s32 v1, v3  }
0x39: {  	[tilespmem:s11], [sflag:$0x3] =	stream.indirect_vreg.gather [hbm4b:s3+s2], $0x80, v4, vm0, $0xb8;
	[tilespmem:$0x18900] =	vst v63  }
0x3a: {  	_ = 	snop  }
0x3b: {  	[tilespmem:s12], [sflag:$0x3] =	stream.indirect_vreg.gather [hbm4b:s5+s2], $0x80, v4, vm1, $0xb8;
	[tilespmem:$0x18900] =	vst v63  }
0x3c: {  	_ = 	snop  }
0x3d: {  	[tilespmem:s13], [sflag:$0x3] =	stream.indirect_vreg.gather [hbm4b:s3+s2], $0x80, v3, vm0, $0xb8;
	[tilespmem:$0x18900] =	vst v63  }
0x3e: {  	_ = 	snop  }
0x3f: {  	[tilespmem:s14], [sflag:$0x3] =	stream.indirect_vreg.gather [hbm4b:s5+s2], $0x80, v3, vm1, $0xb8;
	[tilespmem:$0x18900] =	vst v63  }
0x40: {  	v3 =	vld [tilespmem:$0x820];
	_ =	sdelay $0x4  }
0x41: {  	v8 =	vshrl.u32 v3, $0x3  }
0x42: {  	v4 =	vmul.u32 $0x18, v8  }
0x43: {  	v3 =	vand.u32 $0x7, v3  }
0x44: {  	v3 =	vor.u32 v3, v4  }
0x45: {  	v4 =	vperm.xlane v3, v0;
	_ =	sdelay $0x1  }
0x46: {  	v4 =	vadd.s32 v1, v4;
	_ =	sdelay $0x1  }
0x47: {  	v3 =	vperm.xlane v3, v2;
	_ =	sdelay $0x1  }
0x48: {  	v3 =	vadd.s32 v1, v3  }
0x49: {  	[tilespmem:s15], [sflag:$0x3] =	stream.indirect_vreg.gather [hbm4b:s3+s2], $0x80, v4, vm0, $0xb8;
	[tilespmem:$0x18900] =	vst v63  }
0x4a: {  	_ = 	snop  }
0x4b: {  	[tilespmem:s16], [sflag:$0x3] =	stream.indirect_vreg.gather [hbm4b:s5+s2], $0x80, v4, vm1, $0xb8;
	[tilespmem:$0x18900] =	vst v63  }
0x4c: {  	s31 =	simm.s32 $0x4500  }
0x4d: {  	[tilespmem:s31], [sflag:$0x3] =	stream.indirect_vreg.gather [hbm4b:s3+s2], $0x80, v3, vm0, $0xb8;
	[tilespmem:$0x18900] =	vst v63  }
0x4e: {  	_ = 	snop  }
0x4f: {  	[tilespmem:s20], [sflag:$0x3] =	stream.indirect_vreg.gather [hbm4b:s5+s2], $0x80, v3, vm1, $0xb8;
	[tilespmem:$0x18900] =	vst v63  }
0x50: {  	v3 =	vld [tilespmem:$0x830];
	_ =	sdelay $0x4  }
0x51: {  	v9 =	vshrl.u32 v3, $0x3  }
0x52: {  	v4 =	vmul.u32 $0x18, v9  }
0x53: {  	v3 =	vand.u32 $0x7, v3  }
0x54: {  	v3 =	vor.u32 v3, v4  }
0x55: {  	v4 =	vperm.xlane v3, v0;
	_ =	sdelay $0x1  }
0x56: {  	v4 =	vadd.s32 v1, v4;
	_ =	sdelay $0x1  }
0x57: {  	v3 =	vperm.xlane v3, v2;
	_ =	sdelay $0x1  }
0x58: {  	v3 =	vadd.s32 v1, v3  }
0x59: {  	[tilespmem:s21], [sflag:$0x3] =	stream.indirect_vreg.gather [hbm4b:s3+s2], $0x80, v4, vm0, $0xb8;
	[tilespmem:$0x18900] =	vst v63  }
0x5a: {  	_ = 	snop  }
0x5b: {  	[tilespmem:s22], [sflag:$0x3] =	stream.indirect_vreg.gather [hbm4b:s5+s2], $0x80, v4, vm1, $0xb8;
	[tilespmem:$0x18900] =	vst v63  }
0x5c: {  	_ = 	snop  }
0x5d: {  	[tilespmem:s23], [sflag:$0x3] =	stream.indirect_vreg.gather [hbm4b:s3+s2], $0x80, v3, vm0, $0xb8;
	[tilespmem:$0x18900] =	vst v63  }
0x5e: {  	_ = 	snop  }
0x5f: {  	[tilespmem:s24], [sflag:$0x3] =	stream.indirect_vreg.gather [hbm4b:s5+s2], $0x80, v3, vm1, $0xb8;
	[tilespmem:$0x18900] =	vst v63  }
0x60: {  	v3 =	vld [tilespmem:$0x840];
	_ =	sdelay $0x4  }
0x61: {  	v10 =	vshrl.u32 v3, $0x3  }
0x62: {  	v4 =	vmul.u32 $0x18, v10  }
0x63: {  	v3 =	vand.u32 $0x7, v3  }
0x64: {  	v3 =	vor.u32 v3, v4  }
0x65: {  	v4 =	vperm.xlane v3, v0;
	_ =	sdelay $0x1  }
0x66: {  	v4 =	vadd.s32 v1, v4;
	_ =	sdelay $0x1  }
0x67: {  	v3 =	vperm.xlane v3, v2;
	_ =	sdelay $0x1  }
0x68: {  	v3 =	vadd.s32 v1, v3  }
0x69: {  	[tilespmem:s25], [sflag:$0x3] =	stream.indirect_vreg.gather [hbm4b:s3+s2], $0x80, v4, vm0, $0xb8;
	[tilespmem:$0x18900] =	vst v63  }
0x6a: {  	_ = 	snop  }
0x6b: {  	[tilespmem:s26], [sflag:$0x3] =	stream.indirect_vreg.gather [hbm4b:s5+s2], $0x80, v4, vm1, $0xb8;
	[tilespmem:$0x18900] =	vst v63  }
0x6c: {  	_ = 	snop  }
0x6d: {  	[tilespmem:s28], [sflag:$0x3] =	stream.indirect_vreg.gather [hbm4b:s3+s2], $0x80, v3, vm0, $0xb8;
	[tilespmem:$0x18900] =	vst v63  }
0x6e: {  	_ = 	snop  }
0x6f: {  	[tilespmem:s9], [sflag:$0x3] =	stream.indirect_vreg.gather [hbm4b:s5+s2], $0x80, v3, vm1, $0xb8;
	[tilespmem:$0x18900] =	vst v63  }
0x70: {  	v3 =	vld [tilespmem:$0x850];
	_ =	sdelay $0x4  }
0x71: {  	v11 =	vshrl.u32 v3, $0x3  }
0x72: {  	v4 =	vmul.u32 $0x18, v11  }
0x73: {  	v3 =	vand.u32 $0x7, v3  }
0x74: {  	v3 =	vor.u32 v3, v4  }
0x75: {  	v4 =	vperm.xlane v3, v0;
	_ =	sdelay $0x1  }
0x76: {  	v4 =	vadd.s32 v1, v4;
	_ =	sdelay $0x1  }
0x77: {  	v3 =	vperm.xlane v3, v2;
	_ =	sdelay $0x1  }
0x78: {  	v3 =	vadd.s32 v1, v3  }
0x79: {  	[tilespmem:s7], [sflag:$0x3] =	stream.indirect_vreg.gather [hbm4b:s3+s2], $0x80, v4, vm0, $0xb8;
	[tilespmem:$0x18900] =	vst v63  }
0x7a: {  	s31 =	simm.s32 $0x8900  }
0x7b: {  	[tilespmem:s31], [sflag:$0x3] =	stream.indirect_vreg.gather [hbm4b:s5+s2], $0x80, v4, vm1, $0xb8;
	[tilespmem:$0x18900] =	vst v63  }
0x7c: {  	s31 =	simm.s32 $0x8D00  }
0x7d: {  	[tilespmem:s31], [sflag:$0x3] =	stream.indirect_vreg.gather [hbm4b:s3+s2], $0x80, v3, vm0, $0xb8;
	[tilespmem:$0x18900] =	vst v63  }
0x7e: {  	s31 =	simm.s32 $0x9500  }
0x7f: {  	[tilespmem:s31], [sflag:$0x3] =	stream.indirect_vreg.gather [hbm4b:s5+s2], $0x80, v3, vm1, $0xb8;
	[tilespmem:$0x18900] =	vst v63  }
0x80: {  	v3 =	vld [tilespmem:$0x860];
	_ =	sdelay $0x4  }
0x81: {  	v12 =	vshrl.u32 v3, $0x3  }
0x82: {  	v4 =	vmul.u32 $0x18, v12  }
0x83: {  	v3 =	vand.u32 $0x7, v3  }
0x84: {  	v3 =	vor.u32 v3, v4  }
0x85: {  	v4 =	vperm.xlane v3, v0;
	_ =	sdelay $0x1  }
0x86: {  	v4 =	vadd.s32 v1, v4;
	_ =	sdelay $0x1  }
0x87: {  	v3 =	vperm.xlane v3, v2;
	_ =	sdelay $0x1  }
0x88: {  	s31 =	simm.s32 $0x9900;
	v3 =	vadd.s32 v1, v3  }
0x89: {  	[tilespmem:s31], [sflag:$0x3] =	stream.indirect_vreg.gather [hbm4b:s3+s2], $0x80, v4, vm0, $0xb8;
	[tilespmem:$0x18900] =	vst v63  }
0x8a: {  	s31 =	simm.s32 $0xA100  }
0x8b: {  	[tilespmem:s31], [sflag:$0x3] =	stream.indirect_vreg.gather [hbm4b:s5+s2], $0x80, v4, vm1, $0xb8;
	[tilespmem:$0x18900] =	vst v63  }
0x8c: {  	s31 =	simm.s32 $0xA500  }
0x8d: {  	[tilespmem:s31], [sflag:$0x3] =	stream.indirect_vreg.gather [hbm4b:s3+s2], $0x80, v3, vm0, $0xb8;
	[tilespmem:$0x18900] =	vst v63  }
0x8e: {  	s31 =	simm.s32 $0xAD00  }
0x8f: {  	[tilespmem:s31], [sflag:$0x3] =	stream.indirect_vreg.gather [hbm4b:s5+s2], $0x80, v3, vm1, $0xb8;
	[tilespmem:$0x18900] =	vst v63  }
0x90: {  	v3 =	vld [tilespmem:$0x870];
	_ =	sdelay $0x4  }
0x91: {  	v13 =	vshrl.u32 v3, $0x3  }
0x92: {  	v4 =	vmul.u32 $0x18, v13  }
0x93: {  	v3 =	vand.u32 $0x7, v3  }
0x94: {  	v3 =	vor.u32 v3, v4  }
0x95: {  	v4 =	vperm.xlane v3, v0;
	_ =	sdelay $0x1  }
0x96: {  	v4 =	vadd.s32 v1, v4;
	_ =	sdelay $0x1  }
0x97: {  	v3 =	vperm.xlane v3, v2;
	_ =	sdelay $0x1  }
0x98: {  	s31 =	simm.s32 $0xB100;
	v3 =	vadd.s32 v1, v3  }
0x99: {  	[tilespmem:s31], [sflag:$0x3] =	stream.indirect_vreg.gather [hbm4b:s3+s2], $0x80, v4, vm0, $0xb8;
	[tilespmem:$0x18900] =	vst v63  }
0x9a: {  	s31 =	simm.s32 $0xB900  }
0x9b: {  	[tilespmem:s31], [sflag:$0x3] =	stream.indirect_vreg.gather [hbm4b:s5+s2], $0x80, v4, vm1, $0xb8;
	[tilespmem:$0x18900] =	vst v63  }
0x9c: {  	s31 =	simm.s32 $0xBD00  }
0x9d: {  	[tilespmem:s31], [sflag:$0x3] =	stream.indirect_vreg.gather [hbm4b:s3+s2], $0x80, v3, vm0, $0xb8;
	[tilespmem:$0x18900] =	vst v63  }
0x9e: {  	s31 =	simm.s32 $0xC500  }
0x9f: {  	[tilespmem:s31], [sflag:$0x3] =	stream.indirect_vreg.gather [hbm4b:s5+s2], $0x80, v3, vm1, $0xb8;
	[tilespmem:$0x18900] =	vst v63  }
0xa0: {  	_ =	swait.ge [sflag:s17], $0xC000  }
0xa1: {  	[sflag:s17] =	ssyncset.done $0x0  }
0xa2: {  	s0 =	rddreg [dreg:$0x9];
	[sflag:s17] =	ssyncadd.s32 $0xFFFF4000  }
0xa3: {  	[hbm4b:s0+s2] =	stream.linear.scatter [tilespmem:s19], [sflag:$0x4], $0xC000, $0x38;
	[tilespmem:$0x18900] =	vst v63  }
0xa4: {  	s0 =	simm.s32 $0x2  }
0xa5: {  	_ =	swait.ge [sflag:s0], $0x400  }
0xa6: {  	[sflag:s0] =	ssyncset.done $0x0  }
0xa7: {  	s31 =	rddreg [dreg:$0x4];
	[sflag:s0] =	ssyncadd.s32 $0xFFFFFC00  }
0xa8: {  	[tilespmem:s2], [sflag:$0x1] =	stream.linear.gather [hbm4b:s31+s2], $0x400, $0x38;
	[tilespmem:$0x18900] =	vst v63  }
0xa9: {  	v3 =	vld [tilespmem:$0x400];
	_ =	sdelay $0x3  }
0xaa: {  	v14 =	vld [tilespmem:$0x480]  }
0xab: {  	v15 =	vld [tilespmem:$0x500];
	v16 =	vshrl.u32 v3, $0x3  }
0xac: {  	v17 =	vld [tilespmem:$0x580];
	v6 =	vmul.u32 $0x18, v16  }
0xad: {  	v18 =	vld [tilespmem:$0x600];
	v19 =	vand.u32 $0x7, v3  }
0xae: {  	[tilespmem:$0x880] =	vst v3;
	v3 =	vld [tilespmem:$0x680];
	v6 =	vor.u32 v19, v6  }
0xaf: {  	v20 =	vld [tilespmem:$0x700];
	[tilespmem:$0x890] =	vst v14;
	v9 =	vperm.xlane v6, v0  }
0xb0: {  	v21 =	vld [tilespmem:$0x780];
	[tilespmem:$0x8A0] =	vst v15  }
0xb1: {  	[tilespmem:$0x8B0] =	vst v17;
	v22 =	vadd.s32 v1, v9  }
0xb2: {  	[tilespmem:$0x8C0] =	vst v18  }
0xb3: {  	[tilespmem:$0x8D0] =	vst v3;
	v3 =	vperm.xlane v6, v2  }
0xb4: {  	[tilespmem:$0x8E0] =	vst v20  }
0xb5: {  	[tilespmem:$0x8F0] =	vst v21;
	v3 =	vadd.s32 v1, v3  }
0xb6: {  	[tilespmem:s1], [sflag:$0x3] =	stream.indirect_vreg.gather [hbm4b:s3+s2], $0x80, v22, vm0, $0xb8;
	[tilespmem:$0x18900] =	vst v63  }
0xb7: {  	s31 =	simm.s32 $0xD100  }
0xb8: {  	[tilespmem:s31], [sflag:$0x3] =	stream.indirect_vreg.gather [hbm4b:s5+s2], $0x80, v22, vm1, $0xb8;
	[tilespmem:$0x18900] =	vst v63  }
0xb9: {  	s31 =	simm.s32 $0xD500  }
0xba: {  	[tilespmem:s31], [sflag:$0x3] =	stream.indirect_vreg.gather [hbm4b:s3+s2], $0x80, v3, vm0, $0xb8;
	[tilespmem:$0x18900] =	vst v63  }
0xbb: {  	s31 =	simm.s32 $0xDD00  }
0xbc: {  	[tilespmem:s31], [sflag:$0x3] =	stream.indirect_vreg.gather [hbm4b:s5+s2], $0x80, v3, vm1, $0xb8;
	[tilespmem:$0x18900] =	vst v63  }
0xbd: {  	v3 =	vld [tilespmem:$0x890];
	_ =	sdelay $0x4  }
0xbe: {  	v23 =	vshrl.u32 v3, $0x3  }
0xbf: {  	v4 =	vmul.u32 $0x18, v23  }
0xc0: {  	v3 =	vand.u32 $0x7, v3  }
0xc1: {  	v3 =	vor.u32 v3, v4  }
0xc2: {  	v4 =	vperm.xlane v3, v0;
	_ =	sdelay $0x1  }
0xc3: {  	v4 =	vadd.s32 v1, v4;
	_ =	sdelay $0x1  }
0xc4: {  	v3 =	vperm.xlane v3, v2;
	_ =	sdelay $0x1  }
0xc5: {  	s31 =	simm.s32 $0xE100;
	v3 =	vadd.s32 v1, v3  }
0xc6: {  	[tilespmem:s31], [sflag:$0x3] =	stream.indirect_vreg.gather [hbm4b:s3+s2], $0x80, v4, vm0, $0xb8;
	[tilespmem:$0x18900] =	vst v63  }
0xc7: {  	s31 =	simm.s32 $0xE900  }
0xc8: {  	[tilespmem:s31], [sflag:$0x3] =	stream.indirect_vreg.gather [hbm4b:s5+s2], $0x80, v4, vm1, $0xb8;
	[tilespmem:$0x18900] =	vst v63  }
0xc9: {  	s31 =	simm.s32 $0xED00  }
0xca: {  	[tilespmem:s31], [sflag:$0x3] =	stream.indirect_vreg.gather [hbm4b:s3+s2], $0x80, v3, vm0, $0xb8;
	[tilespmem:$0x18900] =	vst v63  }
0xcb: {  	s31 =	simm.s32 $0xF500  }
0xcc: {  	[tilespmem:s31], [sflag:$0x3] =	stream.indirect_vreg.gather [hbm4b:s5+s2], $0x80, v3, vm1, $0xb8;
	[tilespmem:$0x18900] =	vst v63  }
0xcd: {  	v3 =	vld [tilespmem:$0x8A0];
	_ =	sdelay $0x4  }
0xce: {  	v24 =	vshrl.u32 v3, $0x3  }
0xcf: {  	v4 =	vmul.u32 $0x18, v24  }
0xd0: {  	v3 =	vand.u32 $0x7, v3  }
0xd1: {  	v3 =	vor.u32 v3, v4  }
0xd2: {  	v4 =	vperm.xlane v3, v0;
	_ =	sdelay $0x1  }
0xd3: {  	v4 =	vadd.s32 v1, v4;
	_ =	sdelay $0x1  }
0xd4: {  	v3 =	vperm.xlane v3, v2;
	_ =	sdelay $0x1  }
0xd5: {  	s31 =	simm.s32 $0xF900;
	v3 =	vadd.s32 v1, v3  }
0xd6: {  	[tilespmem:s31], [sflag:$0x3] =	stream.indirect_vreg.gather [hbm4b:s3+s2], $0x80, v4, vm0, $0xb8;
	[tilespmem:$0x18900] =	vst v63  }
0xd7: {  	s31 =	simm.s32 $0x10100  }
0xd8: {  	[tilespmem:s31], [sflag:$0x3] =	stream.indirect_vreg.gather [hbm4b:s5+s2], $0x80, v4, vm1, $0xb8;
	[tilespmem:$0x18900] =	vst v63  }
0xd9: {  	s31 =	simm.s32 $0x10500  }
0xda: {  	[tilespmem:s31], [sflag:$0x3] =	stream.indirect_vreg.gather [hbm4b:s3+s2], $0x80, v3, vm0, $0xb8;
	[tilespmem:$0x18900] =	vst v63  }
0xdb: {  	s31 =	simm.s32 $0x10D00  }
0xdc: {  	[tilespmem:s31], [sflag:$0x3] =	stream.indirect_vreg.gather [hbm4b:s5+s2], $0x80, v3, vm1, $0xb8;
	[tilespmem:$0x18900] =	vst v63  }
0xdd: {  	v3 =	vld [tilespmem:$0x8B0];
	_ =	sdelay $0x4  }
0xde: {  	v25 =	vshrl.u32 v3, $0x3  }
0xdf: {  	v4 =	vmul.u32 $0x18, v25  }
0xe0: {  	v3 =	vand.u32 $0x7, v3  }
0xe1: {  	v3 =	vor.u32 v3, v4  }
0xe2: {  	v4 =	vperm.xlane v3, v0;
	_ =	sdelay $0x1  }
0xe3: {  	v4 =	vadd.s32 v1, v4;
	_ =	sdelay $0x1  }
0xe4: {  	v3 =	vperm.xlane v3, v2;
	_ =	sdelay $0x1  }
0xe5: {  	s31 =	simm.s32 $0x11100;
	v3 =	vadd.s32 v1, v3  }
0xe6: {  	[tilespmem:s31], [sflag:$0x3] =	stream.indirect_vreg.gather [hbm4b:s3+s2], $0x80, v4, vm0, $0xb8;
	[tilespmem:$0x18900] =	vst v63  }
0xe7: {  	s31 =	simm.s32 $0x11900  }
0xe8: {  	[tilespmem:s31], [sflag:$0x3] =	stream.indirect_vreg.gather [hbm4b:s5+s2], $0x80, v4, vm1, $0xb8;
	[tilespmem:$0x18900] =	vst v63  }
0xe9: {  	s31 =	simm.s32 $0x11D00  }
0xea: {  	[tilespmem:s31], [sflag:$0x3] =	stream.indirect_vreg.gather [hbm4b:s3+s2], $0x80, v3, vm0, $0xb8;
	[tilespmem:$0x18900] =	vst v63  }
0xeb: {  	s31 =	simm.s32 $0x12500  }
0xec: {  	[tilespmem:s31], [sflag:$0x3] =	stream.indirect_vreg.gather [hbm4b:s5+s2], $0x80, v3, vm1, $0xb8;
	[tilespmem:$0x18900] =	vst v63  }
0xed: {  	v3 =	vld [tilespmem:$0x8C0];
	_ =	sdelay $0x4  }
0xee: {  	v26 =	vshrl.u32 v3, $0x3  }
0xef: {  	v4 =	vmul.u32 $0x18, v26  }
0xf0: {  	v3 =	vand.u32 $0x7, v3  }
0xf1: {  	v3 =	vor.u32 v3, v4  }
0xf2: {  	v4 =	vperm.xlane v3, v0;
	_ =	sdelay $0x1  }
0xf3: {  	v4 =	vadd.s32 v1, v4;
	_ =	sdelay $0x1  }
0xf4: {  	v3 =	vperm.xlane v3, v2;
	_ =	sdelay $0x1  }
0xf5: {  	s31 =	simm.s32 $0x12900;
	v3 =	vadd.s32 v1, v3  }
0xf6: {  	[tilespmem:s31], [sflag:$0x3] =	stream.indirect_vreg.gather [hbm4b:s3+s2], $0x80, v4, vm0, $0xb8;
	[tilespmem:$0x18900] =	vst v63  }
0xf7: {  	s31 =	simm.s32 $0x13100  }
0xf8: {  	[tilespmem:s31], [sflag:$0x3] =	stream.indirect_vreg.gather [hbm4b:s5+s2], $0x80, v4, vm1, $0xb8;
	[tilespmem:$0x18900] =	vst v63  }
0xf9: {  	s31 =	simm.s32 $0x13500  }
0xfa: {  	[tilespmem:s31], [sflag:$0x3] =	stream.indirect_vreg.gather [hbm4b:s3+s2], $0x80, v3, vm0, $0xb8;
	[tilespmem:$0x18900] =	vst v63  }
0xfb: {  	s31 =	simm.s32 $0x13D00  }
0xfc: {  	[tilespmem:s31], [sflag:$0x3] =	stream.indirect_vreg.gather [hbm4b:s5+s2], $0x80, v3, vm1, $0xb8;
	[tilespmem:$0x18900] =	vst v63  }
0xfd: {  	v3 =	vld [tilespmem:$0x8D0];
	_ =	sdelay $0x4  }
0xfe: {  	v27 =	vshrl.u32 v3, $0x3  }
0xff: {  	v4 =	vmul.u32 $0x18, v27  }
0x100: {  	v3 =	vand.u32 $0x7, v3  }
0x101: {  	v3 =	vor.u32 v3, v4  }
0x102: {  	v4 =	vperm.xlane v3, v0;
	_ =	sdelay $0x1  }
0x103: {  	v4 =	vadd.s32 v1, v4;
	_ =	sdelay $0x1  }
0x104: {  	v3 =	vperm.xlane v3, v2;
	_ =	sdelay $0x1  }
0x105: {  	s31 =	simm.s32 $0x14100;
	v3 =	vadd.s32 v1, v3  }
0x106: {  	[tilespmem:s31], [sflag:$0x3] =	stream.indirect_vreg.gather [hbm4b:s3+s2], $0x80, v4, vm0, $0xb8;
	[tilespmem:$0x18900] =	vst v63  }
0x107: {  	s31 =	simm.s32 $0x14900  }
0x108: {  	[tilespmem:s31], [sflag:$0x3] =	stream.indirect_vreg.gather [hbm4b:s5+s2], $0x80, v4, vm1, $0xb8;
	[tilespmem:$0x18900] =	vst v63  }
0x109: {  	s31 =	simm.s32 $0x14D00  }
0x10a: {  	[tilespmem:s31], [sflag:$0x3] =	stream.indirect_vreg.gather [hbm4b:s3+s2], $0x80, v3, vm0, $0xb8;
	[tilespmem:$0x18900] =	vst v63  }
0x10b: {  	s31 =	simm.s32 $0x15500  }
0x10c: {  	[tilespmem:s31], [sflag:$0x3] =	stream.indirect_vreg.gather [hbm4b:s5+s2], $0x80, v3, vm1, $0xb8;
	[tilespmem:$0x18900] =	vst v63  }
0x10d: {  	v3 =	vld [tilespmem:$0x8E0];
	_ =	sdelay $0x4  }
0x10e: {  	v28 =	vshrl.u32 v3, $0x3  }
0x10f: {  	v4 =	vmul.u32 $0x18, v28  }
0x110: {  	v3 =	vand.u32 $0x7, v3  }
0x111: {  	v3 =	vor.u32 v3, v4  }
0x112: {  	v4 =	vperm.xlane v3, v0;
	_ =	sdelay $0x1  }
0x113: {  	v4 =	vadd.s32 v1, v4;
	_ =	sdelay $0x1  }
0x114: {  	v3 =	vperm.xlane v3, v2;
	_ =	sdelay $0x1  }
0x115: {  	s31 =	simm.s32 $0x15900;
	v3 =	vadd.s32 v1, v3  }
0x116: {  	[tilespmem:s31], [sflag:$0x3] =	stream.indirect_vreg.gather [hbm4b:s3+s2], $0x80, v4, vm0, $0xb8;
	[tilespmem:$0x18900] =	vst v63  }
0x117: {  	s31 =	simm.s32 $0x16100  }
0x118: {  	[tilespmem:s31], [sflag:$0x3] =	stream.indirect_vreg.gather [hbm4b:s5+s2], $0x80, v4, vm1, $0xb8;
	[tilespmem:$0x18900] =	vst v63  }
0x119: {  	s31 =	simm.s32 $0x16500  }
0x11a: {  	[tilespmem:s31], [sflag:$0x3] =	stream.indirect_vreg.gather [hbm4b:s3+s2], $0x80, v3, vm0, $0xb8;
	[tilespmem:$0x18900] =	vst v63  }
0x11b: {  	s31 =	simm.s32 $0x16D00  }
0x11c: {  	[tilespmem:s31], [sflag:$0x3] =	stream.indirect_vreg.gather [hbm4b:s5+s2], $0x80, v3, vm1, $0xb8;
	[tilespmem:$0x18900] =	vst v63  }
0x11d: {  	v3 =	vld [tilespmem:$0x8F0];
	_ =	sdelay $0x4  }
0x11e: {  	v29 =	vshrl.u32 v3, $0x3  }
0x11f: {  	v4 =	vmul.u32 $0x18, v29  }
0x120: {  	v3 =	vand.u32 $0x7, v3  }
0x121: {  	v3 =	vor.u32 v3, v4  }
0x122: {  	v4 =	vperm.xlane v3, v0;
	_ =	sdelay $0x1  }
0x123: {  	v4 =	vadd.s32 v1, v4;
	_ =	sdelay $0x1  }
0x124: {  	v3 =	vperm.xlane v3, v2;
	_ =	sdelay $0x1  }
0x125: {  	s31 =	simm.s32 $0x17100;
	v3 =	vadd.s32 v1, v3  }
0x126: {  	[tilespmem:s31], [sflag:$0x3] =	stream.indirect_vreg.gather [hbm4b:s3+s2], $0x80, v4, vm0, $0xb8;
	[tilespmem:$0x18900] =	vst v63  }
0x127: {  	s31 =	simm.s32 $0x17900  }
0x128: {  	[tilespmem:s31], [sflag:$0x3] =	stream.indirect_vreg.gather [hbm4b:s5+s2], $0x80, v4, vm1, $0xb8;
	[tilespmem:$0x18900] =	vst v63  }
0x129: {  	s31 =	simm.s32 $0x17D00  }
0x12a: {  	[tilespmem:s31], [sflag:$0x3] =	stream.indirect_vreg.gather [hbm4b:s3+s2], $0x80, v3, vm0, $0xb8;
	[tilespmem:$0x18900] =	vst v63  }
0x12b: {  	s31 =	simm.s32 $0x18500  }
0x12c: {  	[tilespmem:s31], [sflag:$0x3] =	stream.indirect_vreg.gather [hbm4b:s5+s2], $0x80, v3, vm1, $0xb8;
	[tilespmem:$0x18900] =	vst v63  }
0x12d: {  	_ =	swait.ge [sflag:s17], $0xC000  }
0x12e: {  	[sflag:s17] =	ssyncset.done $0x0  }
0x12f: {  	s31 =	rddreg [dreg:$0x5];
	[sflag:s17] =	ssyncadd.s32 $0xFFFF4000  }
0x130: {  	[hbm4b:s31+s2] =	stream.linear.scatter [tilespmem:s1], [sflag:$0x5], $0xC000, $0x38;
	[tilespmem:$0x18900] =	vst v63  }
0x131: {  	_ =	swait.ge [sflag:s18], $0x400  }
0x132: {  	[sflag:s18] =	ssyncset.done $0x0  }
0x133: {  	s31 =	rddreg [dreg:$0x6];
	[sflag:s18] =	ssyncadd.s32 $0xFFFFFC00  }
0x134: {  	[tilespmem:s4], [sflag:$0x2] =	stream.linear.gather [hbm4b:s31+s2], $0x400, $0x38;
	[tilespmem:$0x18900] =	vst v63  }
0x135: {  	v3 =	vld [tilespmem:$0x0]  }
0x136: {  	v30 =	vld [tilespmem:$0x80]  }
0x137: {  	v31 =	vld [tilespmem:$0x100]  }
0x138: {  	v32 =	vld [tilespmem:$0x180]  }
0x139: {  	v33 =	vld [tilespmem:$0x200]  }
0x13a: {  	v34 =	vld [tilespmem:$0x280];
	[tilespmem:$0x800] =	vst v3;
	v35 =	vshrl.u32 v3, $0x3  }
0x13b: {  	v36 =	vld [tilespmem:$0x300];
	[tilespmem:$0x810] =	vst v30;
	v9 =	vmul.u32 $0x18, v35  }
0x13c: {  	v37 =	vld [tilespmem:$0x380];
	[tilespmem:$0x820] =	vst v31;
	v3 =	vand.u32 $0x7, v3  }
0x13d: {  	[tilespmem:$0x830] =	vst v32;
	v3 =	vor.u32 v3, v9  }
0x13e: {  	[tilespmem:$0x840] =	vst v33;
	v38 =	vperm.xlane v3, v0  }
0x13f: {  	[tilespmem:$0x850] =	vst v34  }
0x140: {  	[tilespmem:$0x860] =	vst v36;
	v39 =	vadd.s32 v1, v38  }
0x141: {  	[tilespmem:$0x870] =	vst v37  }
0x142: {  	_ =	swait.ge [sflag:s29], $0xC000;
	v3 =	vperm.xlane v3, v2  }
0x143: {  	[sflag:s29] =	ssyncset.done $0x0  }
0x144: {  	[sflag:s29] =	ssyncadd.s32 $0xFFFF4000;
	v3 =	vadd.s32 v1, v3  }
0x145: {  	[tilespmem:s19], [sflag:$0x3] =	stream.indirect_vreg.gather [hbm4b:s3+s2], $0x80, v39, vm0, $0xb8;
	[tilespmem:$0x18900] =	vst v63  }
0x146: {  	s31 =	simm.s32 $0x1100  }
0x147: {  	[tilespmem:s31], [sflag:$0x3] =	stream.indirect_vreg.gather [hbm4b:s5+s2], $0x80, v39, vm1, $0xb8;
	[tilespmem:$0x18900] =	vst v63  }
0x148: {  	_ = 	snop  }
0x149: {  	[tilespmem:s8], [sflag:$0x3] =	stream.indirect_vreg.gather [hbm4b:s3+s2], $0x80, v3, vm0, $0xb8;
	[tilespmem:$0x18900] =	vst v63  }
0x14a: {  	_ = 	snop  }
0x14b: {  	[tilespmem:s10], [sflag:$0x3] =	stream.indirect_vreg.gather [hbm4b:s5+s2], $0x80, v3, vm1, $0xb8;
	[tilespmem:$0x18900] =	vst v63  }
0x14c: {  	v3 =	vld [tilespmem:$0x810];
	_ =	sdelay $0x4  }
0x14d: {  	v40 =	vshrl.u32 v3, $0x3  }
0x14e: {  	v4 =	vmul.u32 $0x18, v40  }
0x14f: {  	v3 =	vand.u32 $0x7, v3  }
0x150: {  	v3 =	vor.u32 v3, v4  }
0x151: {  	v4 =	vperm.xlane v3, v0;
	_ =	sdelay $0x1  }
0x152: {  	v4 =	vadd.s32 v1, v4;
	_ =	sdelay $0x1  }
0x153: {  	v3 =	vperm.xlane v3, v2;
	_ =	sdelay $0x1  }
0x154: {  	v3 =	vadd.s32 v1, v3  }
0x155: {  	[tilespmem:s11], [sflag:$0x3] =	stream.indirect_vreg.gather [hbm4b:s3+s2], $0x80, v4, vm0, $0xb8;
	[tilespmem:$0x18900] =	vst v63  }
0x156: {  	_ = 	snop  }
0x157: {  	[tilespmem:s12], [sflag:$0x3] =	stream.indirect_vreg.gather [hbm4b:s5+s2], $0x80, v4, vm1, $0xb8;
	[tilespmem:$0x18900] =	vst v63  }
0x158: {  	_ = 	snop  }
0x159: {  	[tilespmem:s13], [sflag:$0x3] =	stream.indirect_vreg.gather [hbm4b:s3+s2], $0x80, v3, vm0, $0xb8;
	[tilespmem:$0x18900] =	vst v63  }
0x15a: {  	_ = 	snop  }
0x15b: {  	[tilespmem:s14], [sflag:$0x3] =	stream.indirect_vreg.gather [hbm4b:s5+s2], $0x80, v3, vm1, $0xb8;
	[tilespmem:$0x18900] =	vst v63  }
0x15c: {  	v3 =	vld [tilespmem:$0x820];
	_ =	sdelay $0x4  }
0x15d: {  	v41 =	vshrl.u32 v3, $0x3  }
0x15e: {  	v4 =	vmul.u32 $0x18, v41  }
0x15f: {  	v3 =	vand.u32 $0x7, v3  }
0x160: {  	v3 =	vor.u32 v3, v4  }
0x161: {  	v4 =	vperm.xlane v3, v0;
	_ =	sdelay $0x1  }
0x162: {  	v4 =	vadd.s32 v1, v4;
	_ =	sdelay $0x1  }
0x163: {  	v3 =	vperm.xlane v3, v2;
	_ =	sdelay $0x1  }
0x164: {  	v3 =	vadd.s32 v1, v3  }
0x165: {  	[tilespmem:s15], [sflag:$0x3] =	stream.indirect_vreg.gather [hbm4b:s3+s2], $0x80, v4, vm0, $0xb8;
	[tilespmem:$0x18900] =	vst v63  }
0x166: {  	_ = 	snop  }
0x167: {  	[tilespmem:s16], [sflag:$0x3] =	stream.indirect_vreg.gather [hbm4b:s5+s2], $0x80, v4, vm1, $0xb8;
	[tilespmem:$0x18900] =	vst v63  }
0x168: {  	s31 =	simm.s32 $0x4500  }
0x169: {  	[tilespmem:s31], [sflag:$0x3] =	stream.indirect_vreg.gather [hbm4b:s3+s2], $0x80, v3, vm0, $0xb8;
	[tilespmem:$0x18900] =	vst v63  }
0x16a: {  	_ = 	snop  }
0x16b: {  	[tilespmem:s20], [sflag:$0x3] =	stream.indirect_vreg.gather [hbm4b:s5+s2], $0x80, v3, vm1, $0xb8;
	[tilespmem:$0x18900] =	vst v63  }
0x16c: {  	v3 =	vld [tilespmem:$0x830];
	_ =	sdelay $0x4  }
0x16d: {  	v42 =	vshrl.u32 v3, $0x3  }
0x16e: {  	v4 =	vmul.u32 $0x18, v42  }
0x16f: {  	v3 =	vand.u32 $0x7, v3  }
0x170: {  	v3 =	vor.u32 v3, v4  }
0x171: {  	v4 =	vperm.xlane v3, v0;
	_ =	sdelay $0x1  }
0x172: {  	v4 =	vadd.s32 v1, v4;
	_ =	sdelay $0x1  }
0x173: {  	v3 =	vperm.xlane v3, v2;
	_ =	sdelay $0x1  }
0x174: {  	v3 =	vadd.s32 v1, v3  }
0x175: {  	[tilespmem:s21], [sflag:$0x3] =	stream.indirect_vreg.gather [hbm4b:s3+s2], $0x80, v4, vm0, $0xb8;
	[tilespmem:$0x18900] =	vst v63  }
0x176: {  	_ = 	snop  }
0x177: {  	[tilespmem:s22], [sflag:$0x3] =	stream.indirect_vreg.gather [hbm4b:s5+s2], $0x80, v4, vm1, $0xb8;
	[tilespmem:$0x18900] =	vst v63  }
0x178: {  	_ = 	snop  }
0x179: {  	[tilespmem:s23], [sflag:$0x3] =	stream.indirect_vreg.gather [hbm4b:s3+s2], $0x80, v3, vm0, $0xb8;
	[tilespmem:$0x18900] =	vst v63  }
0x17a: {  	_ = 	snop  }
0x17b: {  	[tilespmem:s24], [sflag:$0x3] =	stream.indirect_vreg.gather [hbm4b:s5+s2], $0x80, v3, vm1, $0xb8;
	[tilespmem:$0x18900] =	vst v63  }
0x17c: {  	v3 =	vld [tilespmem:$0x840];
	_ =	sdelay $0x4  }
0x17d: {  	v43 =	vshrl.u32 v3, $0x3  }
0x17e: {  	v4 =	vmul.u32 $0x18, v43  }
0x17f: {  	v3 =	vand.u32 $0x7, v3  }
0x180: {  	v3 =	vor.u32 v3, v4  }
0x181: {  	v4 =	vperm.xlane v3, v0;
	_ =	sdelay $0x1  }
0x182: {  	v4 =	vadd.s32 v1, v4;
	_ =	sdelay $0x1  }
0x183: {  	v3 =	vperm.xlane v3, v2;
	_ =	sdelay $0x1  }
0x184: {  	v3 =	vadd.s32 v1, v3  }
0x185: {  	[tilespmem:s25], [sflag:$0x3] =	stream.indirect_vreg.gather [hbm4b:s3+s2], $0x80, v4, vm0, $0xb8;
	[tilespmem:$0x18900] =	vst v63  }
0x186: {  	_ = 	snop  }
0x187: {  	[tilespmem:s26], [sflag:$0x3] =	stream.indirect_vreg.gather [hbm4b:s5+s2], $0x80, v4, vm1, $0xb8;
	[tilespmem:$0x18900] =	vst v63  }
0x188: {  	_ = 	snop  }
0x189: {  	[tilespmem:s28], [sflag:$0x3] =	stream.indirect_vreg.gather [hbm4b:s3+s2], $0x80, v3, vm0, $0xb8;
	[tilespmem:$0x18900] =	vst v63  }
0x18a: {  	_ = 	snop  }
0x18b: {  	[tilespmem:s9], [sflag:$0x3] =	stream.indirect_vreg.gather [hbm4b:s5+s2], $0x80, v3, vm1, $0xb8;
	[tilespmem:$0x18900] =	vst v63  }
0x18c: {  	v3 =	vld [tilespmem:$0x850];
	_ =	sdelay $0x4  }
0x18d: {  	v44 =	vshrl.u32 v3, $0x3  }
0x18e: {  	v4 =	vmul.u32 $0x18, v44  }
0x18f: {  	v3 =	vand.u32 $0x7, v3  }
0x190: {  	v3 =	vor.u32 v3, v4  }
0x191: {  	v4 =	vperm.xlane v3, v0;
	_ =	sdelay $0x1  }
0x192: {  	v4 =	vadd.s32 v1, v4;
	_ =	sdelay $0x1  }
0x193: {  	v3 =	vperm.xlane v3, v2;
	_ =	sdelay $0x1  }
0x194: {  	v3 =	vadd.s32 v1, v3  }
0x195: {  	[tilespmem:s7], [sflag:$0x3] =	stream.indirect_vreg.gather [hbm4b:s3+s2], $0x80, v4, vm0, $0xb8;
	[tilespmem:$0x18900] =	vst v63  }
0x196: {  	s31 =	simm.s32 $0x8900  }
0x197: {  	[tilespmem:s31], [sflag:$0x3] =	stream.indirect_vreg.gather [hbm4b:s5+s2], $0x80, v4, vm1, $0xb8;
	[tilespmem:$0x18900] =	vst v63  }
0x198: {  	s31 =	simm.s32 $0x8D00  }
0x199: {  	[tilespmem:s31], [sflag:$0x3] =	stream.indirect_vreg.gather [hbm4b:s3+s2], $0x80, v3, vm0, $0xb8;
	[tilespmem:$0x18900] =	vst v63  }
0x19a: {  	s31 =	simm.s32 $0x9500  }
0x19b: {  	[tilespmem:s31], [sflag:$0x3] =	stream.indirect_vreg.gather [hbm4b:s5+s2], $0x80, v3, vm1, $0xb8;
	[tilespmem:$0x18900] =	vst v63  }
0x19c: {  	v3 =	vld [tilespmem:$0x860];
	_ =	sdelay $0x4  }
0x19d: {  	v45 =	vshrl.u32 v3, $0x3  }
0x19e: {  	v4 =	vmul.u32 $0x18, v45  }
0x19f: {  	v3 =	vand.u32 $0x7, v3  }
0x1a0: {  	v3 =	vor.u32 v3, v4  }
0x1a1: {  	v4 =	vperm.xlane v3, v0;
	_ =	sdelay $0x1  }
0x1a2: {  	v4 =	vadd.s32 v1, v4;
	_ =	sdelay $0x1  }
0x1a3: {  	v3 =	vperm.xlane v3, v2;
	_ =	sdelay $0x1  }
0x1a4: {  	s31 =	simm.s32 $0x9900;
	v3 =	vadd.s32 v1, v3  }
0x1a5: {  	[tilespmem:s31], [sflag:$0x3] =	stream.indirect_vreg.gather [hbm4b:s3+s2], $0x80, v4, vm0, $0xb8;
	[tilespmem:$0x18900] =	vst v63  }
0x1a6: {  	s31 =	simm.s32 $0xA100  }
0x1a7: {  	[tilespmem:s31], [sflag:$0x3] =	stream.indirect_vreg.gather [hbm4b:s5+s2], $0x80, v4, vm1, $0xb8;
	[tilespmem:$0x18900] =	vst v63  }
0x1a8: {  	s31 =	simm.s32 $0xA500  }
0x1a9: {  	[tilespmem:s31], [sflag:$0x3] =	stream.indirect_vreg.gather [hbm4b:s3+s2], $0x80, v3, vm0, $0xb8;
	[tilespmem:$0x18900] =	vst v63  }
0x1aa: {  	s31 =	simm.s32 $0xAD00  }
0x1ab: {  	[tilespmem:s31], [sflag:$0x3] =	stream.indirect_vreg.gather [hbm4b:s5+s2], $0x80, v3, vm1, $0xb8;
	[tilespmem:$0x18900] =	vst v63  }
0x1ac: {  	v3 =	vld [tilespmem:$0x870];
	_ =	sdelay $0x4  }
0x1ad: {  	v46 =	vshrl.u32 v3, $0x3  }
0x1ae: {  	v4 =	vmul.u32 $0x18, v46  }
0x1af: {  	v3 =	vand.u32 $0x7, v3  }
0x1b0: {  	v3 =	vor.u32 v3, v4  }
0x1b1: {  	v4 =	vperm.xlane v3, v0;
	_ =	sdelay $0x1  }
0x1b2: {  	v4 =	vadd.s32 v1, v4;
	_ =	sdelay $0x1  }
0x1b3: {  	v3 =	vperm.xlane v3, v2;
	_ =	sdelay $0x1  }
0x1b4: {  	s31 =	simm.s32 $0xB100;
	v3 =	vadd.s32 v1, v3  }
0x1b5: {  	[tilespmem:s31], [sflag:$0x3] =	stream.indirect_vreg.gather [hbm4b:s3+s2], $0x80, v4, vm0, $0xb8;
	[tilespmem:$0x18900] =	vst v63  }
0x1b6: {  	s31 =	simm.s32 $0xB900  }
0x1b7: {  	[tilespmem:s31], [sflag:$0x3] =	stream.indirect_vreg.gather [hbm4b:s5+s2], $0x80, v4, vm1, $0xb8;
	[tilespmem:$0x18900] =	vst v63  }
0x1b8: {  	s31 =	simm.s32 $0xBD00  }
0x1b9: {  	[tilespmem:s31], [sflag:$0x3] =	stream.indirect_vreg.gather [hbm4b:s3+s2], $0x80, v3, vm0, $0xb8;
	[tilespmem:$0x18900] =	vst v63  }
0x1ba: {  	s31 =	simm.s32 $0xC500  }
0x1bb: {  	[tilespmem:s31], [sflag:$0x3] =	stream.indirect_vreg.gather [hbm4b:s5+s2], $0x80, v3, vm1, $0xb8;
	[tilespmem:$0x18900] =	vst v63  }
0x1bc: {  	_ =	swait.ge [sflag:s17], $0xC000  }
0x1bd: {  	[sflag:s17] =	ssyncset.done $0x0  }
0x1be: {  	s4 =	rddreg [dreg:$0x7];
	[sflag:s17] =	ssyncadd.s32 $0xFFFF4000  }
0x1bf: {  	[hbm4b:s4+s2] =	stream.linear.scatter [tilespmem:s19], [sflag:$0x4], $0xC000, $0x38;
	[tilespmem:$0x18900] =	vst v63  }
0x1c0: {  	_ =	swait.ge [sflag:s0], $0x400  }
0x1c1: {  	[sflag:s0] =	ssyncset.done $0x0  }
0x1c2: {  	[sflag:s0] =	ssyncadd.s32 $0xFFFFFC00  }
0x1c3: {  	v3 =	vld [tilespmem:$0x400]  }
0x1c4: {  	v47 =	vld [tilespmem:$0x480]  }
0x1c5: {  	v48 =	vld [tilespmem:$0x500]  }
0x1c6: {  	v49 =	vld [tilespmem:$0x580]  }
0x1c7: {  	v50 =	vld [tilespmem:$0x600]  }
0x1c8: {  	v51 =	vld [tilespmem:$0x680];
	[tilespmem:$0x880] =	vst v3;
	v52 =	vshrl.u32 v3, $0x3  }
0x1c9: {  	v53 =	vld [tilespmem:$0x700];
	[tilespmem:$0x890] =	vst v47;
	v9 =	vmul.u32 $0x18, v52  }
0x1ca: {  	v54 =	vld [tilespmem:$0x780];
	[tilespmem:$0x8A0] =	vst v48;
	v3 =	vand.u32 $0x7, v3  }
0x1cb: {  	[tilespmem:$0x8B0] =	vst v49;
	v3 =	vor.u32 v3, v9  }
0x1cc: {  	[tilespmem:$0x8C0] =	vst v50;
	v55 =	vperm.xlane v3, v0  }
0x1cd: {  	[tilespmem:$0x8D0] =	vst v51  }
0x1ce: {  	[tilespmem:$0x8E0] =	vst v53;
	v56 =	vadd.s32 v1, v55  }
0x1cf: {  	[tilespmem:$0x8F0] =	vst v54  }
0x1d0: {  	_ =	swait.ge [sflag:s30], $0xC000;
	v3 =	vperm.xlane v3, v2  }
0x1d1: {  	[sflag:s30] =	ssyncset.done $0x0  }
0x1d2: {  	[sflag:s30] =	ssyncadd.s32 $0xFFFF4000;
	v3 =	vadd.s32 v1, v3  }
0x1d3: {  	[tilespmem:s1], [sflag:$0x3] =	stream.indirect_vreg.gather [hbm4b:s3+s2], $0x80, v56, vm0, $0xb8;
	[tilespmem:$0x18900] =	vst v63  }
0x1d4: {  	s31 =	simm.s32 $0xD100  }
0x1d5: {  	[tilespmem:s31], [sflag:$0x3] =	stream.indirect_vreg.gather [hbm4b:s5+s2], $0x80, v56, vm1, $0xb8;
	[tilespmem:$0x18900] =	vst v63  }
0x1d6: {  	s4 =	simm.s32 $0xD500  }
0x1d7: {  	[tilespmem:s4], [sflag:$0x3] =	stream.indirect_vreg.gather [hbm4b:s3+s2], $0x80, v3, vm0, $0xb8;
	[tilespmem:$0x18900] =	vst v63  }
0x1d8: {  	s31 =	simm.s32 $0xDD00  }
0x1d9: {  	[tilespmem:s31], [sflag:$0x3] =	stream.indirect_vreg.gather [hbm4b:s5+s2], $0x80, v3, vm1, $0xb8;
	[tilespmem:$0x18900] =	vst v63  }
0x1da: {  	v3 =	vld [tilespmem:$0x890];
	_ =	sdelay $0x4  }
0x1db: {  	v57 =	vshrl.u32 v3, $0x3  }
0x1dc: {  	v4 =	vmul.u32 $0x18, v57  }
0x1dd: {  	v3 =	vand.u32 $0x7, v3  }
0x1de: {  	v3 =	vor.u32 v3, v4  }
0x1df: {  	v4 =	vperm.xlane v3, v0;
	_ =	sdelay $0x1  }
0x1e0: {  	v4 =	vadd.s32 v1, v4;
	_ =	sdelay $0x1  }
0x1e1: {  	v3 =	vperm.xlane v3, v2;
	_ =	sdelay $0x1  }
0x1e2: {  	s4 =	simm.s32 $0xE100;
	v3 =	vadd.s32 v1, v3  }
0x1e3: {  	[tilespmem:s4], [sflag:$0x3] =	stream.indirect_vreg.gather [hbm4b:s3+s2], $0x80, v4, vm0, $0xb8;
	[tilespmem:$0x18900] =	vst v63  }
0x1e4: {  	s31 =	simm.s32 $0xE900  }
0x1e5: {  	[tilespmem:s31], [sflag:$0x3] =	stream.indirect_vreg.gather [hbm4b:s5+s2], $0x80, v4, vm1, $0xb8;
	[tilespmem:$0x18900] =	vst v63  }
0x1e6: {  	s4 =	simm.s32 $0xED00  }
0x1e7: {  	[tilespmem:s4], [sflag:$0x3] =	stream.indirect_vreg.gather [hbm4b:s3+s2], $0x80, v3, vm0, $0xb8;
	[tilespmem:$0x18900] =	vst v63  }
0x1e8: {  	s31 =	simm.s32 $0xF500  }
0x1e9: {  	[tilespmem:s31], [sflag:$0x3] =	stream.indirect_vreg.gather [hbm4b:s5+s2], $0x80, v3, vm1, $0xb8;
	[tilespmem:$0x18900] =	vst v63  }
0x1ea: {  	v3 =	vld [tilespmem:$0x8A0];
	_ =	sdelay $0x4  }
0x1eb: {  	v58 =	vshrl.u32 v3, $0x3  }
0x1ec: {  	v4 =	vmul.u32 $0x18, v58  }
0x1ed: {  	v3 =	vand.u32 $0x7, v3  }
0x1ee: {  	v3 =	vor.u32 v3, v4  }
0x1ef: {  	v4 =	vperm.xlane v3, v0;
	_ =	sdelay $0x1  }
0x1f0: {  	v4 =	vadd.s32 v1, v4;
	_ =	sdelay $0x1  }
0x1f1: {  	v3 =	vperm.xlane v3, v2;
	_ =	sdelay $0x1  }
0x1f2: {  	s4 =	simm.s32 $0xF900;
	v3 =	vadd.s32 v1, v3  }
0x1f3: {  	[tilespmem:s4], [sflag:$0x3] =	stream.indirect_vreg.gather [hbm4b:s3+s2], $0x80, v4, vm0, $0xb8;
	[tilespmem:$0x18900] =	vst v63  }
0x1f4: {  	s31 =	simm.s32 $0x10100  }
0x1f5: {  	[tilespmem:s31], [sflag:$0x3] =	stream.indirect_vreg.gather [hbm4b:s5+s2], $0x80, v4, vm1, $0xb8;
	[tilespmem:$0x18900] =	vst v63  }
0x1f6: {  	s4 =	simm.s32 $0x10500  }
0x1f7: {  	[tilespmem:s4], [sflag:$0x3] =	stream.indirect_vreg.gather [hbm4b:s3+s2], $0x80, v3, vm0, $0xb8;
	[tilespmem:$0x18900] =	vst v63  }
0x1f8: {  	s31 =	simm.s32 $0x10D00  }
0x1f9: {  	[tilespmem:s31], [sflag:$0x3] =	stream.indirect_vreg.gather [hbm4b:s5+s2], $0x80, v3, vm1, $0xb8;
	[tilespmem:$0x18900] =	vst v63  }
0x1fa: {  	v3 =	vld [tilespmem:$0x8B0];
	_ =	sdelay $0x4  }
0x1fb: {  	v59 =	vshrl.u32 v3, $0x3  }
0x1fc: {  	v4 =	vmul.u32 $0x18, v59  }
0x1fd: {  	v3 =	vand.u32 $0x7, v3  }
0x1fe: {  	v3 =	vor.u32 v3, v4  }
0x1ff: {  	v4 =	vperm.xlane v3, v0;
	_ =	sdelay $0x1  }
0x200: {  	v4 =	vadd.s32 v1, v4;
	_ =	sdelay $0x1  }
0x201: {  	v3 =	vperm.xlane v3, v2;
	_ =	sdelay $0x1  }
0x202: {  	s4 =	simm.s32 $0x11100;
	v3 =	vadd.s32 v1, v3  }
0x203: {  	[tilespmem:s4], [sflag:$0x3] =	stream.indirect_vreg.gather [hbm4b:s3+s2], $0x80, v4, vm0, $0xb8;
	[tilespmem:$0x18900] =	vst v63  }
0x204: {  	s31 =	simm.s32 $0x11900  }
0x205: {  	[tilespmem:s31], [sflag:$0x3] =	stream.indirect_vreg.gather [hbm4b:s5+s2], $0x80, v4, vm1, $0xb8;
	[tilespmem:$0x18900] =	vst v63  }
0x206: {  	s4 =	simm.s32 $0x11D00  }
0x207: {  	[tilespmem:s4], [sflag:$0x3] =	stream.indirect_vreg.gather [hbm4b:s3+s2], $0x80, v3, vm0, $0xb8;
	[tilespmem:$0x18900] =	vst v63  }
0x208: {  	s31 =	simm.s32 $0x12500  }
0x209: {  	[tilespmem:s31], [sflag:$0x3] =	stream.indirect_vreg.gather [hbm4b:s5+s2], $0x80, v3, vm1, $0xb8;
	[tilespmem:$0x18900] =	vst v63  }
0x20a: {  	v3 =	vld [tilespmem:$0x8C0];
	_ =	sdelay $0x4  }
0x20b: {  	v60 =	vshrl.u32 v3, $0x3  }
0x20c: {  	v4 =	vmul.u32 $0x18, v60  }
0x20d: {  	v3 =	vand.u32 $0x7, v3  }
0x20e: {  	v3 =	vor.u32 v3, v4  }
0x20f: {  	v4 =	vperm.xlane v3, v0;
	_ =	sdelay $0x1  }
0x210: {  	v4 =	vadd.s32 v1, v4;
	_ =	sdelay $0x1  }
0x211: {  	v3 =	vperm.xlane v3, v2;
	_ =	sdelay $0x1  }
0x212: {  	s4 =	simm.s32 $0x12900;
	v3 =	vadd.s32 v1, v3  }
0x213: {  	[tilespmem:s4], [sflag:$0x3] =	stream.indirect_vreg.gather [hbm4b:s3+s2], $0x80, v4, vm0, $0xb8;
	[tilespmem:$0x18900] =	vst v63  }
0x214: {  	s31 =	simm.s32 $0x13100  }
0x215: {  	[tilespmem:s31], [sflag:$0x3] =	stream.indirect_vreg.gather [hbm4b:s5+s2], $0x80, v4, vm1, $0xb8;
	[tilespmem:$0x18900] =	vst v63  }
0x216: {  	s4 =	simm.s32 $0x13500  }
0x217: {  	[tilespmem:s4], [sflag:$0x3] =	stream.indirect_vreg.gather [hbm4b:s3+s2], $0x80, v3, vm0, $0xb8;
	[tilespmem:$0x18900] =	vst v63  }
0x218: {  	s31 =	simm.s32 $0x13D00  }
0x219: {  	[tilespmem:s31], [sflag:$0x3] =	stream.indirect_vreg.gather [hbm4b:s5+s2], $0x80, v3, vm1, $0xb8;
	[tilespmem:$0x18900] =	vst v63  }
0x21a: {  	v3 =	vld [tilespmem:$0x8D0];
	_ =	sdelay $0x4  }
0x21b: {  	v61 =	vshrl.u32 v3, $0x3  }
0x21c: {  	v4 =	vmul.u32 $0x18, v61  }
0x21d: {  	v3 =	vand.u32 $0x7, v3  }
0x21e: {  	v3 =	vor.u32 v3, v4  }
0x21f: {  	v4 =	vperm.xlane v3, v0;
	_ =	sdelay $0x1  }
0x220: {  	v4 =	vadd.s32 v1, v4;
	_ =	sdelay $0x1  }
0x221: {  	v3 =	vperm.xlane v3, v2;
	_ =	sdelay $0x1  }
0x222: {  	s4 =	simm.s32 $0x14100;
	v3 =	vadd.s32 v1, v3  }
0x223: {  	[tilespmem:s4], [sflag:$0x3] =	stream.indirect_vreg.gather [hbm4b:s3+s2], $0x80, v4, vm0, $0xb8;
	[tilespmem:$0x18900] =	vst v63  }
0x224: {  	s31 =	simm.s32 $0x14900  }
0x225: {  	[tilespmem:s31], [sflag:$0x3] =	stream.indirect_vreg.gather [hbm4b:s5+s2], $0x80, v4, vm1, $0xb8;
	[tilespmem:$0x18900] =	vst v63  }
0x226: {  	s4 =	simm.s32 $0x14D00  }
0x227: {  	[tilespmem:s4], [sflag:$0x3] =	stream.indirect_vreg.gather [hbm4b:s3+s2], $0x80, v3, vm0, $0xb8;
	[tilespmem:$0x18900] =	vst v63  }
0x228: {  	s31 =	simm.s32 $0x15500  }
0x229: {  	[tilespmem:s31], [sflag:$0x3] =	stream.indirect_vreg.gather [hbm4b:s5+s2], $0x80, v3, vm1, $0xb8;
	[tilespmem:$0x18900] =	vst v63  }
0x22a: {  	v3 =	vld [tilespmem:$0x8E0];
	_ =	sdelay $0x4  }
0x22b: {  	v62 =	vshrl.u32 v3, $0x3  }
0x22c: {  	v4 =	vmul.u32 $0x18, v62  }
0x22d: {  	v3 =	vand.u32 $0x7, v3  }
0x22e: {  	v3 =	vor.u32 v3, v4  }
0x22f: {  	v4 =	vperm.xlane v3, v0;
	_ =	sdelay $0x1  }
0x230: {  	v4 =	vadd.s32 v1, v4;
	_ =	sdelay $0x1  }
0x231: {  	v3 =	vperm.xlane v3, v2;
	_ =	sdelay $0x1  }
0x232: {  	s4 =	simm.s32 $0x15900;
	v3 =	vadd.s32 v1, v3  }
0x233: {  	[tilespmem:s4], [sflag:$0x3] =	stream.indirect_vreg.gather [hbm4b:s3+s2], $0x80, v4, vm0, $0xb8;
	[tilespmem:$0x18900] =	vst v63  }
0x234: {  	s31 =	simm.s32 $0x16100  }
0x235: {  	[tilespmem:s31], [sflag:$0x3] =	stream.indirect_vreg.gather [hbm4b:s5+s2], $0x80, v4, vm1, $0xb8;
	[tilespmem:$0x18900] =	vst v63  }
0x236: {  	s4 =	simm.s32 $0x16500  }
0x237: {  	[tilespmem:s4], [sflag:$0x3] =	stream.indirect_vreg.gather [hbm4b:s3+s2], $0x80, v3, vm0, $0xb8;
	[tilespmem:$0x18900] =	vst v63  }
0x238: {  	s31 =	simm.s32 $0x16D00  }
0x239: {  	[tilespmem:s31], [sflag:$0x3] =	stream.indirect_vreg.gather [hbm4b:s5+s2], $0x80, v3, vm1, $0xb8;
	[tilespmem:$0x18900] =	vst v63  }
0x23a: {  	v3 =	vld [tilespmem:$0x8F0];
	_ =	sdelay $0x4  }
0x23b: {  	v63 =	vshrl.u32 v3, $0x3  }
0x23c: {  	v4 =	vmul.u32 $0x18, v63  }
0x23d: {  	v3 =	vand.u32 $0x7, v3  }
0x23e: {  	v3 =	vor.u32 v3, v4  }
0x23f: {  	v4 =	vperm.xlane v3, v0;
	_ =	sdelay $0x1  }
0x240: {  	v4 =	vadd.s32 v1, v4;
	_ =	sdelay $0x1  }
0x241: {  	v3 =	vperm.xlane v3, v2;
	_ =	sdelay $0x1  }
0x242: {  	s4 =	simm.s32 $0x17100;
	v3 =	vadd.s32 v1, v3  }
0x243: {  	[tilespmem:s4], [sflag:$0x3] =	stream.indirect_vreg.gather [hbm4b:s3+s2], $0x80, v4, vm0, $0xb8;
	[tilespmem:$0x18900] =	vst v63  }
0x244: {  	s31 =	simm.s32 $0x17900  }
0x245: {  	[tilespmem:s31], [sflag:$0x3] =	stream.indirect_vreg.gather [hbm4b:s5+s2], $0x80, v4, vm1, $0xb8;
	[tilespmem:$0x18900] =	vst v63  }
0x246: {  	s4 =	simm.s32 $0x17D00  }
0x247: {  	[tilespmem:s4], [sflag:$0x3] =	stream.indirect_vreg.gather [hbm4b:s3+s2], $0x80, v3, vm0, $0xb8;
	[tilespmem:$0x18900] =	vst v63  }
0x248: {  	s31 =	simm.s32 $0x18500  }
0x249: {  	[tilespmem:s31], [sflag:$0x3] =	stream.indirect_vreg.gather [hbm4b:s5+s2], $0x80, v3, vm1, $0xb8;
	[tilespmem:$0x18900] =	vst v63  }
0x24a: {  	_ =	swait.ge [sflag:s17], $0xC000  }
0x24b: {  	[sflag:s17] =	ssyncset.done $0x0  }
0x24c: {  	s4 =	rddreg [dreg:$0x8];
	[sflag:s17] =	ssyncadd.s32 $0xFFFF4000  }
0x24d: {  	[hbm4b:s4+s2] =	stream.linear.scatter [tilespmem:s1], [sflag:$0x5], $0xC000, $0x38;
	[tilespmem:$0x18900] =	vst v63  }
0x24e: {  	p0 =	sne.s32 s6, $0x1;
	_ =	swait.ge [sflag:s29], $0xC000  }
.Ltmp0:
0x24f: {  	[sflag:s29] =	ssyncset.done $0x0;
	(pc) =	sbr.rel @p0 .LBB2_1-.Ltmp0, $4  }
0x250: {  	[sflag:s29] =	ssyncadd.s32 $0xFFFF4000  }
0x251: {  	_ =	swait.ge [sflag:s30], $0xC000  }
0x252: {  	[sflag:s30] =	ssyncset.done $0x0  }
0x253: {  	s6 =	sadd.s32 $0xFFFFFFFF, s6;
	[sflag:s30] =	ssyncadd.s32 $0xFFFF4000  }
0x254: {  	_ =	sfence.sel $0x180000  }
0x255: {  	[bflag:$0x0] =	sbarrier.arrive $0xFFFF  }
0x256: {  	_ =	strace $0x9000004D  }
0x257: {  	s0 =	stileid.u32;
	[bflag:$0x2] =	sbarrier.arrive $0xFFFF  }
0x258: {  	p0 =	sne.s32 s0, $0x0;
	s0 =	rddreg [dreg:$0x1]  }
0x259: {  	s0 =	sadd.s32 @!p0 $0x100000, s0  }
0x25a: {  	[sflag:s0] =	ssyncadd.tile.s32 @!p0 $0x1;
	_ =	shalt  }
.Lfunc_end2:
_tile_overlayer_lowered:
.L_overlay_start_2:
0x25b: {  	(tag) =	ssettag $0x2  }
0x25c: {  	s0 =	rddreg [dreg:$0x0];
	s2 =	stileid.u32  }
0x25d: {  	s1 =	rddreg [dreg:$0x1];
	p0 =	sne.s32 s2, $0x0  }
0x25e: {  	s3 =	rddreg [dreg:$0x2];
	[bflag:$0x3] =	sbarrier.arrive $0xFFFF;
	s2 =	simm.s32 @!p0 $0x1C06  }
0x25f: {  	[timem:s3], [sflag:s2] =	dma.local @!p0 [hbm:s0], s1  }
0x260: {  	s0 =	simm.s32 @!p0 $0x6  }
0x261: {  	_ =	swait.ge @!p0 [sflag:s0], s1  }
0x262: {  	s1 =	ssub.s32 @!p0 $0x0, s1;
	[sflag:s0] =	ssyncset.done @!p0 $0x0  }
0x263: {  	[sflag:s0] =	ssyncadd.s32 @!p0 s1  }
0x264: {  	[bflag:$0x3] =	sbarrier.arrive $0xFFFF  }
0x265: {  	_ =	shalt  }

// kernel: kernel.25.cloned.1.call-start
scs
__scs_entry_jumppad:
0x0: {  	(pc) =	sbr.rel $0x88, $3  }
0x1: {  	(tag) =	ssettag $0x0;
	lr =	simm.s32 $0x1  }
0x2: {  	[smem:$0x3F8D] =	sst lr;
	_ =	strace $0xD0000000  }
0x3: {  	_ = 	snop  }
0x4: {  	_ = 	snop  }
0x5: {  	_ = 	snop  }
0x6: {  	_ = 	snop  }
0x7: {  	_ = 	snop  }
__scs_overlays_trampoline_lowered:
0x8: {  	[smem:$0x3F9C] =	sst s0  }
0x9: {  	[smem:$0x3F9D] =	sst s1  }
0xa: {  	[smem:$0x3F9E] =	sst s2  }
0xb: {  	[smem:$0x3F9F] =	sst s3  }
0xc: {  	[smem:$0x3FA0] =	sst s4  }
0xd: {  	[smem:$0x3FA1] =	sst s5  }
0xe: {  	[smem:$0x3FA2] =	sst s6  }
0xf: {  	[smem:$0x3FA3] =	sst s7  }
0x10: {  	[smem:$0x3FA4] =	sst s8  }
0x11: {  	[smem:$0x3FA5] =	sst s9;
	s0 =	simm.s32 @!p0 $0x0  }
0x12: {  	s1 =	sld [smem:$0x3F8B];
	s0 =	simm.s32 @p0 $0x1  }
0x13: {  	[smem:$0x3FA6] =	sst s0;
	s0 =	simm.s32 @!p1 $0x0  }
0x14: {  	s2 =	sld [smem:$0x3F8A];
	s0 =	simm.s32 @p1 $0x1  }
0x15: {  	[smem:$0x3FA7] =	sst s0;
	s0 =	simm.s32 @!p2 $0x0  }
0x16: {  	s3 =	sld [smem:$0x3FDB];
	s0 =	simm.s32 @p2 $0x1  }
0x17: {  	s4 =	simm.s32 $0x1BF5;
	[smem:$0x3FA9] =	sst s0  }
0x18: {  	s0 =	sld [smem:$0x3F8C];
	_ =	swait.ge [sflag:s4], $0x0  }
0x19: {  	s7 =	sld [smem:$0x3F8D]  }
0x1a: {  	s8 =	sadd.s32 $0xFFFFE003, lr  }
0x1b: {  	s9 =	sadd.s32 $0xFFFFFEF7, lr;
	s5 =	simm.s32 $0xFFFFFFFF;
	p2 =	slt.u32 s8, $0xFFFFF086  }
0x1c: {  	p1 =	slt.u32 s9, $0xF7A;
	s5 =	simm.s32 @!p2 $0x0  }
0x1d: {  	s5 =	simm.s32 @p1 $0x1;
	p0 =	seq.s32 s7, s2  }
0x1e: {  	s7 =	smul.u32 @!p0 $0xF7A, s2;
	p2 =	seq.s32 @!p0 s5, $0x0  }
0x1f: {  	s9 =	smul.u32 $0xF7A, s1;
	s8 =	simm.s32 @!p0 $0x1BF5;
	p2 =	por !p2, p0  }
0x20: {  	[sflag:s8] =	ssyncset.s32 @!p0 $0xFFFFF086;
	s6 =	sadd.s32 @!p0 s3, s7;
	s7 =	simm.s32 @!p0 $0x108  }
0x21: {  	s3 =	sadd.s32 s3, s9;
	s6 =	sadd.s32 @!p0 $0x88, s6;
	s7 =	simm.s32 @p2 $0x1082  }
0x22: {  	[simem:s7], [sflag:s8] =	dma.local @!p0 [hbm:s6], $0xF7A  }
0x23: {  	s9 =	sor.u32 $0xD0000000, s2;
	s6 =	simm.s32 $0x108;
	_ =	swait.ge @!p0 [sflag:s8], $0x0  }
0x24: {  	s3 =	sadd.s32 $0x88, s3;
	s6 =	simm.s32 @!p1 $0x1082;
	[sflag:s4] =	ssyncset.s32 $0xFFFFF086  }
0x25: {  	[simem:s6], [sflag:s4] =	dma.local [hbm:s3], $0xF7A  }
0x26: {  	[smem:$0x3F8D] =	sst s1;
	(tag) =	ssettag s2;
	_ =	strace s9  }
0x27: {  	s1 =	sld [smem:$0x3F9D]  }
0x28: {  	s2 =	sld [smem:$0x3F9E]  }
0x29: {  	s4 =	sld [smem:$0x3FA0]  }
0x2a: {  	p0 =	seq.s32 s5, $0x0;
	s5 =	sld [smem:$0x3FA1]  }
0x2b: {  	s6 =	sld [smem:$0x3FA2]  }
0x2c: {  	s7 =	sld [smem:$0x3FA3]  }
0x2d: {  	s3 =	simm.s32 $0x108;
	s8 =	sld [smem:$0x3FA4]  }
0x2e: {  	s3 =	simm.s32 @!p0 $0x1082;
	s9 =	sld [smem:$0x3FA5]  }
0x2f: {  	lr =	sadd.s32 s0, s3;
	s0 =	sld [smem:$0x3F9C]  }
0x30: {  	s3 =	sld [smem:$0x3F9F]  }
0x31: {  	[smem:$0x3FA8] =	sst s10  }
0x32: {  	s10 =	sld [smem:$0x3FA6];
	_ =	sdelay $0x3  }
0x33: {  	p0 =	seq.s32 s10, $0x1;
	s10 =	sld [smem:$0x3FA8];
	_ =	sdelay $0x3  }
0x34: {  	[smem:$0x3FA8] =	sst s10  }
0x35: {  	s10 =	sld [smem:$0x3FA7];
	_ =	sdelay $0x3  }
0x36: {  	p1 =	seq.s32 s10, $0x1;
	s10 =	sld [smem:$0x3FA8];
	_ =	sdelay $0x3  }
0x37: {  	[smem:$0x3FA8] =	sst s10  }
0x38: {  	s10 =	sld [smem:$0x3FA9]  }
0x39: {  	_ = 	snop;
	(pc) =	sbr.ind lr, $3  }
0x3a: {  	_ = 	snop  }
0x3b: {  	_ = 	snop  }
0x3c: {  	p2 =	seq.s32 s10, $0x1;
	s10 =	sld [smem:$0x3FA8]  }
0x3d: {  	_ =	shalt  }
0x3e: {  	_ =	shalt  }
0x3f: {  	_ =	shalt  }
0x40: {  	_ =	shalt  }
0x41: {  	_ =	shalt  }
0x42: {  	_ =	shalt  }
0x43: {  	_ =	shalt  }
0x44: {  	_ =	shalt  }
0x45: {  	_ =	shalt  }
0x46: {  	_ =	shalt  }
0x47: {  	_ =	shalt  }
0x48: {  	_ =	shalt  }
0x49: {  	_ =	shalt  }
0x4a: {  	_ =	shalt  }
0x4b: {  	_ =	shalt  }
0x4c: {  	_ =	shalt  }
0x4d: {  	_ =	shalt  }
0x4e: {  	_ =	shalt  }
0x4f: {  	_ =	shalt  }
0x50: {  	_ =	shalt  }
0x51: {  	_ =	shalt  }
0x52: {  	_ =	shalt  }
0x53: {  	_ =	shalt  }
0x54: {  	_ =	shalt  }
0x55: {  	_ =	shalt  }
0x56: {  	_ =	shalt  }
0x57: {  	_ =	shalt  }
0x58: {  	_ =	shalt  }
0x59: {  	_ =	shalt  }
0x5a: {  	_ =	shalt  }
0x5b: {  	_ =	shalt  }
0x5c: {  	_ =	shalt  }
0x5d: {  	_ =	shalt  }
0x5e: {  	_ =	shalt  }
0x5f: {  	_ =	shalt  }
0x60: {  	_ =	shalt  }
0x61: {  	_ =	shalt  }
0x62: {  	_ =	shalt  }
0x63: {  	_ =	shalt  }
0x64: {  	_ =	shalt  }
0x65: {  	_ =	shalt  }
0x66: {  	_ =	shalt  }
0x67: {  	_ =	shalt  }
0x68: {  	_ =	shalt  }
0x69: {  	_ =	shalt  }
0x6a: {  	_ =	shalt  }
0x6b: {  	_ =	shalt  }
0x6c: {  	_ =	shalt  }
0x6d: {  	_ =	shalt  }
0x6e: {  	_ =	shalt  }
0x6f: {  	_ =	shalt  }
0x70: {  	_ =	shalt  }
0x71: {  	_ =	shalt  }
0x72: {  	_ =	shalt  }
0x73: {  	_ =	shalt  }
0x74: {  	_ =	shalt  }
0x75: {  	_ =	shalt  }
0x76: {  	_ =	shalt  }
0x77: {  	_ =	shalt  }
0x78: {  	_ =	shalt  }
0x79: {  	_ =	shalt  }
0x7a: {  	_ =	shalt  }
0x7b: {  	_ =	shalt  }
0x7c: {  	_ =	shalt  }
0x7d: {  	_ =	shalt  }
0x7e: {  	_ =	shalt  }
0x7f: {  	_ =	shalt  }
0x80: {  	_ =	shalt  }
0x81: {  	_ =	shalt  }
0x82: {  	_ =	shalt  }
0x83: {  	_ =	shalt  }
0x84: {  	_ =	shalt  }
0x85: {  	_ =	shalt  }
0x86: {  	_ =	shalt  }
0x87: {  	_ =	shalt  }
.Lfunc_end0:
.L_simem_size_0:
called_computation.3_lowered:
.L_overlay_start_0:
0x88: {  	s2 =	sld [smem:$0x3FD9]  }
0x89: {  	s3 =	sld [smem:$0x3FFE];
	_ =	sdelay $0x1  }
0x8a: {  	s1 =	srdreg.scid  }
0x8b: {  	s0 =	sand.u32 $0x1, s1  }
0x8c: {  	s17 =	sshll.u32 s0, $0xA;
	s2 =	sadd.s32 s3, s2  }
0x8d: {  	s2 =	sadd.s32 s2, s17  }
0x8e: {  	[smem:$0x3FB4] =	sst s2  }
0x8f: {  	_ = 	snop  }
0x90: {  	(tm) =	ssettm $0x1  }
0x91: {  	s18 =	sld [smem:$0x3FFB];
	_ =	sdelay $0x3  }
0x92: {  	_ =	strace s18  }
0x93: {  	s2 =	sld [smem:$0x3FFC];
	_ =	sdelay $0x3  }
0x94: {  	_ =	strace s2  }
0x95: {  	s2 =	sld [smem:$0x3FFD];
	_ =	sdelay $0x3  }
0x96: {  	_ =	strace s2  }
0x97: {  	_ =	strace $0x8FFFFFFF  }
0x98: {  	s19 =	sld [smem:$0x3FDB];
	_ =	sdelay $0x1  }
0x99: {  	s20 =	simm.s32 $_scs_section_size  }
0x9a: {  	s4 =	simm.s32 $_size__tile_overlayer_lowered;
	s5 =	simm.s32 $_tile_overlayer_lowered  }
0x9b: {  	s6 =	simm.s32 $0x1BFF;
	s21 =	sshll.u32 s5, $0x1;
	s3 =	sadd.s32 s20, s19  }
0x9c: {  	s22 =	simm.s32 $0x0;
	s4 =	sshll.u32 s4, $0x1;
	s5 =	sadd.s32 s21, s3  }
0x9d: {  	[timem:s22], [sflag:s6] =	dma.local [hbm:s5], s4  }
0x9e: {  	_ =	swait.ge [sflag:s6], s4  }
0x9f: {  	s4 =	ssub.s32 $0x0, s4;
	[sflag:s6] =	ssyncset.done $0x0  }
0xa0: {  	[sflag:s6] =	ssyncadd.s32 s4;
	_ =	sdelay $0x1  }
0xa1: {  	s23 =	simm.s32 $0x1B8B  }
0xa2: {  	_ =	swait.ge [sflag:s23], $0x1  }
0xa3: {  	[sflag:s23] =	ssyncset.done $0x0  }
0xa4: {  	[sflag:s23] =	ssyncadd.s32 $0xFFFFFFFF  }
0xa5: {  	s4 =	sld [smem:$0x0]  }
0xa6: {  	s5 =	sand.u32 $0xFFFFFFFE, s1  }
0xa7: {  	p0 =	sne.s32 s1, s5  }
0xa8: {  	s5 =	sshll.u32 @p0 s5, $0xE  }
0xa9: {  	s5 =	sadd.s32 @p0 $0x11B8D, s5;
	s6 =	sshll.u32 @p0 s4, $0x11  }
0xaa: {  	s5 =	sor.u32 @p0 s6, s5  }
0xab: {  	[sflag:s5] =	ssyncadd.remote.s32 @p0 $0x1;
	_ =	sdelay $0x1  }
0xac: {  	s5 =	simm.s32 @p0 $0x1B8D  }
0xad: {  	_ =	swait.eq @p0 [sflag:s5], $0x1  }
0xae: {  	[sflag:s5] =	ssyncadd.s32 @p0 $0xFFFFFFFF  }
0xaf: {  	s6 =	sshll.u32 @!p0 s1, $0xE  }
0xb0: {  	s6 =	sor.u32 @!p0 $0x4000, s6;
	s5 =	simm.s32 @!p0 $0x1B8D  }
0xb1: {  	s4 =	sshll.u32 @!p0 s4, $0x11;
	s6 =	sadd.s32 @!p0 $0x11B8D, s6;
	_ =	swait.eq @!p0 [sflag:s5], $0x1  }
0xb2: {  	s4 =	sor.u32 @!p0 s4, s6;
	[sflag:s5] =	ssyncadd.s32 @!p0 $0xFFFFFFFF  }
0xb3: {  	s25 =	simm.s32 $0x1B8E;
	s24 =	sld [smem:$0x3FFE];
	[sflag:s4] =	ssyncadd.remote.s32 @!p0 $0x1  }
0xb4: {  	s26 =	simm.s32 $execute0_lowered;
	[smem:$0x3FD2] =	sst s25  }
0xb5: {  	s5 =	sshll.u32 s26, $0x1;
	_ =	strace $0x80000049;
	[dreg:$0x1] =	wrdreg $0xFFFFFFFF  }
0xb6: {  	s28 =	simm.s32 $_size_execute0_lowered;
	s3 =	sadd.s32 s3, s5;
	[dreg:$0x0] =	wrdreg $0x0  }
0xb7: {  	s5 =	sshll.u32 s28, $0x1;
	[dreg:$0x2] =	wrdreg s3  }
0xb8: {  	[dreg:$0x3] =	wrdreg s5  }
0xb9: {  	[dreg:$0x4] =	wrdreg $0xC0  }
0xba: {  	_ =	task [dreg:s22], $0x5FFFF  }
0xbb: {  	[dreg:$0x1] =	wrdreg $0xFFFFFFFF  }
0xbc: {  	[dreg:$0x0] =	wrdreg $0x60  }
0xbd: {  	[dreg:$0x2] =	wrdreg s24  }
0xbe: {  	[dreg:$0x3] =	wrdreg $0xC  }
0xbf: {  	_ =	task.clear_ibuf [dreg:s22], $0x4FFFF;
	_ =	strace $0x90000049  }
0xc0: {  	s29 =	simm.s32 $0xC;
	_ =	strace $0x8000004B  }
0xc1: {  	_ =	swait.ge [sflag:s29], $0x1  }
0xc2: {  	[sflag:s29] =	ssyncadd.s32 $0xFFFFFFFF  }
0xc3: {  	_ =	strace $0x9000004B  }
0xc4: {  	_ =	sfence  }
0xc5: {  	s30 =	sld [smem:$0x0];
	_ =	sdelay $0x2  }
0xc6: {  	s31 =	sshll.u32 s1, $0xD;
	s1 =	sshrl.u32 s1, $0x2  }
0xc7: {  	s4 =	sand.u32 $0x4000, s31;
	s1 =	sadd.s32 s1, s30  }
0xc8: {  	s0 =	sor.u32 s4, s0;
	s1 =	sshll.u32 s1, $0x11  }
0xc9: {  	s0 =	sor.u32 s1, s0  }
0xca: {  	s0 =	sadd.s32 $0x8F2B, s0  }
0xcb: {  	[sflag:s0] =	ssyncadd.remote.s32 $0x1  }
0xcc: {  	_ =	sfence.sel $0xFFFF  }
0xcd: {  	[dreg:$0x0] =	wrdreg $0xFFFFFFFF;
	(pc) =	sbr.abs _section_cstart, $3  }
0xce: {  	[dreg:$0x1] =	wrdreg $0xFFFFFFFF  }
0xcf: {  	_ =	task.clear_ibuf [dreg:s22], $0x2FFFF;
	_ =	strace $0x9FFFFFFF  }
0xd0: {  	(tm) =	ssettm $0x7FFFFFFF  }
0xd1: {  	_ =	shalt  }
tec
execute0_lowered:
.L_overlay_start_1:
0x0: {  	(tag) =	ssettag $0x1  }
0x1: {  	s0 =	rddreg [dreg:$0x0];
	s1 =	srdreg.scid  }
0x2: {  	s3 =	stileid.u32;
	s2 =	simm.s32 $0x0;
	s17 =	simm.s32 $0x3  }
0x3: {  	s29 =	simm.s32 $0x4;
	s30 =	simm.s32 $0x5;
	s18 =	simm.s32 $0x1  }
0x4: {  	s19 =	simm.s32 $0x900;
	s10 =	simm.s32 $0x1D00;
	s11 =	simm.s32 $0x2100  }
0x5: {  	s12 =	simm.s32 $0x2900;
	s13 =	simm.s32 $0x2D00;
	s14 =	simm.s32 $0x3500  }
0x6: {  	s15 =	simm.s32 $0x3900;
	s16 =	simm.s32 $0x4100;
	s20 =	simm.s32 $0x4D00  }
0x7: {  	s21 =	simm.s32 $0x5100;
	s22 =	simm.s32 $0x5900;
	s23 =	simm.s32 $0x5D00  }
0x8: {  	s28 =	simm.s32 $0x7500;
	s1 =	sand.u32 $0x1, s1;
	s3 =	sshll.u32 s3, $0x1  }
0x9: {  	[smem:$0x7FF] =	sst s2;
	s6 =	sadd.s32 $0x12F800, s0;
	s4 =	sor.u32 s1, s3  }
0xa: {  	_ =	strace $0x8000004A;
	s3 =	sadd.s32 $0x44400, s0;
	s5 =	sshll.u32 s4, $0x9  }
0xb: {  	s1 =	ssub.s32 $0x2, s1;
	s9 =	smul.u32 $0x6000, s4;
	s5 =	sadd.s32 s5, s0  }
0xc: {  	s7 =	sshrl.u32 s1, $0x1;
	s4 =	smul.u32 $0x30000, s4;
	s8 =	sadd.s32 $0x12B800, s5  }
0xd: {  	s1 =	ssub.s32 s1, s7;
	s24 =	sadd.s32 $0x12B880, s5;
	[dreg:$0x2] =	wrdreg s8  }
0xe: {  	s7 =	simm.s32 $0x8100;
	s25 =	sadd.s32 $0x12B900, s5;
	[dreg:$0x3] =	wrdreg s24  }
0xf: {  	s9 =	sadd.s32 s6, s9;
	s4 =	sshrl.u32 s4, $0x3;
	[dreg:$0x4] =	wrdreg s25  }
0x10: {  	s5 =	sadd.s32 $0x12B980, s5;
	[dreg:$0x9] =	wrdreg s9;
	s26 =	sadd.s32 $0x1800, s9  }
0x11: {  	s4 =	sadd.s32 s6, s4;
	[dreg:$0x6] =	wrdreg s5;
	s5 =	sadd.s32 $0x44500, s0  }
0x12: {  	s8 =	simm.s32 $0x1500;
	s24 =	simm.s32 $0x6500;
	s25 =	simm.s32 $0x6900  }
0x13: {  	v2 =	vlaneseq.u32;
	s9 =	simm.s32 $0x7D00;
	[dreg:$0x5] =	wrdreg s26;
	s6 =	sadd.s32 $0x3000, s4  }
0x14: {  	vm0 =	vmmov $0xffff;
	vm1 =	vmmov $0xff;
	v1 =	vshrl.u32 v2, $0x3;
	s31 =	sadd.s32 $0x4800, s4;
	s26 =	simm.s32 $0x7100;
	[dreg:$0x7] =	wrdreg s6  }
0x15: {  	v0 =	vand.u32 $0x7, v2;
	v2 =	vor.u32 $0x8, v2;
	v1 =	vmul.u32 $0x8, v1;
	[dreg:$0x8] =	wrdreg s31;
	s6 =	smax.u32 s1, $0x1;
	s1 =	simm.s32 $0xC900  }
.LBB2_1:
0x16: {  	s31 =	rddreg [dreg:$0x2]  }
0x17: {  	[tilespmem:s2], [sflag:$0x1] =	stream.linear.gather [hbm4b:s31+s2], $0x400, $0x38;
	[tilespmem:$0x18900] =	vst v63  }
0x18: {  	_ =	swait.ge [sflag:s18], $0x400  }
0x19: {  	[sflag:s18] =	ssyncset.done $0x0  }
0x1a: {  	s4 =	simm.s32 $0x400;
	s0 =	rddreg [dreg:$0x3];
	[sflag:s18] =	ssyncadd.s32 $0xFFFFFC00  }
0x1b: {  	[tilespmem:s4], [sflag:$0x2] =	stream.linear.gather [hbm4b:s0+s2], $0x400, $0x38;
	[tilespmem:$0x18900] =	vst v63  }
0x1c: {  	v3 =	vld [tilespmem:$0x0];
	_ =	sdelay $0x3  }
0x1d: {  	v4 =	vld [tilespmem:$0x80]  }
0x1e: {  	v5 =	vld [tilespmem:$0x100];
	v6 =	vshrl.u32 v3, $0x3  }
0x1f: {  	v7 =	vld [tilespmem:$0x180];
	v6 =	vmul.u32 $0x18, v6  }
0x20: {  	v8 =	vld [tilespmem:$0x200];
	v9 =	vand.u32 $0x7, v3  }
0x21: {  	[tilespmem:$0x800] =	vst v3;
	v3 =	vld [tilespmem:$0x280];
	v6 =	vor.u32 v9, v6  }
0x22: {  	v60 =	vld [tilespmem:$0x300];
	[tilespmem:$0x810] =	vst v4;
	v9 =	vperm.xlane v6, v0  }
0x23: {  	v61 =	vld [tilespmem:$0x380];
	[tilespmem:$0x820] =	vst v5  }
0x24: {  	[tilespmem:$0x830] =	vst v7;
	v62 =	vadd.s32 v1, v9  }
0x25: {  	[tilespmem:$0x840] =	vst v8  }
0x26: {  	[tilespmem:$0x850] =	vst v3;
	v3 =	vperm.xlane v6, v2  }
0x27: {  	[tilespmem:$0x860] =	vst v60  }
0x28: {  	[tilespmem:$0x870] =	vst v61;
	v3 =	vadd.s32 v1, v3  }
0x29: {  	[tilespmem:s19], [sflag:$0x3] =	stream.indirect_vreg.gather [hbm4b:s3+s2], $0x80, v62, vm0, $0xb8;
	[tilespmem:$0x18900] =	vst v63  }
0x2a: {  	s0 =	simm.s32 $0x1100  }
0x2b: {  	[tilespmem:s0], [sflag:$0x3] =	stream.indirect_vreg.gather [hbm4b:s5+s2], $0x80, v62, vm1, $0xb8;
	[tilespmem:$0x18900] =	vst v63  }
0x2c: {  	_ = 	snop  }
0x2d: {  	[tilespmem:s8], [sflag:$0x3] =	stream.indirect_vreg.gather [hbm4b:s3+s2], $0x80, v3, vm0, $0xb8;
	[tilespmem:$0x18900] =	vst v63  }
0x2e: {  	_ = 	snop  }
0x2f: {  	[tilespmem:s10], [sflag:$0x3] =	stream.indirect_vreg.gather [hbm4b:s5+s2], $0x80, v3, vm1, $0xb8;
	[tilespmem:$0x18900] =	vst v63  }
0x30: {  	v3 =	vld [tilespmem:$0x810];
	_ =	sdelay $0x4  }
0x31: {  	v63 =	vshrl.u32 v3, $0x3  }
0x32: {  	v4 =	vmul.u32 $0x18, v63  }
0x33: {  	v3 =	vand.u32 $0x7, v3  }
0x34: {  	v3 =	vor.u32 v3, v4  }
0x35: {  	v4 =	vperm.xlane v3, v0;
	_ =	sdelay $0x1  }
0x36: {  	v4 =	vadd.s32 v1, v4;
	_ =	sdelay $0x1  }
0x37: {  	v3 =	vperm.xlane v3, v2;
	_ =	sdelay $0x1  }
0x38: {  	v3 =	vadd.s32 v1, v3  }
0x39: {  	[tilespmem:s11], [sflag:$0x3] =	stream.indirect_vreg.gather [hbm4b:s3+s2], $0x80, v4, vm0, $0xb8;
	[tilespmem:$0x18900] =	vst v63  }
0x3a: {  	_ = 	snop  }
0x3b: {  	[tilespmem:s12], [sflag:$0x3] =	stream.indirect_vreg.gather [hbm4b:s5+s2], $0x80, v4, vm1, $0xb8;
	[tilespmem:$0x18900] =	vst v63  }
0x3c: {  	_ = 	snop  }
0x3d: {  	[tilespmem:s13], [sflag:$0x3] =	stream.indirect_vreg.gather [hbm4b:s3+s2], $0x80, v3, vm0, $0xb8;
	[tilespmem:$0x18900] =	vst v63  }
0x3e: {  	_ = 	snop  }
0x3f: {  	[tilespmem:s14], [sflag:$0x3] =	stream.indirect_vreg.gather [hbm4b:s5+s2], $0x80, v3, vm1, $0xb8;
	[tilespmem:$0x18900] =	vst v63  }
0x40: {  	v3 =	vld [tilespmem:$0x820];
	_ =	sdelay $0x4  }
0x41: {  	v8 =	vshrl.u32 v3, $0x3  }
0x42: {  	v4 =	vmul.u32 $0x18, v8  }
0x43: {  	v3 =	vand.u32 $0x7, v3  }
0x44: {  	v3 =	vor.u32 v3, v4  }
0x45: {  	v4 =	vperm.xlane v3, v0;
	_ =	sdelay $0x1  }
0x46: {  	v4 =	vadd.s32 v1, v4;
	_ =	sdelay $0x1  }
0x47: {  	v3 =	vperm.xlane v3, v2;
	_ =	sdelay $0x1  }
0x48: {  	v3 =	vadd.s32 v1, v3  }
0x49: {  	[tilespmem:s15], [sflag:$0x3] =	stream.indirect_vreg.gather [hbm4b:s3+s2], $0x80, v4, vm0, $0xb8;
	[tilespmem:$0x18900] =	vst v63  }
0x4a: {  	_ = 	snop  }
0x4b: {  	[tilespmem:s16], [sflag:$0x3] =	stream.indirect_vreg.gather [hbm4b:s5+s2], $0x80, v4, vm1, $0xb8;
	[tilespmem:$0x18900] =	vst v63  }
0x4c: {  	s31 =	simm.s32 $0x4500  }
0x4d: {  	[tilespmem:s31], [sflag:$0x3] =	stream.indirect_vreg.gather [hbm4b:s3+s2], $0x80, v3, vm0, $0xb8;
	[tilespmem:$0x18900] =	vst v63  }
0x4e: {  	_ = 	snop  }
0x4f: {  	[tilespmem:s20], [sflag:$0x3] =	stream.indirect_vreg.gather [hbm4b:s5+s2], $0x80, v3, vm1, $0xb8;
	[tilespmem:$0x18900] =	vst v63  }
0x50: {  	v3 =	vld [tilespmem:$0x830];
	_ =	sdelay $0x4  }
0x51: {  	v9 =	vshrl.u32 v3, $0x3  }
0x52: {  	v4 =	vmul.u32 $0x18, v9  }
0x53: {  	v3 =	vand.u32 $0x7, v3  }
0x54: {  	v3 =	vor.u32 v3, v4  }
0x55: {  	v4 =	vperm.xlane v3, v0;
	_ =	sdelay $0x1  }
0x56: {  	v4 =	vadd.s32 v1, v4;
	_ =	sdelay $0x1  }
0x57: {  	v3 =	vperm.xlane v3, v2;
	_ =	sdelay $0x1  }
0x58: {  	v3 =	vadd.s32 v1, v3  }
0x59: {  	[tilespmem:s21], [sflag:$0x3] =	stream.indirect_vreg.gather [hbm4b:s3+s2], $0x80, v4, vm0, $0xb8;
	[tilespmem:$0x18900] =	vst v63  }
0x5a: {  	_ = 	snop  }
0x5b: {  	[tilespmem:s22], [sflag:$0x3] =	stream.indirect_vreg.gather [hbm4b:s5+s2], $0x80, v4, vm1, $0xb8;
	[tilespmem:$0x18900] =	vst v63  }
0x5c: {  	_ = 	snop  }
0x5d: {  	[tilespmem:s23], [sflag:$0x3] =	stream.indirect_vreg.gather [hbm4b:s3+s2], $0x80, v3, vm0, $0xb8;
	[tilespmem:$0x18900] =	vst v63  }
0x5e: {  	_ = 	snop  }
0x5f: {  	[tilespmem:s24], [sflag:$0x3] =	stream.indirect_vreg.gather [hbm4b:s5+s2], $0x80, v3, vm1, $0xb8;
	[tilespmem:$0x18900] =	vst v63  }
0x60: {  	v3 =	vld [tilespmem:$0x840];
	_ =	sdelay $0x4  }
0x61: {  	v10 =	vshrl.u32 v3, $0x3  }
0x62: {  	v4 =	vmul.u32 $0x18, v10  }
0x63: {  	v3 =	vand.u32 $0x7, v3  }
0x64: {  	v3 =	vor.u32 v3, v4  }
0x65: {  	v4 =	vperm.xlane v3, v0;
	_ =	sdelay $0x1  }
0x66: {  	v4 =	vadd.s32 v1, v4;
	_ =	sdelay $0x1  }
0x67: {  	v3 =	vperm.xlane v3, v2;
	_ =	sdelay $0x1  }
0x68: {  	v3 =	vadd.s32 v1, v3  }
0x69: {  	[tilespmem:s25], [sflag:$0x3] =	stream.indirect_vreg.gather [hbm4b:s3+s2], $0x80, v4, vm0, $0xb8;
	[tilespmem:$0x18900] =	vst v63  }
0x6a: {  	_ = 	snop  }
0x6b: {  	[tilespmem:s26], [sflag:$0x3] =	stream.indirect_vreg.gather [hbm4b:s5+s2], $0x80, v4, vm1, $0xb8;
	[tilespmem:$0x18900] =	vst v63  }
0x6c: {  	_ = 	snop  }
0x6d: {  	[tilespmem:s28], [sflag:$0x3] =	stream.indirect_vreg.gather [hbm4b:s3+s2], $0x80, v3, vm0, $0xb8;
	[tilespmem:$0x18900] =	vst v63  }
0x6e: {  	_ = 	snop  }
0x6f: {  	[tilespmem:s9], [sflag:$0x3] =	stream.indirect_vreg.gather [hbm4b:s5+s2], $0x80, v3, vm1, $0xb8;
	[tilespmem:$0x18900] =	vst v63  }
0x70: {  	v3 =	vld [tilespmem:$0x850];
	_ =	sdelay $0x4  }
0x71: {  	v11 =	vshrl.u32 v3, $0x3  }
0x72: {  	v4 =	vmul.u32 $0x18, v11  }
0x73: {  	v3 =	vand.u32 $0x7, v3  }
0x74: {  	v3 =	vor.u32 v3, v4  }
0x75: {  	v4 =	vperm.xlane v3, v0;
	_ =	sdelay $0x1  }
0x76: {  	v4 =	vadd.s32 v1, v4;
	_ =	sdelay $0x1  }
0x77: {  	v3 =	vperm.xlane v3, v2;
	_ =	sdelay $0x1  }
0x78: {  	v3 =	vadd.s32 v1, v3  }
0x79: {  	[tilespmem:s7], [sflag:$0x3] =	stream.indirect_vreg.gather [hbm4b:s3+s2], $0x80, v4, vm0, $0xb8;
	[tilespmem:$0x18900] =	vst v63  }
0x7a: {  	s31 =	simm.s32 $0x8900  }
0x7b: {  	[tilespmem:s31], [sflag:$0x3] =	stream.indirect_vreg.gather [hbm4b:s5+s2], $0x80, v4, vm1, $0xb8;
	[tilespmem:$0x18900] =	vst v63  }
0x7c: {  	s31 =	simm.s32 $0x8D00  }
0x7d: {  	[tilespmem:s31], [sflag:$0x3] =	stream.indirect_vreg.gather [hbm4b:s3+s2], $0x80, v3, vm0, $0xb8;
	[tilespmem:$0x18900] =	vst v63  }
0x7e: {  	s31 =	simm.s32 $0x9500  }
0x7f: {  	[tilespmem:s31], [sflag:$0x3] =	stream.indirect_vreg.gather [hbm4b:s5+s2], $0x80, v3, vm1, $0xb8;
	[tilespmem:$0x18900] =	vst v63  }
0x80: {  	v3 =	vld [tilespmem:$0x860];
	_ =	sdelay $0x4  }
0x81: {  	v12 =	vshrl.u32 v3, $0x3  }
0x82: {  	v4 =	vmul.u32 $0x18, v12  }
0x83: {  	v3 =	vand.u32 $0x7, v3  }
0x84: {  	v3 =	vor.u32 v3, v4  }
0x85: {  	v4 =	vperm.xlane v3, v0;
	_ =	sdelay $0x1  }
0x86: {  	v4 =	vadd.s32 v1, v4;
	_ =	sdelay $0x1  }
0x87: {  	v3 =	vperm.xlane v3, v2;
	_ =	sdelay $0x1  }
0x88: {  	s31 =	simm.s32 $0x9900;
	v3 =	vadd.s32 v1, v3  }
0x89: {  	[tilespmem:s31], [sflag:$0x3] =	stream.indirect_vreg.gather [hbm4b:s3+s2], $0x80, v4, vm0, $0xb8;
	[tilespmem:$0x18900] =	vst v63  }
0x8a: {  	s31 =	simm.s32 $0xA100  }
0x8b: {  	[tilespmem:s31], [sflag:$0x3] =	stream.indirect_vreg.gather [hbm4b:s5+s2], $0x80, v4, vm1, $0xb8;
	[tilespmem:$0x18900] =	vst v63  }
0x8c: {  	s31 =	simm.s32 $0xA500  }
0x8d: {  	[tilespmem:s31], [sflag:$0x3] =	stream.indirect_vreg.gather [hbm4b:s3+s2], $0x80, v3, vm0, $0xb8;
	[tilespmem:$0x18900] =	vst v63  }
0x8e: {  	s31 =	simm.s32 $0xAD00  }
0x8f: {  	[tilespmem:s31], [sflag:$0x3] =	stream.indirect_vreg.gather [hbm4b:s5+s2], $0x80, v3, vm1, $0xb8;
	[tilespmem:$0x18900] =	vst v63  }
0x90: {  	v3 =	vld [tilespmem:$0x870];
	_ =	sdelay $0x4  }
0x91: {  	v13 =	vshrl.u32 v3, $0x3  }
0x92: {  	v4 =	vmul.u32 $0x18, v13  }
0x93: {  	v3 =	vand.u32 $0x7, v3  }
0x94: {  	v3 =	vor.u32 v3, v4  }
0x95: {  	v4 =	vperm.xlane v3, v0;
	_ =	sdelay $0x1  }
0x96: {  	v4 =	vadd.s32 v1, v4;
	_ =	sdelay $0x1  }
0x97: {  	v3 =	vperm.xlane v3, v2;
	_ =	sdelay $0x1  }
0x98: {  	s31 =	simm.s32 $0xB100;
	v3 =	vadd.s32 v1, v3  }
0x99: {  	[tilespmem:s31], [sflag:$0x3] =	stream.indirect_vreg.gather [hbm4b:s3+s2], $0x80, v4, vm0, $0xb8;
	[tilespmem:$0x18900] =	vst v63  }
0x9a: {  	s31 =	simm.s32 $0xB900  }
0x9b: {  	[tilespmem:s31], [sflag:$0x3] =	stream.indirect_vreg.gather [hbm4b:s5+s2], $0x80, v4, vm1, $0xb8;
	[tilespmem:$0x18900] =	vst v63  }
0x9c: {  	s31 =	simm.s32 $0xBD00  }
0x9d: {  	[tilespmem:s31], [sflag:$0x3] =	stream.indirect_vreg.gather [hbm4b:s3+s2], $0x80, v3, vm0, $0xb8;
	[tilespmem:$0x18900] =	vst v63  }
0x9e: {  	s31 =	simm.s32 $0xC500  }
0x9f: {  	[tilespmem:s31], [sflag:$0x3] =	stream.indirect_vreg.gather [hbm4b:s5+s2], $0x80, v3, vm1, $0xb8;
	[tilespmem:$0x18900] =	vst v63  }
0xa0: {  	_ =	swait.ge [sflag:s17], $0xC000  }
0xa1: {  	[sflag:s17] =	ssyncset.done $0x0  }
0xa2: {  	s0 =	rddreg [dreg:$0x9];
	[sflag:s17] =	ssyncadd.s32 $0xFFFF4000  }
0xa3: {  	[hbm4b:s0+s2] =	stream.linear.scatter [tilespmem:s19], [sflag:$0x4], $0xC000, $0x38;
	[tilespmem:$0x18900] =	vst v63  }
0xa4: {  	s0 =	simm.s32 $0x2  }
0xa5: {  	_ =	swait.ge [sflag:s0], $0x400  }
0xa6: {  	[sflag:s0] =	ssyncset.done $0x0  }
0xa7: {  	s31 =	rddreg [dreg:$0x4];
	[sflag:s0] =	ssyncadd.s32 $0xFFFFFC00  }
0xa8: {  	[tilespmem:s2], [sflag:$0x1] =	stream.linear.gather [hbm4b:s31+s2], $0x400, $0x38;
	[tilespmem:$0x18900] =	vst v63  }
0xa9: {  	v3 =	vld [tilespmem:$0x400];
	_ =	sdelay $0x3  }
0xaa: {  	v14 =	vld [tilespmem:$0x480]  }
0xab: {  	v15 =	vld [tilespmem:$0x500];
	v16 =	vshrl.u32 v3, $0x3  }
0xac: {  	v17 =	vld [tilespmem:$0x580];
	v6 =	vmul.u32 $0x18, v16  }
0xad: {  	v18 =	vld [tilespmem:$0x600];
	v19 =	vand.u32 $0x7, v3  }
0xae: {  	[tilespmem:$0x880] =	vst v3;
	v3 =	vld [tilespmem:$0x680];
	v6 =	vor.u32 v19, v6  }
0xaf: {  	v20 =	vld [tilespmem:$0x700];
	[tilespmem:$0x890] =	vst v14;
	v9 =	vperm.xlane v6, v0  }
0xb0: {  	v21 =	vld [tilespmem:$0x780];
	[tilespmem:$0x8A0] =	vst v15  }
0xb1: {  	[tilespmem:$0x8B0] =	vst v17;
	v22 =	vadd.s32 v1, v9  }
0xb2: {  	[tilespmem:$0x8C0] =	vst v18  }
0xb3: {  	[tilespmem:$0x8D0] =	vst v3;
	v3 =	vperm.xlane v6, v2  }
0xb4: {  	[tilespmem:$0x8E0] =	vst v20  }
0xb5: {  	[tilespmem:$0x8F0] =	vst v21;
	v3 =	vadd.s32 v1, v3  }
0xb6: {  	[tilespmem:s1], [sflag:$0x3] =	stream.indirect_vreg.gather [hbm4b:s3+s2], $0x80, v22, vm0, $0xb8;
	[tilespmem:$0x18900] =	vst v63  }
0xb7: {  	s31 =	simm.s32 $0xD100  }
0xb8: {  	[tilespmem:s31], [sflag:$0x3] =	stream.indirect_vreg.gather [hbm4b:s5+s2], $0x80, v22, vm1, $0xb8;
	[tilespmem:$0x18900] =	vst v63  }
0xb9: {  	s31 =	simm.s32 $0xD500  }
0xba: {  	[tilespmem:s31], [sflag:$0x3] =	stream.indirect_vreg.gather [hbm4b:s3+s2], $0x80, v3, vm0, $0xb8;
	[tilespmem:$0x18900] =	vst v63  }
0xbb: {  	s31 =	simm.s32 $0xDD00  }
0xbc: {  	[tilespmem:s31], [sflag:$0x3] =	stream.indirect_vreg.gather [hbm4b:s5+s2], $0x80, v3, vm1, $0xb8;
	[tilespmem:$0x18900] =	vst v63  }
0xbd: {  	v3 =	vld [tilespmem:$0x890];
	_ =	sdelay $0x4  }
0xbe: {  	v23 =	vshrl.u32 v3, $0x3  }
0xbf: {  	v4 =	vmul.u32 $0x18, v23  }
0xc0: {  	v3 =	vand.u32 $0x7, v3  }
0xc1: {  	v3 =	vor.u32 v3, v4  }
0xc2: {  	v4 =	vperm.xlane v3, v0;
	_ =	sdelay $0x1  }
0xc3: {  	v4 =	vadd.s32 v1, v4;
	_ =	sdelay $0x1  }
0xc4: {  	v3 =	vperm.xlane v3, v2;
	_ =	sdelay $0x1  }
0xc5: {  	s31 =	simm.s32 $0xE100;
	v3 =	vadd.s32 v1, v3  }
0xc6: {  	[tilespmem:s31], [sflag:$0x3] =	stream.indirect_vreg.gather [hbm4b:s3+s2], $0x80, v4, vm0, $0xb8;
	[tilespmem:$0x18900] =	vst v63  }
0xc7: {  	s31 =	simm.s32 $0xE900  }
0xc8: {  	[tilespmem:s31], [sflag:$0x3] =	stream.indirect_vreg.gather [hbm4b:s5+s2], $0x80, v4, vm1, $0xb8;
	[tilespmem:$0x18900] =	vst v63  }
0xc9: {  	s31 =	simm.s32 $0xED00  }
0xca: {  	[tilespmem:s31], [sflag:$0x3] =	stream.indirect_vreg.gather [hbm4b:s3+s2], $0x80, v3, vm0, $0xb8;
	[tilespmem:$0x18900] =	vst v63  }
0xcb: {  	s31 =	simm.s32 $0xF500  }
0xcc: {  	[tilespmem:s31], [sflag:$0x3] =	stream.indirect_vreg.gather [hbm4b:s5+s2], $0x80, v3, vm1, $0xb8;
	[tilespmem:$0x18900] =	vst v63  }
0xcd: {  	v3 =	vld [tilespmem:$0x8A0];
	_ =	sdelay $0x4  }
0xce: {  	v24 =	vshrl.u32 v3, $0x3  }
0xcf: {  	v4 =	vmul.u32 $0x18, v24  }
0xd0: {  	v3 =	vand.u32 $0x7, v3  }
0xd1: {  	v3 =	vor.u32 v3, v4  }
0xd2: {  	v4 =	vperm.xlane v3, v0;
	_ =	sdelay $0x1  }
0xd3: {  	v4 =	vadd.s32 v1, v4;
	_ =	sdelay $0x1  }
0xd4: {  	v3 =	vperm.xlane v3, v2;
	_ =	sdelay $0x1  }
0xd5: {  	s31 =	simm.s32 $0xF900;
	v3 =	vadd.s32 v1, v3  }
0xd6: {  	[tilespmem:s31], [sflag:$0x3] =	stream.indirect_vreg.gather [hbm4b:s3+s2], $0x80, v4, vm0, $0xb8;
	[tilespmem:$0x18900] =	vst v63  }
0xd7: {  	s31 =	simm.s32 $0x10100  }
0xd8: {  	[tilespmem:s31], [sflag:$0x3] =	stream.indirect_vreg.gather [hbm4b:s5+s2], $0x80, v4, vm1, $0xb8;
	[tilespmem:$0x18900] =	vst v63  }
0xd9: {  	s31 =	simm.s32 $0x10500  }
0xda: {  	[tilespmem:s31], [sflag:$0x3] =	stream.indirect_vreg.gather [hbm4b:s3+s2], $0x80, v3, vm0, $0xb8;
	[tilespmem:$0x18900] =	vst v63  }
0xdb: {  	s31 =	simm.s32 $0x10D00  }
0xdc: {  	[tilespmem:s31], [sflag:$0x3] =	stream.indirect_vreg.gather [hbm4b:s5+s2], $0x80, v3, vm1, $0xb8;
	[tilespmem:$0x18900] =	vst v63  }
0xdd: {  	v3 =	vld [tilespmem:$0x8B0];
	_ =	sdelay $0x4  }
0xde: {  	v25 =	vshrl.u32 v3, $0x3  }
0xdf: {  	v4 =	vmul.u32 $0x18, v25  }
0xe0: {  	v3 =	vand.u32 $0x7, v3  }
0xe1: {  	v3 =	vor.u32 v3, v4  }
0xe2: {  	v4 =	vperm.xlane v3, v0;
	_ =	sdelay $0x1  }
0xe3: {  	v4 =	vadd.s32 v1, v4;
	_ =	sdelay $0x1  }
0xe4: {  	v3 =	vperm.xlane v3, v2;
	_ =	sdelay $0x1  }
0xe5: {  	s31 =	simm.s32 $0x11100;
	v3 =	vadd.s32 v1, v3  }
0xe6: {  	[tilespmem:s31], [sflag:$0x3] =	stream.indirect_vreg.gather [hbm4b:s3+s2], $0x80, v4, vm0, $0xb8;
	[tilespmem:$0x18900] =	vst v63  }
0xe7: {  	s31 =	simm.s32 $0x11900  }
0xe8: {  	[tilespmem:s31], [sflag:$0x3] =	stream.indirect_vreg.gather [hbm4b:s5+s2], $0x80, v4, vm1, $0xb8;
	[tilespmem:$0x18900] =	vst v63  }
0xe9: {  	s31 =	simm.s32 $0x11D00  }
0xea: {  	[tilespmem:s31], [sflag:$0x3] =	stream.indirect_vreg.gather [hbm4b:s3+s2], $0x80, v3, vm0, $0xb8;
	[tilespmem:$0x18900] =	vst v63  }
0xeb: {  	s31 =	simm.s32 $0x12500  }
0xec: {  	[tilespmem:s31], [sflag:$0x3] =	stream.indirect_vreg.gather [hbm4b:s5+s2], $0x80, v3, vm1, $0xb8;
	[tilespmem:$0x18900] =	vst v63  }
0xed: {  	v3 =	vld [tilespmem:$0x8C0];
	_ =	sdelay $0x4  }
0xee: {  	v26 =	vshrl.u32 v3, $0x3  }
0xef: {  	v4 =	vmul.u32 $0x18, v26  }
0xf0: {  	v3 =	vand.u32 $0x7, v3  }
0xf1: {  	v3 =	vor.u32 v3, v4  }
0xf2: {  	v4 =	vperm.xlane v3, v0;
	_ =	sdelay $0x1  }
0xf3: {  	v4 =	vadd.s32 v1, v4;
	_ =	sdelay $0x1  }
0xf4: {  	v3 =	vperm.xlane v3, v2;
	_ =	sdelay $0x1  }
0xf5: {  	s31 =	simm.s32 $0x12900;
	v3 =	vadd.s32 v1, v3  }
0xf6: {  	[tilespmem:s31], [sflag:$0x3] =	stream.indirect_vreg.gather [hbm4b:s3+s2], $0x80, v4, vm0, $0xb8;
	[tilespmem:$0x18900] =	vst v63  }
0xf7: {  	s31 =	simm.s32 $0x13100  }
0xf8: {  	[tilespmem:s31], [sflag:$0x3] =	stream.indirect_vreg.gather [hbm4b:s5+s2], $0x80, v4, vm1, $0xb8;
	[tilespmem:$0x18900] =	vst v63  }
0xf9: {  	s31 =	simm.s32 $0x13500  }
0xfa: {  	[tilespmem:s31], [sflag:$0x3] =	stream.indirect_vreg.gather [hbm4b:s3+s2], $0x80, v3, vm0, $0xb8;
	[tilespmem:$0x18900] =	vst v63  }
0xfb: {  	s31 =	simm.s32 $0x13D00  }
0xfc: {  	[tilespmem:s31], [sflag:$0x3] =	stream.indirect_vreg.gather [hbm4b:s5+s2], $0x80, v3, vm1, $0xb8;
	[tilespmem:$0x18900] =	vst v63  }
0xfd: {  	v3 =	vld [tilespmem:$0x8D0];
	_ =	sdelay $0x4  }
0xfe: {  	v27 =	vshrl.u32 v3, $0x3  }
0xff: {  	v4 =	vmul.u32 $0x18, v27  }
0x100: {  	v3 =	vand.u32 $0x7, v3  }
0x101: {  	v3 =	vor.u32 v3, v4  }
0x102: {  	v4 =	vperm.xlane v3, v0;
	_ =	sdelay $0x1  }
0x103: {  	v4 =	vadd.s32 v1, v4;
	_ =	sdelay $0x1  }
0x104: {  	v3 =	vperm.xlane v3, v2;
	_ =	sdelay $0x1  }
0x105: {  	s31 =	simm.s32 $0x14100;
	v3 =	vadd.s32 v1, v3  }
0x106: {  	[tilespmem:s31], [sflag:$0x3] =	stream.indirect_vreg.gather [hbm4b:s3+s2], $0x80, v4, vm0, $0xb8;
	[tilespmem:$0x18900] =	vst v63  }
0x107: {  	s31 =	simm.s32 $0x14900  }
0x108: {  	[tilespmem:s31], [sflag:$0x3] =	stream.indirect_vreg.gather [hbm4b:s5+s2], $0x80, v4, vm1, $0xb8;
	[tilespmem:$0x18900] =	vst v63  }
0x109: {  	s31 =	simm.s32 $0x14D00  }
0x10a: {  	[tilespmem:s31], [sflag:$0x3] =	stream.indirect_vreg.gather [hbm4b:s3+s2], $0x80, v3, vm0, $0xb8;
	[tilespmem:$0x18900] =	vst v63  }
0x10b: {  	s31 =	simm.s32 $0x15500  }
0x10c: {  	[tilespmem:s31], [sflag:$0x3] =	stream.indirect_vreg.gather [hbm4b:s5+s2], $0x80, v3, vm1, $0xb8;
	[tilespmem:$0x18900] =	vst v63  }
0x10d: {  	v3 =	vld [tilespmem:$0x8E0];
	_ =	sdelay $0x4  }
0x10e: {  	v28 =	vshrl.u32 v3, $0x3  }
0x10f: {  	v4 =	vmul.u32 $0x18, v28  }
0x110: {  	v3 =	vand.u32 $0x7, v3  }
0x111: {  	v3 =	vor.u32 v3, v4  }
0x112: {  	v4 =	vperm.xlane v3, v0;
	_ =	sdelay $0x1  }
0x113: {  	v4 =	vadd.s32 v1, v4;
	_ =	sdelay $0x1  }
0x114: {  	v3 =	vperm.xlane v3, v2;
	_ =	sdelay $0x1  }
0x115: {  	s31 =	simm.s32 $0x15900;
	v3 =	vadd.s32 v1, v3  }
0x116: {  	[tilespmem:s31], [sflag:$0x3] =	stream.indirect_vreg.gather [hbm4b:s3+s2], $0x80, v4, vm0, $0xb8;
	[tilespmem:$0x18900] =	vst v63  }
0x117: {  	s31 =	simm.s32 $0x16100  }
0x118: {  	[tilespmem:s31], [sflag:$0x3] =	stream.indirect_vreg.gather [hbm4b:s5+s2], $0x80, v4, vm1, $0xb8;
	[tilespmem:$0x18900] =	vst v63  }
0x119: {  	s31 =	simm.s32 $0x16500  }
0x11a: {  	[tilespmem:s31], [sflag:$0x3] =	stream.indirect_vreg.gather [hbm4b:s3+s2], $0x80, v3, vm0, $0xb8;
	[tilespmem:$0x18900] =	vst v63  }
0x11b: {  	s31 =	simm.s32 $0x16D00  }
0x11c: {  	[tilespmem:s31], [sflag:$0x3] =	stream.indirect_vreg.gather [hbm4b:s5+s2], $0x80, v3, vm1, $0xb8;
	[tilespmem:$0x18900] =	vst v63  }
0x11d: {  	v3 =	vld [tilespmem:$0x8F0];
	_ =	sdelay $0x4  }
0x11e: {  	v29 =	vshrl.u32 v3, $0x3  }
0x11f: {  	v4 =	vmul.u32 $0x18, v29  }
0x120: {  	v3 =	vand.u32 $0x7, v3  }
0x121: {  	v3 =	vor.u32 v3, v4  }
0x122: {  	v4 =	vperm.xlane v3, v0;
	_ =	sdelay $0x1  }
0x123: {  	v4 =	vadd.s32 v1, v4;
	_ =	sdelay $0x1  }
0x124: {  	v3 =	vperm.xlane v3, v2;
	_ =	sdelay $0x1  }
0x125: {  	s31 =	simm.s32 $0x17100;
	v3 =	vadd.s32 v1, v3  }
0x126: {  	[tilespmem:s31], [sflag:$0x3] =	stream.indirect_vreg.gather [hbm4b:s3+s2], $0x80, v4, vm0, $0xb8;
	[tilespmem:$0x18900] =	vst v63  }
0x127: {  	s31 =	simm.s32 $0x17900  }
0x128: {  	[tilespmem:s31], [sflag:$0x3] =	stream.indirect_vreg.gather [hbm4b:s5+s2], $0x80, v4, vm1, $0xb8;
	[tilespmem:$0x18900] =	vst v63  }
0x129: {  	s31 =	simm.s32 $0x17D00  }
0x12a: {  	[tilespmem:s31], [sflag:$0x3] =	stream.indirect_vreg.gather [hbm4b:s3+s2], $0x80, v3, vm0, $0xb8;
	[tilespmem:$0x18900] =	vst v63  }
0x12b: {  	s31 =	simm.s32 $0x18500  }
0x12c: {  	[tilespmem:s31], [sflag:$0x3] =	stream.indirect_vreg.gather [hbm4b:s5+s2], $0x80, v3, vm1, $0xb8;
	[tilespmem:$0x18900] =	vst v63  }
0x12d: {  	_ =	swait.ge [sflag:s17], $0xC000  }
0x12e: {  	[sflag:s17] =	ssyncset.done $0x0  }
0x12f: {  	s31 =	rddreg [dreg:$0x5];
	[sflag:s17] =	ssyncadd.s32 $0xFFFF4000  }
0x130: {  	[hbm4b:s31+s2] =	stream.linear.scatter [tilespmem:s1], [sflag:$0x5], $0xC000, $0x38;
	[tilespmem:$0x18900] =	vst v63  }
0x131: {  	_ =	swait.ge [sflag:s18], $0x400  }
0x132: {  	[sflag:s18] =	ssyncset.done $0x0  }
0x133: {  	s31 =	rddreg [dreg:$0x6];
	[sflag:s18] =	ssyncadd.s32 $0xFFFFFC00  }
0x134: {  	[tilespmem:s4], [sflag:$0x2] =	stream.linear.gather [hbm4b:s31+s2], $0x400, $0x38;
	[tilespmem:$0x18900] =	vst v63  }
0x135: {  	v3 =	vld [tilespmem:$0x0]  }
0x136: {  	v30 =	vld [tilespmem:$0x80]  }
0x137: {  	v31 =	vld [tilespmem:$0x100]  }
0x138: {  	v32 =	vld [tilespmem:$0x180]  }
0x139: {  	v33 =	vld [tilespmem:$0x200]  }
0x13a: {  	v34 =	vld [tilespmem:$0x280];
	[tilespmem:$0x800] =	vst v3;
	v35 =	vshrl.u32 v3, $0x3  }
0x13b: {  	v36 =	vld [tilespmem:$0x300];
	[tilespmem:$0x810] =	vst v30;
	v9 =	vmul.u32 $0x18, v35  }
0x13c: {  	v37 =	vld [tilespmem:$0x380];
	[tilespmem:$0x820] =	vst v31;
	v3 =	vand.u32 $0x7, v3  }
0x13d: {  	[tilespmem:$0x830] =	vst v32;
	v3 =	vor.u32 v3, v9  }
0x13e: {  	[tilespmem:$0x840] =	vst v33;
	v38 =	vperm.xlane v3, v0  }
0x13f: {  	[tilespmem:$0x850] =	vst v34  }
0x140: {  	[tilespmem:$0x860] =	vst v36;
	v39 =	vadd.s32 v1, v38  }
0x141: {  	[tilespmem:$0x870] =	vst v37  }
0x142: {  	_ =	swait.ge [sflag:s29], $0xC000;
	v3 =	vperm.xlane v3, v2  }
0x143: {  	[sflag:s29] =	ssyncset.done $0x0  }
0x144: {  	[sflag:s29] =	ssyncadd.s32 $0xFFFF4000;
	v3 =	vadd.s32 v1, v3  }
0x145: {  	[tilespmem:s19], [sflag:$0x3] =	stream.indirect_vreg.gather [hbm4b:s3+s2], $0x80, v39, vm0, $0xb8;
	[tilespmem:$0x18900] =	vst v63  }
0x146: {  	s31 =	simm.s32 $0x1100  }
0x147: {  	[tilespmem:s31], [sflag:$0x3] =	stream.indirect_vreg.gather [hbm4b:s5+s2], $0x80, v39, vm1, $0xb8;
	[tilespmem:$0x18900] =	vst v63  }
0x148: {  	_ = 	snop  }
0x149: {  	[tilespmem:s8], [sflag:$0x3] =	stream.indirect_vreg.gather [hbm4b:s3+s2], $0x80, v3, vm0, $0xb8;
	[tilespmem:$0x18900] =	vst v63  }
0x14a: {  	_ = 	snop  }
0x14b: {  	[tilespmem:s10], [sflag:$0x3] =	stream.indirect_vreg.gather [hbm4b:s5+s2], $0x80, v3, vm1, $0xb8;
	[tilespmem:$0x18900] =	vst v63  }
0x14c: {  	v3 =	vld [tilespmem:$0x810];
	_ =	sdelay $0x4  }
0x14d: {  	v40 =	vshrl.u32 v3, $0x3  }
0x14e: {  	v4 =	vmul.u32 $0x18, v40  }
0x14f: {  	v3 =	vand.u32 $0x7, v3  }
0x150: {  	v3 =	vor.u32 v3, v4  }
0x151: {  	v4 =	vperm.xlane v3, v0;
	_ =	sdelay $0x1  }
0x152: {  	v4 =	vadd.s32 v1, v4;
	_ =	sdelay $0x1  }
0x153: {  	v3 =	vperm.xlane v3, v2;
	_ =	sdelay $0x1  }
0x154: {  	v3 =	vadd.s32 v1, v3  }
0x155: {  	[tilespmem:s11], [sflag:$0x3] =	stream.indirect_vreg.gather [hbm4b:s3+s2], $0x80, v4, vm0, $0xb8;
	[tilespmem:$0x18900] =	vst v63  }
0x156: {  	_ = 	snop  }
0x157: {  	[tilespmem:s12], [sflag:$0x3] =	stream.indirect_vreg.gather [hbm4b:s5+s2], $0x80, v4, vm1, $0xb8;
	[tilespmem:$0x18900] =	vst v63  }
0x158: {  	_ = 	snop  }
0x159: {  	[tilespmem:s13], [sflag:$0x3] =	stream.indirect_vreg.gather [hbm4b:s3+s2], $0x80, v3, vm0, $0xb8;
	[tilespmem:$0x18900] =	vst v63  }
0x15a: {  	_ = 	snop  }
0x15b: {  	[tilespmem:s14], [sflag:$0x3] =	stream.indirect_vreg.gather [hbm4b:s5+s2], $0x80, v3, vm1, $0xb8;
	[tilespmem:$0x18900] =	vst v63  }
0x15c: {  	v3 =	vld [tilespmem:$0x820];
	_ =	sdelay $0x4  }
0x15d: {  	v41 =	vshrl.u32 v3, $0x3  }
0x15e: {  	v4 =	vmul.u32 $0x18, v41  }
0x15f: {  	v3 =	vand.u32 $0x7, v3  }
0x160: {  	v3 =	vor.u32 v3, v4  }
0x161: {  	v4 =	vperm.xlane v3, v0;
	_ =	sdelay $0x1  }
0x162: {  	v4 =	vadd.s32 v1, v4;
	_ =	sdelay $0x1  }
0x163: {  	v3 =	vperm.xlane v3, v2;
	_ =	sdelay $0x1  }
0x164: {  	v3 =	vadd.s32 v1, v3  }
0x165: {  	[tilespmem:s15], [sflag:$0x3] =	stream.indirect_vreg.gather [hbm4b:s3+s2], $0x80, v4, vm0, $0xb8;
	[tilespmem:$0x18900] =	vst v63  }
0x166: {  	_ = 	snop  }
0x167: {  	[tilespmem:s16], [sflag:$0x3] =	stream.indirect_vreg.gather [hbm4b:s5+s2], $0x80, v4, vm1, $0xb8;
	[tilespmem:$0x18900] =	vst v63  }
0x168: {  	s31 =	simm.s32 $0x4500  }
0x169: {  	[tilespmem:s31], [sflag:$0x3] =	stream.indirect_vreg.gather [hbm4b:s3+s2], $0x80, v3, vm0, $0xb8;
	[tilespmem:$0x18900] =	vst v63  }
0x16a: {  	_ = 	snop  }
0x16b: {  	[tilespmem:s20], [sflag:$0x3] =	stream.indirect_vreg.gather [hbm4b:s5+s2], $0x80, v3, vm1, $0xb8;
	[tilespmem:$0x18900] =	vst v63  }
0x16c: {  	v3 =	vld [tilespmem:$0x830];
	_ =	sdelay $0x4  }
0x16d: {  	v42 =	vshrl.u32 v3, $0x3  }
0x16e: {  	v4 =	vmul.u32 $0x18, v42  }
0x16f: {  	v3 =	vand.u32 $0x7, v3  }
0x170: {  	v3 =	vor.u32 v3, v4  }
0x171: {  	v4 =	vperm.xlane v3, v0;
	_ =	sdelay $0x1  }
0x172: {  	v4 =	vadd.s32 v1, v4;
	_ =	sdelay $0x1  }
0x173: {  	v3 =	vperm.xlane v3, v2;
	_ =	sdelay $0x1  }
0x174: {  	v3 =	vadd.s32 v1, v3  }
0x175: {  	[tilespmem:s21], [sflag:$0x3] =	stream.indirect_vreg.gather [hbm4b:s3+s2], $0x80, v4, vm0, $0xb8;
	[tilespmem:$0x18900] =	vst v63  }
0x176: {  	_ = 	snop  }
0x177: {  	[tilespmem:s22], [sflag:$0x3] =	stream.indirect_vreg.gather [hbm4b:s5+s2], $0x80, v4, vm1, $0xb8;
	[tilespmem:$0x18900] =	vst v63  }
0x178: {  	_ = 	snop  }
0x179: {  	[tilespmem:s23], [sflag:$0x3] =	stream.indirect_vreg.gather [hbm4b:s3+s2], $0x80, v3, vm0, $0xb8;
	[tilespmem:$0x18900] =	vst v63  }
0x17a: {  	_ = 	snop  }
0x17b: {  	[tilespmem:s24], [sflag:$0x3] =	stream.indirect_vreg.gather [hbm4b:s5+s2], $0x80, v3, vm1, $0xb8;
	[tilespmem:$0x18900] =	vst v63  }
0x17c: {  	v3 =	vld [tilespmem:$0x840];
	_ =	sdelay $0x4  }
0x17d: {  	v43 =	vshrl.u32 v3, $0x3  }
0x17e: {  	v4 =	vmul.u32 $0x18, v43  }
0x17f: {  	v3 =	vand.u32 $0x7, v3  }
0x180: {  	v3 =	vor.u32 v3, v4  }
0x181: {  	v4 =	vperm.xlane v3, v0;
	_ =	sdelay $0x1  }
0x182: {  	v4 =	vadd.s32 v1, v4;
	_ =	sdelay $0x1  }
0x183: {  	v3 =	vperm.xlane v3, v2;
	_ =	sdelay $0x1  }
0x184: {  	v3 =	vadd.s32 v1, v3  }
0x185: {  	[tilespmem:s25], [sflag:$0x3] =	stream.indirect_vreg.gather [hbm4b:s3+s2], $0x80, v4, vm0, $0xb8;
	[tilespmem:$0x18900] =	vst v63  }
0x186: {  	_ = 	snop  }
0x187: {  	[tilespmem:s26], [sflag:$0x3] =	stream.indirect_vreg.gather [hbm4b:s5+s2], $0x80, v4, vm1, $0xb8;
	[tilespmem:$0x18900] =	vst v63  }
0x188: {  	_ = 	snop  }
0x189: {  	[tilespmem:s28], [sflag:$0x3] =	stream.indirect_vreg.gather [hbm4b:s3+s2], $0x80, v3, vm0, $0xb8;
	[tilespmem:$0x18900] =	vst v63  }
0x18a: {  	_ = 	snop  }
0x18b: {  	[tilespmem:s9], [sflag:$0x3] =	stream.indirect_vreg.gather [hbm4b:s5+s2], $0x80, v3, vm1, $0xb8;
	[tilespmem:$0x18900] =	vst v63  }
0x18c: {  	v3 =	vld [tilespmem:$0x850];
	_ =	sdelay $0x4  }
0x18d: {  	v44 =	vshrl.u32 v3, $0x3  }
0x18e: {  	v4 =	vmul.u32 $0x18, v44  }
0x18f: {  	v3 =	vand.u32 $0x7, v3  }
0x190: {  	v3 =	vor.u32 v3, v4  }
0x191: {  	v4 =	vperm.xlane v3, v0;
	_ =	sdelay $0x1  }
0x192: {  	v4 =	vadd.s32 v1, v4;
	_ =	sdelay $0x1  }
0x193: {  	v3 =	vperm.xlane v3, v2;
	_ =	sdelay $0x1  }
0x194: {  	v3 =	vadd.s32 v1, v3  }
0x195: {  	[tilespmem:s7], [sflag:$0x3] =	stream.indirect_vreg.gather [hbm4b:s3+s2], $0x80, v4, vm0, $0xb8;
	[tilespmem:$0x18900] =	vst v63  }
0x196: {  	s31 =	simm.s32 $0x8900  }
0x197: {  	[tilespmem:s31], [sflag:$0x3] =	stream.indirect_vreg.gather [hbm4b:s5+s2], $0x80, v4, vm1, $0xb8;
	[tilespmem:$0x18900] =	vst v63  }
0x198: {  	s31 =	simm.s32 $0x8D00  }
0x199: {  	[tilespmem:s31], [sflag:$0x3] =	stream.indirect_vreg.gather [hbm4b:s3+s2], $0x80, v3, vm0, $0xb8;
	[tilespmem:$0x18900] =	vst v63  }
0x19a: {  	s31 =	simm.s32 $0x9500  }
0x19b: {  	[tilespmem:s31], [sflag:$0x3] =	stream.indirect_vreg.gather [hbm4b:s5+s2], $0x80, v3, vm1, $0xb8;
	[tilespmem:$0x18900] =	vst v63  }
0x19c: {  	v3 =	vld [tilespmem:$0x860];
	_ =	sdelay $0x4  }
0x19d: {  	v45 =	vshrl.u32 v3, $0x3  }
0x19e: {  	v4 =	vmul.u32 $0x18, v45  }
0x19f: {  	v3 =	vand.u32 $0x7, v3  }
0x1a0: {  	v3 =	vor.u32 v3, v4  }
0x1a1: {  	v4 =	vperm.xlane v3, v0;
	_ =	sdelay $0x1  }
0x1a2: {  	v4 =	vadd.s32 v1, v4;
	_ =	sdelay $0x1  }
0x1a3: {  	v3 =	vperm.xlane v3, v2;
	_ =	sdelay $0x1  }
0x1a4: {  	s31 =	simm.s32 $0x9900;
	v3 =	vadd.s32 v1, v3  }
0x1a5: {  	[tilespmem:s31], [sflag:$0x3] =	stream.indirect_vreg.gather [hbm4b:s3+s2], $0x80, v4, vm0, $0xb8;
	[tilespmem:$0x18900] =	vst v63  }
0x1a6: {  	s31 =	simm.s32 $0xA100  }
0x1a7: {  	[tilespmem:s31], [sflag:$0x3] =	stream.indirect_vreg.gather [hbm4b:s5+s2], $0x80, v4, vm1, $0xb8;
	[tilespmem:$0x18900] =	vst v63  }
0x1a8: {  	s31 =	simm.s32 $0xA500  }
0x1a9: {  	[tilespmem:s31], [sflag:$0x3] =	stream.indirect_vreg.gather [hbm4b:s3+s2], $0x80, v3, vm0, $0xb8;
	[tilespmem:$0x18900] =	vst v63  }
0x1aa: {  	s31 =	simm.s32 $0xAD00  }
0x1ab: {  	[tilespmem:s31], [sflag:$0x3] =	stream.indirect_vreg.gather [hbm4b:s5+s2], $0x80, v3, vm1, $0xb8;
	[tilespmem:$0x18900] =	vst v63  }
0x1ac: {  	v3 =	vld [tilespmem:$0x870];
	_ =	sdelay $0x4  }
0x1ad: {  	v46 =	vshrl.u32 v3, $0x3  }
0x1ae: {  	v4 =	vmul.u32 $0x18, v46  }
0x1af: {  	v3 =	vand.u32 $0x7, v3  }
0x1b0: {  	v3 =	vor.u32 v3, v4  }
0x1b1: {  	v4 =	vperm.xlane v3, v0;
	_ =	sdelay $0x1  }
0x1b2: {  	v4 =	vadd.s32 v1, v4;
	_ =	sdelay $0x1  }
0x1b3: {  	v3 =	vperm.xlane v3, v2;
	_ =	sdelay $0x1  }
0x1b4: {  	s31 =	simm.s32 $0xB100;
	v3 =	vadd.s32 v1, v3  }
0x1b5: {  	[tilespmem:s31], [sflag:$0x3] =	stream.indirect_vreg.gather [hbm4b:s3+s2], $0x80, v4, vm0, $0xb8;
	[tilespmem:$0x18900] =	vst v63  }
0x1b6: {  	s31 =	simm.s32 $0xB900  }
0x1b7: {  	[tilespmem:s31], [sflag:$0x3] =	stream.indirect_vreg.gather [hbm4b:s5+s2], $0x80, v4, vm1, $0xb8;
	[tilespmem:$0x18900] =	vst v63  }
0x1b8: {  	s31 =	simm.s32 $0xBD00  }
0x1b9: {  	[tilespmem:s31], [sflag:$0x3] =	stream.indirect_vreg.gather [hbm4b:s3+s2], $0x80, v3, vm0, $0xb8;
	[tilespmem:$0x18900] =	vst v63  }
0x1ba: {  	s31 =	simm.s32 $0xC500  }
0x1bb: {  	[tilespmem:s31], [sflag:$0x3] =	stream.indirect_vreg.gather [hbm4b:s5+s2], $0x80, v3, vm1, $0xb8;
	[tilespmem:$0x18900] =	vst v63  }
0x1bc: {  	_ =	swait.ge [sflag:s17], $0xC000  }
0x1bd: {  	[sflag:s17] =	ssyncset.done $0x0  }
0x1be: {  	s4 =	rddreg [dreg:$0x7];
	[sflag:s17] =	ssyncadd.s32 $0xFFFF4000  }
0x1bf: {  	[hbm4b:s4+s2] =	stream.linear.scatter [tilespmem:s19], [sflag:$0x4], $0xC000, $0x38;
	[tilespmem:$0x18900] =	vst v63  }
0x1c0: {  	_ =	swait.ge [sflag:s0], $0x400  }
0x1c1: {  	[sflag:s0] =	ssyncset.done $0x0  }
0x1c2: {  	[sflag:s0] =	ssyncadd.s32 $0xFFFFFC00  }
0x1c3: {  	v3 =	vld [tilespmem:$0x400]  }
0x1c4: {  	v47 =	vld [tilespmem:$0x480]  }
0x1c5: {  	v48 =	vld [tilespmem:$0x500]  }
0x1c6: {  	v49 =	vld [tilespmem:$0x580]  }
0x1c7: {  	v50 =	vld [tilespmem:$0x600]  }
0x1c8: {  	v51 =	vld [tilespmem:$0x680];
	[tilespmem:$0x880] =	vst v3;
	v52 =	vshrl.u32 v3, $0x3  }
0x1c9: {  	v53 =	vld [tilespmem:$0x700];
	[tilespmem:$0x890] =	vst v47;
	v9 =	vmul.u32 $0x18, v52  }
0x1ca: {  	v54 =	vld [tilespmem:$0x780];
	[tilespmem:$0x8A0] =	vst v48;
	v3 =	vand.u32 $0x7, v3  }
0x1cb: {  	[tilespmem:$0x8B0] =	vst v49;
	v3 =	vor.u32 v3, v9  }
0x1cc: {  	[tilespmem:$0x8C0] =	vst v50;
	v55 =	vperm.xlane v3, v0  }
0x1cd: {  	[tilespmem:$0x8D0] =	vst v51  }
0x1ce: {  	[tilespmem:$0x8E0] =	vst v53;
	v56 =	vadd.s32 v1, v55  }
0x1cf: {  	[tilespmem:$0x8F0] =	vst v54  }
0x1d0: {  	_ =	swait.ge [sflag:s30], $0xC000;
	v3 =	vperm.xlane v3, v2  }
0x1d1: {  	[sflag:s30] =	ssyncset.done $0x0  }
0x1d2: {  	[sflag:s30] =	ssyncadd.s32 $0xFFFF4000;
	v3 =	vadd.s32 v1, v3  }
0x1d3: {  	[tilespmem:s1], [sflag:$0x3] =	stream.indirect_vreg.gather [hbm4b:s3+s2], $0x80, v56, vm0, $0xb8;
	[tilespmem:$0x18900] =	vst v63  }
0x1d4: {  	s31 =	simm.s32 $0xD100  }
0x1d5: {  	[tilespmem:s31], [sflag:$0x3] =	stream.indirect_vreg.gather [hbm4b:s5+s2], $0x80, v56, vm1, $0xb8;
	[tilespmem:$0x18900] =	vst v63  }
0x1d6: {  	s4 =	simm.s32 $0xD500  }
0x1d7: {  	[tilespmem:s4], [sflag:$0x3] =	stream.indirect_vreg.gather [hbm4b:s3+s2], $0x80, v3, vm0, $0xb8;
	[tilespmem:$0x18900] =	vst v63  }
0x1d8: {  	s31 =	simm.s32 $0xDD00  }
0x1d9: {  	[tilespmem:s31], [sflag:$0x3] =	stream.indirect_vreg.gather [hbm4b:s5+s2], $0x80, v3, vm1, $0xb8;
	[tilespmem:$0x18900] =	vst v63  }
0x1da: {  	v3 =	vld [tilespmem:$0x890];
	_ =	sdelay $0x4  }
0x1db: {  	v57 =	vshrl.u32 v3, $0x3  }
0x1dc: {  	v4 =	vmul.u32 $0x18, v57  }
0x1dd: {  	v3 =	vand.u32 $0x7, v3  }
0x1de: {  	v3 =	vor.u32 v3, v4  }
0x1df: {  	v4 =	vperm.xlane v3, v0;
	_ =	sdelay $0x1  }
0x1e0: {  	v4 =	vadd.s32 v1, v4;
	_ =	sdelay $0x1  }
0x1e1: {  	v3 =	vperm.xlane v3, v2;
	_ =	sdelay $0x1  }
0x1e2: {  	s4 =	simm.s32 $0xE100;
	v3 =	vadd.s32 v1, v3  }
0x1e3: {  	[tilespmem:s4], [sflag:$0x3] =	stream.indirect_vreg.gather [hbm4b:s3+s2], $0x80, v4, vm0, $0xb8;
	[tilespmem:$0x18900] =	vst v63  }
0x1e4: {  	s31 =	simm.s32 $0xE900  }
0x1e5: {  	[tilespmem:s31], [sflag:$0x3] =	stream.indirect_vreg.gather [hbm4b:s5+s2], $0x80, v4, vm1, $0xb8;
	[tilespmem:$0x18900] =	vst v63  }
0x1e6: {  	s4 =	simm.s32 $0xED00  }
0x1e7: {  	[tilespmem:s4], [sflag:$0x3] =	stream.indirect_vreg.gather [hbm4b:s3+s2], $0x80, v3, vm0, $0xb8;
	[tilespmem:$0x18900] =	vst v63  }
0x1e8: {  	s31 =	simm.s32 $0xF500  }
0x1e9: {  	[tilespmem:s31], [sflag:$0x3] =	stream.indirect_vreg.gather [hbm4b:s5+s2], $0x80, v3, vm1, $0xb8;
	[tilespmem:$0x18900] =	vst v63  }
0x1ea: {  	v3 =	vld [tilespmem:$0x8A0];
	_ =	sdelay $0x4  }
0x1eb: {  	v58 =	vshrl.u32 v3, $0x3  }
0x1ec: {  	v4 =	vmul.u32 $0x18, v58  }
0x1ed: {  	v3 =	vand.u32 $0x7, v3  }
0x1ee: {  	v3 =	vor.u32 v3, v4  }
0x1ef: {  	v4 =	vperm.xlane v3, v0;
	_ =	sdelay $0x1  }
0x1f0: {  	v4 =	vadd.s32 v1, v4;
	_ =	sdelay $0x1  }
0x1f1: {  	v3 =	vperm.xlane v3, v2;
	_ =	sdelay $0x1  }
0x1f2: {  	s4 =	simm.s32 $0xF900;
	v3 =	vadd.s32 v1, v3  }
0x1f3: {  	[tilespmem:s4], [sflag:$0x3] =	stream.indirect_vreg.gather [hbm4b:s3+s2], $0x80, v4, vm0, $0xb8;
	[tilespmem:$0x18900] =	vst v63  }
0x1f4: {  	s31 =	simm.s32 $0x10100  }
0x1f5: {  	[tilespmem:s31], [sflag:$0x3] =	stream.indirect_vreg.gather [hbm4b:s5+s2], $0x80, v4, vm1, $0xb8;
	[tilespmem:$0x18900] =	vst v63  }
0x1f6: {  	s4 =	simm.s32 $0x10500  }
0x1f7: {  	[tilespmem:s4], [sflag:$0x3] =	stream.indirect_vreg.gather [hbm4b:s3+s2], $0x80, v3, vm0, $0xb8;
	[tilespmem:$0x18900] =	vst v63  }
0x1f8: {  	s31 =	simm.s32 $0x10D00  }
0x1f9: {  	[tilespmem:s31], [sflag:$0x3] =	stream.indirect_vreg.gather [hbm4b:s5+s2], $0x80, v3, vm1, $0xb8;
	[tilespmem:$0x18900] =	vst v63  }
0x1fa: {  	v3 =	vld [tilespmem:$0x8B0];
	_ =	sdelay $0x4  }
0x1fb: {  	v59 =	vshrl.u32 v3, $0x3  }
0x1fc: {  	v4 =	vmul.u32 $0x18, v59  }
0x1fd: {  	v3 =	vand.u32 $0x7, v3  }
0x1fe: {  	v3 =	vor.u32 v3, v4  }
0x1ff: {  	v4 =	vperm.xlane v3, v0;
	_ =	sdelay $0x1  }
0x200: {  	v4 =	vadd.s32 v1, v4;
	_ =	sdelay $0x1  }
0x201: {  	v3 =	vperm.xlane v3, v2;
	_ =	sdelay $0x1  }
0x202: {  	s4 =	simm.s32 $0x11100;
	v3 =	vadd.s32 v1, v3  }
0x203: {  	[tilespmem:s4], [sflag:$0x3] =	stream.indirect_vreg.gather [hbm4b:s3+s2], $0x80, v4, vm0, $0xb8;
	[tilespmem:$0x18900] =	vst v63  }
0x204: {  	s31 =	simm.s32 $0x11900  }
0x205: {  	[tilespmem:s31], [sflag:$0x3] =	stream.indirect_vreg.gather [hbm4b:s5+s2], $0x80, v4, vm1, $0xb8;
	[tilespmem:$0x18900] =	vst v63  }
0x206: {  	s4 =	simm.s32 $0x11D00  }
0x207: {  	[tilespmem:s4], [sflag:$0x3] =	stream.indirect_vreg.gather [hbm4b:s3+s2], $0x80, v3, vm0, $0xb8;
	[tilespmem:$0x18900] =	vst v63  }
0x208: {  	s31 =	simm.s32 $0x12500  }
0x209: {  	[tilespmem:s31], [sflag:$0x3] =	stream.indirect_vreg.gather [hbm4b:s5+s2], $0x80, v3, vm1, $0xb8;
	[tilespmem:$0x18900] =	vst v63  }
0x20a: {  	v3 =	vld [tilespmem:$0x8C0];
	_ =	sdelay $0x4  }
0x20b: {  	v60 =	vshrl.u32 v3, $0x3  }
0x20c: {  	v4 =	vmul.u32 $0x18, v60  }
0x20d: {  	v3 =	vand.u32 $0x7, v3  }
0x20e: {  	v3 =	vor.u32 v3, v4  }
0x20f: {  	v4 =	vperm.xlane v3, v0;
	_ =	sdelay $0x1  }
0x210: {  	v4 =	vadd.s32 v1, v4;
	_ =	sdelay $0x1  }
0x211: {  	v3 =	vperm.xlane v3, v2;
	_ =	sdelay $0x1  }
0x212: {  	s4 =	simm.s32 $0x12900;
	v3 =	vadd.s32 v1, v3  }
0x213: {  	[tilespmem:s4], [sflag:$0x3] =	stream.indirect_vreg.gather [hbm4b:s3+s2], $0x80, v4, vm0, $0xb8;
	[tilespmem:$0x18900] =	vst v63  }
0x214: {  	s31 =	simm.s32 $0x13100  }
0x215: {  	[tilespmem:s31], [sflag:$0x3] =	stream.indirect_vreg.gather [hbm4b:s5+s2], $0x80, v4, vm1, $0xb8;
	[tilespmem:$0x18900] =	vst v63  }
0x216: {  	s4 =	simm.s32 $0x13500  }
0x217: {  	[tilespmem:s4], [sflag:$0x3] =	stream.indirect_vreg.gather [hbm4b:s3+s2], $0x80, v3, vm0, $0xb8;
	[tilespmem:$0x18900] =	vst v63  }
0x218: {  	s31 =	simm.s32 $0x13D00  }
0x219: {  	[tilespmem:s31], [sflag:$0x3] =	stream.indirect_vreg.gather [hbm4b:s5+s2], $0x80, v3, vm1, $0xb8;
	[tilespmem:$0x18900] =	vst v63  }
0x21a: {  	v3 =	vld [tilespmem:$0x8D0];
	_ =	sdelay $0x4  }
0x21b: {  	v61 =	vshrl.u32 v3, $0x3  }
0x21c: {  	v4 =	vmul.u32 $0x18, v61  }
0x21d: {  	v3 =	vand.u32 $0x7, v3  }
0x21e: {  	v3 =	vor.u32 v3, v4  }
0x21f: {  	v4 =	vperm.xlane v3, v0;
	_ =	sdelay $0x1  }
0x220: {  	v4 =	vadd.s32 v1, v4;
	_ =	sdelay $0x1  }
0x221: {  	v3 =	vperm.xlane v3, v2;
	_ =	sdelay $0x1  }
0x222: {  	s4 =	simm.s32 $0x14100;
	v3 =	vadd.s32 v1, v3  }
0x223: {  	[tilespmem:s4], [sflag:$0x3] =	stream.indirect_vreg.gather [hbm4b:s3+s2], $0x80, v4, vm0, $0xb8;
	[tilespmem:$0x18900] =	vst v63  }
0x224: {  	s31 =	simm.s32 $0x14900  }
0x225: {  	[tilespmem:s31], [sflag:$0x3] =	stream.indirect_vreg.gather [hbm4b:s5+s2], $0x80, v4, vm1, $0xb8;
	[tilespmem:$0x18900] =	vst v63  }
0x226: {  	s4 =	simm.s32 $0x14D00  }
0x227: {  	[tilespmem:s4], [sflag:$0x3] =	stream.indirect_vreg.gather [hbm4b:s3+s2], $0x80, v3, vm0, $0xb8;
	[tilespmem:$0x18900] =	vst v63  }
0x228: {  	s31 =	simm.s32 $0x15500  }
0x229: {  	[tilespmem:s31], [sflag:$0x3] =	stream.indirect_vreg.gather [hbm4b:s5+s2], $0x80, v3, vm1, $0xb8;
	[tilespmem:$0x18900] =	vst v63  }
0x22a: {  	v3 =	vld [tilespmem:$0x8E0];
	_ =	sdelay $0x4  }
0x22b: {  	v62 =	vshrl.u32 v3, $0x3  }
0x22c: {  	v4 =	vmul.u32 $0x18, v62  }
0x22d: {  	v3 =	vand.u32 $0x7, v3  }
0x22e: {  	v3 =	vor.u32 v3, v4  }
0x22f: {  	v4 =	vperm.xlane v3, v0;
	_ =	sdelay $0x1  }
0x230: {  	v4 =	vadd.s32 v1, v4;
	_ =	sdelay $0x1  }
0x231: {  	v3 =	vperm.xlane v3, v2;
	_ =	sdelay $0x1  }
0x232: {  	s4 =	simm.s32 $0x15900;
	v3 =	vadd.s32 v1, v3  }
0x233: {  	[tilespmem:s4], [sflag:$0x3] =	stream.indirect_vreg.gather [hbm4b:s3+s2], $0x80, v4, vm0, $0xb8;
	[tilespmem:$0x18900] =	vst v63  }
0x234: {  	s31 =	simm.s32 $0x16100  }
0x235: {  	[tilespmem:s31], [sflag:$0x3] =	stream.indirect_vreg.gather [hbm4b:s5+s2], $0x80, v4, vm1, $0xb8;
	[tilespmem:$0x18900] =	vst v63  }
0x236: {  	s4 =	simm.s32 $0x16500  }
0x237: {  	[tilespmem:s4], [sflag:$0x3] =	stream.indirect_vreg.gather [hbm4b:s3+s2], $0x80, v3, vm0, $0xb8;
	[tilespmem:$0x18900] =	vst v63  }
0x238: {  	s31 =	simm.s32 $0x16D00  }
0x239: {  	[tilespmem:s31], [sflag:$0x3] =	stream.indirect_vreg.gather [hbm4b:s5+s2], $0x80, v3, vm1, $0xb8;
	[tilespmem:$0x18900] =	vst v63  }
0x23a: {  	v3 =	vld [tilespmem:$0x8F0];
	_ =	sdelay $0x4  }
0x23b: {  	v63 =	vshrl.u32 v3, $0x3  }
0x23c: {  	v4 =	vmul.u32 $0x18, v63  }
0x23d: {  	v3 =	vand.u32 $0x7, v3  }
0x23e: {  	v3 =	vor.u32 v3, v4  }
0x23f: {  	v4 =	vperm.xlane v3, v0;
	_ =	sdelay $0x1  }
0x240: {  	v4 =	vadd.s32 v1, v4;
	_ =	sdelay $0x1  }
0x241: {  	v3 =	vperm.xlane v3, v2;
	_ =	sdelay $0x1  }
0x242: {  	s4 =	simm.s32 $0x17100;
	v3 =	vadd.s32 v1, v3  }
0x243: {  	[tilespmem:s4], [sflag:$0x3] =	stream.indirect_vreg.gather [hbm4b:s3+s2], $0x80, v4, vm0, $0xb8;
	[tilespmem:$0x18900] =	vst v63  }
0x244: {  	s31 =	simm.s32 $0x17900  }
0x245: {  	[tilespmem:s31], [sflag:$0x3] =	stream.indirect_vreg.gather [hbm4b:s5+s2], $0x80, v4, vm1, $0xb8;
	[tilespmem:$0x18900] =	vst v63  }
0x246: {  	s4 =	simm.s32 $0x17D00  }
0x247: {  	[tilespmem:s4], [sflag:$0x3] =	stream.indirect_vreg.gather [hbm4b:s3+s2], $0x80, v3, vm0, $0xb8;
	[tilespmem:$0x18900] =	vst v63  }
0x248: {  	s31 =	simm.s32 $0x18500  }
0x249: {  	[tilespmem:s31], [sflag:$0x3] =	stream.indirect_vreg.gather [hbm4b:s5+s2], $0x80, v3, vm1, $0xb8;
	[tilespmem:$0x18900] =	vst v63  }
0x24a: {  	_ =	swait.ge [sflag:s17], $0xC000  }
0x24b: {  	[sflag:s17] =	ssyncset.done $0x0  }
0x24c: {  	s4 =	rddreg [dreg:$0x8];
	[sflag:s17] =	ssyncadd.s32 $0xFFFF4000  }
0x24d: {  	[hbm4b:s4+s2] =	stream.linear.scatter [tilespmem:s1], [sflag:$0x5], $0xC000, $0x38;
	[tilespmem:$0x18900] =	vst v63  }
0x24e: {  	p0 =	sne.s32 s6, $0x1;
	_ =	swait.ge [sflag:s29], $0xC000  }
.Ltmp0:
0x24f: {  	[sflag:s29] =	ssyncset.done $0x0;
	(pc) =	sbr.rel @p0 .LBB2_1-.Ltmp0, $4  }
0x250: {  	[sflag:s29] =	ssyncadd.s32 $0xFFFF4000  }
0x251: {  	_ =	swait.ge [sflag:s30], $0xC000  }
0x252: {  	[sflag:s30] =	ssyncset.done $0x0  }
0x253: {  	s6 =	sadd.s32 $0xFFFFFFFF, s6;
	[sflag:s30] =	ssyncadd.s32 $0xFFFF4000  }
0x254: {  	_ =	sfence.sel $0x180000  }
0x255: {  	[bflag:$0x0] =	sbarrier.arrive $0xFFFF  }
0x256: {  	_ =	strace $0x9000004A  }
0x257: {  	s0 =	stileid.u32;
	[bflag:$0x2] =	sbarrier.arrive $0xFFFF  }
0x258: {  	p0 =	sne.s32 s0, $0x0;
	s0 =	rddreg [dreg:$0x1]  }
0x259: {  	s0 =	sadd.s32 @!p0 $0x100000, s0  }
0x25a: {  	[sflag:s0] =	ssyncadd.tile.s32 @!p0 $0x1;
	_ =	shalt  }
.Lfunc_end2:
_tile_overlayer_lowered:
.L_overlay_start_2:
0x25b: {  	(tag) =	ssettag $0x2  }
0x25c: {  	s0 =	rddreg [dreg:$0x0];
	s2 =	stileid.u32  }
0x25d: {  	s1 =	rddreg [dreg:$0x1];
	p0 =	sne.s32 s2, $0x0  }
0x25e: {  	s3 =	rddreg [dreg:$0x2];
	[bflag:$0x3] =	sbarrier.arrive $0xFFFF;
	s2 =	simm.s32 @!p0 $0x1C06  }
0x25f: {  	[timem:s3], [sflag:s2] =	dma.local @!p0 [hbm:s0], s1  }
0x260: {  	s0 =	simm.s32 @!p0 $0x6  }
0x261: {  	_ =	swait.ge @!p0 [sflag:s0], s1  }
0x262: {  	s1 =	ssub.s32 @!p0 $0x0, s1;
	[sflag:s0] =	ssyncset.done @!p0 $0x0  }
0x263: {  	[sflag:s0] =	ssyncadd.s32 @!p0 s1  }
0x264: {  	[bflag:$0x3] =	sbarrier.arrive $0xFFFF  }
0x265: {  	_ =	shalt  }

</sc_bundles>
